<compile_context>
chip_gen: v7x
topology: tpu7x:2x2x1
jax: 0.10.2.dev20260603
libtpu: 0.0.44.dev20260713+nightly
codegen_flags: <defaults>
</compile_context>

<pallas_src>
import functools

import jax
import jax.numpy as jnp
from jax import lax
from jax.experimental import pallas as pl
from jax.experimental.pallas import tpu as pltpu
from jax.experimental.pallas import tpu_sc as plsc

N = 50000
NE = 800000
HF = 64
PW = 16
NC, NSUB = 2, 16
EW = 1000

_MESH = plsc.VectorSubcoreMesh(
    core_axis_name="c", subcore_axis_name="s", num_cores=NC, num_subcores=NSUB
)
_SC_PARAMS = pltpu.CompilerParams(use_tc_tiling_on_sc=False)

_Z16 = lambda: jnp.zeros((16,), jnp.float32)


def _deg_body(dst_hbm, out_hbm, stg, ones_v, idx_a, idx_b, acc, sem_a, sem_b):
    c = lax.axis_index("c")
    s = lax.axis_index("s")

    def zfill(i, _):
        stg[pl.ds(jnp.minimum(i * 16, 5000 - 16), 16)] = _Z16()
        return 0
    lax.fori_loop(0, 313, zfill, 0)

    def ofill(i, _):
        ones_v[pl.ds(jnp.minimum(i * 16, EW - 16), 16)] = jnp.ones(
            (16,), jnp.float32)
        return 0
    lax.fori_loop(0, (EW + 15) // 16, ofill, 0)

    @pl.when(s < 10)
    def _():
        pltpu.sync_copy(stg, acc.at[pl.ds(s * 5000, 5000)])
    plsc.subcore_barrier()

    base = (c * NSUB + s) * (NE // (NC * NSUB))
    nwin = 25000 // EW

    def stage(w, idx, sem):
        pltpu.async_copy(dst_hbm.at[pl.ds(base + w * EW, EW)], idx, sem)

    def step(w, idx, sem):
        pltpu.make_async_copy(dst_hbm.at[pl.ds(base + w * EW, EW)], idx,
                              sem).wait()
        pltpu.sync_copy(ones_v, acc.at[idx], add=True)

    stage(0, idx_a, sem_a)
    stage(1, idx_b, sem_b)

    def pair(k, _):
        w = 2 * k
        step(w, idx_a, sem_a)
        stage(w + 2, idx_a, sem_a)
        step(w + 1, idx_b, sem_b)
        stage(w + 3, idx_b, sem_b)
        return 0
    lax.fori_loop(0, (nwin - 3) // 2, pair, 0)

    step(nwin - 3, idx_a, sem_a)
    stage(nwin - 1, idx_a, sem_a)
    step(nwin - 2, idx_b, sem_b)
    step(nwin - 1, idx_a, sem_a)

    plsc.subcore_barrier()

    @pl.when(s < 10)
    def _():
        pltpu.sync_copy(acc.at[pl.ds(s * 5000, 5000)], stg)
        pltpu.sync_copy(stg, out_hbm.at[c, pl.ds(s * 5000, 5000)])


_deg_kernel = functools.partial(
    pl.kernel,
    out_type=jax.ShapeDtypeStruct((NC, N), jnp.float32),
    mesh=_MESH,
    compiler_params=_SC_PARAMS,
    scratch_types=[
        pltpu.VMEM((5000,), jnp.float32),
        pltpu.VMEM((EW,), jnp.float32),
        pltpu.VMEM((EW,), jnp.int32),
        pltpu.VMEM((EW,), jnp.int32),
        pltpu.VMEM_SHARED((N,), jnp.float32),
        pltpu.SemaphoreType.DMA,
        pltpu.SemaphoreType.DMA,
    ],
)(_deg_body)


def _zero_acc_and_barrier(stg, acc, s):
    def body(k, _):
        stg[k, pl.ds(0, 16)] = _Z16()
        return 0
    lax.fori_loop(0, 625, body, 0)

    @pl.when(s < 10)
    def _():
        def zc(t, _):
            pltpu.sync_copy(stg, acc.at[pl.ds(s * 5000 + t * 625, 625)])
            return 0
        lax.fori_loop(0, 8, zc, 0)
    plsc.subcore_barrier()


def _writeback(stg, acc, out_row, s):
    plsc.subcore_barrier()

    @pl.when(s < 10)
    def _():
        def wb(t, _):
            sl = pl.ds(s * 5000 + t * 625, 625)
            pltpu.sync_copy(acc.at[sl], stg)
            pltpu.sync_copy(stg, out_row.at[sl])
            return 0
        lax.fori_loop(0, 8, wb, 0)


def _edge_pipeline(src_hbm, dst_hbm, tbl_row, acc, base, nwin,
                   rows_a, rows_b, is_a, id_a, is_b, id_b,
                   sem_ga, sem_gb, sem_ia, sem_ib):
    def stage(w, idx_s, idx_d, sem):
        sl = pl.ds(base + w * EW, EW)
        pltpu.async_copy(src_hbm.at[sl], idx_s, sem)
        pltpu.async_copy(dst_hbm.at[sl], idx_d, sem)

    def wait_idx(w, idx_s, idx_d, sem):
        sl = pl.ds(base + w * EW, EW)
        pltpu.make_async_copy(src_hbm.at[sl], idx_s, sem).wait()
        pltpu.make_async_copy(dst_hbm.at[sl], idx_d, sem).wait()

    def gather(idx_s, rows, sem):
        pltpu.async_copy(tbl_row.at[idx_s], rows, sem)

    def wait_gather(idx_s, rows, sem):
        pltpu.make_async_copy(tbl_row.at[idx_s], rows, sem).wait()

    def scatter(rows, idx_d):
        pltpu.sync_copy(rows, acc.at[idx_d], add=True)

    A = (rows_a, is_a, id_a, sem_ga, sem_ia)
    B = (rows_b, is_b, id_b, sem_gb, sem_ib)

    def step(w, cur, prv, stage_next):
        rows_c, is_c, id_c, sg_c, si_c = cur
        rows_p, is_p, id_p, sg_p, _ = prv
        wait_idx(w, is_c, id_c, si_c)
        gather(is_c, rows_c, sg_c)
        wait_gather(is_p, rows_p, sg_p)
        scatter(rows_p, id_p)
        if stage_next is not None:
            stage(stage_next, is_p, id_p, prv[4])

    stage(0, is_a, id_a, sem_ia)
    wait_idx(0, is_a, id_a, sem_ia)
    gather(is_a, rows_a, sem_ga)
    stage(1, is_b, id_b, sem_ib)

    def pair(k, _):
        w = 1 + 2 * k
        step(w, B, A, w + 1)
        step(w + 1, A, B, w + 2)
        return 0
    npair = (nwin - 3) // 2
    lax.fori_loop(0, npair, pair, 0)

    wlast = 1 + 2 * npair
    if nwin % 2 == 0:
        step(wlast, B, A, wlast + 1)
        step(wlast + 1, A, B, wlast + 2)
        step(wlast + 2, B, A, None)
        wait_gather(is_b, rows_b, sem_gb)
        scatter(rows_b, id_b)
    else:
        step(wlast, B, A, wlast + 1)
        step(wlast + 1, A, B, None)
        wait_gather(is_a, rows_a, sem_ga)
        scatter(rows_a, id_a)


def _make_gcn_body(feature_split):
    def body(src_hbm, dst_hbm, tbl_hbm, out_hbm, stg, rows_a, rows_b,
             is_a, id_a, is_b, id_b, acc, sem_ga, sem_gb, sem_ia, sem_ib):
        c = lax.axis_index("c")
        s = lax.axis_index("s")

        if feature_split:
            base = s * (NE // NSUB)
            nwin = NE // NSUB // EW
        else:
            base = (c * NSUB + s) * (NE // (NC * NSUB))
            nwin = NE // (NC * NSUB) // EW

        for p in range(2):
            if feature_split:
                tbl_row = tbl_hbm.at[c, p]
                out_row = out_hbm.at[c, p]
            else:
                tbl_row = tbl_hbm.at[p]
                out_row = out_hbm.at[c, p]
            _zero_acc_and_barrier(stg, acc, s)
            _edge_pipeline(src_hbm, dst_hbm, tbl_row, acc, base, nwin,
                           rows_a, rows_b, is_a, id_a, is_b, id_b,
                           sem_ga, sem_gb, sem_ia, sem_ib)
            _writeback(stg, acc, out_row, s)
    return body


_SC_SCRATCH = [
    pltpu.VMEM((625, PW), jnp.float32),
    pltpu.VMEM((EW, PW), jnp.float32),
    pltpu.VMEM((EW, PW), jnp.float32),
    pltpu.VMEM((EW,), jnp.int32),
    pltpu.VMEM((EW,), jnp.int32),
    pltpu.VMEM((EW,), jnp.int32),
    pltpu.VMEM((EW,), jnp.int32),
    pltpu.VMEM_SHARED((N, PW), jnp.float32),
    pltpu.SemaphoreType.DMA,
    pltpu.SemaphoreType.DMA,
    pltpu.SemaphoreType.DMA,
    pltpu.SemaphoreType.DMA,
]

_gcn1_kernel = functools.partial(
    pl.kernel,
    out_type=jax.ShapeDtypeStruct((NC, 2, N, PW), jnp.float32),
    mesh=_MESH,
    compiler_params=_SC_PARAMS,
    scratch_types=_SC_SCRATCH,
)(_make_gcn_body(feature_split=True))

_gcn2_kernel = functools.partial(
    pl.kernel,
    out_type=jax.ShapeDtypeStruct((NC, 2, N, PW), jnp.float32),
    mesh=_MESH,
    compiler_params=_SC_PARAMS,
    scratch_types=_SC_SCRATCH,
)(_make_gcn_body(feature_split=False))


RB = 2000
GRID = N // RB


def _dinv_from(degr):
    deg = degr[:, 0] + degr[:, 1] + 1.0
    return lax.rsqrt(deg)[:, None]


def _dense_body(x_r, h0_r, w1_r, b1_r, wih_r, bih_r, whh_r, bhh_r, w2_r, b2_r,
                deg_r, h_o, m_o):
    x = jnp.maximum(jnp.dot(x_r[...], w1_r[...],
                            preferred_element_type=jnp.float32) + b1_r[...], 0.0)
    gi = jnp.dot(x, wih_r[...], preferred_element_type=jnp.float32) + bih_r[...]
    gh = jnp.dot(h0_r[...], whh_r[...], preferred_element_type=jnp.float32) + bhh_r[...]
    r = jax.nn.sigmoid(gi[:, :HF] + gh[:, :HF])
    z = jax.nn.sigmoid(gi[:, HF:2 * HF] + gh[:, HF:2 * HF])
    n = jnp.tanh(gi[:, 2 * HF:] + r * gh[:, 2 * HF:])
    h = (1.0 - z) * n + z * h0_r[...]
    o = jnp.dot(h, w2_r[...], preferred_element_type=jnp.float32) + b2_r[...]
    m = o * _dinv_from(deg_r[...])
    h_o[...] = h
    planes = [m[:, k * PW:(k + 1) * PW] for k in range(4)]
    m_o[...] = jnp.stack(planes, axis=0).reshape(NC, 2, RB, PW)


def _tc_dense(x2d, h02d, w1, b1, wihT, bih, whhT, bhh, w2, b2, degp):
    full = lambda shape: pl.BlockSpec(shape, lambda i: (0,) * len(shape))
    return pl.pallas_call(
        _dense_body,
        grid=(GRID,),
        in_specs=[
            pl.BlockSpec((RB, 128), lambda i: (i, 0)),
            pl.BlockSpec((RB, HF), lambda i: (i, 0)),
            full((128, HF)), full((1, HF)),
            full((HF, 3 * HF)), full((1, 3 * HF)),
            full((HF, 3 * HF)), full((1, 3 * HF)),
            full((HF, HF)), full((1, HF)),
            pl.BlockSpec((RB, NC), lambda i: (i, 0)),
        ],
        out_specs=[
            pl.BlockSpec((RB, HF), lambda i: (i, 0)),
            pl.BlockSpec((NC, 2, RB, PW), lambda i: (0, 0, i, 0)),
        ],
        out_shape=[
            jax.ShapeDtypeStruct((N, HF), jnp.float32),
            jax.ShapeDtypeStruct((NC, 2, N, PW), jnp.float32),
        ],
    )(x2d, h02d, w1, b1, wihT, bih, whhT, bhh, w2, b2, degp)


def _mid_body(acc_r, m_r, deg_r, wg1_r, bg1_r, wg2_r, out_r):
    dinv = _dinv_from(deg_r[...])
    s = jnp.concatenate(
        [acc_r[0, 0] + m_r[0, 0], acc_r[0, 1] + m_r[0, 1],
         acc_r[1, 0] + m_r[1, 0], acc_r[1, 1] + m_r[1, 1]], axis=1) * dinv
    q1 = jnp.maximum(jnp.dot(s, wg1_r[...],
                             preferred_element_type=jnp.float32) + bg1_r[...], 0.0)
    t = jnp.dot(q1, wg2_r[...], preferred_element_type=jnp.float32) * dinv
    out_r[...] = jnp.stack([t[:, :PW], t[:, PW:]], axis=0)


def _tc_mid(acc1, mboth, degp, wg1, bg1, wg2p):
    full = lambda shape: pl.BlockSpec(shape, lambda i: (0,) * len(shape))
    return pl.pallas_call(
        _mid_body,
        grid=(GRID,),
        in_specs=[
            pl.BlockSpec((NC, 2, RB, PW), lambda i: (0, 0, i, 0)),
            pl.BlockSpec((NC, 2, RB, PW), lambda i: (0, 0, i, 0)),
            pl.BlockSpec((RB, NC), lambda i: (i, 0)),
            full((HF, HF)), full((1, HF)), full((HF, 2 * PW)),
        ],
        out_specs=pl.BlockSpec((2, RB, PW), lambda i: (0, i, 0)),
        out_shape=jax.ShapeDtypeStruct((2, N, PW), jnp.float32),
    )(acc1, mboth, degp, wg1, bg1, wg2p)


def _final_body(acc_r, m_r, deg_r, bg2_r, out_r):
    dinv = _dinv_from(deg_r[...])
    q = jnp.concatenate(
        [acc_r[0, 0] + acc_r[1, 0] + m_r[0],
         acc_r[0, 1] + acc_r[1, 1] + m_r[1]], axis=1)
    out_r[...] = q * dinv + bg2_r[...]


def _tc_final(acc2, m2p, degp, bg2p):
    full = lambda shape: pl.BlockSpec(shape, lambda i: (0,) * len(shape))
    return pl.pallas_call(
        _final_body,
        grid=(GRID,),
        in_specs=[
            pl.BlockSpec((NC, 2, RB, PW), lambda i: (0, 0, i, 0)),
            pl.BlockSpec((2, RB, PW), lambda i: (0, i, 0)),
            pl.BlockSpec((RB, NC), lambda i: (i, 0)),
            full((1, 2 * PW)),
        ],
        out_specs=pl.BlockSpec((RB, 2 * PW), lambda i: (i, 0)),
        out_shape=jax.ShapeDtypeStruct((N, 2 * PW), jnp.float32),
    )(acc2, m2p, degp, bg2p)


def kernel(inputs, hidden_state, edge_index, W1, b1, W_ih, W_hh, b_ih, b_hh,
           W2, b2, Wg1, bg1, Wg2, bg2):
    b, a, e = inputs.shape
    x2d = inputs.reshape(N, e)
    h02d = hidden_state.reshape(N, HF)
    src1d = edge_index[0]
    dst1d = edge_index[1]

    wihT = W_ih.T
    whhT = W_hh.T
    wg2p = jnp.pad(Wg2, ((0, 0), (0, 2 * PW - Wg2.shape[1])))
    bg2p = jnp.pad(bg2, (0, 2 * PW - bg2.shape[0])).reshape(1, 2 * PW)
    row = lambda v: v.reshape(1, -1)

    degp = _deg_kernel(dst1d).T
    h, mboth = _tc_dense(x2d, h02d, W1, row(b1), wihT, row(b_ih), whhT,
                         row(b_hh), W2, row(b2), degp)
    acc1 = _gcn1_kernel(src1d, dst1d, mboth)
    m2p = _tc_mid(acc1, mboth, degp, Wg1, row(bg1), wg2p)
    acc2 = _gcn2_kernel(src1d, dst1d, m2p)
    q32 = _tc_final(acc2, m2p, degp, bg2p)
    return q32[:, :20].reshape(b, a, 20), h.reshape(b, a, HF)

# --- scband reference (transcript-rebuilt; emitter-appended) ---
"""Pipeline reference for scband-qrelation-rnnagent-44324062495201 (READ-ONLY COPY).

The authoritative reference and input builder live on the scoring server;
editing this copy changes nothing except your own understanding.
"""

import jax, jax.numpy as jnp
import numpy as np

B, A, E_FEAT = 3125, 16, 128
H = 64
N_ACTIONS = 20
N = B * A
N_EDGES = 800000


def setup_inputs(seed: int = 0) -> dict:
    key = jax.random.key(seed)
    ks = jax.random.split(key, 16)
    inp = {}
    inp["inputs"] = jax.random.normal(ks[0], (B, A, E_FEAT), dtype=jnp.float32)
    inp["hidden_state"] = jax.random.normal(ks[1], (B, A, H), dtype=jnp.float32) * 0.1
    inp["edge_index"] = jax.random.randint(ks[2], (2, N_EDGES), 0, N, dtype=jnp.int32)
    # fc1
    inp["W1"] = jax.random.normal(ks[3], (E_FEAT, H), dtype=jnp.float32) * 0.05
    inp["b1"] = jnp.zeros((H,), dtype=jnp.float32)
    # GRUCell (torch layout: weight_ih [3H, H_in], weight_hh [3H, H])
    inp["W_ih"] = jax.random.normal(ks[4], (3 * H, H), dtype=jnp.float32) * 0.05
    inp["W_hh"] = jax.random.normal(ks[5], (3 * H, H), dtype=jnp.float32) * 0.05
    inp["b_ih"] = jnp.zeros((3 * H,), dtype=jnp.float32)
    inp["b_hh"] = jnp.zeros((3 * H,), dtype=jnp.float32)
    # fc2
    inp["W2"] = jax.random.normal(ks[6], (H, H), dtype=jnp.float32) * 0.05
    inp["b2"] = jnp.zeros((H,), dtype=jnp.float32)
    # two-layer GCN (PyG-style GCNConv weights)
    inp["Wg1"] = jax.random.normal(ks[7], (H, H), dtype=jnp.float32) * 0.05
    inp["bg1"] = jnp.zeros((H,), dtype=jnp.float32)
    inp["Wg2"] = jax.random.normal(ks[8], (H, N_ACTIONS), dtype=jnp.float32) * 0.05
    inp["bg2"] = jnp.zeros((N_ACTIONS,), dtype=jnp.float32)
    return inp


def _gcn_conv(feat, edge_index, W, b):
    # GCNConv with added self-loops and symmetric normalization
    loops = jnp.arange(N, dtype=edge_index.dtype)
    src = jnp.concatenate([edge_index[0], loops])
    dst = jnp.concatenate([edge_index[1], loops])
    deg = jax.ops.segment_sum(jnp.ones_like(src, dtype=jnp.float32), dst, num_segments=N)
    dinv = jnp.where(deg > 0, 1.0 / jnp.sqrt(deg), 0.0)
    norm = dinv[src] * dinv[dst]
    m = feat @ W
    out = jax.ops.segment_sum(norm[:, None] * m[src], dst, num_segments=N)
    return out + b


def reference(inputs, hidden_state, edge_index, W1, b1, W_ih, W_hh, b_ih, b_hh, W2, b2, Wg1, bg1, Wg2, bg2):
    b, a, e = inputs.shape
    x = jax.nn.relu(inputs.reshape(-1, e) @ W1 + b1)
    h0 = hidden_state.reshape(-1, H)
    # torch.nn.GRUCell math
    gi = x @ W_ih.T + b_ih
    gh = h0 @ W_hh.T + b_hh
    i_r, i_z, i_n = jnp.split(gi, 3, axis=-1)
    h_r, h_z, h_n = jnp.split(gh, 3, axis=-1)
    r = jax.nn.sigmoid(i_r + h_r)
    z = jax.nn.sigmoid(i_z + h_z)
    n = jnp.tanh(i_n + r * h_n)
    h = (1.0 - z) * n + z * h0
    o = h @ W2 + b2
    # GCN(q-relation) over the agent graph
    q1 = jax.nn.relu(_gcn_conv(o, edge_index, Wg1, bg1))
    q = _gcn_conv(q1, edge_index, Wg2, bg2)
    return q.reshape(b, a, -1), h.reshape(b, a, -1)

if __name__ == "__main__":
    import jax
    _d = setup_inputs()
    print(jax.jit(kernel)(*tuple(_d.values())))

</pallas_src>

<mosaic_0001>
#map = affine_map<(d0, d1) -> (0)>
#map1 = affine_map<(d0, d1) -> (0, 0, 0)>
#map2 = affine_map<(d0, d1) -> (0, 0, 0, 0)>
module attributes {stable_mosaic.version = 14 : i64} {
  func.func @body(%arg0: i32, %arg1: i32, %arg2: memref<800000xi32, #tpu.memory_space<hbm>>, %arg3: memref<800000xi32, #tpu.memory_space<hbm>>, %arg4: memref<2x50000x16xf32, #tpu.memory_space<hbm>>, %arg5: memref<2x2x50000x16xf32, #tpu.memory_space<hbm>>, %arg6: memref<625x16xf32, #tpu.memory_space<vmem>>, %arg7: memref<1000x16xf32, #tpu.memory_space<vmem>>, %arg8: memref<1000x16xf32, #tpu.memory_space<vmem>>, %arg9: memref<1000xi32, #tpu.memory_space<vmem>>, %arg10: memref<1000xi32, #tpu.memory_space<vmem>>, %arg11: memref<1000xi32, #tpu.memory_space<vmem>>, %arg12: memref<1000xi32, #tpu.memory_space<vmem>>, %arg13: memref<50000x16xf32, #tpu.memory_space<vmem_shared>>, %arg14: memref<!tpu.dma_semaphore, #tpu.memory_space<semaphore_mem>>, %arg15: memref<!tpu.dma_semaphore, #tpu.memory_space<semaphore_mem>>, %arg16: memref<!tpu.dma_semaphore, #tpu.memory_space<semaphore_mem>>, %arg17: memref<!tpu.dma_semaphore, #tpu.memory_space<semaphore_mem>>) attributes {dimension_semantics = [#tpu.dimension_semantics<core_parallel>, #tpu.dimension_semantics<subcore_parallel>], iteration_bounds = array<i64: 2, 16>, scalar_prefetch = 0 : i64, scratch_operands = 12 : i64, tpu.core_type = #tpu.core_type<sc_vector_subcore>, window_params = [{transform_indices = #map}, {transform_indices = #map}, {transform_indices = #map1}, {transform_indices = #map2}]} {
    %mul3A = arith.constant 16 : i32
    %mul3A_0 = arith.muli %arg0, %mul3A : i32
    %add3A = arith.addi %mul3A_0, %arg1 : i32
    %mul3A_1 = arith.constant 25000 : i32
    %mul3A_2 = arith.muli %add3A, %mul3A_1 : i32
    %scan3A = arith.constant 0 : i32
    %scan3A_3 = arith.constant 0 : i32
    %scan3A_4 = arith.constant 625 : i32
    %scan3A_5 = arith.addi %scan3A_3, %scan3A_4 : i32
    %scan3A_6 = arith.constant 1 : i32
    %scan3A_7 = scf.for %scan3A_220 = %scan3A_3 to %scan3A_5 step %scan3A_6 iter_args(%scan3A_221 = %scan3A) -> (i32)  : i32 {
      %broadcast_in_dim3A = arith.constant 0.000000e+00 : f32
      %broadcast_in_dim3A_222 = vector.broadcast %broadcast_in_dim3A : f32 to vector<16xf32>
      %swap3A = arith.index_cast %scan3A_220 : i32 to index
      %swap3A_223 = arith.constant 0 : index
      %swap3A_224 = tpu.vector_load %arg6[%swap3A, %swap3A_223] {strides = array<i32>} : memref<625x16xf32, #tpu.memory_space<vmem>>, vector<1x16xf32>,
      %swap3A_225 = vector.shape_cast %swap3A_224 : vector<1x16xf32> to vector<16xf32>
      %swap3A_226 = vector.shape_cast %broadcast_in_dim3A_222 : vector<16xf32> to vector<1x16xf32>
      tpu.vector_store %arg6[%swap3A, %swap3A_223], %swap3A_226 {strides = array<i32>} : memref<625x16xf32, #tpu.memory_space<vmem>>, vector<1x16xf32>,
      %scan3A_227 = arith.constant 0 : i32
      scf.yield %scan3A_227 : i32
    }
    %scan3A_8 = arith.constant 625 : i32
    %lt3A = arith.constant 10 : i32
    %lt3A_9 = arith.cmpi slt, %arg1, %lt3A : i32
    %convert_element_type3A = arith.extui %lt3A_9 : i1 to i32
    %cond3A = arith.constant 0 : i32
    %cond3A_10 = arith.cmpi ne, %convert_element_type3A, %cond3A : i32
    scf.if %cond3A_10 {
      %scan3A_220 = arith.constant 0 : i32
      %scan3A_221 = arith.constant 0 : i32
      %scan3A_222 = arith.constant 8 : i32
      %scan3A_223 = arith.addi %scan3A_221, %scan3A_222 : i32
      %scan3A_224 = arith.constant 1 : i32
      %scan3A_225 = scf.for %scan3A_227 = %scan3A_221 to %scan3A_223 step %scan3A_224 iter_args(%scan3A_228 = %scan3A_220) -> (i32)  : i32 {
        %mul3A_229 = arith.constant 5000 : i32
        %mul3A_230 = arith.muli %arg1, %mul3A_229 : i32
        %mul3A_231 = arith.constant 625 : i32
        %mul3A_232 = arith.muli %scan3A_227, %mul3A_231 : i32
        %add3A_233 = arith.addi %mul3A_230, %mul3A_232 : i32
        "tpu.region"() ({
          %run_scoped3A = tpu.sem_alloc : memref<!tpu.dma_semaphore, #tpu.memory_space<semaphore_mem>>
          %dma_start3A_235 = arith.constant 0 : i32
          %dma_start3A_236 = tpu.memref_slice %arg13[%add3A_233, %dma_start3A_235] : memref<50000x16xf32, #tpu.memory_space<vmem_shared>> -> memref<625x16xf32, #tpu.memory_space<vmem_shared>>
          %dma_start3A_237 = arith.constant 0 : i32
          %dma_start3A_238 = tpu.memref_slice %arg13[%add3A_233, %dma_start3A_237] : memref<50000x16xf32, #tpu.memory_space<vmem_shared>> -> memref<625x16xf32, #tpu.memory_space<vmem_shared>>
          tpu.enqueue_dma source(%arg6 : memref<625x16xf32, #tpu.memory_space<vmem>>) target(%dma_start3A_238 : memref<625x16xf32, #tpu.memory_space<vmem_shared>>) target_semaphore(%run_scoped3A : memref<!tpu.dma_semaphore, #tpu.memory_space<semaphore_mem>>)
          %dma_wait3A_239 = arith.constant 0 : i32
          %dma_wait3A_240 = tpu.memref_slice %arg13[%add3A_233, %dma_wait3A_239] : memref<50000x16xf32, #tpu.memory_space<vmem_shared>> -> memref<625x16xf32, #tpu.memory_space<vmem_shared>>
          %dma_wait3A_241 = arith.constant 0 : i32
          %dma_wait3A_242 = tpu.memref_slice %arg13[%add3A_233, %dma_wait3A_241] : memref<50000x16xf32, #tpu.memory_space<vmem_shared>> -> memref<625x16xf32, #tpu.memory_space<vmem_shared>>
          tpu.wait_dma2 semaphore(%run_scoped3A : memref<!tpu.dma_semaphore, #tpu.memory_space<semaphore_mem>>) src(%arg6 : memref<625x16xf32, #tpu.memory_space<vmem>>) dst(%dma_wait3A_242 : memref<625x16xf32, #tpu.memory_space<vmem_shared>>)
          tpu.yield
        }) : () -> ()
        %scan3A_234 = arith.constant 0 : i32
        scf.yield %scan3A_234 : i32
      }
      %scan3A_226 = arith.constant 8 : i32
    } else {
    }
    %barrier3A = arith.constant 0 : index
    tpu.barrier barrier_id(%barrier3A)
    %add3A_11 = arith.constant 0 : i32
    %add3A_12 = arith.addi %mul3A_2, %add3A_11 : i32
    %dma_start3A = tpu.memref_slice %arg2[%add3A_12] : memref<800000xi32, #tpu.memory_space<hbm>> -> memref<1000xi32, #tpu.memory_space<hbm>>
    %dma_start3A_13 = tpu.memref_slice %arg2[%add3A_12] : memref<800000xi32, #tpu.memory_space<hbm>> -> memref<1000xi32, #tpu.memory_space<hbm>>
    tpu.enqueue_dma source(%dma_start3A_13 : memref<1000xi32, #tpu.memory_space<hbm>>) target(%arg9 : memref<1000xi32, #tpu.memory_space<vmem>>) target_semaphore(%arg16 : memref<!tpu.dma_semaphore, #tpu.memory_space<semaphore_mem>>)
    %dma_start3A_14 = tpu.memref_slice %arg3[%add3A_12] : memref<800000xi32, #tpu.memory_space<hbm>> -> memref<1000xi32, #tpu.memory_space<hbm>>
    %dma_start3A_15 = tpu.memref_slice %arg3[%add3A_12] : memref<800000xi32, #tpu.memory_space<hbm>> -> memref<1000xi32, #tpu.memory_space<hbm>>
    tpu.enqueue_dma source(%dma_start3A_15 : memref<1000xi32, #tpu.memory_space<hbm>>) target(%arg10 : memref<1000xi32, #tpu.memory_space<vmem>>) target_semaphore(%arg16 : memref<!tpu.dma_semaphore, #tpu.memory_space<semaphore_mem>>)
    %add3A_16 = arith.constant 0 : i32
    %add3A_17 = arith.addi %mul3A_2, %add3A_16 : i32
    %dma_wait3A = tpu.memref_slice %arg2[%add3A_17] : memref<800000xi32, #tpu.memory_space<hbm>> -> memref<1000xi32, #tpu.memory_space<hbm>>
    %dma_wait3A_18 = tpu.memref_slice %arg2[%add3A_17] : memref<800000xi32, #tpu.memory_space<hbm>> -> memref<1000xi32, #tpu.memory_space<hbm>>
    tpu.wait_dma2 semaphore(%arg16 : memref<!tpu.dma_semaphore, #tpu.memory_space<semaphore_mem>>) src(%dma_wait3A_18 : memref<1000xi32, #tpu.memory_space<hbm>>) dst(%arg9 : memref<1000xi32, #tpu.memory_space<vmem>>)
    %dma_wait3A_19 = tpu.memref_slice %arg3[%add3A_17] : memref<800000xi32, #tpu.memory_space<hbm>> -> memref<1000xi32, #tpu.memory_space<hbm>>
    %dma_wait3A_20 = tpu.memref_slice %arg3[%add3A_17] : memref<800000xi32, #tpu.memory_space<hbm>> -> memref<1000xi32, #tpu.memory_space<hbm>>
    tpu.wait_dma2 semaphore(%arg16 : memref<!tpu.dma_semaphore, #tpu.memory_space<semaphore_mem>>) src(%dma_wait3A_20 : memref<1000xi32, #tpu.memory_space<hbm>>) dst(%arg10 : memref<1000xi32, #tpu.memory_space<vmem>>)
    %dma_start3A_21 = arith.constant 0 : i32
    %dma_start3A_22 = arith.constant 0 : i32
    %dma_start3A_23 = arith.constant 0 : i32
    %dma_start3A_24 = tpu.memref_slice %arg4[%dma_start3A_21, %dma_start3A_22, %dma_start3A_23] : memref<2x50000x16xf32, #tpu.memory_space<hbm>> -> memref<1x50000x16xf32, #tpu.memory_space<hbm>>
    %dma_start3A_25 = tpu.memref_squeeze %dma_start3A_24 : memref<1x50000x16xf32, #tpu.memory_space<hbm>> -> memref<50000x16xf32, #tpu.memory_space<hbm>>
    %dma_start3A_26 = arith.constant 0 : i32
    %dma_start3A_27 = arith.constant 0 : i32
    %dma_start3A_28 = tpu.memref_slice %dma_start3A_25[%dma_start3A_26, %dma_start3A_27] : memref<50000x16xf32, #tpu.memory_space<hbm>> -> memref<50000x16xf32, #tpu.memory_space<hbm>>
    tpu.enqueue_indirect_dma source(%dma_start3A_28 : memref<50000x16xf32, #tpu.memory_space<hbm>>) target(%arg7 : memref<1000x16xf32, #tpu.memory_space<vmem>>) offsets(%arg9 : memref<1000xi32, #tpu.memory_space<vmem>>) semaphore(%arg14 : memref<!tpu.dma_semaphore, #tpu.memory_space<semaphore_mem>>)
    %add3A_29 = arith.constant 1000 : i32
    %add3A_30 = arith.addi %mul3A_2, %add3A_29 : i32
    %dma_start3A_31 = tpu.memref_slice %arg2[%add3A_30] : memref<800000xi32, #tpu.memory_space<hbm>> -> memref<1000xi32, #tpu.memory_space<hbm>>
    %dma_start3A_32 = tpu.memref_slice %arg2[%add3A_30] : memref<800000xi32, #tpu.memory_space<hbm>> -> memref<1000xi32, #tpu.memory_space<hbm>>
    tpu.enqueue_dma source(%dma_start3A_32 : memref<1000xi32, #tpu.memory_space<hbm>>) target(%arg11 : memref<1000xi32, #tpu.memory_space<vmem>>) target_semaphore(%arg17 : memref<!tpu.dma_semaphore, #tpu.memory_space<semaphore_mem>>)
    %dma_start3A_33 = tpu.memref_slice %arg3[%add3A_30] : memref<800000xi32, #tpu.memory_space<hbm>> -> memref<1000xi32, #tpu.memory_space<hbm>>
    %dma_start3A_34 = tpu.memref_slice %arg3[%add3A_30] : memref<800000xi32, #tpu.memory_space<hbm>> -> memref<1000xi32, #tpu.memory_space<hbm>>
    tpu.enqueue_dma source(%dma_start3A_34 : memref<1000xi32, #tpu.memory_space<hbm>>) target(%arg12 : memref<1000xi32, #tpu.memory_space<vmem>>) target_semaphore(%arg17 : memref<!tpu.dma_semaphore, #tpu.memory_space<semaphore_mem>>)
    %scan3A_35 = arith.constant 0 : i32
    %scan3A_36 = arith.constant 0 : i32
    %scan3A_37 = arith.constant 0 : i32
    %scan3A_38 = arith.constant 11 : i32
    %scan3A_39 = arith.addi %scan3A_37, %scan3A_38 : i32
    %scan3A_40 = arith.constant 1 : i32
    %scan3A_41 = scf.for %scan3A_220 = %scan3A_37 to %scan3A_39 step %scan3A_40 iter_args(%scan3A_221 = %scan3A_36) -> (i32)  : i32 {
      %mul3A_222 = arith.constant 2 : i32
      %mul3A_223 = arith.muli %mul3A_222, %scan3A_220 : i32
      %add3A_224 = arith.constant 1 : i32
      %add3A_225 = arith.addi %add3A_224, %mul3A_223 : i32
      %add3A_226 = arith.constant 1 : i32
      %add3A_227 = arith.addi %add3A_225, %add3A_226 : i32
      %mul3A_228 = arith.constant 1000 : i32
      %mul3A_229 = arith.muli %add3A_225, %mul3A_228 : i32
      %add3A_230 = arith.addi %mul3A_2, %mul3A_229 : i32
      %dma_wait3A_231 = tpu.memref_slice %arg2[%add3A_230] : memref<800000xi32, #tpu.memory_space<hbm>> -> memref<1000xi32, #tpu.memory_space<hbm>>
      %dma_wait3A_232 = tpu.memref_slice %arg2[%add3A_230] : memref<800000xi32, #tpu.memory_space<hbm>> -> memref<1000xi32, #tpu.memory_space<hbm>>
      tpu.wait_dma2 semaphore(%arg17 : memref<!tpu.dma_semaphore, #tpu.memory_space<semaphore_mem>>) src(%dma_wait3A_232 : memref<1000xi32, #tpu.memory_space<hbm>>) dst(%arg11 : memref<1000xi32, #tpu.memory_space<vmem>>)
      %dma_wait3A_233 = tpu.memref_slice %arg3[%add3A_230] : memref<800000xi32, #tpu.memory_space<hbm>> -> memref<1000xi32, #tpu.memory_space<hbm>>
      %dma_wait3A_234 = tpu.memref_slice %arg3[%add3A_230] : memref<800000xi32, #tpu.memory_space<hbm>> -> memref<1000xi32, #tpu.memory_space<hbm>>
      tpu.wait_dma2 semaphore(%arg17 : memref<!tpu.dma_semaphore, #tpu.memory_space<semaphore_mem>>) src(%dma_wait3A_234 : memref<1000xi32, #tpu.memory_space<hbm>>) dst(%arg12 : memref<1000xi32, #tpu.memory_space<vmem>>)
      %dma_start3A_235 = arith.constant 0 : i32
      %dma_start3A_236 = arith.constant 0 : i32
      %dma_start3A_237 = tpu.memref_slice %arg4[%scan3A_35, %dma_start3A_235, %dma_start3A_236] : memref<2x50000x16xf32, #tpu.memory_space<hbm>> -> memref<1x50000x16xf32, #tpu.memory_space<hbm>>
      %dma_start3A_238 = tpu.memref_squeeze %dma_start3A_237 : memref<1x50000x16xf32, #tpu.memory_space<hbm>> -> memref<50000x16xf32, #tpu.memory_space<hbm>>
      %dma_start3A_239 = arith.constant 0 : i32
      %dma_start3A_240 = arith.constant 0 : i32
      %dma_start3A_241 = tpu.memref_slice %dma_start3A_238[%dma_start3A_239, %dma_start3A_240] : memref<50000x16xf32, #tpu.memory_space<hbm>> -> memref<50000x16xf32, #tpu.memory_space<hbm>>
      tpu.enqueue_indirect_dma source(%dma_start3A_241 : memref<50000x16xf32, #tpu.memory_space<hbm>>) target(%arg8 : memref<1000x16xf32, #tpu.memory_space<vmem>>) offsets(%arg11 : memref<1000xi32, #tpu.memory_space<vmem>>) semaphore(%arg15 : memref<!tpu.dma_semaphore, #tpu.memory_space<semaphore_mem>>)
      %dma_wait3A_242 = arith.constant 0 : i32
      %dma_wait3A_243 = arith.constant 0 : i32
      %dma_wait3A_244 = tpu.memref_slice %arg4[%scan3A_35, %dma_wait3A_242, %dma_wait3A_243] : memref<2x50000x16xf32, #tpu.memory_space<hbm>> -> memref<1x50000x16xf32, #tpu.memory_space<hbm>>
      %dma_wait3A_245 = tpu.memref_squeeze %dma_wait3A_244 : memref<1x50000x16xf32, #tpu.memory_space<hbm>> -> memref<50000x16xf32, #tpu.memory_space<hbm>>
      %dma_wait3A_246 = arith.constant 0 : i32
      %dma_wait3A_247 = arith.constant 0 : i32
      %dma_wait3A_248 = tpu.memref_slice %dma_wait3A_245[%dma_wait3A_246, %dma_wait3A_247] : memref<50000x16xf32, #tpu.memory_space<hbm>> -> memref<50000x16xf32, #tpu.memory_space<hbm>>
      tpu.wait_indirect_dma semaphore(%arg14 : memref<!tpu.dma_semaphore, #tpu.memory_space<semaphore_mem>>) src(%dma_wait3A_248 : memref<50000x16xf32, #tpu.memory_space<hbm>>) dst(%arg7 : memref<1000x16xf32, #tpu.memory_space<vmem>>)
      "tpu.region"() ({
        %run_scoped3A = tpu.sem_alloc : memref<!tpu.dma_semaphore, #tpu.memory_space<semaphore_mem>>
        %dma_start3A_289 = arith.constant 0 : i32
        %dma_start3A_290 = arith.constant 0 : i32
        %dma_start3A_291 = tpu.memref_slice %arg13[%dma_start3A_289, %dma_start3A_290] : memref<50000x16xf32, #tpu.memory_space<vmem_shared>> -> memref<50000x16xf32, #tpu.memory_space<vmem_shared>>
        tpu.enqueue_indirect_dma source(%arg7 : memref<1000x16xf32, #tpu.memory_space<vmem>>) target(%dma_start3A_291 : memref<50000x16xf32, #tpu.memory_space<vmem_shared>>) offsets(%arg10 : memref<1000xi32, #tpu.memory_space<vmem>>) semaphore(%run_scoped3A : memref<!tpu.dma_semaphore, #tpu.memory_space<semaphore_mem>>) {add = true}
        %dma_wait3A_292 = arith.constant 0 : i32
        %dma_wait3A_293 = arith.constant 0 : i32
        %dma_wait3A_294 = tpu.memref_slice %arg13[%dma_wait3A_292, %dma_wait3A_293] : memref<50000x16xf32, #tpu.memory_space<vmem_shared>> -> memref<50000x16xf32, #tpu.memory_space<vmem_shared>>
        tpu.wait_indirect_dma semaphore(%run_scoped3A : memref<!tpu.dma_semaphore, #tpu.memory_space<semaphore_mem>>) src(%arg7 : memref<1000x16xf32, #tpu.memory_space<vmem>>) dst(%dma_wait3A_294 : memref<50000x16xf32, #tpu.memory_space<vmem_shared>>)
        tpu.yield
      }) : () -> ()
      %mul3A_249 = arith.constant 1000 : i32
      %mul3A_250 = arith.muli %add3A_227, %mul3A_249 : i32
      %add3A_251 = arith.addi %mul3A_2, %mul3A_250 : i32
      %dma_start3A_252 = tpu.memref_slice %arg2[%add3A_251] : memref<800000xi32, #tpu.memory_space<hbm>> -> memref<1000xi32, #tpu.memory_space<hbm>>
      %dma_start3A_253 = tpu.memref_slice %arg2[%add3A_251] : memref<800000xi32, #tpu.memory_space<hbm>> -> memref<1000xi32, #tpu.memory_space<hbm>>
      tpu.enqueue_dma source(%dma_start3A_253 : memref<1000xi32, #tpu.memory_space<hbm>>) target(%arg9 : memref<1000xi32, #tpu.memory_space<vmem>>) target_semaphore(%arg16 : memref<!tpu.dma_semaphore, #tpu.memory_space<semaphore_mem>>)
      %dma_start3A_254 = tpu.memref_slice %arg3[%add3A_251] : memref<800000xi32, #tpu.memory_space<hbm>> -> memref<1000xi32, #tpu.memory_space<hbm>>
      %dma_start3A_255 = tpu.memref_slice %arg3[%add3A_251] : memref<800000xi32, #tpu.memory_space<hbm>> -> memref<1000xi32, #tpu.memory_space<hbm>>
      tpu.enqueue_dma source(%dma_start3A_255 : memref<1000xi32, #tpu.memory_space<hbm>>) target(%arg10 : memref<1000xi32, #tpu.memory_space<vmem>>) target_semaphore(%arg16 : memref<!tpu.dma_semaphore, #tpu.memory_space<semaphore_mem>>)
      %add3A_256 = arith.constant 1 : i32
      %add3A_257 = arith.addi %add3A_225, %add3A_256 : i32
      %add3A_258 = arith.constant 2 : i32
      %add3A_259 = arith.addi %add3A_225, %add3A_258 : i32
      %mul3A_260 = arith.constant 1000 : i32
      %mul3A_261 = arith.muli %add3A_257, %mul3A_260 : i32
      %add3A_262 = arith.addi %mul3A_2, %mul3A_261 : i32
      %dma_wait3A_263 = tpu.memref_slice %arg2[%add3A_262] : memref<800000xi32, #tpu.memory_space<hbm>> -> memref<1000xi32, #tpu.memory_space<hbm>>
      %dma_wait3A_264 = tpu.memref_slice %arg2[%add3A_262] : memref<800000xi32, #tpu.memory_space<hbm>> -> memref<1000xi32, #tpu.memory_space<hbm>>
      tpu.wait_dma2 semaphore(%arg16 : memref<!tpu.dma_semaphore, #tpu.memory_space<semaphore_mem>>) src(%dma_wait3A_264 : memref<1000xi32, #tpu.memory_space<hbm>>) dst(%arg9 : memref<1000xi32, #tpu.memory_space<vmem>>)
      %dma_wait3A_265 = tpu.memref_slice %arg3[%add3A_262] : memref<800000xi32, #tpu.memory_space<hbm>> -> memref<1000xi32, #tpu.memory_space<hbm>>
      %dma_wait3A_266 = tpu.memref_slice %arg3[%add3A_262] : memref<800000xi32, #tpu.memory_space<hbm>> -> memref<1000xi32, #tpu.memory_space<hbm>>
      tpu.wait_dma2 semaphore(%arg16 : memref<!tpu.dma_semaphore, #tpu.memory_space<semaphore_mem>>) src(%dma_wait3A_266 : memref<1000xi32, #tpu.memory_space<hbm>>) dst(%arg10 : memref<1000xi32, #tpu.memory_space<vmem>>)
      %dma_start3A_267 = arith.constant 0 : i32
      %dma_start3A_268 = arith.constant 0 : i32
      %dma_start3A_269 = tpu.memref_slice %arg4[%scan3A_35, %dma_start3A_267, %dma_start3A_268] : memref<2x50000x16xf32, #tpu.memory_space<hbm>> -> memref<1x50000x16xf32, #tpu.memory_space<hbm>>
      %dma_start3A_270 = tpu.memref_squeeze %dma_start3A_269 : memref<1x50000x16xf32, #tpu.memory_space<hbm>> -> memref<50000x16xf32, #tpu.memory_space<hbm>>
      %dma_start3A_271 = arith.constant 0 : i32
      %dma_start3A_272 = arith.constant 0 : i32
      %dma_start3A_273 = tpu.memref_slice %dma_start3A_270[%dma_start3A_271, %dma_start3A_272] : memref<50000x16xf32, #tpu.memory_space<hbm>> -> memref<50000x16xf32, #tpu.memory_space<hbm>>
      tpu.enqueue_indirect_dma source(%dma_start3A_273 : memref<50000x16xf32, #tpu.memory_space<hbm>>) target(%arg7 : memref<1000x16xf32, #tpu.memory_space<vmem>>) offsets(%arg9 : memref<1000xi32, #tpu.memory_space<vmem>>) semaphore(%arg14 : memref<!tpu.dma_semaphore, #tpu.memory_space<semaphore_mem>>)
      %dma_wait3A_274 = arith.constant 0 : i32
      %dma_wait3A_275 = arith.constant 0 : i32
      %dma_wait3A_276 = tpu.memref_slice %arg4[%scan3A_35, %dma_wait3A_274, %dma_wait3A_275] : memref<2x50000x16xf32, #tpu.memory_space<hbm>> -> memref<1x50000x16xf32, #tpu.memory_space<hbm>>
      %dma_wait3A_277 = tpu.memref_squeeze %dma_wait3A_276 : memref<1x50000x16xf32, #tpu.memory_space<hbm>> -> memref<50000x16xf32, #tpu.memory_space<hbm>>
      %dma_wait3A_278 = arith.constant 0 : i32
      %dma_wait3A_279 = arith.constant 0 : i32
      %dma_wait3A_280 = tpu.memref_slice %dma_wait3A_277[%dma_wait3A_278, %dma_wait3A_279] : memref<50000x16xf32, #tpu.memory_space<hbm>> -> memref<50000x16xf32, #tpu.memory_space<hbm>>
      tpu.wait_indirect_dma semaphore(%arg15 : memref<!tpu.dma_semaphore, #tpu.memory_space<semaphore_mem>>) src(%dma_wait3A_280 : memref<50000x16xf32, #tpu.memory_space<hbm>>) dst(%arg8 : memref<1000x16xf32, #tpu.memory_space<vmem>>)
      "tpu.region"() ({
        %run_scoped3A = tpu.sem_alloc : memref<!tpu.dma_semaphore, #tpu.memory_space<semaphore_mem>>
        %dma_start3A_289 = arith.constant 0 : i32
        %dma_start3A_290 = arith.constant 0 : i32
        %dma_start3A_291 = tpu.memref_slice %arg13[%dma_start3A_289, %dma_start3A_290] : memref<50000x16xf32, #tpu.memory_space<vmem_shared>> -> memref<50000x16xf32, #tpu.memory_space<vmem_shared>>
        tpu.enqueue_indirect_dma source(%arg8 : memref<1000x16xf32, #tpu.memory_space<vmem>>) target(%dma_start3A_291 : memref<50000x16xf32, #tpu.memory_space<vmem_shared>>) offsets(%arg12 : memref<1000xi32, #tpu.memory_space<vmem>>) semaphore(%run_scoped3A : memref<!tpu.dma_semaphore, #tpu.memory_space<semaphore_mem>>) {add = true}
        %dma_wait3A_292 = arith.constant 0 : i32
        %dma_wait3A_293 = arith.constant 0 : i32
        %dma_wait3A_294 = tpu.memref_slice %arg13[%dma_wait3A_292, %dma_wait3A_293] : memref<50000x16xf32, #tpu.memory_space<vmem_shared>> -> memref<50000x16xf32, #tpu.memory_space<vmem_shared>>
        tpu.wait_indirect_dma semaphore(%run_scoped3A : memref<!tpu.dma_semaphore, #tpu.memory_space<semaphore_mem>>) src(%arg8 : memref<1000x16xf32, #tpu.memory_space<vmem>>) dst(%dma_wait3A_294 : memref<50000x16xf32, #tpu.memory_space<vmem_shared>>)
        tpu.yield
      }) : () -> ()
      %mul3A_281 = arith.constant 1000 : i32
      %mul3A_282 = arith.muli %add3A_259, %mul3A_281 : i32
      %add3A_283 = arith.addi %mul3A_2, %mul3A_282 : i32
      %dma_start3A_284 = tpu.memref_slice %arg2[%add3A_283] : memref<800000xi32, #tpu.memory_space<hbm>> -> memref<1000xi32, #tpu.memory_space<hbm>>
      %dma_start3A_285 = tpu.memref_slice %arg2[%add3A_283] : memref<800000xi32, #tpu.memory_space<hbm>> -> memref<1000xi32, #tpu.memory_space<hbm>>
      tpu.enqueue_dma source(%dma_start3A_285 : memref<1000xi32, #tpu.memory_space<hbm>>) target(%arg11 : memref<1000xi32, #tpu.memory_space<vmem>>) target_semaphore(%arg17 : memref<!tpu.dma_semaphore, #tpu.memory_space<semaphore_mem>>)
      %dma_start3A_286 = tpu.memref_slice %arg3[%add3A_283] : memref<800000xi32, #tpu.memory_space<hbm>> -> memref<1000xi32, #tpu.memory_space<hbm>>
      %dma_start3A_287 = tpu.memref_slice %arg3[%add3A_283] : memref<800000xi32, #tpu.memory_space<hbm>> -> memref<1000xi32, #tpu.memory_space<hbm>>
      tpu.enqueue_dma source(%dma_start3A_287 : memref<1000xi32, #tpu.memory_space<hbm>>) target(%arg12 : memref<1000xi32, #tpu.memory_space<vmem>>) target_semaphore(%arg17 : memref<!tpu.dma_semaphore, #tpu.memory_space<semaphore_mem>>)
      %scan3A_288 = arith.constant 0 : i32
      scf.yield %scan3A_288 : i32
    }
    %scan3A_42 = arith.constant 11 : i32
    %add3A_43 = arith.constant 23000 : i32
    %add3A_44 = arith.addi %mul3A_2, %add3A_43 : i32
    %dma_wait3A_45 = tpu.memref_slice %arg2[%add3A_44] : memref<800000xi32, #tpu.memory_space<hbm>> -> memref<1000xi32, #tpu.memory_space<hbm>>
    %dma_wait3A_46 = tpu.memref_slice %arg2[%add3A_44] : memref<800000xi32, #tpu.memory_space<hbm>> -> memref<1000xi32, #tpu.memory_space<hbm>>
    tpu.wait_dma2 semaphore(%arg17 : memref<!tpu.dma_semaphore, #tpu.memory_space<semaphore_mem>>) src(%dma_wait3A_46 : memref<1000xi32, #tpu.memory_space<hbm>>) dst(%arg11 : memref<1000xi32, #tpu.memory_space<vmem>>)
    %dma_wait3A_47 = tpu.memref_slice %arg3[%add3A_44] : memref<800000xi32, #tpu.memory_space<hbm>> -> memref<1000xi32, #tpu.memory_space<hbm>>
    %dma_wait3A_48 = tpu.memref_slice %arg3[%add3A_44] : memref<800000xi32, #tpu.memory_space<hbm>> -> memref<1000xi32, #tpu.memory_space<hbm>>
    tpu.wait_dma2 semaphore(%arg17 : memref<!tpu.dma_semaphore, #tpu.memory_space<semaphore_mem>>) src(%dma_wait3A_48 : memref<1000xi32, #tpu.memory_space<hbm>>) dst(%arg12 : memref<1000xi32, #tpu.memory_space<vmem>>)
    %dma_start3A_49 = arith.constant 0 : i32
    %dma_start3A_50 = arith.constant 0 : i32
    %dma_start3A_51 = arith.constant 0 : i32
    %dma_start3A_52 = tpu.memref_slice %arg4[%dma_start3A_49, %dma_start3A_50, %dma_start3A_51] : memref<2x50000x16xf32, #tpu.memory_space<hbm>> -> memref<1x50000x16xf32, #tpu.memory_space<hbm>>
    %dma_start3A_53 = tpu.memref_squeeze %dma_start3A_52 : memref<1x50000x16xf32, #tpu.memory_space<hbm>> -> memref<50000x16xf32, #tpu.memory_space<hbm>>
    %dma_start3A_54 = arith.constant 0 : i32
    %dma_start3A_55 = arith.constant 0 : i32
    %dma_start3A_56 = tpu.memref_slice %dma_start3A_53[%dma_start3A_54, %dma_start3A_55] : memref<50000x16xf32, #tpu.memory_space<hbm>> -> memref<50000x16xf32, #tpu.memory_space<hbm>>
    tpu.enqueue_indirect_dma source(%dma_start3A_56 : memref<50000x16xf32, #tpu.memory_space<hbm>>) target(%arg8 : memref<1000x16xf32, #tpu.memory_space<vmem>>) offsets(%arg11 : memref<1000xi32, #tpu.memory_space<vmem>>) semaphore(%arg15 : memref<!tpu.dma_semaphore, #tpu.memory_space<semaphore_mem>>)
    %dma_wait3A_57 = arith.constant 0 : i32
    %dma_wait3A_58 = arith.constant 0 : i32
    %dma_wait3A_59 = arith.constant 0 : i32
    %dma_wait3A_60 = tpu.memref_slice %arg4[%dma_wait3A_57, %dma_wait3A_58, %dma_wait3A_59] : memref<2x50000x16xf32, #tpu.memory_space<hbm>> -> memref<1x50000x16xf32, #tpu.memory_space<hbm>>
    %dma_wait3A_61 = tpu.memref_squeeze %dma_wait3A_60 : memref<1x50000x16xf32, #tpu.memory_space<hbm>> -> memref<50000x16xf32, #tpu.memory_space<hbm>>
    %dma_wait3A_62 = arith.constant 0 : i32
    %dma_wait3A_63 = arith.constant 0 : i32
    %dma_wait3A_64 = tpu.memref_slice %dma_wait3A_61[%dma_wait3A_62, %dma_wait3A_63] : memref<50000x16xf32, #tpu.memory_space<hbm>> -> memref<50000x16xf32, #tpu.memory_space<hbm>>
    tpu.wait_indirect_dma semaphore(%arg14 : memref<!tpu.dma_semaphore, #tpu.memory_space<semaphore_mem>>) src(%dma_wait3A_64 : memref<50000x16xf32, #tpu.memory_space<hbm>>) dst(%arg7 : memref<1000x16xf32, #tpu.memory_space<vmem>>)
    "tpu.region"() ({
      %run_scoped3A = tpu.sem_alloc : memref<!tpu.dma_semaphore, #tpu.memory_space<semaphore_mem>>
      %dma_start3A_220 = arith.constant 0 : i32
      %dma_start3A_221 = arith.constant 0 : i32
      %dma_start3A_222 = tpu.memref_slice %arg13[%dma_start3A_220, %dma_start3A_221] : memref<50000x16xf32, #tpu.memory_space<vmem_shared>> -> memref<50000x16xf32, #tpu.memory_space<vmem_shared>>
      tpu.enqueue_indirect_dma source(%arg7 : memref<1000x16xf32, #tpu.memory_space<vmem>>) target(%dma_start3A_222 : memref<50000x16xf32, #tpu.memory_space<vmem_shared>>) offsets(%arg10 : memref<1000xi32, #tpu.memory_space<vmem>>) semaphore(%run_scoped3A : memref<!tpu.dma_semaphore, #tpu.memory_space<semaphore_mem>>) {add = true}
      %dma_wait3A_223 = arith.constant 0 : i32
      %dma_wait3A_224 = arith.constant 0 : i32
      %dma_wait3A_225 = tpu.memref_slice %arg13[%dma_wait3A_223, %dma_wait3A_224] : memref<50000x16xf32, #tpu.memory_space<vmem_shared>> -> memref<50000x16xf32, #tpu.memory_space<vmem_shared>>
      tpu.wait_indirect_dma semaphore(%run_scoped3A : memref<!tpu.dma_semaphore, #tpu.memory_space<semaphore_mem>>) src(%arg7 : memref<1000x16xf32, #tpu.memory_space<vmem>>) dst(%dma_wait3A_225 : memref<50000x16xf32, #tpu.memory_space<vmem_shared>>)
      tpu.yield
    }) : () -> ()
    %add3A_65 = arith.constant 24000 : i32
    %add3A_66 = arith.addi %mul3A_2, %add3A_65 : i32
    %dma_start3A_67 = tpu.memref_slice %arg2[%add3A_66] : memref<800000xi32, #tpu.memory_space<hbm>> -> memref<1000xi32, #tpu.memory_space<hbm>>
    %dma_start3A_68 = tpu.memref_slice %arg2[%add3A_66] : memref<800000xi32, #tpu.memory_space<hbm>> -> memref<1000xi32, #tpu.memory_space<hbm>>
    tpu.enqueue_dma source(%dma_start3A_68 : memref<1000xi32, #tpu.memory_space<hbm>>) target(%arg9 : memref<1000xi32, #tpu.memory_space<vmem>>) target_semaphore(%arg16 : memref<!tpu.dma_semaphore, #tpu.memory_space<semaphore_mem>>)
    %dma_start3A_69 = tpu.memref_slice %arg3[%add3A_66] : memref<800000xi32, #tpu.memory_space<hbm>> -> memref<1000xi32, #tpu.memory_space<hbm>>
    %dma_start3A_70 = tpu.memref_slice %arg3[%add3A_66] : memref<800000xi32, #tpu.memory_space<hbm>> -> memref<1000xi32, #tpu.memory_space<hbm>>
    tpu.enqueue_dma source(%dma_start3A_70 : memref<1000xi32, #tpu.memory_space<hbm>>) target(%arg10 : memref<1000xi32, #tpu.memory_space<vmem>>) target_semaphore(%arg16 : memref<!tpu.dma_semaphore, #tpu.memory_space<semaphore_mem>>)
    %add3A_71 = arith.constant 24000 : i32
    %add3A_72 = arith.addi %mul3A_2, %add3A_71 : i32
    %dma_wait3A_73 = tpu.memref_slice %arg2[%add3A_72] : memref<800000xi32, #tpu.memory_space<hbm>> -> memref<1000xi32, #tpu.memory_space<hbm>>
    %dma_wait3A_74 = tpu.memref_slice %arg2[%add3A_72] : memref<800000xi32, #tpu.memory_space<hbm>> -> memref<1000xi32, #tpu.memory_space<hbm>>
    tpu.wait_dma2 semaphore(%arg16 : memref<!tpu.dma_semaphore, #tpu.memory_space<semaphore_mem>>) src(%dma_wait3A_74 : memref<1000xi32, #tpu.memory_space<hbm>>) dst(%arg9 : memref<1000xi32, #tpu.memory_space<vmem>>)
    %dma_wait3A_75 = tpu.memref_slice %arg3[%add3A_72] : memref<800000xi32, #tpu.memory_space<hbm>> -> memref<1000xi32, #tpu.memory_space<hbm>>
    %dma_wait3A_76 = tpu.memref_slice %arg3[%add3A_72] : memref<800000xi32, #tpu.memory_space<hbm>> -> memref<1000xi32, #tpu.memory_space<hbm>>
    tpu.wait_dma2 semaphore(%arg16 : memref<!tpu.dma_semaphore, #tpu.memory_space<semaphore_mem>>) src(%dma_wait3A_76 : memref<1000xi32, #tpu.memory_space<hbm>>) dst(%arg10 : memref<1000xi32, #tpu.memory_space<vmem>>)
    %dma_start3A_77 = arith.constant 0 : i32
    %dma_start3A_78 = arith.constant 0 : i32
    %dma_start3A_79 = arith.constant 0 : i32
    %dma_start3A_80 = tpu.memref_slice %arg4[%dma_start3A_77, %dma_start3A_78, %dma_start3A_79] : memref<2x50000x16xf32, #tpu.memory_space<hbm>> -> memref<1x50000x16xf32, #tpu.memory_space<hbm>>
    %dma_start3A_81 = tpu.memref_squeeze %dma_start3A_80 : memref<1x50000x16xf32, #tpu.memory_space<hbm>> -> memref<50000x16xf32, #tpu.memory_space<hbm>>
    %dma_start3A_82 = arith.constant 0 : i32
    %dma_start3A_83 = arith.constant 0 : i32
    %dma_start3A_84 = tpu.memref_slice %dma_start3A_81[%dma_start3A_82, %dma_start3A_83] : memref<50000x16xf32, #tpu.memory_space<hbm>> -> memref<50000x16xf32, #tpu.memory_space<hbm>>
    tpu.enqueue_indirect_dma source(%dma_start3A_84 : memref<50000x16xf32, #tpu.memory_space<hbm>>) target(%arg7 : memref<1000x16xf32, #tpu.memory_space<vmem>>) offsets(%arg9 : memref<1000xi32, #tpu.memory_space<vmem>>) semaphore(%arg14 : memref<!tpu.dma_semaphore, #tpu.memory_space<semaphore_mem>>)
    %dma_wait3A_85 = arith.constant 0 : i32
    %dma_wait3A_86 = arith.constant 0 : i32
    %dma_wait3A_87 = arith.constant 0 : i32
    %dma_wait3A_88 = tpu.memref_slice %arg4[%dma_wait3A_85, %dma_wait3A_86, %dma_wait3A_87] : memref<2x50000x16xf32, #tpu.memory_space<hbm>> -> memref<1x50000x16xf32, #tpu.memory_space<hbm>>
    %dma_wait3A_89 = tpu.memref_squeeze %dma_wait3A_88 : memref<1x50000x16xf32, #tpu.memory_space<hbm>> -> memref<50000x16xf32, #tpu.memory_space<hbm>>
    %dma_wait3A_90 = arith.constant 0 : i32
    %dma_wait3A_91 = arith.constant 0 : i32
    %dma_wait3A_92 = tpu.memref_slice %dma_wait3A_89[%dma_wait3A_90, %dma_wait3A_91] : memref<50000x16xf32, #tpu.memory_space<hbm>> -> memref<50000x16xf32, #tpu.memory_space<hbm>>
    tpu.wait_indirect_dma semaphore(%arg15 : memref<!tpu.dma_semaphore, #tpu.memory_space<semaphore_mem>>) src(%dma_wait3A_92 : memref<50000x16xf32, #tpu.memory_space<hbm>>) dst(%arg8 : memref<1000x16xf32, #tpu.memory_space<vmem>>)
    "tpu.region"() ({
      %run_scoped3A = tpu.sem_alloc : memref<!tpu.dma_semaphore, #tpu.memory_space<semaphore_mem>>
      %dma_start3A_220 = arith.constant 0 : i32
      %dma_start3A_221 = arith.constant 0 : i32
      %dma_start3A_222 = tpu.memref_slice %arg13[%dma_start3A_220, %dma_start3A_221] : memref<50000x16xf32, #tpu.memory_space<vmem_shared>> -> memref<50000x16xf32, #tpu.memory_space<vmem_shared>>
      tpu.enqueue_indirect_dma source(%arg8 : memref<1000x16xf32, #tpu.memory_space<vmem>>) target(%dma_start3A_222 : memref<50000x16xf32, #tpu.memory_space<vmem_shared>>) offsets(%arg12 : memref<1000xi32, #tpu.memory_space<vmem>>) semaphore(%run_scoped3A : memref<!tpu.dma_semaphore, #tpu.memory_space<semaphore_mem>>) {add = true}
      %dma_wait3A_223 = arith.constant 0 : i32
      %dma_wait3A_224 = arith.constant 0 : i32
      %dma_wait3A_225 = tpu.memref_slice %arg13[%dma_wait3A_223, %dma_wait3A_224] : memref<50000x16xf32, #tpu.memory_space<vmem_shared>> -> memref<50000x16xf32, #tpu.memory_space<vmem_shared>>
      tpu.wait_indirect_dma semaphore(%run_scoped3A : memref<!tpu.dma_semaphore, #tpu.memory_space<semaphore_mem>>) src(%arg8 : memref<1000x16xf32, #tpu.memory_space<vmem>>) dst(%dma_wait3A_225 : memref<50000x16xf32, #tpu.memory_space<vmem_shared>>)
      tpu.yield
    }) : () -> ()
    %dma_wait3A_93 = arith.constant 0 : i32
    %dma_wait3A_94 = arith.constant 0 : i32
    %dma_wait3A_95 = arith.constant 0 : i32
    %dma_wait3A_96 = tpu.memref_slice %arg4[%dma_wait3A_93, %dma_wait3A_94, %dma_wait3A_95] : memref<2x50000x16xf32, #tpu.memory_space<hbm>> -> memref<1x50000x16xf32, #tpu.memory_space<hbm>>
    %dma_wait3A_97 = tpu.memref_squeeze %dma_wait3A_96 : memref<1x50000x16xf32, #tpu.memory_space<hbm>> -> memref<50000x16xf32, #tpu.memory_space<hbm>>
    %dma_wait3A_98 = arith.constant 0 : i32
    %dma_wait3A_99 = arith.constant 0 : i32
    %dma_wait3A_100 = tpu.memref_slice %dma_wait3A_97[%dma_wait3A_98, %dma_wait3A_99] : memref<50000x16xf32, #tpu.memory_space<hbm>> -> memref<50000x16xf32, #tpu.memory_space<hbm>>
    tpu.wait_indirect_dma semaphore(%arg14 : memref<!tpu.dma_semaphore, #tpu.memory_space<semaphore_mem>>) src(%dma_wait3A_100 : memref<50000x16xf32, #tpu.memory_space<hbm>>) dst(%arg7 : memref<1000x16xf32, #tpu.memory_space<vmem>>)
    "tpu.region"() ({
      %run_scoped3A = tpu.sem_alloc : memref<!tpu.dma_semaphore, #tpu.memory_space<semaphore_mem>>
      %dma_start3A_220 = arith.constant 0 : i32
      %dma_start3A_221 = arith.constant 0 : i32
      %dma_start3A_222 = tpu.memref_slice %arg13[%dma_start3A_220, %dma_start3A_221] : memref<50000x16xf32, #tpu.memory_space<vmem_shared>> -> memref<50000x16xf32, #tpu.memory_space<vmem_shared>>
      tpu.enqueue_indirect_dma source(%arg7 : memref<1000x16xf32, #tpu.memory_space<vmem>>) target(%dma_start3A_222 : memref<50000x16xf32, #tpu.memory_space<vmem_shared>>) offsets(%arg10 : memref<1000xi32, #tpu.memory_space<vmem>>) semaphore(%run_scoped3A : memref<!tpu.dma_semaphore, #tpu.memory_space<semaphore_mem>>) {add = true}
      %dma_wait3A_223 = arith.constant 0 : i32
      %dma_wait3A_224 = arith.constant 0 : i32
      %dma_wait3A_225 = tpu.memref_slice %arg13[%dma_wait3A_223, %dma_wait3A_224] : memref<50000x16xf32, #tpu.memory_space<vmem_shared>> -> memref<50000x16xf32, #tpu.memory_space<vmem_shared>>
      tpu.wait_indirect_dma semaphore(%run_scoped3A : memref<!tpu.dma_semaphore, #tpu.memory_space<semaphore_mem>>) src(%arg7 : memref<1000x16xf32, #tpu.memory_space<vmem>>) dst(%dma_wait3A_225 : memref<50000x16xf32, #tpu.memory_space<vmem_shared>>)
      tpu.yield
    }) : () -> ()
    %barrier3A_101 = arith.constant 0 : index
    tpu.barrier barrier_id(%barrier3A_101)
    %lt3A_102 = arith.constant 10 : i32
    %lt3A_103 = arith.cmpi slt, %arg1, %lt3A_102 : i32
    %convert_element_type3A_104 = arith.extui %lt3A_103 : i1 to i32
    %cond3A_105 = arith.constant 0 : i32
    %cond3A_106 = arith.constant 0 : i32
    %cond3A_107 = arith.cmpi ne, %convert_element_type3A_104, %cond3A_106 : i32
    scf.if %cond3A_107 {
      %scan3A_220 = arith.constant 0 : i32
      %scan3A_221 = arith.constant 0 : i32
      %scan3A_222 = arith.constant 8 : i32
      %scan3A_223 = arith.addi %scan3A_221, %scan3A_222 : i32
      %scan3A_224 = arith.constant 1 : i32
      %scan3A_225 = scf.for %scan3A_227 = %scan3A_221 to %scan3A_223 step %scan3A_224 iter_args(%scan3A_228 = %scan3A_220) -> (i32)  : i32 {
        %mul3A_229 = arith.constant 5000 : i32
        %mul3A_230 = arith.muli %arg1, %mul3A_229 : i32
        %mul3A_231 = arith.constant 625 : i32
        %mul3A_232 = arith.muli %scan3A_227, %mul3A_231 : i32
        %add3A_233 = arith.addi %mul3A_230, %mul3A_232 : i32
        "tpu.region"() ({
          %run_scoped3A = tpu.sem_alloc : memref<!tpu.dma_semaphore, #tpu.memory_space<semaphore_mem>>
          %dma_start3A_235 = arith.constant 0 : i32
          %dma_start3A_236 = tpu.memref_slice %arg13[%add3A_233, %dma_start3A_235] : memref<50000x16xf32, #tpu.memory_space<vmem_shared>> -> memref<625x16xf32, #tpu.memory_space<vmem_shared>>
          %dma_start3A_237 = arith.constant 0 : i32
          %dma_start3A_238 = tpu.memref_slice %arg13[%add3A_233, %dma_start3A_237] : memref<50000x16xf32, #tpu.memory_space<vmem_shared>> -> memref<625x16xf32, #tpu.memory_space<vmem_shared>>
          tpu.enqueue_dma source(%dma_start3A_238 : memref<625x16xf32, #tpu.memory_space<vmem_shared>>) target(%arg6 : memref<625x16xf32, #tpu.memory_space<vmem>>) target_semaphore(%run_scoped3A : memref<!tpu.dma_semaphore, #tpu.memory_space<semaphore_mem>>)
          %dma_wait3A_239 = arith.constant 0 : i32
          %dma_wait3A_240 = tpu.memref_slice %arg13[%add3A_233, %dma_wait3A_239] : memref<50000x16xf32, #tpu.memory_space<vmem_shared>> -> memref<625x16xf32, #tpu.memory_space<vmem_shared>>
          %dma_wait3A_241 = arith.constant 0 : i32
          %dma_wait3A_242 = tpu.memref_slice %arg13[%add3A_233, %dma_wait3A_241] : memref<50000x16xf32, #tpu.memory_space<vmem_shared>> -> memref<625x16xf32, #tpu.memory_space<vmem_shared>>
          tpu.wait_dma2 semaphore(%run_scoped3A : memref<!tpu.dma_semaphore, #tpu.memory_space<semaphore_mem>>) src(%dma_wait3A_242 : memref<625x16xf32, #tpu.memory_space<vmem_shared>>) dst(%arg6 : memref<625x16xf32, #tpu.memory_space<vmem>>)
          tpu.yield
        }) : () -> ()
        "tpu.region"() ({
          %run_scoped3A = tpu.sem_alloc : memref<!tpu.dma_semaphore, #tpu.memory_space<semaphore_mem>>
          %dma_start3A_235 = arith.constant 0 : i32
          %dma_start3A_236 = arith.constant 0 : i32
          %dma_start3A_237 = tpu.memref_slice %arg5[%arg0, %cond3A_105, %dma_start3A_235, %dma_start3A_236] : memref<2x2x50000x16xf32, #tpu.memory_space<hbm>> -> memref<1x1x50000x16xf32, #tpu.memory_space<hbm>>
          %dma_start3A_238 = tpu.memref_squeeze %dma_start3A_237 : memref<1x1x50000x16xf32, #tpu.memory_space<hbm>> -> memref<50000x16xf32, #tpu.memory_space<hbm>>
          %dma_start3A_239 = arith.constant 0 : i32
          %dma_start3A_240 = tpu.memref_slice %dma_start3A_238[%add3A_233, %dma_start3A_239] : memref<50000x16xf32, #tpu.memory_space<hbm>> -> memref<625x16xf32, #tpu.memory_space<hbm>>
          %dma_start3A_241 = arith.constant 0 : i32
          %dma_start3A_242 = arith.constant 0 : i32
          %dma_start3A_243 = tpu.memref_slice %arg5[%arg0, %cond3A_105, %dma_start3A_241, %dma_start3A_242] : memref<2x2x50000x16xf32, #tpu.memory_space<hbm>> -> memref<1x1x50000x16xf32, #tpu.memory_space<hbm>>
          %dma_start3A_244 = tpu.memref_squeeze %dma_start3A_243 : memref<1x1x50000x16xf32, #tpu.memory_space<hbm>> -> memref<50000x16xf32, #tpu.memory_space<hbm>>
          %dma_start3A_245 = arith.constant 0 : i32
          %dma_start3A_246 = tpu.memref_slice %dma_start3A_244[%add3A_233, %dma_start3A_245] : memref<50000x16xf32, #tpu.memory_space<hbm>> -> memref<625x16xf32, #tpu.memory_space<hbm>>
          tpu.enqueue_dma source(%arg6 : memref<625x16xf32, #tpu.memory_space<vmem>>) target(%dma_start3A_246 : memref<625x16xf32, #tpu.memory_space<hbm>>) target_semaphore(%run_scoped3A : memref<!tpu.dma_semaphore, #tpu.memory_space<semaphore_mem>>)
          %dma_wait3A_247 = arith.constant 0 : i32
          %dma_wait3A_248 = arith.constant 0 : i32
          %dma_wait3A_249 = tpu.memref_slice %arg5[%arg0, %cond3A_105, %dma_wait3A_247, %dma_wait3A_248] : memref<2x2x50000x16xf32, #tpu.memory_space<hbm>> -> memref<1x1x50000x16xf32, #tpu.memory_space<hbm>>
          %dma_wait3A_250 = tpu.memref_squeeze %dma_wait3A_249 : memref<1x1x50000x16xf32, #tpu.memory_space<hbm>> -> memref<50000x16xf32, #tpu.memory_space<hbm>>
          %dma_wait3A_251 = arith.constant 0 : i32
          %dma_wait3A_252 = tpu.memref_slice %dma_wait3A_250[%add3A_233, %dma_wait3A_251] : memref<50000x16xf32, #tpu.memory_space<hbm>> -> memref<625x16xf32, #tpu.memory_space<hbm>>
          %dma_wait3A_253 = arith.constant 0 : i32
          %dma_wait3A_254 = arith.constant 0 : i32
          %dma_wait3A_255 = tpu.memref_slice %arg5[%arg0, %cond3A_105, %dma_wait3A_253, %dma_wait3A_254] : memref<2x2x50000x16xf32, #tpu.memory_space<hbm>> -> memref<1x1x50000x16xf32, #tpu.memory_space<hbm>>
          %dma_wait3A_256 = tpu.memref_squeeze %dma_wait3A_255 : memref<1x1x50000x16xf32, #tpu.memory_space<hbm>> -> memref<50000x16xf32, #tpu.memory_space<hbm>>
          %dma_wait3A_257 = arith.constant 0 : i32
          %dma_wait3A_258 = tpu.memref_slice %dma_wait3A_256[%add3A_233, %dma_wait3A_257] : memref<50000x16xf32, #tpu.memory_space<hbm>> -> memref<625x16xf32, #tpu.memory_space<hbm>>
          tpu.wait_dma2 semaphore(%run_scoped3A : memref<!tpu.dma_semaphore, #tpu.memory_space<semaphore_mem>>) src(%arg6 : memref<625x16xf32, #tpu.memory_space<vmem>>) dst(%dma_wait3A_258 : memref<625x16xf32, #tpu.memory_space<hbm>>)
          tpu.yield
        }) : () -> ()
        %scan3A_234 = arith.constant 0 : i32
        scf.yield %scan3A_234 : i32
      }
      %scan3A_226 = arith.constant 8 : i32
    } else {
    }
    %scan3A_108 = arith.constant 0 : i32
    %scan3A_109 = arith.constant 0 : i32
    %scan3A_110 = arith.constant 625 : i32
    %scan3A_111 = arith.addi %scan3A_109, %scan3A_110 : i32
    %scan3A_112 = arith.constant 1 : i32
    %scan3A_113 = scf.for %scan3A_220 = %scan3A_109 to %scan3A_111 step %scan3A_112 iter_args(%scan3A_221 = %scan3A_108) -> (i32)  : i32 {
      %broadcast_in_dim3A = arith.constant 0.000000e+00 : f32
      %broadcast_in_dim3A_222 = vector.broadcast %broadcast_in_dim3A : f32 to vector<16xf32>
      %swap3A = arith.index_cast %scan3A_220 : i32 to index
      %swap3A_223 = arith.constant 0 : index
      %swap3A_224 = tpu.vector_load %arg6[%swap3A, %swap3A_223] {strides = array<i32>} : memref<625x16xf32, #tpu.memory_space<vmem>>, vector<1x16xf32>,
      %swap3A_225 = vector.shape_cast %swap3A_224 : vector<1x16xf32> to vector<16xf32>
      %swap3A_226 = vector.shape_cast %broadcast_in_dim3A_222 : vector<16xf32> to vector<1x16xf32>
      tpu.vector_store %arg6[%swap3A, %swap3A_223], %swap3A_226 {strides = array<i32>} : memref<625x16xf32, #tpu.memory_space<vmem>>, vector<1x16xf32>,
      %scan3A_227 = arith.constant 0 : i32
      scf.yield %scan3A_227 : i32
    }
    %scan3A_114 = arith.constant 625 : i32
    %lt3A_115 = arith.constant 10 : i32
    %lt3A_116 = arith.cmpi slt, %arg1, %lt3A_115 : i32
    %convert_element_type3A_117 = arith.extui %lt3A_116 : i1 to i32
    %cond3A_118 = arith.constant 0 : i32
    %cond3A_119 = arith.cmpi ne, %convert_element_type3A_117, %cond3A_118 : i32
    scf.if %cond3A_119 {
      %scan3A_220 = arith.constant 0 : i32
      %scan3A_221 = arith.constant 0 : i32
      %scan3A_222 = arith.constant 8 : i32
      %scan3A_223 = arith.addi %scan3A_221, %scan3A_222 : i32
      %scan3A_224 = arith.constant 1 : i32
      %scan3A_225 = scf.for %scan3A_227 = %scan3A_221 to %scan3A_223 step %scan3A_224 iter_args(%scan3A_228 = %scan3A_220) -> (i32)  : i32 {
        %mul3A_229 = arith.constant 5000 : i32
        %mul3A_230 = arith.muli %arg1, %mul3A_229 : i32
        %mul3A_231 = arith.constant 625 : i32
        %mul3A_232 = arith.muli %scan3A_227, %mul3A_231 : i32
        %add3A_233 = arith.addi %mul3A_230, %mul3A_232 : i32
        "tpu.region"() ({
          %run_scoped3A = tpu.sem_alloc : memref<!tpu.dma_semaphore, #tpu.memory_space<semaphore_mem>>
          %dma_start3A_235 = arith.constant 0 : i32
          %dma_start3A_236 = tpu.memref_slice %arg13[%add3A_233, %dma_start3A_235] : memref<50000x16xf32, #tpu.memory_space<vmem_shared>> -> memref<625x16xf32, #tpu.memory_space<vmem_shared>>
          %dma_start3A_237 = arith.constant 0 : i32
          %dma_start3A_238 = tpu.memref_slice %arg13[%add3A_233, %dma_start3A_237] : memref<50000x16xf32, #tpu.memory_space<vmem_shared>> -> memref<625x16xf32, #tpu.memory_space<vmem_shared>>
          tpu.enqueue_dma source(%arg6 : memref<625x16xf32, #tpu.memory_space<vmem>>) target(%dma_start3A_238 : memref<625x16xf32, #tpu.memory_space<vmem_shared>>) target_semaphore(%run_scoped3A : memref<!tpu.dma_semaphore, #tpu.memory_space<semaphore_mem>>)
          %dma_wait3A_239 = arith.constant 0 : i32
          %dma_wait3A_240 = tpu.memref_slice %arg13[%add3A_233, %dma_wait3A_239] : memref<50000x16xf32, #tpu.memory_space<vmem_shared>> -> memref<625x16xf32, #tpu.memory_space<vmem_shared>>
          %dma_wait3A_241 = arith.constant 0 : i32
          %dma_wait3A_242 = tpu.memref_slice %arg13[%add3A_233, %dma_wait3A_241] : memref<50000x16xf32, #tpu.memory_space<vmem_shared>> -> memref<625x16xf32, #tpu.memory_space<vmem_shared>>
          tpu.wait_dma2 semaphore(%run_scoped3A : memref<!tpu.dma_semaphore, #tpu.memory_space<semaphore_mem>>) src(%arg6 : memref<625x16xf32, #tpu.memory_space<vmem>>) dst(%dma_wait3A_242 : memref<625x16xf32, #tpu.memory_space<vmem_shared>>)
          tpu.yield
        }) : () -> ()
        %scan3A_234 = arith.constant 0 : i32
        scf.yield %scan3A_234 : i32
      }
      %scan3A_226 = arith.constant 8 : i32
    } else {
    }
    %barrier3A_120 = arith.constant 0 : index
    tpu.barrier barrier_id(%barrier3A_120)
    %add3A_121 = arith.constant 0 : i32
    %add3A_122 = arith.addi %mul3A_2, %add3A_121 : i32
    %dma_start3A_123 = tpu.memref_slice %arg2[%add3A_122] : memref<800000xi32, #tpu.memory_space<hbm>> -> memref<1000xi32, #tpu.memory_space<hbm>>
    %dma_start3A_124 = tpu.memref_slice %arg2[%add3A_122] : memref<800000xi32, #tpu.memory_space<hbm>> -> memref<1000xi32, #tpu.memory_space<hbm>>
    tpu.enqueue_dma source(%dma_start3A_124 : memref<1000xi32, #tpu.memory_space<hbm>>) target(%arg9 : memref<1000xi32, #tpu.memory_space<vmem>>) target_semaphore(%arg16 : memref<!tpu.dma_semaphore, #tpu.memory_space<semaphore_mem>>)
    %dma_start3A_125 = tpu.memref_slice %arg3[%add3A_122] : memref<800000xi32, #tpu.memory_space<hbm>> -> memref<1000xi32, #tpu.memory_space<hbm>>
    %dma_start3A_126 = tpu.memref_slice %arg3[%add3A_122] : memref<800000xi32, #tpu.memory_space<hbm>> -> memref<1000xi32, #tpu.memory_space<hbm>>
    tpu.enqueue_dma source(%dma_start3A_126 : memref<1000xi32, #tpu.memory_space<hbm>>) target(%arg10 : memref<1000xi32, #tpu.memory_space<vmem>>) target_semaphore(%arg16 : memref<!tpu.dma_semaphore, #tpu.memory_space<semaphore_mem>>)
    %add3A_127 = arith.constant 0 : i32
    %add3A_128 = arith.addi %mul3A_2, %add3A_127 : i32
    %dma_wait3A_129 = tpu.memref_slice %arg2[%add3A_128] : memref<800000xi32, #tpu.memory_space<hbm>> -> memref<1000xi32, #tpu.memory_space<hbm>>
    %dma_wait3A_130 = tpu.memref_slice %arg2[%add3A_128] : memref<800000xi32, #tpu.memory_space<hbm>> -> memref<1000xi32, #tpu.memory_space<hbm>>
    tpu.wait_dma2 semaphore(%arg16 : memref<!tpu.dma_semaphore, #tpu.memory_space<semaphore_mem>>) src(%dma_wait3A_130 : memref<1000xi32, #tpu.memory_space<hbm>>) dst(%arg9 : memref<1000xi32, #tpu.memory_space<vmem>>)
    %dma_wait3A_131 = tpu.memref_slice %arg3[%add3A_128] : memref<800000xi32, #tpu.memory_space<hbm>> -> memref<1000xi32, #tpu.memory_space<hbm>>
    %dma_wait3A_132 = tpu.memref_slice %arg3[%add3A_128] : memref<800000xi32, #tpu.memory_space<hbm>> -> memref<1000xi32, #tpu.memory_space<hbm>>
    tpu.wait_dma2 semaphore(%arg16 : memref<!tpu.dma_semaphore, #tpu.memory_space<semaphore_mem>>) src(%dma_wait3A_132 : memref<1000xi32, #tpu.memory_space<hbm>>) dst(%arg10 : memref<1000xi32, #tpu.memory_space<vmem>>)
    %dma_start3A_133 = arith.constant 1 : i32
    %dma_start3A_134 = arith.constant 0 : i32
    %dma_start3A_135 = arith.constant 0 : i32
    %dma_start3A_136 = tpu.memref_slice %arg4[%dma_start3A_133, %dma_start3A_134, %dma_start3A_135] : memref<2x50000x16xf32, #tpu.memory_space<hbm>> -> memref<1x50000x16xf32, #tpu.memory_space<hbm>>
    %dma_start3A_137 = tpu.memref_squeeze %dma_start3A_136 : memref<1x50000x16xf32, #tpu.memory_space<hbm>> -> memref<50000x16xf32, #tpu.memory_space<hbm>>
    %dma_start3A_138 = arith.constant 0 : i32
    %dma_start3A_139 = arith.constant 0 : i32
    %dma_start3A_140 = tpu.memref_slice %dma_start3A_137[%dma_start3A_138, %dma_start3A_139] : memref<50000x16xf32, #tpu.memory_space<hbm>> -> memref<50000x16xf32, #tpu.memory_space<hbm>>
    tpu.enqueue_indirect_dma source(%dma_start3A_140 : memref<50000x16xf32, #tpu.memory_space<hbm>>) target(%arg7 : memref<1000x16xf32, #tpu.memory_space<vmem>>) offsets(%arg9 : memref<1000xi32, #tpu.memory_space<vmem>>) semaphore(%arg14 : memref<!tpu.dma_semaphore, #tpu.memory_space<semaphore_mem>>)
    %add3A_141 = arith.constant 1000 : i32
    %add3A_142 = arith.addi %mul3A_2, %add3A_141 : i32
    %dma_start3A_143 = tpu.memref_slice %arg2[%add3A_142] : memref<800000xi32, #tpu.memory_space<hbm>> -> memref<1000xi32, #tpu.memory_space<hbm>>
    %dma_start3A_144 = tpu.memref_slice %arg2[%add3A_142] : memref<800000xi32, #tpu.memory_space<hbm>> -> memref<1000xi32, #tpu.memory_space<hbm>>
    tpu.enqueue_dma source(%dma_start3A_144 : memref<1000xi32, #tpu.memory_space<hbm>>) target(%arg11 : memref<1000xi32, #tpu.memory_space<vmem>>) target_semaphore(%arg17 : memref<!tpu.dma_semaphore, #tpu.memory_space<semaphore_mem>>)
    %dma_start3A_145 = tpu.memref_slice %arg3[%add3A_142] : memref<800000xi32, #tpu.memory_space<hbm>> -> memref<1000xi32, #tpu.memory_space<hbm>>
    %dma_start3A_146 = tpu.memref_slice %arg3[%add3A_142] : memref<800000xi32, #tpu.memory_space<hbm>> -> memref<1000xi32, #tpu.memory_space<hbm>>
    tpu.enqueue_dma source(%dma_start3A_146 : memref<1000xi32, #tpu.memory_space<hbm>>) target(%arg12 : memref<1000xi32, #tpu.memory_space<vmem>>) target_semaphore(%arg17 : memref<!tpu.dma_semaphore, #tpu.memory_space<semaphore_mem>>)
    %scan3A_147 = arith.constant 1 : i32
    %scan3A_148 = arith.constant 0 : i32
    %scan3A_149 = arith.constant 0 : i32
    %scan3A_150 = arith.constant 11 : i32
    %scan3A_151 = arith.addi %scan3A_149, %scan3A_150 : i32
    %scan3A_152 = arith.constant 1 : i32
    %scan3A_153 = scf.for %scan3A_220 = %scan3A_149 to %scan3A_151 step %scan3A_152 iter_args(%scan3A_221 = %scan3A_148) -> (i32)  : i32 {
      %mul3A_222 = arith.constant 2 : i32
      %mul3A_223 = arith.muli %mul3A_222, %scan3A_220 : i32
      %add3A_224 = arith.constant 1 : i32
      %add3A_225 = arith.addi %add3A_224, %mul3A_223 : i32
      %add3A_226 = arith.constant 1 : i32
      %add3A_227 = arith.addi %add3A_225, %add3A_226 : i32
      %mul3A_228 = arith.constant 1000 : i32
      %mul3A_229 = arith.muli %add3A_225, %mul3A_228 : i32
      %add3A_230 = arith.addi %mul3A_2, %mul3A_229 : i32
      %dma_wait3A_231 = tpu.memref_slice %arg2[%add3A_230] : memref<800000xi32, #tpu.memory_space<hbm>> -> memref<1000xi32, #tpu.memory_space<hbm>>
      %dma_wait3A_232 = tpu.memref_slice %arg2[%add3A_230] : memref<800000xi32, #tpu.memory_space<hbm>> -> memref<1000xi32, #tpu.memory_space<hbm>>
      tpu.wait_dma2 semaphore(%arg17 : memref<!tpu.dma_semaphore, #tpu.memory_space<semaphore_mem>>) src(%dma_wait3A_232 : memref<1000xi32, #tpu.memory_space<hbm>>) dst(%arg11 : memref<1000xi32, #tpu.memory_space<vmem>>)
      %dma_wait3A_233 = tpu.memref_slice %arg3[%add3A_230] : memref<800000xi32, #tpu.memory_space<hbm>> -> memref<1000xi32, #tpu.memory_space<hbm>>
      %dma_wait3A_234 = tpu.memref_slice %arg3[%add3A_230] : memref<800000xi32, #tpu.memory_space<hbm>> -> memref<1000xi32, #tpu.memory_space<hbm>>
      tpu.wait_dma2 semaphore(%arg17 : memref<!tpu.dma_semaphore, #tpu.memory_space<semaphore_mem>>) src(%dma_wait3A_234 : memref<1000xi32, #tpu.memory_space<hbm>>) dst(%arg12 : memref<1000xi32, #tpu.memory_space<vmem>>)
      %dma_start3A_235 = arith.constant 0 : i32
      %dma_start3A_236 = arith.constant 0 : i32
      %dma_start3A_237 = tpu.memref_slice %arg4[%scan3A_147, %dma_start3A_235, %dma_start3A_236] : memref<2x50000x16xf32, #tpu.memory_space<hbm>> -> memref<1x50000x16xf32, #tpu.memory_space<hbm>>
      %dma_start3A_238 = tpu.memref_squeeze %dma_start3A_237 : memref<1x50000x16xf32, #tpu.memory_space<hbm>> -> memref<50000x16xf32, #tpu.memory_space<hbm>>
      %dma_start3A_239 = arith.constant 0 : i32
      %dma_start3A_240 = arith.constant 0 : i32
      %dma_start3A_241 = tpu.memref_slice %dma_start3A_238[%dma_start3A_239, %dma_start3A_240] : memref<50000x16xf32, #tpu.memory_space<hbm>> -> memref<50000x16xf32, #tpu.memory_space<hbm>>
      tpu.enqueue_indirect_dma source(%dma_start3A_241 : memref<50000x16xf32, #tpu.memory_space<hbm>>) target(%arg8 : memref<1000x16xf32, #tpu.memory_space<vmem>>) offsets(%arg11 : memref<1000xi32, #tpu.memory_space<vmem>>) semaphore(%arg15 : memref<!tpu.dma_semaphore, #tpu.memory_space<semaphore_mem>>)
      %dma_wait3A_242 = arith.constant 0 : i32
      %dma_wait3A_243 = arith.constant 0 : i32
      %dma_wait3A_244 = tpu.memref_slice %arg4[%scan3A_147, %dma_wait3A_242, %dma_wait3A_243] : memref<2x50000x16xf32, #tpu.memory_space<hbm>> -> memref<1x50000x16xf32, #tpu.memory_space<hbm>>
      %dma_wait3A_245 = tpu.memref_squeeze %dma_wait3A_244 : memref<1x50000x16xf32, #tpu.memory_space<hbm>> -> memref<50000x16xf32, #tpu.memory_space<hbm>>
      %dma_wait3A_246 = arith.constant 0 : i32
      %dma_wait3A_247 = arith.constant 0 : i32
      %dma_wait3A_248 = tpu.memref_slice %dma_wait3A_245[%dma_wait3A_246, %dma_wait3A_247] : memref<50000x16xf32, #tpu.memory_space<hbm>> -> memref<50000x16xf32, #tpu.memory_space<hbm>>
      tpu.wait_indirect_dma semaphore(%arg14 : memref<!tpu.dma_semaphore, #tpu.memory_space<semaphore_mem>>) src(%dma_wait3A_248 : memref<50000x16xf32, #tpu.memory_space<hbm>>) dst(%arg7 : memref<1000x16xf32, #tpu.memory_space<vmem>>)
      "tpu.region"() ({
        %run_scoped3A = tpu.sem_alloc : memref<!tpu.dma_semaphore, #tpu.memory_space<semaphore_mem>>
        %dma_start3A_289 = arith.constant 0 : i32
        %dma_start3A_290 = arith.constant 0 : i32
        %dma_start3A_291 = tpu.memref_slice %arg13[%dma_start3A_289, %dma_start3A_290] : memref<50000x16xf32, #tpu.memory_space<vmem_shared>> -> memref<50000x16xf32, #tpu.memory_space<vmem_shared>>
        tpu.enqueue_indirect_dma source(%arg7 : memref<1000x16xf32, #tpu.memory_space<vmem>>) target(%dma_start3A_291 : memref<50000x16xf32, #tpu.memory_space<vmem_shared>>) offsets(%arg10 : memref<1000xi32, #tpu.memory_space<vmem>>) semaphore(%run_scoped3A : memref<!tpu.dma_semaphore, #tpu.memory_space<semaphore_mem>>) {add = true}
        %dma_wait3A_292 = arith.constant 0 : i32
        %dma_wait3A_293 = arith.constant 0 : i32
        %dma_wait3A_294 = tpu.memref_slice %arg13[%dma_wait3A_292, %dma_wait3A_293] : memref<50000x16xf32, #tpu.memory_space<vmem_shared>> -> memref<50000x16xf32, #tpu.memory_space<vmem_shared>>
        tpu.wait_indirect_dma semaphore(%run_scoped3A : memref<!tpu.dma_semaphore, #tpu.memory_space<semaphore_mem>>) src(%arg7 : memref<1000x16xf32, #tpu.memory_space<vmem>>) dst(%dma_wait3A_294 : memref<50000x16xf32, #tpu.memory_space<vmem_shared>>)
        tpu.yield
      }) : () -> ()
      %mul3A_249 = arith.constant 1000 : i32
      %mul3A_250 = arith.muli %add3A_227, %mul3A_249 : i32
      %add3A_251 = arith.addi %mul3A_2, %mul3A_250 : i32
      %dma_start3A_252 = tpu.memref_slice %arg2[%add3A_251] : memref<800000xi32, #tpu.memory_space<hbm>> -> memref<1000xi32, #tpu.memory_space<hbm>>
      %dma_start3A_253 = tpu.memref_slice %arg2[%add3A_251] : memref<800000xi32, #tpu.memory_space<hbm>> -> memref<1000xi32, #tpu.memory_space<hbm>>
      tpu.enqueue_dma source(%dma_start3A_253 : memref<1000xi32, #tpu.memory_space<hbm>>) target(%arg9 : memref<1000xi32, #tpu.memory_space<vmem>>) target_semaphore(%arg16 : memref<!tpu.dma_semaphore, #tpu.memory_space<semaphore_mem>>)
      %dma_start3A_254 = tpu.memref_slice %arg3[%add3A_251] : memref<800000xi32, #tpu.memory_space<hbm>> -> memref<1000xi32, #tpu.memory_space<hbm>>
      %dma_start3A_255 = tpu.memref_slice %arg3[%add3A_251] : memref<800000xi32, #tpu.memory_space<hbm>> -> memref<1000xi32, #tpu.memory_space<hbm>>
      tpu.enqueue_dma source(%dma_start3A_255 : memref<1000xi32, #tpu.memory_space<hbm>>) target(%arg10 : memref<1000xi32, #tpu.memory_space<vmem>>) target_semaphore(%arg16 : memref<!tpu.dma_semaphore, #tpu.memory_space<semaphore_mem>>)
      %add3A_256 = arith.constant 1 : i32
      %add3A_257 = arith.addi %add3A_225, %add3A_256 : i32
      %add3A_258 = arith.constant 2 : i32
      %add3A_259 = arith.addi %add3A_225, %add3A_258 : i32
      %mul3A_260 = arith.constant 1000 : i32
      %mul3A_261 = arith.muli %add3A_257, %mul3A_260 : i32
      %add3A_262 = arith.addi %mul3A_2, %mul3A_261 : i32
      %dma_wait3A_263 = tpu.memref_slice %arg2[%add3A_262] : memref<800000xi32, #tpu.memory_space<hbm>> -> memref<1000xi32, #tpu.memory_space<hbm>>
      %dma_wait3A_264 = tpu.memref_slice %arg2[%add3A_262] : memref<800000xi32, #tpu.memory_space<hbm>> -> memref<1000xi32, #tpu.memory_space<hbm>>
      tpu.wait_dma2 semaphore(%arg16 : memref<!tpu.dma_semaphore, #tpu.memory_space<semaphore_mem>>) src(%dma_wait3A_264 : memref<1000xi32, #tpu.memory_space<hbm>>) dst(%arg9 : memref<1000xi32, #tpu.memory_space<vmem>>)
      %dma_wait3A_265 = tpu.memref_slice %arg3[%add3A_262] : memref<800000xi32, #tpu.memory_space<hbm>> -> memref<1000xi32, #tpu.memory_space<hbm>>
      %dma_wait3A_266 = tpu.memref_slice %arg3[%add3A_262] : memref<800000xi32, #tpu.memory_space<hbm>> -> memref<1000xi32, #tpu.memory_space<hbm>>
      tpu.wait_dma2 semaphore(%arg16 : memref<!tpu.dma_semaphore, #tpu.memory_space<semaphore_mem>>) src(%dma_wait3A_266 : memref<1000xi32, #tpu.memory_space<hbm>>) dst(%arg10 : memref<1000xi32, #tpu.memory_space<vmem>>)
      %dma_start3A_267 = arith.constant 0 : i32
      %dma_start3A_268 = arith.constant 0 : i32
      %dma_start3A_269 = tpu.memref_slice %arg4[%scan3A_147, %dma_start3A_267, %dma_start3A_268] : memref<2x50000x16xf32, #tpu.memory_space<hbm>> -> memref<1x50000x16xf32, #tpu.memory_space<hbm>>
      %dma_start3A_270 = tpu.memref_squeeze %dma_start3A_269 : memref<1x50000x16xf32, #tpu.memory_space<hbm>> -> memref<50000x16xf32, #tpu.memory_space<hbm>>
      %dma_start3A_271 = arith.constant 0 : i32
      %dma_start3A_272 = arith.constant 0 : i32
      %dma_start3A_273 = tpu.memref_slice %dma_start3A_270[%dma_start3A_271, %dma_start3A_272] : memref<50000x16xf32, #tpu.memory_space<hbm>> -> memref<50000x16xf32, #tpu.memory_space<hbm>>
      tpu.enqueue_indirect_dma source(%dma_start3A_273 : memref<50000x16xf32, #tpu.memory_space<hbm>>) target(%arg7 : memref<1000x16xf32, #tpu.memory_space<vmem>>) offsets(%arg9 : memref<1000xi32, #tpu.memory_space<vmem>>) semaphore(%arg14 : memref<!tpu.dma_semaphore, #tpu.memory_space<semaphore_mem>>)
      %dma_wait3A_274 = arith.constant 0 : i32
      %dma_wait3A_275 = arith.constant 0 : i32
      %dma_wait3A_276 = tpu.memref_slice %arg4[%scan3A_147, %dma_wait3A_274, %dma_wait3A_275] : memref<2x50000x16xf32, #tpu.memory_space<hbm>> -> memref<1x50000x16xf32, #tpu.memory_space<hbm>>
      %dma_wait3A_277 = tpu.memref_squeeze %dma_wait3A_276 : memref<1x50000x16xf32, #tpu.memory_space<hbm>> -> memref<50000x16xf32, #tpu.memory_space<hbm>>
      %dma_wait3A_278 = arith.constant 0 : i32
      %dma_wait3A_279 = arith.constant 0 : i32
      %dma_wait3A_280 = tpu.memref_slice %dma_wait3A_277[%dma_wait3A_278, %dma_wait3A_279] : memref<50000x16xf32, #tpu.memory_space<hbm>> -> memref<50000x16xf32, #tpu.memory_space<hbm>>
      tpu.wait_indirect_dma semaphore(%arg15 : memref<!tpu.dma_semaphore, #tpu.memory_space<semaphore_mem>>) src(%dma_wait3A_280 : memref<50000x16xf32, #tpu.memory_space<hbm>>) dst(%arg8 : memref<1000x16xf32, #tpu.memory_space<vmem>>)
      "tpu.region"() ({
        %run_scoped3A = tpu.sem_alloc : memref<!tpu.dma_semaphore, #tpu.memory_space<semaphore_mem>>
        %dma_start3A_289 = arith.constant 0 : i32
        %dma_start3A_290 = arith.constant 0 : i32
        %dma_start3A_291 = tpu.memref_slice %arg13[%dma_start3A_289, %dma_start3A_290] : memref<50000x16xf32, #tpu.memory_space<vmem_shared>> -> memref<50000x16xf32, #tpu.memory_space<vmem_shared>>
        tpu.enqueue_indirect_dma source(%arg8 : memref<1000x16xf32, #tpu.memory_space<vmem>>) target(%dma_start3A_291 : memref<50000x16xf32, #tpu.memory_space<vmem_shared>>) offsets(%arg12 : memref<1000xi32, #tpu.memory_space<vmem>>) semaphore(%run_scoped3A : memref<!tpu.dma_semaphore, #tpu.memory_space<semaphore_mem>>) {add = true}
        %dma_wait3A_292 = arith.constant 0 : i32
        %dma_wait3A_293 = arith.constant 0 : i32
        %dma_wait3A_294 = tpu.memref_slice %arg13[%dma_wait3A_292, %dma_wait3A_293] : memref<50000x16xf32, #tpu.memory_space<vmem_shared>> -> memref<50000x16xf32, #tpu.memory_space<vmem_shared>>
        tpu.wait_indirect_dma semaphore(%run_scoped3A : memref<!tpu.dma_semaphore, #tpu.memory_space<semaphore_mem>>) src(%arg8 : memref<1000x16xf32, #tpu.memory_space<vmem>>) dst(%dma_wait3A_294 : memref<50000x16xf32, #tpu.memory_space<vmem_shared>>)
        tpu.yield
      }) : () -> ()
      %mul3A_281 = arith.constant 1000 : i32
      %mul3A_282 = arith.muli %add3A_259, %mul3A_281 : i32
      %add3A_283 = arith.addi %mul3A_2, %mul3A_282 : i32
      %dma_start3A_284 = tpu.memref_slice %arg2[%add3A_283] : memref<800000xi32, #tpu.memory_space<hbm>> -> memref<1000xi32, #tpu.memory_space<hbm>>
      %dma_start3A_285 = tpu.memref_slice %arg2[%add3A_283] : memref<800000xi32, #tpu.memory_space<hbm>> -> memref<1000xi32, #tpu.memory_space<hbm>>
      tpu.enqueue_dma source(%dma_start3A_285 : memref<1000xi32, #tpu.memory_space<hbm>>) target(%arg11 : memref<1000xi32, #tpu.memory_space<vmem>>) target_semaphore(%arg17 : memref<!tpu.dma_semaphore, #tpu.memory_space<semaphore_mem>>)
      %dma_start3A_286 = tpu.memref_slice %arg3[%add3A_283] : memref<800000xi32, #tpu.memory_space<hbm>> -> memref<1000xi32, #tpu.memory_space<hbm>>
      %dma_start3A_287 = tpu.memref_slice %arg3[%add3A_283] : memref<800000xi32, #tpu.memory_space<hbm>> -> memref<1000xi32, #tpu.memory_space<hbm>>
      tpu.enqueue_dma source(%dma_start3A_287 : memref<1000xi32, #tpu.memory_space<hbm>>) target(%arg12 : memref<1000xi32, #tpu.memory_space<vmem>>) target_semaphore(%arg17 : memref<!tpu.dma_semaphore, #tpu.memory_space<semaphore_mem>>)
      %scan3A_288 = arith.constant 0 : i32
      scf.yield %scan3A_288 : i32
    }
    %scan3A_154 = arith.constant 11 : i32
    %add3A_155 = arith.constant 23000 : i32
    %add3A_156 = arith.addi %mul3A_2, %add3A_155 : i32
    %dma_wait3A_157 = tpu.memref_slice %arg2[%add3A_156] : memref<800000xi32, #tpu.memory_space<hbm>> -> memref<1000xi32, #tpu.memory_space<hbm>>
    %dma_wait3A_158 = tpu.memref_slice %arg2[%add3A_156] : memref<800000xi32, #tpu.memory_space<hbm>> -> memref<1000xi32, #tpu.memory_space<hbm>>
    tpu.wait_dma2 semaphore(%arg17 : memref<!tpu.dma_semaphore, #tpu.memory_space<semaphore_mem>>) src(%dma_wait3A_158 : memref<1000xi32, #tpu.memory_space<hbm>>) dst(%arg11 : memref<1000xi32, #tpu.memory_space<vmem>>)
    %dma_wait3A_159 = tpu.memref_slice %arg3[%add3A_156] : memref<800000xi32, #tpu.memory_space<hbm>> -> memref<1000xi32, #tpu.memory_space<hbm>>
    %dma_wait3A_160 = tpu.memref_slice %arg3[%add3A_156] : memref<800000xi32, #tpu.memory_space<hbm>> -> memref<1000xi32, #tpu.memory_space<hbm>>
    tpu.wait_dma2 semaphore(%arg17 : memref<!tpu.dma_semaphore, #tpu.memory_space<semaphore_mem>>) src(%dma_wait3A_160 : memref<1000xi32, #tpu.memory_space<hbm>>) dst(%arg12 : memref<1000xi32, #tpu.memory_space<vmem>>)
    %dma_start3A_161 = arith.constant 1 : i32
    %dma_start3A_162 = arith.constant 0 : i32
    %dma_start3A_163 = arith.constant 0 : i32
    %dma_start3A_164 = tpu.memref_slice %arg4[%dma_start3A_161, %dma_start3A_162, %dma_start3A_163] : memref<2x50000x16xf32, #tpu.memory_space<hbm>> -> memref<1x50000x16xf32, #tpu.memory_space<hbm>>
    %dma_start3A_165 = tpu.memref_squeeze %dma_start3A_164 : memref<1x50000x16xf32, #tpu.memory_space<hbm>> -> memref<50000x16xf32, #tpu.memory_space<hbm>>
    %dma_start3A_166 = arith.constant 0 : i32
    %dma_start3A_167 = arith.constant 0 : i32
    %dma_start3A_168 = tpu.memref_slice %dma_start3A_165[%dma_start3A_166, %dma_start3A_167] : memref<50000x16xf32, #tpu.memory_space<hbm>> -> memref<50000x16xf32, #tpu.memory_space<hbm>>
    tpu.enqueue_indirect_dma source(%dma_start3A_168 : memref<50000x16xf32, #tpu.memory_space<hbm>>) target(%arg8 : memref<1000x16xf32, #tpu.memory_space<vmem>>) offsets(%arg11 : memref<1000xi32, #tpu.memory_space<vmem>>) semaphore(%arg15 : memref<!tpu.dma_semaphore, #tpu.memory_space<semaphore_mem>>)
    %dma_wait3A_169 = arith.constant 1 : i32
    %dma_wait3A_170 = arith.constant 0 : i32
    %dma_wait3A_171 = arith.constant 0 : i32
    %dma_wait3A_172 = tpu.memref_slice %arg4[%dma_wait3A_169, %dma_wait3A_170, %dma_wait3A_171] : memref<2x50000x16xf32, #tpu.memory_space<hbm>> -> memref<1x50000x16xf32, #tpu.memory_space<hbm>>
    %dma_wait3A_173 = tpu.memref_squeeze %dma_wait3A_172 : memref<1x50000x16xf32, #tpu.memory_space<hbm>> -> memref<50000x16xf32, #tpu.memory_space<hbm>>
    %dma_wait3A_174 = arith.constant 0 : i32
    %dma_wait3A_175 = arith.constant 0 : i32
    %dma_wait3A_176 = tpu.memref_slice %dma_wait3A_173[%dma_wait3A_174, %dma_wait3A_175] : memref<50000x16xf32, #tpu.memory_space<hbm>> -> memref<50000x16xf32, #tpu.memory_space<hbm>>
    tpu.wait_indirect_dma semaphore(%arg14 : memref<!tpu.dma_semaphore, #tpu.memory_space<semaphore_mem>>) src(%dma_wait3A_176 : memref<50000x16xf32, #tpu.memory_space<hbm>>) dst(%arg7 : memref<1000x16xf32, #tpu.memory_space<vmem>>)
    "tpu.region"() ({
      %run_scoped3A = tpu.sem_alloc : memref<!tpu.dma_semaphore, #tpu.memory_space<semaphore_mem>>
      %dma_start3A_220 = arith.constant 0 : i32
      %dma_start3A_221 = arith.constant 0 : i32
      %dma_start3A_222 = tpu.memref_slice %arg13[%dma_start3A_220, %dma_start3A_221] : memref<50000x16xf32, #tpu.memory_space<vmem_shared>> -> memref<50000x16xf32, #tpu.memory_space<vmem_shared>>
      tpu.enqueue_indirect_dma source(%arg7 : memref<1000x16xf32, #tpu.memory_space<vmem>>) target(%dma_start3A_222 : memref<50000x16xf32, #tpu.memory_space<vmem_shared>>) offsets(%arg10 : memref<1000xi32, #tpu.memory_space<vmem>>) semaphore(%run_scoped3A : memref<!tpu.dma_semaphore, #tpu.memory_space<semaphore_mem>>) {add = true}
      %dma_wait3A_223 = arith.constant 0 : i32
      %dma_wait3A_224 = arith.constant 0 : i32
      %dma_wait3A_225 = tpu.memref_slice %arg13[%dma_wait3A_223, %dma_wait3A_224] : memref<50000x16xf32, #tpu.memory_space<vmem_shared>> -> memref<50000x16xf32, #tpu.memory_space<vmem_shared>>
      tpu.wait_indirect_dma semaphore(%run_scoped3A : memref<!tpu.dma_semaphore, #tpu.memory_space<semaphore_mem>>) src(%arg7 : memref<1000x16xf32, #tpu.memory_space<vmem>>) dst(%dma_wait3A_225 : memref<50000x16xf32, #tpu.memory_space<vmem_shared>>)
      tpu.yield
    }) : () -> ()
    %add3A_177 = arith.constant 24000 : i32
    %add3A_178 = arith.addi %mul3A_2, %add3A_177 : i32
    %dma_start3A_179 = tpu.memref_slice %arg2[%add3A_178] : memref<800000xi32, #tpu.memory_space<hbm>> -> memref<1000xi32, #tpu.memory_space<hbm>>
    %dma_start3A_180 = tpu.memref_slice %arg2[%add3A_178] : memref<800000xi32, #tpu.memory_space<hbm>> -> memref<1000xi32, #tpu.memory_space<hbm>>
    tpu.enqueue_dma source(%dma_start3A_180 : memref<1000xi32, #tpu.memory_space<hbm>>) target(%arg9 : memref<1000xi32, #tpu.memory_space<vmem>>) target_semaphore(%arg16 : memref<!tpu.dma_semaphore, #tpu.memory_space<semaphore_mem>>)
    %dma_start3A_181 = tpu.memref_slice %arg3[%add3A_178] : memref<800000xi32, #tpu.memory_space<hbm>> -> memref<1000xi32, #tpu.memory_space<hbm>>
    %dma_start3A_182 = tpu.memref_slice %arg3[%add3A_178] : memref<800000xi32, #tpu.memory_space<hbm>> -> memref<1000xi32, #tpu.memory_space<hbm>>
    tpu.enqueue_dma source(%dma_start3A_182 : memref<1000xi32, #tpu.memory_space<hbm>>) target(%arg10 : memref<1000xi32, #tpu.memory_space<vmem>>) target_semaphore(%arg16 : memref<!tpu.dma_semaphore, #tpu.memory_space<semaphore_mem>>)
    %add3A_183 = arith.constant 24000 : i32
    %add3A_184 = arith.addi %mul3A_2, %add3A_183 : i32
    %dma_wait3A_185 = tpu.memref_slice %arg2[%add3A_184] : memref<800000xi32, #tpu.memory_space<hbm>> -> memref<1000xi32, #tpu.memory_space<hbm>>
    %dma_wait3A_186 = tpu.memref_slice %arg2[%add3A_184] : memref<800000xi32, #tpu.memory_space<hbm>> -> memref<1000xi32, #tpu.memory_space<hbm>>
    tpu.wait_dma2 semaphore(%arg16 : memref<!tpu.dma_semaphore, #tpu.memory_space<semaphore_mem>>) src(%dma_wait3A_186 : memref<1000xi32, #tpu.memory_space<hbm>>) dst(%arg9 : memref<1000xi32, #tpu.memory_space<vmem>>)
    %dma_wait3A_187 = tpu.memref_slice %arg3[%add3A_184] : memref<800000xi32, #tpu.memory_space<hbm>> -> memref<1000xi32, #tpu.memory_space<hbm>>
    %dma_wait3A_188 = tpu.memref_slice %arg3[%add3A_184] : memref<800000xi32, #tpu.memory_space<hbm>> -> memref<1000xi32, #tpu.memory_space<hbm>>
    tpu.wait_dma2 semaphore(%arg16 : memref<!tpu.dma_semaphore, #tpu.memory_space<semaphore_mem>>) src(%dma_wait3A_188 : memref<1000xi32, #tpu.memory_space<hbm>>) dst(%arg10 : memref<1000xi32, #tpu.memory_space<vmem>>)
    %dma_start3A_189 = arith.constant 1 : i32
    %dma_start3A_190 = arith.constant 0 : i32
    %dma_start3A_191 = arith.constant 0 : i32
    %dma_start3A_192 = tpu.memref_slice %arg4[%dma_start3A_189, %dma_start3A_190, %dma_start3A_191] : memref<2x50000x16xf32, #tpu.memory_space<hbm>> -> memref<1x50000x16xf32, #tpu.memory_space<hbm>>
    %dma_start3A_193 = tpu.memref_squeeze %dma_start3A_192 : memref<1x50000x16xf32, #tpu.memory_space<hbm>> -> memref<50000x16xf32, #tpu.memory_space<hbm>>
    %dma_start3A_194 = arith.constant 0 : i32
    %dma_start3A_195 = arith.constant 0 : i32
    %dma_start3A_196 = tpu.memref_slice %dma_start3A_193[%dma_start3A_194, %dma_start3A_195] : memref<50000x16xf32, #tpu.memory_space<hbm>> -> memref<50000x16xf32, #tpu.memory_space<hbm>>
    tpu.enqueue_indirect_dma source(%dma_start3A_196 : memref<50000x16xf32, #tpu.memory_space<hbm>>) target(%arg7 : memref<1000x16xf32, #tpu.memory_space<vmem>>) offsets(%arg9 : memref<1000xi32, #tpu.memory_space<vmem>>) semaphore(%arg14 : memref<!tpu.dma_semaphore, #tpu.memory_space<semaphore_mem>>)
    %dma_wait3A_197 = arith.constant 1 : i32
    %dma_wait3A_198 = arith.constant 0 : i32
    %dma_wait3A_199 = arith.constant 0 : i32
    %dma_wait3A_200 = tpu.memref_slice %arg4[%dma_wait3A_197, %dma_wait3A_198, %dma_wait3A_199] : memref<2x50000x16xf32, #tpu.memory_space<hbm>> -> memref<1x50000x16xf32, #tpu.memory_space<hbm>>
    %dma_wait3A_201 = tpu.memref_squeeze %dma_wait3A_200 : memref<1x50000x16xf32, #tpu.memory_space<hbm>> -> memref<50000x16xf32, #tpu.memory_space<hbm>>
    %dma_wait3A_202 = arith.constant 0 : i32
    %dma_wait3A_203 = arith.constant 0 : i32
    %dma_wait3A_204 = tpu.memref_slice %dma_wait3A_201[%dma_wait3A_202, %dma_wait3A_203] : memref<50000x16xf32, #tpu.memory_space<hbm>> -> memref<50000x16xf32, #tpu.memory_space<hbm>>
    tpu.wait_indirect_dma semaphore(%arg15 : memref<!tpu.dma_semaphore, #tpu.memory_space<semaphore_mem>>) src(%dma_wait3A_204 : memref<50000x16xf32, #tpu.memory_space<hbm>>) dst(%arg8 : memref<1000x16xf32, #tpu.memory_space<vmem>>)
    "tpu.region"() ({
      %run_scoped3A = tpu.sem_alloc : memref<!tpu.dma_semaphore, #tpu.memory_space<semaphore_mem>>
      %dma_start3A_220 = arith.constant 0 : i32
      %dma_start3A_221 = arith.constant 0 : i32
      %dma_start3A_222 = tpu.memref_slice %arg13[%dma_start3A_220, %dma_start3A_221] : memref<50000x16xf32, #tpu.memory_space<vmem_shared>> -> memref<50000x16xf32, #tpu.memory_space<vmem_shared>>
      tpu.enqueue_indirect_dma source(%arg8 : memref<1000x16xf32, #tpu.memory_space<vmem>>) target(%dma_start3A_222 : memref<50000x16xf32, #tpu.memory_space<vmem_shared>>) offsets(%arg12 : memref<1000xi32, #tpu.memory_space<vmem>>) semaphore(%run_scoped3A : memref<!tpu.dma_semaphore, #tpu.memory_space<semaphore_mem>>) {add = true}
      %dma_wait3A_223 = arith.constant 0 : i32
      %dma_wait3A_224 = arith.constant 0 : i32
      %dma_wait3A_225 = tpu.memref_slice %arg13[%dma_wait3A_223, %dma_wait3A_224] : memref<50000x16xf32, #tpu.memory_space<vmem_shared>> -> memref<50000x16xf32, #tpu.memory_space<vmem_shared>>
      tpu.wait_indirect_dma semaphore(%run_scoped3A : memref<!tpu.dma_semaphore, #tpu.memory_space<semaphore_mem>>) src(%arg8 : memref<1000x16xf32, #tpu.memory_space<vmem>>) dst(%dma_wait3A_225 : memref<50000x16xf32, #tpu.memory_space<vmem_shared>>)
      tpu.yield
    }) : () -> ()
    %dma_wait3A_205 = arith.constant 1 : i32
    %dma_wait3A_206 = arith.constant 0 : i32
    %dma_wait3A_207 = arith.constant 0 : i32
    %dma_wait3A_208 = tpu.memref_slice %arg4[%dma_wait3A_205, %dma_wait3A_206, %dma_wait3A_207] : memref<2x50000x16xf32, #tpu.memory_space<hbm>> -> memref<1x50000x16xf32, #tpu.memory_space<hbm>>
    %dma_wait3A_209 = tpu.memref_squeeze %dma_wait3A_208 : memref<1x50000x16xf32, #tpu.memory_space<hbm>> -> memref<50000x16xf32, #tpu.memory_space<hbm>>
    %dma_wait3A_210 = arith.constant 0 : i32
    %dma_wait3A_211 = arith.constant 0 : i32
    %dma_wait3A_212 = tpu.memref_slice %dma_wait3A_209[%dma_wait3A_210, %dma_wait3A_211] : memref<50000x16xf32, #tpu.memory_space<hbm>> -> memref<50000x16xf32, #tpu.memory_space<hbm>>
    tpu.wait_indirect_dma semaphore(%arg14 : memref<!tpu.dma_semaphore, #tpu.memory_space<semaphore_mem>>) src(%dma_wait3A_212 : memref<50000x16xf32, #tpu.memory_space<hbm>>) dst(%arg7 : memref<1000x16xf32, #tpu.memory_space<vmem>>)
    "tpu.region"() ({
      %run_scoped3A = tpu.sem_alloc : memref<!tpu.dma_semaphore, #tpu.memory_space<semaphore_mem>>
      %dma_start3A_220 = arith.constant 0 : i32
      %dma_start3A_221 = arith.constant 0 : i32
      %dma_start3A_222 = tpu.memref_slice %arg13[%dma_start3A_220, %dma_start3A_221] : memref<50000x16xf32, #tpu.memory_space<vmem_shared>> -> memref<50000x16xf32, #tpu.memory_space<vmem_shared>>
      tpu.enqueue_indirect_dma source(%arg7 : memref<1000x16xf32, #tpu.memory_space<vmem>>) target(%dma_start3A_222 : memref<50000x16xf32, #tpu.memory_space<vmem_shared>>) offsets(%arg10 : memref<1000xi32, #tpu.memory_space<vmem>>) semaphore(%run_scoped3A : memref<!tpu.dma_semaphore, #tpu.memory_space<semaphore_mem>>) {add = true}
      %dma_wait3A_223 = arith.constant 0 : i32
      %dma_wait3A_224 = arith.constant 0 : i32
      %dma_wait3A_225 = tpu.memref_slice %arg13[%dma_wait3A_223, %dma_wait3A_224] : memref<50000x16xf32, #tpu.memory_space<vmem_shared>> -> memref<50000x16xf32, #tpu.memory_space<vmem_shared>>
      tpu.wait_indirect_dma semaphore(%run_scoped3A : memref<!tpu.dma_semaphore, #tpu.memory_space<semaphore_mem>>) src(%arg7 : memref<1000x16xf32, #tpu.memory_space<vmem>>) dst(%dma_wait3A_225 : memref<50000x16xf32, #tpu.memory_space<vmem_shared>>)
      tpu.yield
    }) : () -> ()
    %barrier3A_213 = arith.constant 0 : index
    tpu.barrier barrier_id(%barrier3A_213)
    %lt3A_214 = arith.constant 10 : i32
    %lt3A_215 = arith.cmpi slt, %arg1, %lt3A_214 : i32
    %convert_element_type3A_216 = arith.extui %lt3A_215 : i1 to i32
    %cond3A_217 = arith.constant 1 : i32
    %cond3A_218 = arith.constant 0 : i32
    %cond3A_219 = arith.cmpi ne, %convert_element_type3A_216, %cond3A_218 : i32
    scf.if %cond3A_219 {
      %scan3A_220 = arith.constant 0 : i32
      %scan3A_221 = arith.constant 0 : i32
      %scan3A_222 = arith.constant 8 : i32
      %scan3A_223 = arith.addi %scan3A_221, %scan3A_222 : i32
      %scan3A_224 = arith.constant 1 : i32
      %scan3A_225 = scf.for %scan3A_227 = %scan3A_221 to %scan3A_223 step %scan3A_224 iter_args(%scan3A_228 = %scan3A_220) -> (i32)  : i32 {
        %mul3A_229 = arith.constant 5000 : i32
        %mul3A_230 = arith.muli %arg1, %mul3A_229 : i32
        %mul3A_231 = arith.constant 625 : i32
        %mul3A_232 = arith.muli %scan3A_227, %mul3A_231 : i32
        %add3A_233 = arith.addi %mul3A_230, %mul3A_232 : i32
        "tpu.region"() ({
          %run_scoped3A = tpu.sem_alloc : memref<!tpu.dma_semaphore, #tpu.memory_space<semaphore_mem>>
          %dma_start3A_235 = arith.constant 0 : i32
          %dma_start3A_236 = tpu.memref_slice %arg13[%add3A_233, %dma_start3A_235] : memref<50000x16xf32, #tpu.memory_space<vmem_shared>> -> memref<625x16xf32, #tpu.memory_space<vmem_shared>>
          %dma_start3A_237 = arith.constant 0 : i32
          %dma_start3A_238 = tpu.memref_slice %arg13[%add3A_233, %dma_start3A_237] : memref<50000x16xf32, #tpu.memory_space<vmem_shared>> -> memref<625x16xf32, #tpu.memory_space<vmem_shared>>
          tpu.enqueue_dma source(%dma_start3A_238 : memref<625x16xf32, #tpu.memory_space<vmem_shared>>) target(%arg6 : memref<625x16xf32, #tpu.memory_space<vmem>>) target_semaphore(%run_scoped3A : memref<!tpu.dma_semaphore, #tpu.memory_space<semaphore_mem>>)
          %dma_wait3A_239 = arith.constant 0 : i32
          %dma_wait3A_240 = tpu.memref_slice %arg13[%add3A_233, %dma_wait3A_239] : memref<50000x16xf32, #tpu.memory_space<vmem_shared>> -> memref<625x16xf32, #tpu.memory_space<vmem_shared>>
          %dma_wait3A_241 = arith.constant 0 : i32
          %dma_wait3A_242 = tpu.memref_slice %arg13[%add3A_233, %dma_wait3A_241] : memref<50000x16xf32, #tpu.memory_space<vmem_shared>> -> memref<625x16xf32, #tpu.memory_space<vmem_shared>>
          tpu.wait_dma2 semaphore(%run_scoped3A : memref<!tpu.dma_semaphore, #tpu.memory_space<semaphore_mem>>) src(%dma_wait3A_242 : memref<625x16xf32, #tpu.memory_space<vmem_shared>>) dst(%arg6 : memref<625x16xf32, #tpu.memory_space<vmem>>)
          tpu.yield
        }) : () -> ()
        "tpu.region"() ({
          %run_scoped3A = tpu.sem_alloc : memref<!tpu.dma_semaphore, #tpu.memory_space<semaphore_mem>>
          %dma_start3A_235 = arith.constant 0 : i32
          %dma_start3A_236 = arith.constant 0 : i32
          %dma_start3A_237 = tpu.memref_slice %arg5[%arg0, %cond3A_217, %dma_start3A_235, %dma_start3A_236] : memref<2x2x50000x16xf32, #tpu.memory_space<hbm>> -> memref<1x1x50000x16xf32, #tpu.memory_space<hbm>>
          %dma_start3A_238 = tpu.memref_squeeze %dma_start3A_237 : memref<1x1x50000x16xf32, #tpu.memory_space<hbm>> -> memref<50000x16xf32, #tpu.memory_space<hbm>>
          %dma_start3A_239 = arith.constant 0 : i32
          %dma_start3A_240 = tpu.memref_slice %dma_start3A_238[%add3A_233, %dma_start3A_239] : memref<50000x16xf32, #tpu.memory_space<hbm>> -> memref<625x16xf32, #tpu.memory_space<hbm>>
          %dma_start3A_241 = arith.constant 0 : i32
          %dma_start3A_242 = arith.constant 0 : i32
          %dma_start3A_243 = tpu.memref_slice %arg5[%arg0, %cond3A_217, %dma_start3A_241, %dma_start3A_242] : memref<2x2x50000x16xf32, #tpu.memory_space<hbm>> -> memref<1x1x50000x16xf32, #tpu.memory_space<hbm>>
          %dma_start3A_244 = tpu.memref_squeeze %dma_start3A_243 : memref<1x1x50000x16xf32, #tpu.memory_space<hbm>> -> memref<50000x16xf32, #tpu.memory_space<hbm>>
          %dma_start3A_245 = arith.constant 0 : i32
          %dma_start3A_246 = tpu.memref_slice %dma_start3A_244[%add3A_233, %dma_start3A_245] : memref<50000x16xf32, #tpu.memory_space<hbm>> -> memref<625x16xf32, #tpu.memory_space<hbm>>
          tpu.enqueue_dma source(%arg6 : memref<625x16xf32, #tpu.memory_space<vmem>>) target(%dma_start3A_246 : memref<625x16xf32, #tpu.memory_space<hbm>>) target_semaphore(%run_scoped3A : memref<!tpu.dma_semaphore, #tpu.memory_space<semaphore_mem>>)
          %dma_wait3A_247 = arith.constant 0 : i32
          %dma_wait3A_248 = arith.constant 0 : i32
          %dma_wait3A_249 = tpu.memref_slice %arg5[%arg0, %cond3A_217, %dma_wait3A_247, %dma_wait3A_248] : memref<2x2x50000x16xf32, #tpu.memory_space<hbm>> -> memref<1x1x50000x16xf32, #tpu.memory_space<hbm>>
          %dma_wait3A_250 = tpu.memref_squeeze %dma_wait3A_249 : memref<1x1x50000x16xf32, #tpu.memory_space<hbm>> -> memref<50000x16xf32, #tpu.memory_space<hbm>>
          %dma_wait3A_251 = arith.constant 0 : i32
          %dma_wait3A_252 = tpu.memref_slice %dma_wait3A_250[%add3A_233, %dma_wait3A_251] : memref<50000x16xf32, #tpu.memory_space<hbm>> -> memref<625x16xf32, #tpu.memory_space<hbm>>
          %dma_wait3A_253 = arith.constant 0 : i32
          %dma_wait3A_254 = arith.constant 0 : i32
          %dma_wait3A_255 = tpu.memref_slice %arg5[%arg0, %cond3A_217, %dma_wait3A_253, %dma_wait3A_254] : memref<2x2x50000x16xf32, #tpu.memory_space<hbm>> -> memref<1x1x50000x16xf32, #tpu.memory_space<hbm>>
          %dma_wait3A_256 = tpu.memref_squeeze %dma_wait3A_255 : memref<1x1x50000x16xf32, #tpu.memory_space<hbm>> -> memref<50000x16xf32, #tpu.memory_space<hbm>>
          %dma_wait3A_257 = arith.constant 0 : i32
          %dma_wait3A_258 = tpu.memref_slice %dma_wait3A_256[%add3A_233, %dma_wait3A_257] : memref<50000x16xf32, #tpu.memory_space<hbm>> -> memref<625x16xf32, #tpu.memory_space<hbm>>
          tpu.wait_dma2 semaphore(%run_scoped3A : memref<!tpu.dma_semaphore, #tpu.memory_space<semaphore_mem>>) src(%arg6 : memref<625x16xf32, #tpu.memory_space<vmem>>) dst(%dma_wait3A_258 : memref<625x16xf32, #tpu.memory_space<hbm>>)
          tpu.yield
        }) : () -> ()
        %scan3A_234 = arith.constant 0 : i32
        scf.yield %scan3A_234 : i32
      }
      %scan3A_226 = arith.constant 8 : i32
    } else {
    }
    return
  }
}

#map = affine_map<(d0, d1) -> (0)>
#map1 = affine_map<(d0, d1) -> (0, 0)>
module attributes {stable_mosaic.version = 14 : i64} {
  func.func @_deg_body(%arg0: i32, %arg1: i32, %arg2: memref<800000xi32, #tpu.memory_space<hbm>>, %arg3: memref<2x50000xf32, #tpu.memory_space<hbm>>, %arg4: memref<5000xf32, #tpu.memory_space<vmem>>, %arg5: memref<1000xf32, #tpu.memory_space<vmem>>, %arg6: memref<1000xi32, #tpu.memory_space<vmem>>, %arg7: memref<1000xi32, #tpu.memory_space<vmem>>, %arg8: memref<50000xf32, #tpu.memory_space<vmem_shared>>, %arg9: memref<!tpu.dma_semaphore, #tpu.memory_space<semaphore_mem>>, %arg10: memref<!tpu.dma_semaphore, #tpu.memory_space<semaphore_mem>>) attributes {dimension_semantics = [#tpu.dimension_semantics<core_parallel>, #tpu.dimension_semantics<subcore_parallel>], iteration_bounds = array<i64: 2, 16>, scalar_prefetch = 0 : i64, scratch_operands = 7 : i64, tpu.core_type = #tpu.core_type<sc_vector_subcore>, window_params = [{transform_indices = #map}, {transform_indices = #map1}]} {
    %scan3A = arith.constant 0 : i32
    %scan3A_0 = arith.constant 0 : i32
    %scan3A_1 = arith.constant 313 : i32
    %scan3A_2 = arith.addi %scan3A_0, %scan3A_1 : i32
    %scan3A_3 = arith.constant 1 : i32
    %scan3A_4 = scf.for %scan3A_53 = %scan3A_0 to %scan3A_2 step %scan3A_3 iter_args(%scan3A_54 = %scan3A) -> (i32)  : i32 {
      %broadcast_in_dim3A = arith.constant 0.000000e+00 : f32
      %broadcast_in_dim3A_55 = vector.broadcast %broadcast_in_dim3A : f32 to vector<16xf32>
      %mul3A_56 = arith.constant 16 : i32
      %mul3A_57 = arith.muli %scan3A_53, %mul3A_56 : i32
      %min3A = arith.constant 4984 : i32
      %min3A_58 = arith.minsi %mul3A_57, %min3A : i32
      %swap3A = arith.index_cast %min3A_58 : i32 to index
      %swap3A_59 = tpu.vector_load %arg4[%swap3A] {strides = array<i32>} : memref<5000xf32, #tpu.memory_space<vmem>>, vector<16xf32>,
      %swap3A_60 = vector.shape_cast %swap3A_59 : vector<16xf32> to vector<16xf32>
      %swap3A_61 = vector.shape_cast %broadcast_in_dim3A_55 : vector<16xf32> to vector<16xf32>
      tpu.vector_store %arg4[%swap3A], %swap3A_61 {strides = array<i32>} : memref<5000xf32, #tpu.memory_space<vmem>>, vector<16xf32>,
      %scan3A_62 = arith.constant 0 : i32
      scf.yield %scan3A_62 : i32
    }
    %scan3A_5 = arith.constant 313 : i32
    %scan3A_6 = arith.constant 0 : i32
    %scan3A_7 = arith.constant 0 : i32
    %scan3A_8 = arith.constant 63 : i32
    %scan3A_9 = arith.addi %scan3A_7, %scan3A_8 : i32
    %scan3A_10 = arith.constant 1 : i32
    %scan3A_11 = scf.for %scan3A_53 = %scan3A_7 to %scan3A_9 step %scan3A_10 iter_args(%scan3A_54 = %scan3A_6) -> (i32)  : i32 {
      %broadcast_in_dim3A = arith.constant 1.000000e+00 : f32
      %broadcast_in_dim3A_55 = vector.broadcast %broadcast_in_dim3A : f32 to vector<16xf32>
      %mul3A_56 = arith.constant 16 : i32
      %mul3A_57 = arith.muli %scan3A_53, %mul3A_56 : i32
      %min3A = arith.constant 984 : i32
      %min3A_58 = arith.minsi %mul3A_57, %min3A : i32
      %swap3A = arith.index_cast %min3A_58 : i32 to index
      %swap3A_59 = tpu.vector_load %arg5[%swap3A] {strides = array<i32>} : memref<1000xf32, #tpu.memory_space<vmem>>, vector<16xf32>,
      %swap3A_60 = vector.shape_cast %swap3A_59 : vector<16xf32> to vector<16xf32>
      %swap3A_61 = vector.shape_cast %broadcast_in_dim3A_55 : vector<16xf32> to vector<16xf32>
      tpu.vector_store %arg5[%swap3A], %swap3A_61 {strides = array<i32>} : memref<1000xf32, #tpu.memory_space<vmem>>, vector<16xf32>,
      %scan3A_62 = arith.constant 0 : i32
      scf.yield %scan3A_62 : i32
    }
    %scan3A_12 = arith.constant 63 : i32
    %lt3A = arith.constant 10 : i32
    %lt3A_13 = arith.cmpi slt, %arg1, %lt3A : i32
    %convert_element_type3A = arith.extui %lt3A_13 : i1 to i32
    %cond3A = arith.constant 0 : i32
    %cond3A_14 = arith.cmpi ne, %convert_element_type3A, %cond3A : i32
    scf.if %cond3A_14 {
      %mul3A_53 = arith.constant 5000 : i32
      %mul3A_54 = arith.muli %arg1, %mul3A_53 : i32
      "tpu.region"() ({
        %run_scoped3A = tpu.sem_alloc : memref<!tpu.dma_semaphore, #tpu.memory_space<semaphore_mem>>
        %dma_start3A_55 = tpu.memref_slice %arg8[%mul3A_54] : memref<50000xf32, #tpu.memory_space<vmem_shared>> -> memref<5000xf32, #tpu.memory_space<vmem_shared>>
        %dma_start3A_56 = tpu.memref_slice %arg8[%mul3A_54] : memref<50000xf32, #tpu.memory_space<vmem_shared>> -> memref<5000xf32, #tpu.memory_space<vmem_shared>>
        tpu.enqueue_dma source(%arg4 : memref<5000xf32, #tpu.memory_space<vmem>>) target(%dma_start3A_56 : memref<5000xf32, #tpu.memory_space<vmem_shared>>) target_semaphore(%run_scoped3A : memref<!tpu.dma_semaphore, #tpu.memory_space<semaphore_mem>>)
        %dma_wait3A_57 = tpu.memref_slice %arg8[%mul3A_54] : memref<50000xf32, #tpu.memory_space<vmem_shared>> -> memref<5000xf32, #tpu.memory_space<vmem_shared>>
        %dma_wait3A_58 = tpu.memref_slice %arg8[%mul3A_54] : memref<50000xf32, #tpu.memory_space<vmem_shared>> -> memref<5000xf32, #tpu.memory_space<vmem_shared>>
        tpu.wait_dma2 semaphore(%run_scoped3A : memref<!tpu.dma_semaphore, #tpu.memory_space<semaphore_mem>>) src(%arg4 : memref<5000xf32, #tpu.memory_space<vmem>>) dst(%dma_wait3A_58 : memref<5000xf32, #tpu.memory_space<vmem_shared>>)
        tpu.yield
      }) : () -> ()
    } else {
    }
    %barrier3A = arith.constant 0 : index
    tpu.barrier barrier_id(%barrier3A)
    %mul3A = arith.constant 16 : i32
    %mul3A_15 = arith.muli %arg0, %mul3A : i32
    %add3A = arith.addi %mul3A_15, %arg1 : i32
    %mul3A_16 = arith.constant 25000 : i32
    %mul3A_17 = arith.muli %add3A, %mul3A_16 : i32
    %add3A_18 = arith.constant 0 : i32
    %add3A_19 = arith.addi %mul3A_17, %add3A_18 : i32
    %dma_start3A = tpu.memref_slice %arg2[%add3A_19] : memref<800000xi32, #tpu.memory_space<hbm>> -> memref<1000xi32, #tpu.memory_space<hbm>>
    %dma_start3A_20 = tpu.memref_slice %arg2[%add3A_19] : memref<800000xi32, #tpu.memory_space<hbm>> -> memref<1000xi32, #tpu.memory_space<hbm>>
    tpu.enqueue_dma source(%dma_start3A_20 : memref<1000xi32, #tpu.memory_space<hbm>>) target(%arg6 : memref<1000xi32, #tpu.memory_space<vmem>>) target_semaphore(%arg9 : memref<!tpu.dma_semaphore, #tpu.memory_space<semaphore_mem>>)
    %add3A_21 = arith.constant 1000 : i32
    %add3A_22 = arith.addi %mul3A_17, %add3A_21 : i32
    %dma_start3A_23 = tpu.memref_slice %arg2[%add3A_22] : memref<800000xi32, #tpu.memory_space<hbm>> -> memref<1000xi32, #tpu.memory_space<hbm>>
    %dma_start3A_24 = tpu.memref_slice %arg2[%add3A_22] : memref<800000xi32, #tpu.memory_space<hbm>> -> memref<1000xi32, #tpu.memory_space<hbm>>
    tpu.enqueue_dma source(%dma_start3A_24 : memref<1000xi32, #tpu.memory_space<hbm>>) target(%arg7 : memref<1000xi32, #tpu.memory_space<vmem>>) target_semaphore(%arg10 : memref<!tpu.dma_semaphore, #tpu.memory_space<semaphore_mem>>)
    %scan3A_25 = arith.constant 0 : i32
    %scan3A_26 = arith.constant 0 : i32
    %scan3A_27 = arith.constant 11 : i32
    %scan3A_28 = arith.addi %scan3A_26, %scan3A_27 : i32
    %scan3A_29 = arith.constant 1 : i32
    %scan3A_30 = scf.for %scan3A_53 = %scan3A_26 to %scan3A_28 step %scan3A_29 iter_args(%scan3A_54 = %scan3A_25) -> (i32)  : i32 {
      %mul3A_55 = arith.constant 2 : i32
      %mul3A_56 = arith.muli %mul3A_55, %scan3A_53 : i32
      %mul3A_57 = arith.constant 1000 : i32
      %mul3A_58 = arith.muli %mul3A_56, %mul3A_57 : i32
      %add3A_59 = arith.addi %mul3A_17, %mul3A_58 : i32
      %dma_wait3A_60 = tpu.memref_slice %arg2[%add3A_59] : memref<800000xi32, #tpu.memory_space<hbm>> -> memref<1000xi32, #tpu.memory_space<hbm>>
      %dma_wait3A_61 = tpu.memref_slice %arg2[%add3A_59] : memref<800000xi32, #tpu.memory_space<hbm>> -> memref<1000xi32, #tpu.memory_space<hbm>>
      tpu.wait_dma2 semaphore(%arg9 : memref<!tpu.dma_semaphore, #tpu.memory_space<semaphore_mem>>) src(%dma_wait3A_61 : memref<1000xi32, #tpu.memory_space<hbm>>) dst(%arg6 : memref<1000xi32, #tpu.memory_space<vmem>>)
      "tpu.region"() ({
        %run_scoped3A = tpu.sem_alloc : memref<!tpu.dma_semaphore, #tpu.memory_space<semaphore_mem>>
        %dma_start3A_84 = arith.constant 0 : i32
        %dma_start3A_85 = tpu.memref_slice %arg8[%dma_start3A_84] : memref<50000xf32, #tpu.memory_space<vmem_shared>> -> memref<50000xf32, #tpu.memory_space<vmem_shared>>
        tpu.enqueue_indirect_dma source(%arg5 : memref<1000xf32, #tpu.memory_space<vmem>>) target(%dma_start3A_85 : memref<50000xf32, #tpu.memory_space<vmem_shared>>) offsets(%arg6 : memref<1000xi32, #tpu.memory_space<vmem>>) semaphore(%run_scoped3A : memref<!tpu.dma_semaphore, #tpu.memory_space<semaphore_mem>>) {add = true}
        %dma_wait3A_86 = arith.constant 0 : i32
        %dma_wait3A_87 = tpu.memref_slice %arg8[%dma_wait3A_86] : memref<50000xf32, #tpu.memory_space<vmem_shared>> -> memref<50000xf32, #tpu.memory_space<vmem_shared>>
        tpu.wait_indirect_dma semaphore(%run_scoped3A : memref<!tpu.dma_semaphore, #tpu.memory_space<semaphore_mem>>) src(%arg5 : memref<1000xf32, #tpu.memory_space<vmem>>) dst(%dma_wait3A_87 : memref<50000xf32, #tpu.memory_space<vmem_shared>>)
        tpu.yield
      }) : () -> ()
      %add3A_62 = arith.constant 2 : i32
      %add3A_63 = arith.addi %mul3A_56, %add3A_62 : i32
      %mul3A_64 = arith.constant 1000 : i32
      %mul3A_65 = arith.muli %add3A_63, %mul3A_64 : i32
      %add3A_66 = arith.addi %mul3A_17, %mul3A_65 : i32
      %dma_start3A_67 = tpu.memref_slice %arg2[%add3A_66] : memref<800000xi32, #tpu.memory_space<hbm>> -> memref<1000xi32, #tpu.memory_space<hbm>>
      %dma_start3A_68 = tpu.memref_slice %arg2[%add3A_66] : memref<800000xi32, #tpu.memory_space<hbm>> -> memref<1000xi32, #tpu.memory_space<hbm>>
      tpu.enqueue_dma source(%dma_start3A_68 : memref<1000xi32, #tpu.memory_space<hbm>>) target(%arg6 : memref<1000xi32, #tpu.memory_space<vmem>>) target_semaphore(%arg9 : memref<!tpu.dma_semaphore, #tpu.memory_space<semaphore_mem>>)
      %add3A_69 = arith.constant 1 : i32
      %add3A_70 = arith.addi %mul3A_56, %add3A_69 : i32
      %mul3A_71 = arith.constant 1000 : i32
      %mul3A_72 = arith.muli %add3A_70, %mul3A_71 : i32
      %add3A_73 = arith.addi %mul3A_17, %mul3A_72 : i32
      %dma_wait3A_74 = tpu.memref_slice %arg2[%add3A_73] : memref<800000xi32, #tpu.memory_space<hbm>> -> memref<1000xi32, #tpu.memory_space<hbm>>
      %dma_wait3A_75 = tpu.memref_slice %arg2[%add3A_73] : memref<800000xi32, #tpu.memory_space<hbm>> -> memref<1000xi32, #tpu.memory_space<hbm>>
      tpu.wait_dma2 semaphore(%arg10 : memref<!tpu.dma_semaphore, #tpu.memory_space<semaphore_mem>>) src(%dma_wait3A_75 : memref<1000xi32, #tpu.memory_space<hbm>>) dst(%arg7 : memref<1000xi32, #tpu.memory_space<vmem>>)
      "tpu.region"() ({
        %run_scoped3A = tpu.sem_alloc : memref<!tpu.dma_semaphore, #tpu.memory_space<semaphore_mem>>
        %dma_start3A_84 = arith.constant 0 : i32
        %dma_start3A_85 = tpu.memref_slice %arg8[%dma_start3A_84] : memref<50000xf32, #tpu.memory_space<vmem_shared>> -> memref<50000xf32, #tpu.memory_space<vmem_shared>>
        tpu.enqueue_indirect_dma source(%arg5 : memref<1000xf32, #tpu.memory_space<vmem>>) target(%dma_start3A_85 : memref<50000xf32, #tpu.memory_space<vmem_shared>>) offsets(%arg7 : memref<1000xi32, #tpu.memory_space<vmem>>) semaphore(%run_scoped3A : memref<!tpu.dma_semaphore, #tpu.memory_space<semaphore_mem>>) {add = true}
        %dma_wait3A_86 = arith.constant 0 : i32
        %dma_wait3A_87 = tpu.memref_slice %arg8[%dma_wait3A_86] : memref<50000xf32, #tpu.memory_space<vmem_shared>> -> memref<50000xf32, #tpu.memory_space<vmem_shared>>
        tpu.wait_indirect_dma semaphore(%run_scoped3A : memref<!tpu.dma_semaphore, #tpu.memory_space<semaphore_mem>>) src(%arg5 : memref<1000xf32, #tpu.memory_space<vmem>>) dst(%dma_wait3A_87 : memref<50000xf32, #tpu.memory_space<vmem_shared>>)
        tpu.yield
      }) : () -> ()
      %add3A_76 = arith.constant 3 : i32
      %add3A_77 = arith.addi %mul3A_56, %add3A_76 : i32
      %mul3A_78 = arith.constant 1000 : i32
      %mul3A_79 = arith.muli %add3A_77, %mul3A_78 : i32
      %add3A_80 = arith.addi %mul3A_17, %mul3A_79 : i32
      %dma_start3A_81 = tpu.memref_slice %arg2[%add3A_80] : memref<800000xi32, #tpu.memory_space<hbm>> -> memref<1000xi32, #tpu.memory_space<hbm>>
      %dma_start3A_82 = tpu.memref_slice %arg2[%add3A_80] : memref<800000xi32, #tpu.memory_space<hbm>> -> memref<1000xi32, #tpu.memory_space<hbm>>
      tpu.enqueue_dma source(%dma_start3A_82 : memref<1000xi32, #tpu.memory_space<hbm>>) target(%arg7 : memref<1000xi32, #tpu.memory_space<vmem>>) target_semaphore(%arg10 : memref<!tpu.dma_semaphore, #tpu.memory_space<semaphore_mem>>)
      %scan3A_83 = arith.constant 0 : i32
      scf.yield %scan3A_83 : i32
    }
    %scan3A_31 = arith.constant 11 : i32
    %add3A_32 = arith.constant 22000 : i32
    %add3A_33 = arith.addi %mul3A_17, %add3A_32 : i32
    %dma_wait3A = tpu.memref_slice %arg2[%add3A_33] : memref<800000xi32, #tpu.memory_space<hbm>> -> memref<1000xi32, #tpu.memory_space<hbm>>
    %dma_wait3A_34 = tpu.memref_slice %arg2[%add3A_33] : memref<800000xi32, #tpu.memory_space<hbm>> -> memref<1000xi32, #tpu.memory_space<hbm>>
    tpu.wait_dma2 semaphore(%arg9 : memref<!tpu.dma_semaphore, #tpu.memory_space<semaphore_mem>>) src(%dma_wait3A_34 : memref<1000xi32, #tpu.memory_space<hbm>>) dst(%arg6 : memref<1000xi32, #tpu.memory_space<vmem>>)
    "tpu.region"() ({
      %run_scoped3A = tpu.sem_alloc : memref<!tpu.dma_semaphore, #tpu.memory_space<semaphore_mem>>
      %dma_start3A_53 = arith.constant 0 : i32
      %dma_start3A_54 = tpu.memref_slice %arg8[%dma_start3A_53] : memref<50000xf32, #tpu.memory_space<vmem_shared>> -> memref<50000xf32, #tpu.memory_space<vmem_shared>>
      tpu.enqueue_indirect_dma source(%arg5 : memref<1000xf32, #tpu.memory_space<vmem>>) target(%dma_start3A_54 : memref<50000xf32, #tpu.memory_space<vmem_shared>>) offsets(%arg6 : memref<1000xi32, #tpu.memory_space<vmem>>) semaphore(%run_scoped3A : memref<!tpu.dma_semaphore, #tpu.memory_space<semaphore_mem>>) {add = true}
      %dma_wait3A_55 = arith.constant 0 : i32
      %dma_wait3A_56 = tpu.memref_slice %arg8[%dma_wait3A_55] : memref<50000xf32, #tpu.memory_space<vmem_shared>> -> memref<50000xf32, #tpu.memory_space<vmem_shared>>
      tpu.wait_indirect_dma semaphore(%run_scoped3A : memref<!tpu.dma_semaphore, #tpu.memory_space<semaphore_mem>>) src(%arg5 : memref<1000xf32, #tpu.memory_space<vmem>>) dst(%dma_wait3A_56 : memref<50000xf32, #tpu.memory_space<vmem_shared>>)
      tpu.yield
    }) : () -> ()
    %add3A_35 = arith.constant 24000 : i32
    %add3A_36 = arith.addi %mul3A_17, %add3A_35 : i32
    %dma_start3A_37 = tpu.memref_slice %arg2[%add3A_36] : memref<800000xi32, #tpu.memory_space<hbm>> -> memref<1000xi32, #tpu.memory_space<hbm>>
    %dma_start3A_38 = tpu.memref_slice %arg2[%add3A_36] : memref<800000xi32, #tpu.memory_space<hbm>> -> memref<1000xi32, #tpu.memory_space<hbm>>
    tpu.enqueue_dma source(%dma_start3A_38 : memref<1000xi32, #tpu.memory_space<hbm>>) target(%arg6 : memref<1000xi32, #tpu.memory_space<vmem>>) target_semaphore(%arg9 : memref<!tpu.dma_semaphore, #tpu.memory_space<semaphore_mem>>)
    %add3A_39 = arith.constant 23000 : i32
    %add3A_40 = arith.addi %mul3A_17, %add3A_39 : i32
    %dma_wait3A_41 = tpu.memref_slice %arg2[%add3A_40] : memref<800000xi32, #tpu.memory_space<hbm>> -> memref<1000xi32, #tpu.memory_space<hbm>>
    %dma_wait3A_42 = tpu.memref_slice %arg2[%add3A_40] : memref<800000xi32, #tpu.memory_space<hbm>> -> memref<1000xi32, #tpu.memory_space<hbm>>
    tpu.wait_dma2 semaphore(%arg10 : memref<!tpu.dma_semaphore, #tpu.memory_space<semaphore_mem>>) src(%dma_wait3A_42 : memref<1000xi32, #tpu.memory_space<hbm>>) dst(%arg7 : memref<1000xi32, #tpu.memory_space<vmem>>)
    "tpu.region"() ({
      %run_scoped3A = tpu.sem_alloc : memref<!tpu.dma_semaphore, #tpu.memory_space<semaphore_mem>>
      %dma_start3A_53 = arith.constant 0 : i32
      %dma_start3A_54 = tpu.memref_slice %arg8[%dma_start3A_53] : memref<50000xf32, #tpu.memory_space<vmem_shared>> -> memref<50000xf32, #tpu.memory_space<vmem_shared>>
      tpu.enqueue_indirect_dma source(%arg5 : memref<1000xf32, #tpu.memory_space<vmem>>) target(%dma_start3A_54 : memref<50000xf32, #tpu.memory_space<vmem_shared>>) offsets(%arg7 : memref<1000xi32, #tpu.memory_space<vmem>>) semaphore(%run_scoped3A : memref<!tpu.dma_semaphore, #tpu.memory_space<semaphore_mem>>) {add = true}
      %dma_wait3A_55 = arith.constant 0 : i32
      %dma_wait3A_56 = tpu.memref_slice %arg8[%dma_wait3A_55] : memref<50000xf32, #tpu.memory_space<vmem_shared>> -> memref<50000xf32, #tpu.memory_space<vmem_shared>>
      tpu.wait_indirect_dma semaphore(%run_scoped3A : memref<!tpu.dma_semaphore, #tpu.memory_space<semaphore_mem>>) src(%arg5 : memref<1000xf32, #tpu.memory_space<vmem>>) dst(%dma_wait3A_56 : memref<50000xf32, #tpu.memory_space<vmem_shared>>)
      tpu.yield
    }) : () -> ()
    %add3A_43 = arith.constant 24000 : i32
    %add3A_44 = arith.addi %mul3A_17, %add3A_43 : i32
    %dma_wait3A_45 = tpu.memref_slice %arg2[%add3A_44] : memref<800000xi32, #tpu.memory_space<hbm>> -> memref<1000xi32, #tpu.memory_space<hbm>>
    %dma_wait3A_46 = tpu.memref_slice %arg2[%add3A_44] : memref<800000xi32, #tpu.memory_space<hbm>> -> memref<1000xi32, #tpu.memory_space<hbm>>
    tpu.wait_dma2 semaphore(%arg9 : memref<!tpu.dma_semaphore, #tpu.memory_space<semaphore_mem>>) src(%dma_wait3A_46 : memref<1000xi32, #tpu.memory_space<hbm>>) dst(%arg6 : memref<1000xi32, #tpu.memory_space<vmem>>)
    "tpu.region"() ({
      %run_scoped3A = tpu.sem_alloc : memref<!tpu.dma_semaphore, #tpu.memory_space<semaphore_mem>>
      %dma_start3A_53 = arith.constant 0 : i32
      %dma_start3A_54 = tpu.memref_slice %arg8[%dma_start3A_53] : memref<50000xf32, #tpu.memory_space<vmem_shared>> -> memref<50000xf32, #tpu.memory_space<vmem_shared>>
      tpu.enqueue_indirect_dma source(%arg5 : memref<1000xf32, #tpu.memory_space<vmem>>) target(%dma_start3A_54 : memref<50000xf32, #tpu.memory_space<vmem_shared>>) offsets(%arg6 : memref<1000xi32, #tpu.memory_space<vmem>>) semaphore(%run_scoped3A : memref<!tpu.dma_semaphore, #tpu.memory_space<semaphore_mem>>) {add = true}
      %dma_wait3A_55 = arith.constant 0 : i32
      %dma_wait3A_56 = tpu.memref_slice %arg8[%dma_wait3A_55] : memref<50000xf32, #tpu.memory_space<vmem_shared>> -> memref<50000xf32, #tpu.memory_space<vmem_shared>>
      tpu.wait_indirect_dma semaphore(%run_scoped3A : memref<!tpu.dma_semaphore, #tpu.memory_space<semaphore_mem>>) src(%arg5 : memref<1000xf32, #tpu.memory_space<vmem>>) dst(%dma_wait3A_56 : memref<50000xf32, #tpu.memory_space<vmem_shared>>)
      tpu.yield
    }) : () -> ()
    %barrier3A_47 = arith.constant 0 : index
    tpu.barrier barrier_id(%barrier3A_47)
    %lt3A_48 = arith.constant 10 : i32
    %lt3A_49 = arith.cmpi slt, %arg1, %lt3A_48 : i32
    %convert_element_type3A_50 = arith.extui %lt3A_49 : i1 to i32
    %cond3A_51 = arith.constant 0 : i32
    %cond3A_52 = arith.cmpi ne, %convert_element_type3A_50, %cond3A_51 : i32
    scf.if %cond3A_52 {
      %mul3A_53 = arith.constant 5000 : i32
      %mul3A_54 = arith.muli %arg1, %mul3A_53 : i32
      "tpu.region"() ({
        %run_scoped3A = tpu.sem_alloc : memref<!tpu.dma_semaphore, #tpu.memory_space<semaphore_mem>>
        %dma_start3A_57 = tpu.memref_slice %arg8[%mul3A_54] : memref<50000xf32, #tpu.memory_space<vmem_shared>> -> memref<5000xf32, #tpu.memory_space<vmem_shared>>
        %dma_start3A_58 = tpu.memref_slice %arg8[%mul3A_54] : memref<50000xf32, #tpu.memory_space<vmem_shared>> -> memref<5000xf32, #tpu.memory_space<vmem_shared>>
        tpu.enqueue_dma source(%dma_start3A_58 : memref<5000xf32, #tpu.memory_space<vmem_shared>>) target(%arg4 : memref<5000xf32, #tpu.memory_space<vmem>>) target_semaphore(%run_scoped3A : memref<!tpu.dma_semaphore, #tpu.memory_space<semaphore_mem>>)
        %dma_wait3A_59 = tpu.memref_slice %arg8[%mul3A_54] : memref<50000xf32, #tpu.memory_space<vmem_shared>> -> memref<5000xf32, #tpu.memory_space<vmem_shared>>
        %dma_wait3A_60 = tpu.memref_slice %arg8[%mul3A_54] : memref<50000xf32, #tpu.memory_space<vmem_shared>> -> memref<5000xf32, #tpu.memory_space<vmem_shared>>
        tpu.wait_dma2 semaphore(%run_scoped3A : memref<!tpu.dma_semaphore, #tpu.memory_space<semaphore_mem>>) src(%dma_wait3A_60 : memref<5000xf32, #tpu.memory_space<vmem_shared>>) dst(%arg4 : memref<5000xf32, #tpu.memory_space<vmem>>)
        tpu.yield
      }) : () -> ()
      %mul3A_55 = arith.constant 5000 : i32
      %mul3A_56 = arith.muli %arg1, %mul3A_55 : i32
      "tpu.region"() ({
        %run_scoped3A = tpu.sem_alloc : memref<!tpu.dma_semaphore, #tpu.memory_space<semaphore_mem>>
        %dma_start3A_57 = tpu.memref_slice %arg3[%arg0, %mul3A_56] : memref<2x50000xf32, #tpu.memory_space<hbm>> -> memref<1x5000xf32, #tpu.memory_space<hbm>>
        %dma_start3A_58 = tpu.memref_squeeze %dma_start3A_57 : memref<1x5000xf32, #tpu.memory_space<hbm>> -> memref<5000xf32, #tpu.memory_space<hbm>>
        %dma_start3A_59 = tpu.memref_slice %arg3[%arg0, %mul3A_56] : memref<2x50000xf32, #tpu.memory_space<hbm>> -> memref<1x5000xf32, #tpu.memory_space<hbm>>
        %dma_start3A_60 = tpu.memref_squeeze %dma_start3A_59 : memref<1x5000xf32, #tpu.memory_space<hbm>> -> memref<5000xf32, #tpu.memory_space<hbm>>
        tpu.enqueue_dma source(%arg4 : memref<5000xf32, #tpu.memory_space<vmem>>) target(%dma_start3A_60 : memref<5000xf32, #tpu.memory_space<hbm>>) target_semaphore(%run_scoped3A : memref<!tpu.dma_semaphore, #tpu.memory_space<semaphore_mem>>)
        %dma_wait3A_61 = tpu.memref_slice %arg3[%arg0, %mul3A_56] : memref<2x50000xf32, #tpu.memory_space<hbm>> -> memref<1x5000xf32, #tpu.memory_space<hbm>>
        %dma_wait3A_62 = tpu.memref_squeeze %dma_wait3A_61 : memref<1x5000xf32, #tpu.memory_space<hbm>> -> memref<5000xf32, #tpu.memory_space<hbm>>
        %dma_wait3A_63 = tpu.memref_slice %arg3[%arg0, %mul3A_56] : memref<2x50000xf32, #tpu.memory_space<hbm>> -> memref<1x5000xf32, #tpu.memory_space<hbm>>
        %dma_wait3A_64 = tpu.memref_squeeze %dma_wait3A_63 : memref<1x5000xf32, #tpu.memory_space<hbm>> -> memref<5000xf32, #tpu.memory_space<hbm>>
        tpu.wait_dma2 semaphore(%run_scoped3A : memref<!tpu.dma_semaphore, #tpu.memory_space<semaphore_mem>>) src(%arg4 : memref<5000xf32, #tpu.memory_space<vmem>>) dst(%dma_wait3A_64 : memref<5000xf32, #tpu.memory_space<hbm>>)
        tpu.yield
      }) : () -> ()
    } else {
    }
    return
  }
}

#map = affine_map<(d0, d1) -> (0)>
#map1 = affine_map<(d0, d1) -> (0, 0, 0, 0)>
module attributes {stable_mosaic.version = 14 : i64} {
  func.func @body(%arg0: i32, %arg1: i32, %arg2: memref<800000xi32, #tpu.memory_space<hbm>>, %arg3: memref<800000xi32, #tpu.memory_space<hbm>>, %arg4: memref<2x2x50000x16xf32, #tpu.memory_space<hbm>>, %arg5: memref<2x2x50000x16xf32, #tpu.memory_space<hbm>>, %arg6: memref<625x16xf32, #tpu.memory_space<vmem>>, %arg7: memref<1000x16xf32, #tpu.memory_space<vmem>>, %arg8: memref<1000x16xf32, #tpu.memory_space<vmem>>, %arg9: memref<1000xi32, #tpu.memory_space<vmem>>, %arg10: memref<1000xi32, #tpu.memory_space<vmem>>, %arg11: memref<1000xi32, #tpu.memory_space<vmem>>, %arg12: memref<1000xi32, #tpu.memory_space<vmem>>, %arg13: memref<50000x16xf32, #tpu.memory_space<vmem_shared>>, %arg14: memref<!tpu.dma_semaphore, #tpu.memory_space<semaphore_mem>>, %arg15: memref<!tpu.dma_semaphore, #tpu.memory_space<semaphore_mem>>, %arg16: memref<!tpu.dma_semaphore, #tpu.memory_space<semaphore_mem>>, %arg17: memref<!tpu.dma_semaphore, #tpu.memory_space<semaphore_mem>>) attributes {dimension_semantics = [#tpu.dimension_semantics<core_parallel>, #tpu.dimension_semantics<subcore_parallel>], iteration_bounds = array<i64: 2, 16>, scalar_prefetch = 0 : i64, scratch_operands = 12 : i64, tpu.core_type = #tpu.core_type<sc_vector_subcore>, window_params = [{transform_indices = #map}, {transform_indices = #map}, {transform_indices = #map1}, {transform_indices = #map1}]} {
    %mul3A = arith.constant 50000 : i32
    %mul3A_0 = arith.muli %arg1, %mul3A : i32
    %scan3A = arith.constant 0 : i32
    %scan3A_1 = arith.constant 0 : i32
    %scan3A_2 = arith.constant 625 : i32
    %scan3A_3 = arith.addi %scan3A_1, %scan3A_2 : i32
    %scan3A_4 = arith.constant 1 : i32
    %scan3A_5 = scf.for %scan3A_273 = %scan3A_1 to %scan3A_3 step %scan3A_4 iter_args(%scan3A_274 = %scan3A) -> (i32)  : i32 {
      %broadcast_in_dim3A = arith.constant 0.000000e+00 : f32
      %broadcast_in_dim3A_275 = vector.broadcast %broadcast_in_dim3A : f32 to vector<16xf32>
      %swap3A = arith.index_cast %scan3A_273 : i32 to index
      %swap3A_276 = arith.constant 0 : index
      %swap3A_277 = tpu.vector_load %arg6[%swap3A, %swap3A_276] {strides = array<i32>} : memref<625x16xf32, #tpu.memory_space<vmem>>, vector<1x16xf32>,
      %swap3A_278 = vector.shape_cast %swap3A_277 : vector<1x16xf32> to vector<16xf32>
      %swap3A_279 = vector.shape_cast %broadcast_in_dim3A_275 : vector<16xf32> to vector<1x16xf32>
      tpu.vector_store %arg6[%swap3A, %swap3A_276], %swap3A_279 {strides = array<i32>} : memref<625x16xf32, #tpu.memory_space<vmem>>, vector<1x16xf32>,
      %scan3A_280 = arith.constant 0 : i32
      scf.yield %scan3A_280 : i32
    }
    %scan3A_6 = arith.constant 625 : i32
    %lt3A = arith.constant 10 : i32
    %lt3A_7 = arith.cmpi slt, %arg1, %lt3A : i32
    %convert_element_type3A = arith.extui %lt3A_7 : i1 to i32
    %cond3A = arith.constant 0 : i32
    %cond3A_8 = arith.cmpi ne, %convert_element_type3A, %cond3A : i32
    scf.if %cond3A_8 {
      %scan3A_273 = arith.constant 0 : i32
      %scan3A_274 = arith.constant 0 : i32
      %scan3A_275 = arith.constant 8 : i32
      %scan3A_276 = arith.addi %scan3A_274, %scan3A_275 : i32
      %scan3A_277 = arith.constant 1 : i32
      %scan3A_278 = scf.for %scan3A_280 = %scan3A_274 to %scan3A_276 step %scan3A_277 iter_args(%scan3A_281 = %scan3A_273) -> (i32)  : i32 {
        %mul3A_282 = arith.constant 5000 : i32
        %mul3A_283 = arith.muli %arg1, %mul3A_282 : i32
        %mul3A_284 = arith.constant 625 : i32
        %mul3A_285 = arith.muli %scan3A_280, %mul3A_284 : i32
        %add3A_286 = arith.addi %mul3A_283, %mul3A_285 : i32
        "tpu.region"() ({
          %run_scoped3A = tpu.sem_alloc : memref<!tpu.dma_semaphore, #tpu.memory_space<semaphore_mem>>
          %dma_start3A_288 = arith.constant 0 : i32
          %dma_start3A_289 = tpu.memref_slice %arg13[%add3A_286, %dma_start3A_288] : memref<50000x16xf32, #tpu.memory_space<vmem_shared>> -> memref<625x16xf32, #tpu.memory_space<vmem_shared>>
          %dma_start3A_290 = arith.constant 0 : i32
          %dma_start3A_291 = tpu.memref_slice %arg13[%add3A_286, %dma_start3A_290] : memref<50000x16xf32, #tpu.memory_space<vmem_shared>> -> memref<625x16xf32, #tpu.memory_space<vmem_shared>>
          tpu.enqueue_dma source(%arg6 : memref<625x16xf32, #tpu.memory_space<vmem>>) target(%dma_start3A_291 : memref<625x16xf32, #tpu.memory_space<vmem_shared>>) target_semaphore(%run_scoped3A : memref<!tpu.dma_semaphore, #tpu.memory_space<semaphore_mem>>)
          %dma_wait3A_292 = arith.constant 0 : i32
          %dma_wait3A_293 = tpu.memref_slice %arg13[%add3A_286, %dma_wait3A_292] : memref<50000x16xf32, #tpu.memory_space<vmem_shared>> -> memref<625x16xf32, #tpu.memory_space<vmem_shared>>
          %dma_wait3A_294 = arith.constant 0 : i32
          %dma_wait3A_295 = tpu.memref_slice %arg13[%add3A_286, %dma_wait3A_294] : memref<50000x16xf32, #tpu.memory_space<vmem_shared>> -> memref<625x16xf32, #tpu.memory_space<vmem_shared>>
          tpu.wait_dma2 semaphore(%run_scoped3A : memref<!tpu.dma_semaphore, #tpu.memory_space<semaphore_mem>>) src(%arg6 : memref<625x16xf32, #tpu.memory_space<vmem>>) dst(%dma_wait3A_295 : memref<625x16xf32, #tpu.memory_space<vmem_shared>>)
          tpu.yield
        }) : () -> ()
        %scan3A_287 = arith.constant 0 : i32
        scf.yield %scan3A_287 : i32
      }
      %scan3A_279 = arith.constant 8 : i32
    } else {
    }
    %barrier3A = arith.constant 0 : index
    tpu.barrier barrier_id(%barrier3A)
    %add3A = arith.constant 0 : i32
    %add3A_9 = arith.addi %mul3A_0, %add3A : i32
    %dma_start3A = tpu.memref_slice %arg2[%add3A_9] : memref<800000xi32, #tpu.memory_space<hbm>> -> memref<1000xi32, #tpu.memory_space<hbm>>
    %dma_start3A_10 = tpu.memref_slice %arg2[%add3A_9] : memref<800000xi32, #tpu.memory_space<hbm>> -> memref<1000xi32, #tpu.memory_space<hbm>>
    tpu.enqueue_dma source(%dma_start3A_10 : memref<1000xi32, #tpu.memory_space<hbm>>) target(%arg9 : memref<1000xi32, #tpu.memory_space<vmem>>) target_semaphore(%arg16 : memref<!tpu.dma_semaphore, #tpu.memory_space<semaphore_mem>>)
    %dma_start3A_11 = tpu.memref_slice %arg3[%add3A_9] : memref<800000xi32, #tpu.memory_space<hbm>> -> memref<1000xi32, #tpu.memory_space<hbm>>
    %dma_start3A_12 = tpu.memref_slice %arg3[%add3A_9] : memref<800000xi32, #tpu.memory_space<hbm>> -> memref<1000xi32, #tpu.memory_space<hbm>>
    tpu.enqueue_dma source(%dma_start3A_12 : memref<1000xi32, #tpu.memory_space<hbm>>) target(%arg10 : memref<1000xi32, #tpu.memory_space<vmem>>) target_semaphore(%arg16 : memref<!tpu.dma_semaphore, #tpu.memory_space<semaphore_mem>>)
    %add3A_13 = arith.constant 0 : i32
    %add3A_14 = arith.addi %mul3A_0, %add3A_13 : i32
    %dma_wait3A = tpu.memref_slice %arg2[%add3A_14] : memref<800000xi32, #tpu.memory_space<hbm>> -> memref<1000xi32, #tpu.memory_space<hbm>>
    %dma_wait3A_15 = tpu.memref_slice %arg2[%add3A_14] : memref<800000xi32, #tpu.memory_space<hbm>> -> memref<1000xi32, #tpu.memory_space<hbm>>
    tpu.wait_dma2 semaphore(%arg16 : memref<!tpu.dma_semaphore, #tpu.memory_space<semaphore_mem>>) src(%dma_wait3A_15 : memref<1000xi32, #tpu.memory_space<hbm>>) dst(%arg9 : memref<1000xi32, #tpu.memory_space<vmem>>)
    %dma_wait3A_16 = tpu.memref_slice %arg3[%add3A_14] : memref<800000xi32, #tpu.memory_space<hbm>> -> memref<1000xi32, #tpu.memory_space<hbm>>
    %dma_wait3A_17 = tpu.memref_slice %arg3[%add3A_14] : memref<800000xi32, #tpu.memory_space<hbm>> -> memref<1000xi32, #tpu.memory_space<hbm>>
    tpu.wait_dma2 semaphore(%arg16 : memref<!tpu.dma_semaphore, #tpu.memory_space<semaphore_mem>>) src(%dma_wait3A_17 : memref<1000xi32, #tpu.memory_space<hbm>>) dst(%arg10 : memref<1000xi32, #tpu.memory_space<vmem>>)
    %dma_start3A_18 = arith.constant 0 : i32
    %dma_start3A_19 = arith.constant 0 : i32
    %dma_start3A_20 = arith.constant 0 : i32
    %dma_start3A_21 = tpu.memref_slice %arg4[%arg0, %dma_start3A_18, %dma_start3A_19, %dma_start3A_20] : memref<2x2x50000x16xf32, #tpu.memory_space<hbm>> -> memref<1x1x50000x16xf32, #tpu.memory_space<hbm>>
    %dma_start3A_22 = tpu.memref_squeeze %dma_start3A_21 : memref<1x1x50000x16xf32, #tpu.memory_space<hbm>> -> memref<50000x16xf32, #tpu.memory_space<hbm>>
    %dma_start3A_23 = arith.constant 0 : i32
    %dma_start3A_24 = arith.constant 0 : i32
    %dma_start3A_25 = tpu.memref_slice %dma_start3A_22[%dma_start3A_23, %dma_start3A_24] : memref<50000x16xf32, #tpu.memory_space<hbm>> -> memref<50000x16xf32, #tpu.memory_space<hbm>>
    tpu.enqueue_indirect_dma source(%dma_start3A_25 : memref<50000x16xf32, #tpu.memory_space<hbm>>) target(%arg7 : memref<1000x16xf32, #tpu.memory_space<vmem>>) offsets(%arg9 : memref<1000xi32, #tpu.memory_space<vmem>>) semaphore(%arg14 : memref<!tpu.dma_semaphore, #tpu.memory_space<semaphore_mem>>)
    %add3A_26 = arith.constant 1000 : i32
    %add3A_27 = arith.addi %mul3A_0, %add3A_26 : i32
    %dma_start3A_28 = tpu.memref_slice %arg2[%add3A_27] : memref<800000xi32, #tpu.memory_space<hbm>> -> memref<1000xi32, #tpu.memory_space<hbm>>
    %dma_start3A_29 = tpu.memref_slice %arg2[%add3A_27] : memref<800000xi32, #tpu.memory_space<hbm>> -> memref<1000xi32, #tpu.memory_space<hbm>>
    tpu.enqueue_dma source(%dma_start3A_29 : memref<1000xi32, #tpu.memory_space<hbm>>) target(%arg11 : memref<1000xi32, #tpu.memory_space<vmem>>) target_semaphore(%arg17 : memref<!tpu.dma_semaphore, #tpu.memory_space<semaphore_mem>>)
    %dma_start3A_30 = tpu.memref_slice %arg3[%add3A_27] : memref<800000xi32, #tpu.memory_space<hbm>> -> memref<1000xi32, #tpu.memory_space<hbm>>
    %dma_start3A_31 = tpu.memref_slice %arg3[%add3A_27] : memref<800000xi32, #tpu.memory_space<hbm>> -> memref<1000xi32, #tpu.memory_space<hbm>>
    tpu.enqueue_dma source(%dma_start3A_31 : memref<1000xi32, #tpu.memory_space<hbm>>) target(%arg12 : memref<1000xi32, #tpu.memory_space<vmem>>) target_semaphore(%arg17 : memref<!tpu.dma_semaphore, #tpu.memory_space<semaphore_mem>>)
    %scan3A_32 = arith.constant 0 : i32
    %scan3A_33 = arith.constant 0 : i32
    %scan3A_34 = arith.constant 0 : i32
    %scan3A_35 = arith.constant 23 : i32
    %scan3A_36 = arith.addi %scan3A_34, %scan3A_35 : i32
    %scan3A_37 = arith.constant 1 : i32
    %scan3A_38 = scf.for %scan3A_273 = %scan3A_34 to %scan3A_36 step %scan3A_37 iter_args(%scan3A_274 = %scan3A_33) -> (i32)  : i32 {
      %mul3A_275 = arith.constant 2 : i32
      %mul3A_276 = arith.muli %mul3A_275, %scan3A_273 : i32
      %add3A_277 = arith.constant 1 : i32
      %add3A_278 = arith.addi %add3A_277, %mul3A_276 : i32
      %add3A_279 = arith.constant 1 : i32
      %add3A_280 = arith.addi %add3A_278, %add3A_279 : i32
      %mul3A_281 = arith.constant 1000 : i32
      %mul3A_282 = arith.muli %add3A_278, %mul3A_281 : i32
      %add3A_283 = arith.addi %mul3A_0, %mul3A_282 : i32
      %dma_wait3A_284 = tpu.memref_slice %arg2[%add3A_283] : memref<800000xi32, #tpu.memory_space<hbm>> -> memref<1000xi32, #tpu.memory_space<hbm>>
      %dma_wait3A_285 = tpu.memref_slice %arg2[%add3A_283] : memref<800000xi32, #tpu.memory_space<hbm>> -> memref<1000xi32, #tpu.memory_space<hbm>>
      tpu.wait_dma2 semaphore(%arg17 : memref<!tpu.dma_semaphore, #tpu.memory_space<semaphore_mem>>) src(%dma_wait3A_285 : memref<1000xi32, #tpu.memory_space<hbm>>) dst(%arg11 : memref<1000xi32, #tpu.memory_space<vmem>>)
      %dma_wait3A_286 = tpu.memref_slice %arg3[%add3A_283] : memref<800000xi32, #tpu.memory_space<hbm>> -> memref<1000xi32, #tpu.memory_space<hbm>>
      %dma_wait3A_287 = tpu.memref_slice %arg3[%add3A_283] : memref<800000xi32, #tpu.memory_space<hbm>> -> memref<1000xi32, #tpu.memory_space<hbm>>
      tpu.wait_dma2 semaphore(%arg17 : memref<!tpu.dma_semaphore, #tpu.memory_space<semaphore_mem>>) src(%dma_wait3A_287 : memref<1000xi32, #tpu.memory_space<hbm>>) dst(%arg12 : memref<1000xi32, #tpu.memory_space<vmem>>)
      %dma_start3A_288 = arith.constant 0 : i32
      %dma_start3A_289 = arith.constant 0 : i32
      %dma_start3A_290 = tpu.memref_slice %arg4[%arg0, %scan3A_32, %dma_start3A_288, %dma_start3A_289] : memref<2x2x50000x16xf32, #tpu.memory_space<hbm>> -> memref<1x1x50000x16xf32, #tpu.memory_space<hbm>>
      %dma_start3A_291 = tpu.memref_squeeze %dma_start3A_290 : memref<1x1x50000x16xf32, #tpu.memory_space<hbm>> -> memref<50000x16xf32, #tpu.memory_space<hbm>>
      %dma_start3A_292 = arith.constant 0 : i32
      %dma_start3A_293 = arith.constant 0 : i32
      %dma_start3A_294 = tpu.memref_slice %dma_start3A_291[%dma_start3A_292, %dma_start3A_293] : memref<50000x16xf32, #tpu.memory_space<hbm>> -> memref<50000x16xf32, #tpu.memory_space<hbm>>
      tpu.enqueue_indirect_dma source(%dma_start3A_294 : memref<50000x16xf32, #tpu.memory_space<hbm>>) target(%arg8 : memref<1000x16xf32, #tpu.memory_space<vmem>>) offsets(%arg11 : memref<1000xi32, #tpu.memory_space<vmem>>) semaphore(%arg15 : memref<!tpu.dma_semaphore, #tpu.memory_space<semaphore_mem>>)
      %dma_wait3A_295 = arith.constant 0 : i32
      %dma_wait3A_296 = arith.constant 0 : i32
      %dma_wait3A_297 = tpu.memref_slice %arg4[%arg0, %scan3A_32, %dma_wait3A_295, %dma_wait3A_296] : memref<2x2x50000x16xf32, #tpu.memory_space<hbm>> -> memref<1x1x50000x16xf32, #tpu.memory_space<hbm>>
      %dma_wait3A_298 = tpu.memref_squeeze %dma_wait3A_297 : memref<1x1x50000x16xf32, #tpu.memory_space<hbm>> -> memref<50000x16xf32, #tpu.memory_space<hbm>>
      %dma_wait3A_299 = arith.constant 0 : i32
      %dma_wait3A_300 = arith.constant 0 : i32
      %dma_wait3A_301 = tpu.memref_slice %dma_wait3A_298[%dma_wait3A_299, %dma_wait3A_300] : memref<50000x16xf32, #tpu.memory_space<hbm>> -> memref<50000x16xf32, #tpu.memory_space<hbm>>
      tpu.wait_indirect_dma semaphore(%arg14 : memref<!tpu.dma_semaphore, #tpu.memory_space<semaphore_mem>>) src(%dma_wait3A_301 : memref<50000x16xf32, #tpu.memory_space<hbm>>) dst(%arg7 : memref<1000x16xf32, #tpu.memory_space<vmem>>)
      "tpu.region"() ({
        %run_scoped3A = tpu.sem_alloc : memref<!tpu.dma_semaphore, #tpu.memory_space<semaphore_mem>>
        %dma_start3A_342 = arith.constant 0 : i32
        %dma_start3A_343 = arith.constant 0 : i32
        %dma_start3A_344 = tpu.memref_slice %arg13[%dma_start3A_342, %dma_start3A_343] : memref<50000x16xf32, #tpu.memory_space<vmem_shared>> -> memref<50000x16xf32, #tpu.memory_space<vmem_shared>>
        tpu.enqueue_indirect_dma source(%arg7 : memref<1000x16xf32, #tpu.memory_space<vmem>>) target(%dma_start3A_344 : memref<50000x16xf32, #tpu.memory_space<vmem_shared>>) offsets(%arg10 : memref<1000xi32, #tpu.memory_space<vmem>>) semaphore(%run_scoped3A : memref<!tpu.dma_semaphore, #tpu.memory_space<semaphore_mem>>) {add = true}
        %dma_wait3A_345 = arith.constant 0 : i32
        %dma_wait3A_346 = arith.constant 0 : i32
        %dma_wait3A_347 = tpu.memref_slice %arg13[%dma_wait3A_345, %dma_wait3A_346] : memref<50000x16xf32, #tpu.memory_space<vmem_shared>> -> memref<50000x16xf32, #tpu.memory_space<vmem_shared>>
        tpu.wait_indirect_dma semaphore(%run_scoped3A : memref<!tpu.dma_semaphore, #tpu.memory_space<semaphore_mem>>) src(%arg7 : memref<1000x16xf32, #tpu.memory_space<vmem>>) dst(%dma_wait3A_347 : memref<50000x16xf32, #tpu.memory_space<vmem_shared>>)
        tpu.yield
      }) : () -> ()
      %mul3A_302 = arith.constant 1000 : i32
      %mul3A_303 = arith.muli %add3A_280, %mul3A_302 : i32
      %add3A_304 = arith.addi %mul3A_0, %mul3A_303 : i32
      %dma_start3A_305 = tpu.memref_slice %arg2[%add3A_304] : memref<800000xi32, #tpu.memory_space<hbm>> -> memref<1000xi32, #tpu.memory_space<hbm>>
      %dma_start3A_306 = tpu.memref_slice %arg2[%add3A_304] : memref<800000xi32, #tpu.memory_space<hbm>> -> memref<1000xi32, #tpu.memory_space<hbm>>
      tpu.enqueue_dma source(%dma_start3A_306 : memref<1000xi32, #tpu.memory_space<hbm>>) target(%arg9 : memref<1000xi32, #tpu.memory_space<vmem>>) target_semaphore(%arg16 : memref<!tpu.dma_semaphore, #tpu.memory_space<semaphore_mem>>)
      %dma_start3A_307 = tpu.memref_slice %arg3[%add3A_304] : memref<800000xi32, #tpu.memory_space<hbm>> -> memref<1000xi32, #tpu.memory_space<hbm>>
      %dma_start3A_308 = tpu.memref_slice %arg3[%add3A_304] : memref<800000xi32, #tpu.memory_space<hbm>> -> memref<1000xi32, #tpu.memory_space<hbm>>
      tpu.enqueue_dma source(%dma_start3A_308 : memref<1000xi32, #tpu.memory_space<hbm>>) target(%arg10 : memref<1000xi32, #tpu.memory_space<vmem>>) target_semaphore(%arg16 : memref<!tpu.dma_semaphore, #tpu.memory_space<semaphore_mem>>)
      %add3A_309 = arith.constant 1 : i32
      %add3A_310 = arith.addi %add3A_278, %add3A_309 : i32
      %add3A_311 = arith.constant 2 : i32
      %add3A_312 = arith.addi %add3A_278, %add3A_311 : i32
      %mul3A_313 = arith.constant 1000 : i32
      %mul3A_314 = arith.muli %add3A_310, %mul3A_313 : i32
      %add3A_315 = arith.addi %mul3A_0, %mul3A_314 : i32
      %dma_wait3A_316 = tpu.memref_slice %arg2[%add3A_315] : memref<800000xi32, #tpu.memory_space<hbm>> -> memref<1000xi32, #tpu.memory_space<hbm>>
      %dma_wait3A_317 = tpu.memref_slice %arg2[%add3A_315] : memref<800000xi32, #tpu.memory_space<hbm>> -> memref<1000xi32, #tpu.memory_space<hbm>>
      tpu.wait_dma2 semaphore(%arg16 : memref<!tpu.dma_semaphore, #tpu.memory_space<semaphore_mem>>) src(%dma_wait3A_317 : memref<1000xi32, #tpu.memory_space<hbm>>) dst(%arg9 : memref<1000xi32, #tpu.memory_space<vmem>>)
      %dma_wait3A_318 = tpu.memref_slice %arg3[%add3A_315] : memref<800000xi32, #tpu.memory_space<hbm>> -> memref<1000xi32, #tpu.memory_space<hbm>>
      %dma_wait3A_319 = tpu.memref_slice %arg3[%add3A_315] : memref<800000xi32, #tpu.memory_space<hbm>> -> memref<1000xi32, #tpu.memory_space<hbm>>
      tpu.wait_dma2 semaphore(%arg16 : memref<!tpu.dma_semaphore, #tpu.memory_space<semaphore_mem>>) src(%dma_wait3A_319 : memref<1000xi32, #tpu.memory_space<hbm>>) dst(%arg10 : memref<1000xi32, #tpu.memory_space<vmem>>)
      %dma_start3A_320 = arith.constant 0 : i32
      %dma_start3A_321 = arith.constant 0 : i32
      %dma_start3A_322 = tpu.memref_slice %arg4[%arg0, %scan3A_32, %dma_start3A_320, %dma_start3A_321] : memref<2x2x50000x16xf32, #tpu.memory_space<hbm>> -> memref<1x1x50000x16xf32, #tpu.memory_space<hbm>>
      %dma_start3A_323 = tpu.memref_squeeze %dma_start3A_322 : memref<1x1x50000x16xf32, #tpu.memory_space<hbm>> -> memref<50000x16xf32, #tpu.memory_space<hbm>>
      %dma_start3A_324 = arith.constant 0 : i32
      %dma_start3A_325 = arith.constant 0 : i32
      %dma_start3A_326 = tpu.memref_slice %dma_start3A_323[%dma_start3A_324, %dma_start3A_325] : memref<50000x16xf32, #tpu.memory_space<hbm>> -> memref<50000x16xf32, #tpu.memory_space<hbm>>
      tpu.enqueue_indirect_dma source(%dma_start3A_326 : memref<50000x16xf32, #tpu.memory_space<hbm>>) target(%arg7 : memref<1000x16xf32, #tpu.memory_space<vmem>>) offsets(%arg9 : memref<1000xi32, #tpu.memory_space<vmem>>) semaphore(%arg14 : memref<!tpu.dma_semaphore, #tpu.memory_space<semaphore_mem>>)
      %dma_wait3A_327 = arith.constant 0 : i32
      %dma_wait3A_328 = arith.constant 0 : i32
      %dma_wait3A_329 = tpu.memref_slice %arg4[%arg0, %scan3A_32, %dma_wait3A_327, %dma_wait3A_328] : memref<2x2x50000x16xf32, #tpu.memory_space<hbm>> -> memref<1x1x50000x16xf32, #tpu.memory_space<hbm>>
      %dma_wait3A_330 = tpu.memref_squeeze %dma_wait3A_329 : memref<1x1x50000x16xf32, #tpu.memory_space<hbm>> -> memref<50000x16xf32, #tpu.memory_space<hbm>>
      %dma_wait3A_331 = arith.constant 0 : i32
      %dma_wait3A_332 = arith.constant 0 : i32
      %dma_wait3A_333 = tpu.memref_slice %dma_wait3A_330[%dma_wait3A_331, %dma_wait3A_332] : memref<50000x16xf32, #tpu.memory_space<hbm>> -> memref<50000x16xf32, #tpu.memory_space<hbm>>
      tpu.wait_indirect_dma semaphore(%arg15 : memref<!tpu.dma_semaphore, #tpu.memory_space<semaphore_mem>>) src(%dma_wait3A_333 : memref<50000x16xf32, #tpu.memory_space<hbm>>) dst(%arg8 : memref<1000x16xf32, #tpu.memory_space<vmem>>)
      "tpu.region"() ({
        %run_scoped3A = tpu.sem_alloc : memref<!tpu.dma_semaphore, #tpu.memory_space<semaphore_mem>>
        %dma_start3A_342 = arith.constant 0 : i32
        %dma_start3A_343 = arith.constant 0 : i32
        %dma_start3A_344 = tpu.memref_slice %arg13[%dma_start3A_342, %dma_start3A_343] : memref<50000x16xf32, #tpu.memory_space<vmem_shared>> -> memref<50000x16xf32, #tpu.memory_space<vmem_shared>>
        tpu.enqueue_indirect_dma source(%arg8 : memref<1000x16xf32, #tpu.memory_space<vmem>>) target(%dma_start3A_344 : memref<50000x16xf32, #tpu.memory_space<vmem_shared>>) offsets(%arg12 : memref<1000xi32, #tpu.memory_space<vmem>>) semaphore(%run_scoped3A : memref<!tpu.dma_semaphore, #tpu.memory_space<semaphore_mem>>) {add = true}
        %dma_wait3A_345 = arith.constant 0 : i32
        %dma_wait3A_346 = arith.constant 0 : i32
        %dma_wait3A_347 = tpu.memref_slice %arg13[%dma_wait3A_345, %dma_wait3A_346] : memref<50000x16xf32, #tpu.memory_space<vmem_shared>> -> memref<50000x16xf32, #tpu.memory_space<vmem_shared>>
        tpu.wait_indirect_dma semaphore(%run_scoped3A : memref<!tpu.dma_semaphore, #tpu.memory_space<semaphore_mem>>) src(%arg8 : memref<1000x16xf32, #tpu.memory_space<vmem>>) dst(%dma_wait3A_347 : memref<50000x16xf32, #tpu.memory_space<vmem_shared>>)
        tpu.yield
      }) : () -> ()
      %mul3A_334 = arith.constant 1000 : i32
      %mul3A_335 = arith.muli %add3A_312, %mul3A_334 : i32
      %add3A_336 = arith.addi %mul3A_0, %mul3A_335 : i32
      %dma_start3A_337 = tpu.memref_slice %arg2[%add3A_336] : memref<800000xi32, #tpu.memory_space<hbm>> -> memref<1000xi32, #tpu.memory_space<hbm>>
      %dma_start3A_338 = tpu.memref_slice %arg2[%add3A_336] : memref<800000xi32, #tpu.memory_space<hbm>> -> memref<1000xi32, #tpu.memory_space<hbm>>
      tpu.enqueue_dma source(%dma_start3A_338 : memref<1000xi32, #tpu.memory_space<hbm>>) target(%arg11 : memref<1000xi32, #tpu.memory_space<vmem>>) target_semaphore(%arg17 : memref<!tpu.dma_semaphore, #tpu.memory_space<semaphore_mem>>)
      %dma_start3A_339 = tpu.memref_slice %arg3[%add3A_336] : memref<800000xi32, #tpu.memory_space<hbm>> -> memref<1000xi32, #tpu.memory_space<hbm>>
      %dma_start3A_340 = tpu.memref_slice %arg3[%add3A_336] : memref<800000xi32, #tpu.memory_space<hbm>> -> memref<1000xi32, #tpu.memory_space<hbm>>
      tpu.enqueue_dma source(%dma_start3A_340 : memref<1000xi32, #tpu.memory_space<hbm>>) target(%arg12 : memref<1000xi32, #tpu.memory_space<vmem>>) target_semaphore(%arg17 : memref<!tpu.dma_semaphore, #tpu.memory_space<semaphore_mem>>)
      %scan3A_341 = arith.constant 0 : i32
      scf.yield %scan3A_341 : i32
    }
    %scan3A_39 = arith.constant 23 : i32
    %add3A_40 = arith.constant 47000 : i32
    %add3A_41 = arith.addi %mul3A_0, %add3A_40 : i32
    %dma_wait3A_42 = tpu.memref_slice %arg2[%add3A_41] : memref<800000xi32, #tpu.memory_space<hbm>> -> memref<1000xi32, #tpu.memory_space<hbm>>
    %dma_wait3A_43 = tpu.memref_slice %arg2[%add3A_41] : memref<800000xi32, #tpu.memory_space<hbm>> -> memref<1000xi32, #tpu.memory_space<hbm>>
    tpu.wait_dma2 semaphore(%arg17 : memref<!tpu.dma_semaphore, #tpu.memory_space<semaphore_mem>>) src(%dma_wait3A_43 : memref<1000xi32, #tpu.memory_space<hbm>>) dst(%arg11 : memref<1000xi32, #tpu.memory_space<vmem>>)
    %dma_wait3A_44 = tpu.memref_slice %arg3[%add3A_41] : memref<800000xi32, #tpu.memory_space<hbm>> -> memref<1000xi32, #tpu.memory_space<hbm>>
    %dma_wait3A_45 = tpu.memref_slice %arg3[%add3A_41] : memref<800000xi32, #tpu.memory_space<hbm>> -> memref<1000xi32, #tpu.memory_space<hbm>>
    tpu.wait_dma2 semaphore(%arg17 : memref<!tpu.dma_semaphore, #tpu.memory_space<semaphore_mem>>) src(%dma_wait3A_45 : memref<1000xi32, #tpu.memory_space<hbm>>) dst(%arg12 : memref<1000xi32, #tpu.memory_space<vmem>>)
    %dma_start3A_46 = arith.constant 0 : i32
    %dma_start3A_47 = arith.constant 0 : i32
    %dma_start3A_48 = arith.constant 0 : i32
    %dma_start3A_49 = tpu.memref_slice %arg4[%arg0, %dma_start3A_46, %dma_start3A_47, %dma_start3A_48] : memref<2x2x50000x16xf32, #tpu.memory_space<hbm>> -> memref<1x1x50000x16xf32, #tpu.memory_space<hbm>>
    %dma_start3A_50 = tpu.memref_squeeze %dma_start3A_49 : memref<1x1x50000x16xf32, #tpu.memory_space<hbm>> -> memref<50000x16xf32, #tpu.memory_space<hbm>>
    %dma_start3A_51 = arith.constant 0 : i32
    %dma_start3A_52 = arith.constant 0 : i32
    %dma_start3A_53 = tpu.memref_slice %dma_start3A_50[%dma_start3A_51, %dma_start3A_52] : memref<50000x16xf32, #tpu.memory_space<hbm>> -> memref<50000x16xf32, #tpu.memory_space<hbm>>
    tpu.enqueue_indirect_dma source(%dma_start3A_53 : memref<50000x16xf32, #tpu.memory_space<hbm>>) target(%arg8 : memref<1000x16xf32, #tpu.memory_space<vmem>>) offsets(%arg11 : memref<1000xi32, #tpu.memory_space<vmem>>) semaphore(%arg15 : memref<!tpu.dma_semaphore, #tpu.memory_space<semaphore_mem>>)
    %dma_wait3A_54 = arith.constant 0 : i32
    %dma_wait3A_55 = arith.constant 0 : i32
    %dma_wait3A_56 = arith.constant 0 : i32
    %dma_wait3A_57 = tpu.memref_slice %arg4[%arg0, %dma_wait3A_54, %dma_wait3A_55, %dma_wait3A_56] : memref<2x2x50000x16xf32, #tpu.memory_space<hbm>> -> memref<1x1x50000x16xf32, #tpu.memory_space<hbm>>
    %dma_wait3A_58 = tpu.memref_squeeze %dma_wait3A_57 : memref<1x1x50000x16xf32, #tpu.memory_space<hbm>> -> memref<50000x16xf32, #tpu.memory_space<hbm>>
    %dma_wait3A_59 = arith.constant 0 : i32
    %dma_wait3A_60 = arith.constant 0 : i32
    %dma_wait3A_61 = tpu.memref_slice %dma_wait3A_58[%dma_wait3A_59, %dma_wait3A_60] : memref<50000x16xf32, #tpu.memory_space<hbm>> -> memref<50000x16xf32, #tpu.memory_space<hbm>>
    tpu.wait_indirect_dma semaphore(%arg14 : memref<!tpu.dma_semaphore, #tpu.memory_space<semaphore_mem>>) src(%dma_wait3A_61 : memref<50000x16xf32, #tpu.memory_space<hbm>>) dst(%arg7 : memref<1000x16xf32, #tpu.memory_space<vmem>>)
    "tpu.region"() ({
      %run_scoped3A = tpu.sem_alloc : memref<!tpu.dma_semaphore, #tpu.memory_space<semaphore_mem>>
      %dma_start3A_273 = arith.constant 0 : i32
      %dma_start3A_274 = arith.constant 0 : i32
      %dma_start3A_275 = tpu.memref_slice %arg13[%dma_start3A_273, %dma_start3A_274] : memref<50000x16xf32, #tpu.memory_space<vmem_shared>> -> memref<50000x16xf32, #tpu.memory_space<vmem_shared>>
      tpu.enqueue_indirect_dma source(%arg7 : memref<1000x16xf32, #tpu.memory_space<vmem>>) target(%dma_start3A_275 : memref<50000x16xf32, #tpu.memory_space<vmem_shared>>) offsets(%arg10 : memref<1000xi32, #tpu.memory_space<vmem>>) semaphore(%run_scoped3A : memref<!tpu.dma_semaphore, #tpu.memory_space<semaphore_mem>>) {add = true}
      %dma_wait3A_276 = arith.constant 0 : i32
      %dma_wait3A_277 = arith.constant 0 : i32
      %dma_wait3A_278 = tpu.memref_slice %arg13[%dma_wait3A_276, %dma_wait3A_277] : memref<50000x16xf32, #tpu.memory_space<vmem_shared>> -> memref<50000x16xf32, #tpu.memory_space<vmem_shared>>
      tpu.wait_indirect_dma semaphore(%run_scoped3A : memref<!tpu.dma_semaphore, #tpu.memory_space<semaphore_mem>>) src(%arg7 : memref<1000x16xf32, #tpu.memory_space<vmem>>) dst(%dma_wait3A_278 : memref<50000x16xf32, #tpu.memory_space<vmem_shared>>)
      tpu.yield
    }) : () -> ()
    %add3A_62 = arith.constant 48000 : i32
    %add3A_63 = arith.addi %mul3A_0, %add3A_62 : i32
    %dma_start3A_64 = tpu.memref_slice %arg2[%add3A_63] : memref<800000xi32, #tpu.memory_space<hbm>> -> memref<1000xi32, #tpu.memory_space<hbm>>
    %dma_start3A_65 = tpu.memref_slice %arg2[%add3A_63] : memref<800000xi32, #tpu.memory_space<hbm>> -> memref<1000xi32, #tpu.memory_space<hbm>>
    tpu.enqueue_dma source(%dma_start3A_65 : memref<1000xi32, #tpu.memory_space<hbm>>) target(%arg9 : memref<1000xi32, #tpu.memory_space<vmem>>) target_semaphore(%arg16 : memref<!tpu.dma_semaphore, #tpu.memory_space<semaphore_mem>>)
    %dma_start3A_66 = tpu.memref_slice %arg3[%add3A_63] : memref<800000xi32, #tpu.memory_space<hbm>> -> memref<1000xi32, #tpu.memory_space<hbm>>
    %dma_start3A_67 = tpu.memref_slice %arg3[%add3A_63] : memref<800000xi32, #tpu.memory_space<hbm>> -> memref<1000xi32, #tpu.memory_space<hbm>>
    tpu.enqueue_dma source(%dma_start3A_67 : memref<1000xi32, #tpu.memory_space<hbm>>) target(%arg10 : memref<1000xi32, #tpu.memory_space<vmem>>) target_semaphore(%arg16 : memref<!tpu.dma_semaphore, #tpu.memory_space<semaphore_mem>>)
    %add3A_68 = arith.constant 48000 : i32
    %add3A_69 = arith.addi %mul3A_0, %add3A_68 : i32
    %dma_wait3A_70 = tpu.memref_slice %arg2[%add3A_69] : memref<800000xi32, #tpu.memory_space<hbm>> -> memref<1000xi32, #tpu.memory_space<hbm>>
    %dma_wait3A_71 = tpu.memref_slice %arg2[%add3A_69] : memref<800000xi32, #tpu.memory_space<hbm>> -> memref<1000xi32, #tpu.memory_space<hbm>>
    tpu.wait_dma2 semaphore(%arg16 : memref<!tpu.dma_semaphore, #tpu.memory_space<semaphore_mem>>) src(%dma_wait3A_71 : memref<1000xi32, #tpu.memory_space<hbm>>) dst(%arg9 : memref<1000xi32, #tpu.memory_space<vmem>>)
    %dma_wait3A_72 = tpu.memref_slice %arg3[%add3A_69] : memref<800000xi32, #tpu.memory_space<hbm>> -> memref<1000xi32, #tpu.memory_space<hbm>>
    %dma_wait3A_73 = tpu.memref_slice %arg3[%add3A_69] : memref<800000xi32, #tpu.memory_space<hbm>> -> memref<1000xi32, #tpu.memory_space<hbm>>
    tpu.wait_dma2 semaphore(%arg16 : memref<!tpu.dma_semaphore, #tpu.memory_space<semaphore_mem>>) src(%dma_wait3A_73 : memref<1000xi32, #tpu.memory_space<hbm>>) dst(%arg10 : memref<1000xi32, #tpu.memory_space<vmem>>)
    %dma_start3A_74 = arith.constant 0 : i32
    %dma_start3A_75 = arith.constant 0 : i32
    %dma_start3A_76 = arith.constant 0 : i32
    %dma_start3A_77 = tpu.memref_slice %arg4[%arg0, %dma_start3A_74, %dma_start3A_75, %dma_start3A_76] : memref<2x2x50000x16xf32, #tpu.memory_space<hbm>> -> memref<1x1x50000x16xf32, #tpu.memory_space<hbm>>
    %dma_start3A_78 = tpu.memref_squeeze %dma_start3A_77 : memref<1x1x50000x16xf32, #tpu.memory_space<hbm>> -> memref<50000x16xf32, #tpu.memory_space<hbm>>
    %dma_start3A_79 = arith.constant 0 : i32
    %dma_start3A_80 = arith.constant 0 : i32
    %dma_start3A_81 = tpu.memref_slice %dma_start3A_78[%dma_start3A_79, %dma_start3A_80] : memref<50000x16xf32, #tpu.memory_space<hbm>> -> memref<50000x16xf32, #tpu.memory_space<hbm>>
    tpu.enqueue_indirect_dma source(%dma_start3A_81 : memref<50000x16xf32, #tpu.memory_space<hbm>>) target(%arg7 : memref<1000x16xf32, #tpu.memory_space<vmem>>) offsets(%arg9 : memref<1000xi32, #tpu.memory_space<vmem>>) semaphore(%arg14 : memref<!tpu.dma_semaphore, #tpu.memory_space<semaphore_mem>>)
    %dma_wait3A_82 = arith.constant 0 : i32
    %dma_wait3A_83 = arith.constant 0 : i32
    %dma_wait3A_84 = arith.constant 0 : i32
    %dma_wait3A_85 = tpu.memref_slice %arg4[%arg0, %dma_wait3A_82, %dma_wait3A_83, %dma_wait3A_84] : memref<2x2x50000x16xf32, #tpu.memory_space<hbm>> -> memref<1x1x50000x16xf32, #tpu.memory_space<hbm>>
    %dma_wait3A_86 = tpu.memref_squeeze %dma_wait3A_85 : memref<1x1x50000x16xf32, #tpu.memory_space<hbm>> -> memref<50000x16xf32, #tpu.memory_space<hbm>>
    %dma_wait3A_87 = arith.constant 0 : i32
    %dma_wait3A_88 = arith.constant 0 : i32
    %dma_wait3A_89 = tpu.memref_slice %dma_wait3A_86[%dma_wait3A_87, %dma_wait3A_88] : memref<50000x16xf32, #tpu.memory_space<hbm>> -> memref<50000x16xf32, #tpu.memory_space<hbm>>
    tpu.wait_indirect_dma semaphore(%arg15 : memref<!tpu.dma_semaphore, #tpu.memory_space<semaphore_mem>>) src(%dma_wait3A_89 : memref<50000x16xf32, #tpu.memory_space<hbm>>) dst(%arg8 : memref<1000x16xf32, #tpu.memory_space<vmem>>)
    "tpu.region"() ({
      %run_scoped3A = tpu.sem_alloc : memref<!tpu.dma_semaphore, #tpu.memory_space<semaphore_mem>>
      %dma_start3A_273 = arith.constant 0 : i32
      %dma_start3A_274 = arith.constant 0 : i32
      %dma_start3A_275 = tpu.memref_slice %arg13[%dma_start3A_273, %dma_start3A_274] : memref<50000x16xf32, #tpu.memory_space<vmem_shared>> -> memref<50000x16xf32, #tpu.memory_space<vmem_shared>>
      tpu.enqueue_indirect_dma source(%arg8 : memref<1000x16xf32, #tpu.memory_space<vmem>>) target(%dma_start3A_275 : memref<50000x16xf32, #tpu.memory_space<vmem_shared>>) offsets(%arg12 : memref<1000xi32, #tpu.memory_space<vmem>>) semaphore(%run_scoped3A : memref<!tpu.dma_semaphore, #tpu.memory_space<semaphore_mem>>) {add = true}
      %dma_wait3A_276 = arith.constant 0 : i32
      %dma_wait3A_277 = arith.constant 0 : i32
      %dma_wait3A_278 = tpu.memref_slice %arg13[%dma_wait3A_276, %dma_wait3A_277] : memref<50000x16xf32, #tpu.memory_space<vmem_shared>> -> memref<50000x16xf32, #tpu.memory_space<vmem_shared>>
      tpu.wait_indirect_dma semaphore(%run_scoped3A : memref<!tpu.dma_semaphore, #tpu.memory_space<semaphore_mem>>) src(%arg8 : memref<1000x16xf32, #tpu.memory_space<vmem>>) dst(%dma_wait3A_278 : memref<50000x16xf32, #tpu.memory_space<vmem_shared>>)
      tpu.yield
    }) : () -> ()
    %add3A_90 = arith.constant 49000 : i32
    %add3A_91 = arith.addi %mul3A_0, %add3A_90 : i32
    %dma_start3A_92 = tpu.memref_slice %arg2[%add3A_91] : memref<800000xi32, #tpu.memory_space<hbm>> -> memref<1000xi32, #tpu.memory_space<hbm>>
    %dma_start3A_93 = tpu.memref_slice %arg2[%add3A_91] : memref<800000xi32, #tpu.memory_space<hbm>> -> memref<1000xi32, #tpu.memory_space<hbm>>
    tpu.enqueue_dma source(%dma_start3A_93 : memref<1000xi32, #tpu.memory_space<hbm>>) target(%arg11 : memref<1000xi32, #tpu.memory_space<vmem>>) target_semaphore(%arg17 : memref<!tpu.dma_semaphore, #tpu.memory_space<semaphore_mem>>)
    %dma_start3A_94 = tpu.memref_slice %arg3[%add3A_91] : memref<800000xi32, #tpu.memory_space<hbm>> -> memref<1000xi32, #tpu.memory_space<hbm>>
    %dma_start3A_95 = tpu.memref_slice %arg3[%add3A_91] : memref<800000xi32, #tpu.memory_space<hbm>> -> memref<1000xi32, #tpu.memory_space<hbm>>
    tpu.enqueue_dma source(%dma_start3A_95 : memref<1000xi32, #tpu.memory_space<hbm>>) target(%arg12 : memref<1000xi32, #tpu.memory_space<vmem>>) target_semaphore(%arg17 : memref<!tpu.dma_semaphore, #tpu.memory_space<semaphore_mem>>)
    %add3A_96 = arith.constant 49000 : i32
    %add3A_97 = arith.addi %mul3A_0, %add3A_96 : i32
    %dma_wait3A_98 = tpu.memref_slice %arg2[%add3A_97] : memref<800000xi32, #tpu.memory_space<hbm>> -> memref<1000xi32, #tpu.memory_space<hbm>>
    %dma_wait3A_99 = tpu.memref_slice %arg2[%add3A_97] : memref<800000xi32, #tpu.memory_space<hbm>> -> memref<1000xi32, #tpu.memory_space<hbm>>
    tpu.wait_dma2 semaphore(%arg17 : memref<!tpu.dma_semaphore, #tpu.memory_space<semaphore_mem>>) src(%dma_wait3A_99 : memref<1000xi32, #tpu.memory_space<hbm>>) dst(%arg11 : memref<1000xi32, #tpu.memory_space<vmem>>)
    %dma_wait3A_100 = tpu.memref_slice %arg3[%add3A_97] : memref<800000xi32, #tpu.memory_space<hbm>> -> memref<1000xi32, #tpu.memory_space<hbm>>
    %dma_wait3A_101 = tpu.memref_slice %arg3[%add3A_97] : memref<800000xi32, #tpu.memory_space<hbm>> -> memref<1000xi32, #tpu.memory_space<hbm>>
    tpu.wait_dma2 semaphore(%arg17 : memref<!tpu.dma_semaphore, #tpu.memory_space<semaphore_mem>>) src(%dma_wait3A_101 : memref<1000xi32, #tpu.memory_space<hbm>>) dst(%arg12 : memref<1000xi32, #tpu.memory_space<vmem>>)
    %dma_start3A_102 = arith.constant 0 : i32
    %dma_start3A_103 = arith.constant 0 : i32
    %dma_start3A_104 = arith.constant 0 : i32
    %dma_start3A_105 = tpu.memref_slice %arg4[%arg0, %dma_start3A_102, %dma_start3A_103, %dma_start3A_104] : memref<2x2x50000x16xf32, #tpu.memory_space<hbm>> -> memref<1x1x50000x16xf32, #tpu.memory_space<hbm>>
    %dma_start3A_106 = tpu.memref_squeeze %dma_start3A_105 : memref<1x1x50000x16xf32, #tpu.memory_space<hbm>> -> memref<50000x16xf32, #tpu.memory_space<hbm>>
    %dma_start3A_107 = arith.constant 0 : i32
    %dma_start3A_108 = arith.constant 0 : i32
    %dma_start3A_109 = tpu.memref_slice %dma_start3A_106[%dma_start3A_107, %dma_start3A_108] : memref<50000x16xf32, #tpu.memory_space<hbm>> -> memref<50000x16xf32, #tpu.memory_space<hbm>>
    tpu.enqueue_indirect_dma source(%dma_start3A_109 : memref<50000x16xf32, #tpu.memory_space<hbm>>) target(%arg8 : memref<1000x16xf32, #tpu.memory_space<vmem>>) offsets(%arg11 : memref<1000xi32, #tpu.memory_space<vmem>>) semaphore(%arg15 : memref<!tpu.dma_semaphore, #tpu.memory_space<semaphore_mem>>)
    %dma_wait3A_110 = arith.constant 0 : i32
    %dma_wait3A_111 = arith.constant 0 : i32
    %dma_wait3A_112 = arith.constant 0 : i32
    %dma_wait3A_113 = tpu.memref_slice %arg4[%arg0, %dma_wait3A_110, %dma_wait3A_111, %dma_wait3A_112] : memref<2x2x50000x16xf32, #tpu.memory_space<hbm>> -> memref<1x1x50000x16xf32, #tpu.memory_space<hbm>>
    %dma_wait3A_114 = tpu.memref_squeeze %dma_wait3A_113 : memref<1x1x50000x16xf32, #tpu.memory_space<hbm>> -> memref<50000x16xf32, #tpu.memory_space<hbm>>
    %dma_wait3A_115 = arith.constant 0 : i32
    %dma_wait3A_116 = arith.constant 0 : i32
    %dma_wait3A_117 = tpu.memref_slice %dma_wait3A_114[%dma_wait3A_115, %dma_wait3A_116] : memref<50000x16xf32, #tpu.memory_space<hbm>> -> memref<50000x16xf32, #tpu.memory_space<hbm>>
    tpu.wait_indirect_dma semaphore(%arg14 : memref<!tpu.dma_semaphore, #tpu.memory_space<semaphore_mem>>) src(%dma_wait3A_117 : memref<50000x16xf32, #tpu.memory_space<hbm>>) dst(%arg7 : memref<1000x16xf32, #tpu.memory_space<vmem>>)
    "tpu.region"() ({
      %run_scoped3A = tpu.sem_alloc : memref<!tpu.dma_semaphore, #tpu.memory_space<semaphore_mem>>
      %dma_start3A_273 = arith.constant 0 : i32
      %dma_start3A_274 = arith.constant 0 : i32
      %dma_start3A_275 = tpu.memref_slice %arg13[%dma_start3A_273, %dma_start3A_274] : memref<50000x16xf32, #tpu.memory_space<vmem_shared>> -> memref<50000x16xf32, #tpu.memory_space<vmem_shared>>
      tpu.enqueue_indirect_dma source(%arg7 : memref<1000x16xf32, #tpu.memory_space<vmem>>) target(%dma_start3A_275 : memref<50000x16xf32, #tpu.memory_space<vmem_shared>>) offsets(%arg10 : memref<1000xi32, #tpu.memory_space<vmem>>) semaphore(%run_scoped3A : memref<!tpu.dma_semaphore, #tpu.memory_space<semaphore_mem>>) {add = true}
      %dma_wait3A_276 = arith.constant 0 : i32
      %dma_wait3A_277 = arith.constant 0 : i32
      %dma_wait3A_278 = tpu.memref_slice %arg13[%dma_wait3A_276, %dma_wait3A_277] : memref<50000x16xf32, #tpu.memory_space<vmem_shared>> -> memref<50000x16xf32, #tpu.memory_space<vmem_shared>>
      tpu.wait_indirect_dma semaphore(%run_scoped3A : memref<!tpu.dma_semaphore, #tpu.memory_space<semaphore_mem>>) src(%arg7 : memref<1000x16xf32, #tpu.memory_space<vmem>>) dst(%dma_wait3A_278 : memref<50000x16xf32, #tpu.memory_space<vmem_shared>>)
      tpu.yield
    }) : () -> ()
    %dma_wait3A_118 = arith.constant 0 : i32
    %dma_wait3A_119 = arith.constant 0 : i32
    %dma_wait3A_120 = arith.constant 0 : i32
    %dma_wait3A_121 = tpu.memref_slice %arg4[%arg0, %dma_wait3A_118, %dma_wait3A_119, %dma_wait3A_120] : memref<2x2x50000x16xf32, #tpu.memory_space<hbm>> -> memref<1x1x50000x16xf32, #tpu.memory_space<hbm>>
    %dma_wait3A_122 = tpu.memref_squeeze %dma_wait3A_121 : memref<1x1x50000x16xf32, #tpu.memory_space<hbm>> -> memref<50000x16xf32, #tpu.memory_space<hbm>>
    %dma_wait3A_123 = arith.constant 0 : i32
    %dma_wait3A_124 = arith.constant 0 : i32
    %dma_wait3A_125 = tpu.memref_slice %dma_wait3A_122[%dma_wait3A_123, %dma_wait3A_124] : memref<50000x16xf32, #tpu.memory_space<hbm>> -> memref<50000x16xf32, #tpu.memory_space<hbm>>
    tpu.wait_indirect_dma semaphore(%arg15 : memref<!tpu.dma_semaphore, #tpu.memory_space<semaphore_mem>>) src(%dma_wait3A_125 : memref<50000x16xf32, #tpu.memory_space<hbm>>) dst(%arg8 : memref<1000x16xf32, #tpu.memory_space<vmem>>)
    "tpu.region"() ({
      %run_scoped3A = tpu.sem_alloc : memref<!tpu.dma_semaphore, #tpu.memory_space<semaphore_mem>>
      %dma_start3A_273 = arith.constant 0 : i32
      %dma_start3A_274 = arith.constant 0 : i32
      %dma_start3A_275 = tpu.memref_slice %arg13[%dma_start3A_273, %dma_start3A_274] : memref<50000x16xf32, #tpu.memory_space<vmem_shared>> -> memref<50000x16xf32, #tpu.memory_space<vmem_shared>>
      tpu.enqueue_indirect_dma source(%arg8 : memref<1000x16xf32, #tpu.memory_space<vmem>>) target(%dma_start3A_275 : memref<50000x16xf32, #tpu.memory_space<vmem_shared>>) offsets(%arg12 : memref<1000xi32, #tpu.memory_space<vmem>>) semaphore(%run_scoped3A : memref<!tpu.dma_semaphore, #tpu.memory_space<semaphore_mem>>) {add = true}
      %dma_wait3A_276 = arith.constant 0 : i32
      %dma_wait3A_277 = arith.constant 0 : i32
      %dma_wait3A_278 = tpu.memref_slice %arg13[%dma_wait3A_276, %dma_wait3A_277] : memref<50000x16xf32, #tpu.memory_space<vmem_shared>> -> memref<50000x16xf32, #tpu.memory_space<vmem_shared>>
      tpu.wait_indirect_dma semaphore(%run_scoped3A : memref<!tpu.dma_semaphore, #tpu.memory_space<semaphore_mem>>) src(%arg8 : memref<1000x16xf32, #tpu.memory_space<vmem>>) dst(%dma_wait3A_278 : memref<50000x16xf32, #tpu.memory_space<vmem_shared>>)
      tpu.yield
    }) : () -> ()
    %barrier3A_126 = arith.constant 0 : index
    tpu.barrier barrier_id(%barrier3A_126)
    %lt3A_127 = arith.constant 10 : i32
    %lt3A_128 = arith.cmpi slt, %arg1, %lt3A_127 : i32
    %convert_element_type3A_129 = arith.extui %lt3A_128 : i1 to i32
    %cond3A_130 = arith.constant 0 : i32
    %cond3A_131 = arith.constant 0 : i32
    %cond3A_132 = arith.cmpi ne, %convert_element_type3A_129, %cond3A_131 : i32
    scf.if %cond3A_132 {
      %scan3A_273 = arith.constant 0 : i32
      %scan3A_274 = arith.constant 0 : i32
      %scan3A_275 = arith.constant 8 : i32
      %scan3A_276 = arith.addi %scan3A_274, %scan3A_275 : i32
      %scan3A_277 = arith.constant 1 : i32
      %scan3A_278 = scf.for %scan3A_280 = %scan3A_274 to %scan3A_276 step %scan3A_277 iter_args(%scan3A_281 = %scan3A_273) -> (i32)  : i32 {
        %mul3A_282 = arith.constant 5000 : i32
        %mul3A_283 = arith.muli %arg1, %mul3A_282 : i32
        %mul3A_284 = arith.constant 625 : i32
        %mul3A_285 = arith.muli %scan3A_280, %mul3A_284 : i32
        %add3A_286 = arith.addi %mul3A_283, %mul3A_285 : i32
        "tpu.region"() ({
          %run_scoped3A = tpu.sem_alloc : memref<!tpu.dma_semaphore, #tpu.memory_space<semaphore_mem>>
          %dma_start3A_288 = arith.constant 0 : i32
          %dma_start3A_289 = tpu.memref_slice %arg13[%add3A_286, %dma_start3A_288] : memref<50000x16xf32, #tpu.memory_space<vmem_shared>> -> memref<625x16xf32, #tpu.memory_space<vmem_shared>>
          %dma_start3A_290 = arith.constant 0 : i32
          %dma_start3A_291 = tpu.memref_slice %arg13[%add3A_286, %dma_start3A_290] : memref<50000x16xf32, #tpu.memory_space<vmem_shared>> -> memref<625x16xf32, #tpu.memory_space<vmem_shared>>
          tpu.enqueue_dma source(%dma_start3A_291 : memref<625x16xf32, #tpu.memory_space<vmem_shared>>) target(%arg6 : memref<625x16xf32, #tpu.memory_space<vmem>>) target_semaphore(%run_scoped3A : memref<!tpu.dma_semaphore, #tpu.memory_space<semaphore_mem>>)
          %dma_wait3A_292 = arith.constant 0 : i32
          %dma_wait3A_293 = tpu.memref_slice %arg13[%add3A_286, %dma_wait3A_292] : memref<50000x16xf32, #tpu.memory_space<vmem_shared>> -> memref<625x16xf32, #tpu.memory_space<vmem_shared>>
          %dma_wait3A_294 = arith.constant 0 : i32
          %dma_wait3A_295 = tpu.memref_slice %arg13[%add3A_286, %dma_wait3A_294] : memref<50000x16xf32, #tpu.memory_space<vmem_shared>> -> memref<625x16xf32, #tpu.memory_space<vmem_shared>>
          tpu.wait_dma2 semaphore(%run_scoped3A : memref<!tpu.dma_semaphore, #tpu.memory_space<semaphore_mem>>) src(%dma_wait3A_295 : memref<625x16xf32, #tpu.memory_space<vmem_shared>>) dst(%arg6 : memref<625x16xf32, #tpu.memory_space<vmem>>)
          tpu.yield
        }) : () -> ()
        "tpu.region"() ({
          %run_scoped3A = tpu.sem_alloc : memref<!tpu.dma_semaphore, #tpu.memory_space<semaphore_mem>>
          %dma_start3A_288 = arith.constant 0 : i32
          %dma_start3A_289 = arith.constant 0 : i32
          %dma_start3A_290 = tpu.memref_slice %arg5[%arg0, %cond3A_130, %dma_start3A_288, %dma_start3A_289] : memref<2x2x50000x16xf32, #tpu.memory_space<hbm>> -> memref<1x1x50000x16xf32, #tpu.memory_space<hbm>>
          %dma_start3A_291 = tpu.memref_squeeze %dma_start3A_290 : memref<1x1x50000x16xf32, #tpu.memory_space<hbm>> -> memref<50000x16xf32, #tpu.memory_space<hbm>>
          %dma_start3A_292 = arith.constant 0 : i32
          %dma_start3A_293 = tpu.memref_slice %dma_start3A_291[%add3A_286, %dma_start3A_292] : memref<50000x16xf32, #tpu.memory_space<hbm>> -> memref<625x16xf32, #tpu.memory_space<hbm>>
          %dma_start3A_294 = arith.constant 0 : i32
          %dma_start3A_295 = arith.constant 0 : i32
          %dma_start3A_296 = tpu.memref_slice %arg5[%arg0, %cond3A_130, %dma_start3A_294, %dma_start3A_295] : memref<2x2x50000x16xf32, #tpu.memory_space<hbm>> -> memref<1x1x50000x16xf32, #tpu.memory_space<hbm>>
          %dma_start3A_297 = tpu.memref_squeeze %dma_start3A_296 : memref<1x1x50000x16xf32, #tpu.memory_space<hbm>> -> memref<50000x16xf32, #tpu.memory_space<hbm>>
          %dma_start3A_298 = arith.constant 0 : i32
          %dma_start3A_299 = tpu.memref_slice %dma_start3A_297[%add3A_286, %dma_start3A_298] : memref<50000x16xf32, #tpu.memory_space<hbm>> -> memref<625x16xf32, #tpu.memory_space<hbm>>
          tpu.enqueue_dma source(%arg6 : memref<625x16xf32, #tpu.memory_space<vmem>>) target(%dma_start3A_299 : memref<625x16xf32, #tpu.memory_space<hbm>>) target_semaphore(%run_scoped3A : memref<!tpu.dma_semaphore, #tpu.memory_space<semaphore_mem>>)
          %dma_wait3A_300 = arith.constant 0 : i32
          %dma_wait3A_301 = arith.constant 0 : i32
          %dma_wait3A_302 = tpu.memref_slice %arg5[%arg0, %cond3A_130, %dma_wait3A_300, %dma_wait3A_301] : memref<2x2x50000x16xf32, #tpu.memory_space<hbm>> -> memref<1x1x50000x16xf32, #tpu.memory_space<hbm>>
          %dma_wait3A_303 = tpu.memref_squeeze %dma_wait3A_302 : memref<1x1x50000x16xf32, #tpu.memory_space<hbm>> -> memref<50000x16xf32, #tpu.memory_space<hbm>>
          %dma_wait3A_304 = arith.constant 0 : i32
          %dma_wait3A_305 = tpu.memref_slice %dma_wait3A_303[%add3A_286, %dma_wait3A_304] : memref<50000x16xf32, #tpu.memory_space<hbm>> -> memref<625x16xf32, #tpu.memory_space<hbm>>
          %dma_wait3A_306 = arith.constant 0 : i32
          %dma_wait3A_307 = arith.constant 0 : i32
          %dma_wait3A_308 = tpu.memref_slice %arg5[%arg0, %cond3A_130, %dma_wait3A_306, %dma_wait3A_307] : memref<2x2x50000x16xf32, #tpu.memory_space<hbm>> -> memref<1x1x50000x16xf32, #tpu.memory_space<hbm>>
          %dma_wait3A_309 = tpu.memref_squeeze %dma_wait3A_308 : memref<1x1x50000x16xf32, #tpu.memory_space<hbm>> -> memref<50000x16xf32, #tpu.memory_space<hbm>>
          %dma_wait3A_310 = arith.constant 0 : i32
          %dma_wait3A_311 = tpu.memref_slice %dma_wait3A_309[%add3A_286, %dma_wait3A_310] : memref<50000x16xf32, #tpu.memory_space<hbm>> -> memref<625x16xf32, #tpu.memory_space<hbm>>
          tpu.wait_dma2 semaphore(%run_scoped3A : memref<!tpu.dma_semaphore, #tpu.memory_space<semaphore_mem>>) src(%arg6 : memref<625x16xf32, #tpu.memory_space<vmem>>) dst(%dma_wait3A_311 : memref<625x16xf32, #tpu.memory_space<hbm>>)
          tpu.yield
        }) : () -> ()
        %scan3A_287 = arith.constant 0 : i32
        scf.yield %scan3A_287 : i32
      }
      %scan3A_279 = arith.constant 8 : i32
    } else {
    }
    %scan3A_133 = arith.constant 0 : i32
    %scan3A_134 = arith.constant 0 : i32
    %scan3A_135 = arith.constant 625 : i32
    %scan3A_136 = arith.addi %scan3A_134, %scan3A_135 : i32
    %scan3A_137 = arith.constant 1 : i32
    %scan3A_138 = scf.for %scan3A_273 = %scan3A_134 to %scan3A_136 step %scan3A_137 iter_args(%scan3A_274 = %scan3A_133) -> (i32)  : i32 {
      %broadcast_in_dim3A = arith.constant 0.000000e+00 : f32
      %broadcast_in_dim3A_275 = vector.broadcast %broadcast_in_dim3A : f32 to vector<16xf32>
      %swap3A = arith.index_cast %scan3A_273 : i32 to index
      %swap3A_276 = arith.constant 0 : index
      %swap3A_277 = tpu.vector_load %arg6[%swap3A, %swap3A_276] {strides = array<i32>} : memref<625x16xf32, #tpu.memory_space<vmem>>, vector<1x16xf32>,
      %swap3A_278 = vector.shape_cast %swap3A_277 : vector<1x16xf32> to vector<16xf32>
      %swap3A_279 = vector.shape_cast %broadcast_in_dim3A_275 : vector<16xf32> to vector<1x16xf32>
      tpu.vector_store %arg6[%swap3A, %swap3A_276], %swap3A_279 {strides = array<i32>} : memref<625x16xf32, #tpu.memory_space<vmem>>, vector<1x16xf32>,
      %scan3A_280 = arith.constant 0 : i32
      scf.yield %scan3A_280 : i32
    }
    %scan3A_139 = arith.constant 625 : i32
    %lt3A_140 = arith.constant 10 : i32
    %lt3A_141 = arith.cmpi slt, %arg1, %lt3A_140 : i32
    %convert_element_type3A_142 = arith.extui %lt3A_141 : i1 to i32
    %cond3A_143 = arith.constant 0 : i32
    %cond3A_144 = arith.cmpi ne, %convert_element_type3A_142, %cond3A_143 : i32
    scf.if %cond3A_144 {
      %scan3A_273 = arith.constant 0 : i32
      %scan3A_274 = arith.constant 0 : i32
      %scan3A_275 = arith.constant 8 : i32
      %scan3A_276 = arith.addi %scan3A_274, %scan3A_275 : i32
      %scan3A_277 = arith.constant 1 : i32
      %scan3A_278 = scf.for %scan3A_280 = %scan3A_274 to %scan3A_276 step %scan3A_277 iter_args(%scan3A_281 = %scan3A_273) -> (i32)  : i32 {
        %mul3A_282 = arith.constant 5000 : i32
        %mul3A_283 = arith.muli %arg1, %mul3A_282 : i32
        %mul3A_284 = arith.constant 625 : i32
        %mul3A_285 = arith.muli %scan3A_280, %mul3A_284 : i32
        %add3A_286 = arith.addi %mul3A_283, %mul3A_285 : i32
        "tpu.region"() ({
          %run_scoped3A = tpu.sem_alloc : memref<!tpu.dma_semaphore, #tpu.memory_space<semaphore_mem>>
          %dma_start3A_288 = arith.constant 0 : i32
          %dma_start3A_289 = tpu.memref_slice %arg13[%add3A_286, %dma_start3A_288] : memref<50000x16xf32, #tpu.memory_space<vmem_shared>> -> memref<625x16xf32, #tpu.memory_space<vmem_shared>>
          %dma_start3A_290 = arith.constant 0 : i32
          %dma_start3A_291 = tpu.memref_slice %arg13[%add3A_286, %dma_start3A_290] : memref<50000x16xf32, #tpu.memory_space<vmem_shared>> -> memref<625x16xf32, #tpu.memory_space<vmem_shared>>
          tpu.enqueue_dma source(%arg6 : memref<625x16xf32, #tpu.memory_space<vmem>>) target(%dma_start3A_291 : memref<625x16xf32, #tpu.memory_space<vmem_shared>>) target_semaphore(%run_scoped3A : memref<!tpu.dma_semaphore, #tpu.memory_space<semaphore_mem>>)
          %dma_wait3A_292 = arith.constant 0 : i32
          %dma_wait3A_293 = tpu.memref_slice %arg13[%add3A_286, %dma_wait3A_292] : memref<50000x16xf32, #tpu.memory_space<vmem_shared>> -> memref<625x16xf32, #tpu.memory_space<vmem_shared>>
          %dma_wait3A_294 = arith.constant 0 : i32
          %dma_wait3A_295 = tpu.memref_slice %arg13[%add3A_286, %dma_wait3A_294] : memref<50000x16xf32, #tpu.memory_space<vmem_shared>> -> memref<625x16xf32, #tpu.memory_space<vmem_shared>>
          tpu.wait_dma2 semaphore(%run_scoped3A : memref<!tpu.dma_semaphore, #tpu.memory_space<semaphore_mem>>) src(%arg6 : memref<625x16xf32, #tpu.memory_space<vmem>>) dst(%dma_wait3A_295 : memref<625x16xf32, #tpu.memory_space<vmem_shared>>)
          tpu.yield
        }) : () -> ()
        %scan3A_287 = arith.constant 0 : i32
        scf.yield %scan3A_287 : i32
      }
      %scan3A_279 = arith.constant 8 : i32
    } else {
    }
    %barrier3A_145 = arith.constant 0 : index
    tpu.barrier barrier_id(%barrier3A_145)
    %add3A_146 = arith.constant 0 : i32
    %add3A_147 = arith.addi %mul3A_0, %add3A_146 : i32
    %dma_start3A_148 = tpu.memref_slice %arg2[%add3A_147] : memref<800000xi32, #tpu.memory_space<hbm>> -> memref<1000xi32, #tpu.memory_space<hbm>>
    %dma_start3A_149 = tpu.memref_slice %arg2[%add3A_147] : memref<800000xi32, #tpu.memory_space<hbm>> -> memref<1000xi32, #tpu.memory_space<hbm>>
    tpu.enqueue_dma source(%dma_start3A_149 : memref<1000xi32, #tpu.memory_space<hbm>>) target(%arg9 : memref<1000xi32, #tpu.memory_space<vmem>>) target_semaphore(%arg16 : memref<!tpu.dma_semaphore, #tpu.memory_space<semaphore_mem>>)
    %dma_start3A_150 = tpu.memref_slice %arg3[%add3A_147] : memref<800000xi32, #tpu.memory_space<hbm>> -> memref<1000xi32, #tpu.memory_space<hbm>>
    %dma_start3A_151 = tpu.memref_slice %arg3[%add3A_147] : memref<800000xi32, #tpu.memory_space<hbm>> -> memref<1000xi32, #tpu.memory_space<hbm>>
    tpu.enqueue_dma source(%dma_start3A_151 : memref<1000xi32, #tpu.memory_space<hbm>>) target(%arg10 : memref<1000xi32, #tpu.memory_space<vmem>>) target_semaphore(%arg16 : memref<!tpu.dma_semaphore, #tpu.memory_space<semaphore_mem>>)
    %add3A_152 = arith.constant 0 : i32
    %add3A_153 = arith.addi %mul3A_0, %add3A_152 : i32
    %dma_wait3A_154 = tpu.memref_slice %arg2[%add3A_153] : memref<800000xi32, #tpu.memory_space<hbm>> -> memref<1000xi32, #tpu.memory_space<hbm>>
    %dma_wait3A_155 = tpu.memref_slice %arg2[%add3A_153] : memref<800000xi32, #tpu.memory_space<hbm>> -> memref<1000xi32, #tpu.memory_space<hbm>>
    tpu.wait_dma2 semaphore(%arg16 : memref<!tpu.dma_semaphore, #tpu.memory_space<semaphore_mem>>) src(%dma_wait3A_155 : memref<1000xi32, #tpu.memory_space<hbm>>) dst(%arg9 : memref<1000xi32, #tpu.memory_space<vmem>>)
    %dma_wait3A_156 = tpu.memref_slice %arg3[%add3A_153] : memref<800000xi32, #tpu.memory_space<hbm>> -> memref<1000xi32, #tpu.memory_space<hbm>>
    %dma_wait3A_157 = tpu.memref_slice %arg3[%add3A_153] : memref<800000xi32, #tpu.memory_space<hbm>> -> memref<1000xi32, #tpu.memory_space<hbm>>
    tpu.wait_dma2 semaphore(%arg16 : memref<!tpu.dma_semaphore, #tpu.memory_space<semaphore_mem>>) src(%dma_wait3A_157 : memref<1000xi32, #tpu.memory_space<hbm>>) dst(%arg10 : memref<1000xi32, #tpu.memory_space<vmem>>)
    %dma_start3A_158 = arith.constant 1 : i32
    %dma_start3A_159 = arith.constant 0 : i32
    %dma_start3A_160 = arith.constant 0 : i32
    %dma_start3A_161 = tpu.memref_slice %arg4[%arg0, %dma_start3A_158, %dma_start3A_159, %dma_start3A_160] : memref<2x2x50000x16xf32, #tpu.memory_space<hbm>> -> memref<1x1x50000x16xf32, #tpu.memory_space<hbm>>
    %dma_start3A_162 = tpu.memref_squeeze %dma_start3A_161 : memref<1x1x50000x16xf32, #tpu.memory_space<hbm>> -> memref<50000x16xf32, #tpu.memory_space<hbm>>
    %dma_start3A_163 = arith.constant 0 : i32
    %dma_start3A_164 = arith.constant 0 : i32
    %dma_start3A_165 = tpu.memref_slice %dma_start3A_162[%dma_start3A_163, %dma_start3A_164] : memref<50000x16xf32, #tpu.memory_space<hbm>> -> memref<50000x16xf32, #tpu.memory_space<hbm>>
    tpu.enqueue_indirect_dma source(%dma_start3A_165 : memref<50000x16xf32, #tpu.memory_space<hbm>>) target(%arg7 : memref<1000x16xf32, #tpu.memory_space<vmem>>) offsets(%arg9 : memref<1000xi32, #tpu.memory_space<vmem>>) semaphore(%arg14 : memref<!tpu.dma_semaphore, #tpu.memory_space<semaphore_mem>>)
    %add3A_166 = arith.constant 1000 : i32
    %add3A_167 = arith.addi %mul3A_0, %add3A_166 : i32
    %dma_start3A_168 = tpu.memref_slice %arg2[%add3A_167] : memref<800000xi32, #tpu.memory_space<hbm>> -> memref<1000xi32, #tpu.memory_space<hbm>>
    %dma_start3A_169 = tpu.memref_slice %arg2[%add3A_167] : memref<800000xi32, #tpu.memory_space<hbm>> -> memref<1000xi32, #tpu.memory_space<hbm>>
    tpu.enqueue_dma source(%dma_start3A_169 : memref<1000xi32, #tpu.memory_space<hbm>>) target(%arg11 : memref<1000xi32, #tpu.memory_space<vmem>>) target_semaphore(%arg17 : memref<!tpu.dma_semaphore, #tpu.memory_space<semaphore_mem>>)
    %dma_start3A_170 = tpu.memref_slice %arg3[%add3A_167] : memref<800000xi32, #tpu.memory_space<hbm>> -> memref<1000xi32, #tpu.memory_space<hbm>>
    %dma_start3A_171 = tpu.memref_slice %arg3[%add3A_167] : memref<800000xi32, #tpu.memory_space<hbm>> -> memref<1000xi32, #tpu.memory_space<hbm>>
    tpu.enqueue_dma source(%dma_start3A_171 : memref<1000xi32, #tpu.memory_space<hbm>>) target(%arg12 : memref<1000xi32, #tpu.memory_space<vmem>>) target_semaphore(%arg17 : memref<!tpu.dma_semaphore, #tpu.memory_space<semaphore_mem>>)
    %scan3A_172 = arith.constant 1 : i32
    %scan3A_173 = arith.constant 0 : i32
    %scan3A_174 = arith.constant 0 : i32
    %scan3A_175 = arith.constant 23 : i32
    %scan3A_176 = arith.addi %scan3A_174, %scan3A_175 : i32
    %scan3A_177 = arith.constant 1 : i32
    %scan3A_178 = scf.for %scan3A_273 = %scan3A_174 to %scan3A_176 step %scan3A_177 iter_args(%scan3A_274 = %scan3A_173) -> (i32)  : i32 {
      %mul3A_275 = arith.constant 2 : i32
      %mul3A_276 = arith.muli %mul3A_275, %scan3A_273 : i32
      %add3A_277 = arith.constant 1 : i32
      %add3A_278 = arith.addi %add3A_277, %mul3A_276 : i32
      %add3A_279 = arith.constant 1 : i32
      %add3A_280 = arith.addi %add3A_278, %add3A_279 : i32
      %mul3A_281 = arith.constant 1000 : i32
      %mul3A_282 = arith.muli %add3A_278, %mul3A_281 : i32
      %add3A_283 = arith.addi %mul3A_0, %mul3A_282 : i32
      %dma_wait3A_284 = tpu.memref_slice %arg2[%add3A_283] : memref<800000xi32, #tpu.memory_space<hbm>> -> memref<1000xi32, #tpu.memory_space<hbm>>
      %dma_wait3A_285 = tpu.memref_slice %arg2[%add3A_283] : memref<800000xi32, #tpu.memory_space<hbm>> -> memref<1000xi32, #tpu.memory_space<hbm>>
      tpu.wait_dma2 semaphore(%arg17 : memref<!tpu.dma_semaphore, #tpu.memory_space<semaphore_mem>>) src(%dma_wait3A_285 : memref<1000xi32, #tpu.memory_space<hbm>>) dst(%arg11 : memref<1000xi32, #tpu.memory_space<vmem>>)
      %dma_wait3A_286 = tpu.memref_slice %arg3[%add3A_283] : memref<800000xi32, #tpu.memory_space<hbm>> -> memref<1000xi32, #tpu.memory_space<hbm>>
      %dma_wait3A_287 = tpu.memref_slice %arg3[%add3A_283] : memref<800000xi32, #tpu.memory_space<hbm>> -> memref<1000xi32, #tpu.memory_space<hbm>>
      tpu.wait_dma2 semaphore(%arg17 : memref<!tpu.dma_semaphore, #tpu.memory_space<semaphore_mem>>) src(%dma_wait3A_287 : memref<1000xi32, #tpu.memory_space<hbm>>) dst(%arg12 : memref<1000xi32, #tpu.memory_space<vmem>>)
      %dma_start3A_288 = arith.constant 0 : i32
      %dma_start3A_289 = arith.constant 0 : i32
      %dma_start3A_290 = tpu.memref_slice %arg4[%arg0, %scan3A_172, %dma_start3A_288, %dma_start3A_289] : memref<2x2x50000x16xf32, #tpu.memory_space<hbm>> -> memref<1x1x50000x16xf32, #tpu.memory_space<hbm>>
      %dma_start3A_291 = tpu.memref_squeeze %dma_start3A_290 : memref<1x1x50000x16xf32, #tpu.memory_space<hbm>> -> memref<50000x16xf32, #tpu.memory_space<hbm>>
      %dma_start3A_292 = arith.constant 0 : i32
      %dma_start3A_293 = arith.constant 0 : i32
      %dma_start3A_294 = tpu.memref_slice %dma_start3A_291[%dma_start3A_292, %dma_start3A_293] : memref<50000x16xf32, #tpu.memory_space<hbm>> -> memref<50000x16xf32, #tpu.memory_space<hbm>>
      tpu.enqueue_indirect_dma source(%dma_start3A_294 : memref<50000x16xf32, #tpu.memory_space<hbm>>) target(%arg8 : memref<1000x16xf32, #tpu.memory_space<vmem>>) offsets(%arg11 : memref<1000xi32, #tpu.memory_space<vmem>>) semaphore(%arg15 : memref<!tpu.dma_semaphore, #tpu.memory_space<semaphore_mem>>)
      %dma_wait3A_295 = arith.constant 0 : i32
      %dma_wait3A_296 = arith.constant 0 : i32
      %dma_wait3A_297 = tpu.memref_slice %arg4[%arg0, %scan3A_172, %dma_wait3A_295, %dma_wait3A_296] : memref<2x2x50000x16xf32, #tpu.memory_space<hbm>> -> memref<1x1x50000x16xf32, #tpu.memory_space<hbm>>
      %dma_wait3A_298 = tpu.memref_squeeze %dma_wait3A_297 : memref<1x1x50000x16xf32, #tpu.memory_space<hbm>> -> memref<50000x16xf32, #tpu.memory_space<hbm>>
      %dma_wait3A_299 = arith.constant 0 : i32
      %dma_wait3A_300 = arith.constant 0 : i32
      %dma_wait3A_301 = tpu.memref_slice %dma_wait3A_298[%dma_wait3A_299, %dma_wait3A_300] : memref<50000x16xf32, #tpu.memory_space<hbm>> -> memref<50000x16xf32, #tpu.memory_space<hbm>>
      tpu.wait_indirect_dma semaphore(%arg14 : memref<!tpu.dma_semaphore, #tpu.memory_space<semaphore_mem>>) src(%dma_wait3A_301 : memref<50000x16xf32, #tpu.memory_space<hbm>>) dst(%arg7 : memref<1000x16xf32, #tpu.memory_space<vmem>>)
      "tpu.region"() ({
        %run_scoped3A = tpu.sem_alloc : memref<!tpu.dma_semaphore, #tpu.memory_space<semaphore_mem>>
        %dma_start3A_342 = arith.constant 0 : i32
        %dma_start3A_343 = arith.constant 0 : i32
        %dma_start3A_344 = tpu.memref_slice %arg13[%dma_start3A_342, %dma_start3A_343] : memref<50000x16xf32, #tpu.memory_space<vmem_shared>> -> memref<50000x16xf32, #tpu.memory_space<vmem_shared>>
        tpu.enqueue_indirect_dma source(%arg7 : memref<1000x16xf32, #tpu.memory_space<vmem>>) target(%dma_start3A_344 : memref<50000x16xf32, #tpu.memory_space<vmem_shared>>) offsets(%arg10 : memref<1000xi32, #tpu.memory_space<vmem>>) semaphore(%run_scoped3A : memref<!tpu.dma_semaphore, #tpu.memory_space<semaphore_mem>>) {add = true}
        %dma_wait3A_345 = arith.constant 0 : i32
        %dma_wait3A_346 = arith.constant 0 : i32
        %dma_wait3A_347 = tpu.memref_slice %arg13[%dma_wait3A_345, %dma_wait3A_346] : memref<50000x16xf32, #tpu.memory_space<vmem_shared>> -> memref<50000x16xf32, #tpu.memory_space<vmem_shared>>
        tpu.wait_indirect_dma semaphore(%run_scoped3A : memref<!tpu.dma_semaphore, #tpu.memory_space<semaphore_mem>>) src(%arg7 : memref<1000x16xf32, #tpu.memory_space<vmem>>) dst(%dma_wait3A_347 : memref<50000x16xf32, #tpu.memory_space<vmem_shared>>)
        tpu.yield
      }) : () -> ()
      %mul3A_302 = arith.constant 1000 : i32
      %mul3A_303 = arith.muli %add3A_280, %mul3A_302 : i32
      %add3A_304 = arith.addi %mul3A_0, %mul3A_303 : i32
      %dma_start3A_305 = tpu.memref_slice %arg2[%add3A_304] : memref<800000xi32, #tpu.memory_space<hbm>> -> memref<1000xi32, #tpu.memory_space<hbm>>
      %dma_start3A_306 = tpu.memref_slice %arg2[%add3A_304] : memref<800000xi32, #tpu.memory_space<hbm>> -> memref<1000xi32, #tpu.memory_space<hbm>>
      tpu.enqueue_dma source(%dma_start3A_306 : memref<1000xi32, #tpu.memory_space<hbm>>) target(%arg9 : memref<1000xi32, #tpu.memory_space<vmem>>) target_semaphore(%arg16 : memref<!tpu.dma_semaphore, #tpu.memory_space<semaphore_mem>>)
      %dma_start3A_307 = tpu.memref_slice %arg3[%add3A_304] : memref<800000xi32, #tpu.memory_space<hbm>> -> memref<1000xi32, #tpu.memory_space<hbm>>
      %dma_start3A_308 = tpu.memref_slice %arg3[%add3A_304] : memref<800000xi32, #tpu.memory_space<hbm>> -> memref<1000xi32, #tpu.memory_space<hbm>>
      tpu.enqueue_dma source(%dma_start3A_308 : memref<1000xi32, #tpu.memory_space<hbm>>) target(%arg10 : memref<1000xi32, #tpu.memory_space<vmem>>) target_semaphore(%arg16 : memref<!tpu.dma_semaphore, #tpu.memory_space<semaphore_mem>>)
      %add3A_309 = arith.constant 1 : i32
      %add3A_310 = arith.addi %add3A_278, %add3A_309 : i32
      %add3A_311 = arith.constant 2 : i32
      %add3A_312 = arith.addi %add3A_278, %add3A_311 : i32
      %mul3A_313 = arith.constant 1000 : i32
      %mul3A_314 = arith.muli %add3A_310, %mul3A_313 : i32
      %add3A_315 = arith.addi %mul3A_0, %mul3A_314 : i32
      %dma_wait3A_316 = tpu.memref_slice %arg2[%add3A_315] : memref<800000xi32, #tpu.memory_space<hbm>> -> memref<1000xi32, #tpu.memory_space<hbm>>
      %dma_wait3A_317 = tpu.memref_slice %arg2[%add3A_315] : memref<800000xi32, #tpu.memory_space<hbm>> -> memref<1000xi32, #tpu.memory_space<hbm>>
      tpu.wait_dma2 semaphore(%arg16 : memref<!tpu.dma_semaphore, #tpu.memory_space<semaphore_mem>>) src(%dma_wait3A_317 : memref<1000xi32, #tpu.memory_space<hbm>>) dst(%arg9 : memref<1000xi32, #tpu.memory_space<vmem>>)
      %dma_wait3A_318 = tpu.memref_slice %arg3[%add3A_315] : memref<800000xi32, #tpu.memory_space<hbm>> -> memref<1000xi32, #tpu.memory_space<hbm>>
      %dma_wait3A_319 = tpu.memref_slice %arg3[%add3A_315] : memref<800000xi32, #tpu.memory_space<hbm>> -> memref<1000xi32, #tpu.memory_space<hbm>>
      tpu.wait_dma2 semaphore(%arg16 : memref<!tpu.dma_semaphore, #tpu.memory_space<semaphore_mem>>) src(%dma_wait3A_319 : memref<1000xi32, #tpu.memory_space<hbm>>) dst(%arg10 : memref<1000xi32, #tpu.memory_space<vmem>>)
      %dma_start3A_320 = arith.constant 0 : i32
      %dma_start3A_321 = arith.constant 0 : i32
      %dma_start3A_322 = tpu.memref_slice %arg4[%arg0, %scan3A_172, %dma_start3A_320, %dma_start3A_321] : memref<2x2x50000x16xf32, #tpu.memory_space<hbm>> -> memref<1x1x50000x16xf32, #tpu.memory_space<hbm>>
      %dma_start3A_323 = tpu.memref_squeeze %dma_start3A_322 : memref<1x1x50000x16xf32, #tpu.memory_space<hbm>> -> memref<50000x16xf32, #tpu.memory_space<hbm>>
      %dma_start3A_324 = arith.constant 0 : i32
      %dma_start3A_325 = arith.constant 0 : i32
      %dma_start3A_326 = tpu.memref_slice %dma_start3A_323[%dma_start3A_324, %dma_start3A_325] : memref<50000x16xf32, #tpu.memory_space<hbm>> -> memref<50000x16xf32, #tpu.memory_space<hbm>>
      tpu.enqueue_indirect_dma source(%dma_start3A_326 : memref<50000x16xf32, #tpu.memory_space<hbm>>) target(%arg7 : memref<1000x16xf32, #tpu.memory_space<vmem>>) offsets(%arg9 : memref<1000xi32, #tpu.memory_space<vmem>>) semaphore(%arg14 : memref<!tpu.dma_semaphore, #tpu.memory_space<semaphore_mem>>)
      %dma_wait3A_327 = arith.constant 0 : i32
      %dma_wait3A_328 = arith.constant 0 : i32
      %dma_wait3A_329 = tpu.memref_slice %arg4[%arg0, %scan3A_172, %dma_wait3A_327, %dma_wait3A_328] : memref<2x2x50000x16xf32, #tpu.memory_space<hbm>> -> memref<1x1x50000x16xf32, #tpu.memory_space<hbm>>
      %dma_wait3A_330 = tpu.memref_squeeze %dma_wait3A_329 : memref<1x1x50000x16xf32, #tpu.memory_space<hbm>> -> memref<50000x16xf32, #tpu.memory_space<hbm>>
      %dma_wait3A_331 = arith.constant 0 : i32
      %dma_wait3A_332 = arith.constant 0 : i32
      %dma_wait3A_333 = tpu.memref_slice %dma_wait3A_330[%dma_wait3A_331, %dma_wait3A_332] : memref<50000x16xf32, #tpu.memory_space<hbm>> -> memref<50000x16xf32, #tpu.memory_space<hbm>>
      tpu.wait_indirect_dma semaphore(%arg15 : memref<!tpu.dma_semaphore, #tpu.memory_space<semaphore_mem>>) src(%dma_wait3A_333 : memref<50000x16xf32, #tpu.memory_space<hbm>>) dst(%arg8 : memref<1000x16xf32, #tpu.memory_space<vmem>>)
      "tpu.region"() ({
        %run_scoped3A = tpu.sem_alloc : memref<!tpu.dma_semaphore, #tpu.memory_space<semaphore_mem>>
        %dma_start3A_342 = arith.constant 0 : i32
        %dma_start3A_343 = arith.constant 0 : i32
        %dma_start3A_344 = tpu.memref_slice %arg13[%dma_start3A_342, %dma_start3A_343] : memref<50000x16xf32, #tpu.memory_space<vmem_shared>> -> memref<50000x16xf32, #tpu.memory_space<vmem_shared>>
        tpu.enqueue_indirect_dma source(%arg8 : memref<1000x16xf32, #tpu.memory_space<vmem>>) target(%dma_start3A_344 : memref<50000x16xf32, #tpu.memory_space<vmem_shared>>) offsets(%arg12 : memref<1000xi32, #tpu.memory_space<vmem>>) semaphore(%run_scoped3A : memref<!tpu.dma_semaphore, #tpu.memory_space<semaphore_mem>>) {add = true}
        %dma_wait3A_345 = arith.constant 0 : i32
        %dma_wait3A_346 = arith.constant 0 : i32
        %dma_wait3A_347 = tpu.memref_slice %arg13[%dma_wait3A_345, %dma_wait3A_346] : memref<50000x16xf32, #tpu.memory_space<vmem_shared>> -> memref<50000x16xf32, #tpu.memory_space<vmem_shared>>
        tpu.wait_indirect_dma semaphore(%run_scoped3A : memref<!tpu.dma_semaphore, #tpu.memory_space<semaphore_mem>>) src(%arg8 : memref<1000x16xf32, #tpu.memory_space<vmem>>) dst(%dma_wait3A_347 : memref<50000x16xf32, #tpu.memory_space<vmem_shared>>)
        tpu.yield
      }) : () -> ()
      %mul3A_334 = arith.constant 1000 : i32
      %mul3A_335 = arith.muli %add3A_312, %mul3A_334 : i32
      %add3A_336 = arith.addi %mul3A_0, %mul3A_335 : i32
      %dma_start3A_337 = tpu.memref_slice %arg2[%add3A_336] : memref<800000xi32, #tpu.memory_space<hbm>> -> memref<1000xi32, #tpu.memory_space<hbm>>
      %dma_start3A_338 = tpu.memref_slice %arg2[%add3A_336] : memref<800000xi32, #tpu.memory_space<hbm>> -> memref<1000xi32, #tpu.memory_space<hbm>>
      tpu.enqueue_dma source(%dma_start3A_338 : memref<1000xi32, #tpu.memory_space<hbm>>) target(%arg11 : memref<1000xi32, #tpu.memory_space<vmem>>) target_semaphore(%arg17 : memref<!tpu.dma_semaphore, #tpu.memory_space<semaphore_mem>>)
      %dma_start3A_339 = tpu.memref_slice %arg3[%add3A_336] : memref<800000xi32, #tpu.memory_space<hbm>> -> memref<1000xi32, #tpu.memory_space<hbm>>
      %dma_start3A_340 = tpu.memref_slice %arg3[%add3A_336] : memref<800000xi32, #tpu.memory_space<hbm>> -> memref<1000xi32, #tpu.memory_space<hbm>>
      tpu.enqueue_dma source(%dma_start3A_340 : memref<1000xi32, #tpu.memory_space<hbm>>) target(%arg12 : memref<1000xi32, #tpu.memory_space<vmem>>) target_semaphore(%arg17 : memref<!tpu.dma_semaphore, #tpu.memory_space<semaphore_mem>>)
      %scan3A_341 = arith.constant 0 : i32
      scf.yield %scan3A_341 : i32
    }
    %scan3A_179 = arith.constant 23 : i32
    %add3A_180 = arith.constant 47000 : i32
    %add3A_181 = arith.addi %mul3A_0, %add3A_180 : i32
    %dma_wait3A_182 = tpu.memref_slice %arg2[%add3A_181] : memref<800000xi32, #tpu.memory_space<hbm>> -> memref<1000xi32, #tpu.memory_space<hbm>>
    %dma_wait3A_183 = tpu.memref_slice %arg2[%add3A_181] : memref<800000xi32, #tpu.memory_space<hbm>> -> memref<1000xi32, #tpu.memory_space<hbm>>
    tpu.wait_dma2 semaphore(%arg17 : memref<!tpu.dma_semaphore, #tpu.memory_space<semaphore_mem>>) src(%dma_wait3A_183 : memref<1000xi32, #tpu.memory_space<hbm>>) dst(%arg11 : memref<1000xi32, #tpu.memory_space<vmem>>)
    %dma_wait3A_184 = tpu.memref_slice %arg3[%add3A_181] : memref<800000xi32, #tpu.memory_space<hbm>> -> memref<1000xi32, #tpu.memory_space<hbm>>
    %dma_wait3A_185 = tpu.memref_slice %arg3[%add3A_181] : memref<800000xi32, #tpu.memory_space<hbm>> -> memref<1000xi32, #tpu.memory_space<hbm>>
    tpu.wait_dma2 semaphore(%arg17 : memref<!tpu.dma_semaphore, #tpu.memory_space<semaphore_mem>>) src(%dma_wait3A_185 : memref<1000xi32, #tpu.memory_space<hbm>>) dst(%arg12 : memref<1000xi32, #tpu.memory_space<vmem>>)
    %dma_start3A_186 = arith.constant 1 : i32
    %dma_start3A_187 = arith.constant 0 : i32
    %dma_start3A_188 = arith.constant 0 : i32
    %dma_start3A_189 = tpu.memref_slice %arg4[%arg0, %dma_start3A_186, %dma_start3A_187, %dma_start3A_188] : memref<2x2x50000x16xf32, #tpu.memory_space<hbm>> -> memref<1x1x50000x16xf32, #tpu.memory_space<hbm>>
    %dma_start3A_190 = tpu.memref_squeeze %dma_start3A_189 : memref<1x1x50000x16xf32, #tpu.memory_space<hbm>> -> memref<50000x16xf32, #tpu.memory_space<hbm>>
    %dma_start3A_191 = arith.constant 0 : i32
    %dma_start3A_192 = arith.constant 0 : i32
    %dma_start3A_193 = tpu.memref_slice %dma_start3A_190[%dma_start3A_191, %dma_start3A_192] : memref<50000x16xf32, #tpu.memory_space<hbm>> -> memref<50000x16xf32, #tpu.memory_space<hbm>>
    tpu.enqueue_indirect_dma source(%dma_start3A_193 : memref<50000x16xf32, #tpu.memory_space<hbm>>) target(%arg8 : memref<1000x16xf32, #tpu.memory_space<vmem>>) offsets(%arg11 : memref<1000xi32, #tpu.memory_space<vmem>>) semaphore(%arg15 : memref<!tpu.dma_semaphore, #tpu.memory_space<semaphore_mem>>)
    %dma_wait3A_194 = arith.constant 1 : i32
    %dma_wait3A_195 = arith.constant 0 : i32
    %dma_wait3A_196 = arith.constant 0 : i32
    %dma_wait3A_197 = tpu.memref_slice %arg4[%arg0, %dma_wait3A_194, %dma_wait3A_195, %dma_wait3A_196] : memref<2x2x50000x16xf32, #tpu.memory_space<hbm>> -> memref<1x1x50000x16xf32, #tpu.memory_space<hbm>>
    %dma_wait3A_198 = tpu.memref_squeeze %dma_wait3A_197 : memref<1x1x50000x16xf32, #tpu.memory_space<hbm>> -> memref<50000x16xf32, #tpu.memory_space<hbm>>
    %dma_wait3A_199 = arith.constant 0 : i32
    %dma_wait3A_200 = arith.constant 0 : i32
    %dma_wait3A_201 = tpu.memref_slice %dma_wait3A_198[%dma_wait3A_199, %dma_wait3A_200] : memref<50000x16xf32, #tpu.memory_space<hbm>> -> memref<50000x16xf32, #tpu.memory_space<hbm>>
    tpu.wait_indirect_dma semaphore(%arg14 : memref<!tpu.dma_semaphore, #tpu.memory_space<semaphore_mem>>) src(%dma_wait3A_201 : memref<50000x16xf32, #tpu.memory_space<hbm>>) dst(%arg7 : memref<1000x16xf32, #tpu.memory_space<vmem>>)
    "tpu.region"() ({
      %run_scoped3A = tpu.sem_alloc : memref<!tpu.dma_semaphore, #tpu.memory_space<semaphore_mem>>
      %dma_start3A_273 = arith.constant 0 : i32
      %dma_start3A_274 = arith.constant 0 : i32
      %dma_start3A_275 = tpu.memref_slice %arg13[%dma_start3A_273, %dma_start3A_274] : memref<50000x16xf32, #tpu.memory_space<vmem_shared>> -> memref<50000x16xf32, #tpu.memory_space<vmem_shared>>
      tpu.enqueue_indirect_dma source(%arg7 : memref<1000x16xf32, #tpu.memory_space<vmem>>) target(%dma_start3A_275 : memref<50000x16xf32, #tpu.memory_space<vmem_shared>>) offsets(%arg10 : memref<1000xi32, #tpu.memory_space<vmem>>) semaphore(%run_scoped3A : memref<!tpu.dma_semaphore, #tpu.memory_space<semaphore_mem>>) {add = true}
      %dma_wait3A_276 = arith.constant 0 : i32
      %dma_wait3A_277 = arith.constant 0 : i32
      %dma_wait3A_278 = tpu.memref_slice %arg13[%dma_wait3A_276, %dma_wait3A_277] : memref<50000x16xf32, #tpu.memory_space<vmem_shared>> -> memref<50000x16xf32, #tpu.memory_space<vmem_shared>>
      tpu.wait_indirect_dma semaphore(%run_scoped3A : memref<!tpu.dma_semaphore, #tpu.memory_space<semaphore_mem>>) src(%arg7 : memref<1000x16xf32, #tpu.memory_space<vmem>>) dst(%dma_wait3A_278 : memref<50000x16xf32, #tpu.memory_space<vmem_shared>>)
      tpu.yield
    }) : () -> ()
    %add3A_202 = arith.constant 48000 : i32
    %add3A_203 = arith.addi %mul3A_0, %add3A_202 : i32
    %dma_start3A_204 = tpu.memref_slice %arg2[%add3A_203] : memref<800000xi32, #tpu.memory_space<hbm>> -> memref<1000xi32, #tpu.memory_space<hbm>>
    %dma_start3A_205 = tpu.memref_slice %arg2[%add3A_203] : memref<800000xi32, #tpu.memory_space<hbm>> -> memref<1000xi32, #tpu.memory_space<hbm>>
    tpu.enqueue_dma source(%dma_start3A_205 : memref<1000xi32, #tpu.memory_space<hbm>>) target(%arg9 : memref<1000xi32, #tpu.memory_space<vmem>>) target_semaphore(%arg16 : memref<!tpu.dma_semaphore, #tpu.memory_space<semaphore_mem>>)
    %dma_start3A_206 = tpu.memref_slice %arg3[%add3A_203] : memref<800000xi32, #tpu.memory_space<hbm>> -> memref<1000xi32, #tpu.memory_space<hbm>>
    %dma_start3A_207 = tpu.memref_slice %arg3[%add3A_203] : memref<800000xi32, #tpu.memory_space<hbm>> -> memref<1000xi32, #tpu.memory_space<hbm>>
    tpu.enqueue_dma source(%dma_start3A_207 : memref<1000xi32, #tpu.memory_space<hbm>>) target(%arg10 : memref<1000xi32, #tpu.memory_space<vmem>>) target_semaphore(%arg16 : memref<!tpu.dma_semaphore, #tpu.memory_space<semaphore_mem>>)
    %add3A_208 = arith.constant 48000 : i32
    %add3A_209 = arith.addi %mul3A_0, %add3A_208 : i32
    %dma_wait3A_210 = tpu.memref_slice %arg2[%add3A_209] : memref<800000xi32, #tpu.memory_space<hbm>> -> memref<1000xi32, #tpu.memory_space<hbm>>
    %dma_wait3A_211 = tpu.memref_slice %arg2[%add3A_209] : memref<800000xi32, #tpu.memory_space<hbm>> -> memref<1000xi32, #tpu.memory_space<hbm>>
    tpu.wait_dma2 semaphore(%arg16 : memref<!tpu.dma_semaphore, #tpu.memory_space<semaphore_mem>>) src(%dma_wait3A_211 : memref<1000xi32, #tpu.memory_space<hbm>>) dst(%arg9 : memref<1000xi32, #tpu.memory_space<vmem>>)
    %dma_wait3A_212 = tpu.memref_slice %arg3[%add3A_209] : memref<800000xi32, #tpu.memory_space<hbm>> -> memref<1000xi32, #tpu.memory_space<hbm>>
    %dma_wait3A_213 = tpu.memref_slice %arg3[%add3A_209] : memref<800000xi32, #tpu.memory_space<hbm>> -> memref<1000xi32, #tpu.memory_space<hbm>>
    tpu.wait_dma2 semaphore(%arg16 : memref<!tpu.dma_semaphore, #tpu.memory_space<semaphore_mem>>) src(%dma_wait3A_213 : memref<1000xi32, #tpu.memory_space<hbm>>) dst(%arg10 : memref<1000xi32, #tpu.memory_space<vmem>>)
    %dma_start3A_214 = arith.constant 1 : i32
    %dma_start3A_215 = arith.constant 0 : i32
    %dma_start3A_216 = arith.constant 0 : i32
    %dma_start3A_217 = tpu.memref_slice %arg4[%arg0, %dma_start3A_214, %dma_start3A_215, %dma_start3A_216] : memref<2x2x50000x16xf32, #tpu.memory_space<hbm>> -> memref<1x1x50000x16xf32, #tpu.memory_space<hbm>>
    %dma_start3A_218 = tpu.memref_squeeze %dma_start3A_217 : memref<1x1x50000x16xf32, #tpu.memory_space<hbm>> -> memref<50000x16xf32, #tpu.memory_space<hbm>>
    %dma_start3A_219 = arith.constant 0 : i32
    %dma_start3A_220 = arith.constant 0 : i32
    %dma_start3A_221 = tpu.memref_slice %dma_start3A_218[%dma_start3A_219, %dma_start3A_220] : memref<50000x16xf32, #tpu.memory_space<hbm>> -> memref<50000x16xf32, #tpu.memory_space<hbm>>
    tpu.enqueue_indirect_dma source(%dma_start3A_221 : memref<50000x16xf32, #tpu.memory_space<hbm>>) target(%arg7 : memref<1000x16xf32, #tpu.memory_space<vmem>>) offsets(%arg9 : memref<1000xi32, #tpu.memory_space<vmem>>) semaphore(%arg14 : memref<!tpu.dma_semaphore, #tpu.memory_space<semaphore_mem>>)
    %dma_wait3A_222 = arith.constant 1 : i32
    %dma_wait3A_223 = arith.constant 0 : i32
    %dma_wait3A_224 = arith.constant 0 : i32
    %dma_wait3A_225 = tpu.memref_slice %arg4[%arg0, %dma_wait3A_222, %dma_wait3A_223, %dma_wait3A_224] : memref<2x2x50000x16xf32, #tpu.memory_space<hbm>> -> memref<1x1x50000x16xf32, #tpu.memory_space<hbm>>
    %dma_wait3A_226 = tpu.memref_squeeze %dma_wait3A_225 : memref<1x1x50000x16xf32, #tpu.memory_space<hbm>> -> memref<50000x16xf32, #tpu.memory_space<hbm>>
    %dma_wait3A_227 = arith.constant 0 : i32
    %dma_wait3A_228 = arith.constant 0 : i32
    %dma_wait3A_229 = tpu.memref_slice %dma_wait3A_226[%dma_wait3A_227, %dma_wait3A_228] : memref<50000x16xf32, #tpu.memory_space<hbm>> -> memref<50000x16xf32, #tpu.memory_space<hbm>>
    tpu.wait_indirect_dma semaphore(%arg15 : memref<!tpu.dma_semaphore, #tpu.memory_space<semaphore_mem>>) src(%dma_wait3A_229 : memref<50000x16xf32, #tpu.memory_space<hbm>>) dst(%arg8 : memref<1000x16xf32, #tpu.memory_space<vmem>>)
    "tpu.region"() ({
      %run_scoped3A = tpu.sem_alloc : memref<!tpu.dma_semaphore, #tpu.memory_space<semaphore_mem>>
      %dma_start3A_273 = arith.constant 0 : i32
      %dma_start3A_274 = arith.constant 0 : i32
      %dma_start3A_275 = tpu.memref_slice %arg13[%dma_start3A_273, %dma_start3A_274] : memref<50000x16xf32, #tpu.memory_space<vmem_shared>> -> memref<50000x16xf32, #tpu.memory_space<vmem_shared>>
      tpu.enqueue_indirect_dma source(%arg8 : memref<1000x16xf32, #tpu.memory_space<vmem>>) target(%dma_start3A_275 : memref<50000x16xf32, #tpu.memory_space<vmem_shared>>) offsets(%arg12 : memref<1000xi32, #tpu.memory_space<vmem>>) semaphore(%run_scoped3A : memref<!tpu.dma_semaphore, #tpu.memory_space<semaphore_mem>>) {add = true}
      %dma_wait3A_276 = arith.constant 0 : i32
      %dma_wait3A_277 = arith.constant 0 : i32
      %dma_wait3A_278 = tpu.memref_slice %arg13[%dma_wait3A_276, %dma_wait3A_277] : memref<50000x16xf32, #tpu.memory_space<vmem_shared>> -> memref<50000x16xf32, #tpu.memory_space<vmem_shared>>
      tpu.wait_indirect_dma semaphore(%run_scoped3A : memref<!tpu.dma_semaphore, #tpu.memory_space<semaphore_mem>>) src(%arg8 : memref<1000x16xf32, #tpu.memory_space<vmem>>) dst(%dma_wait3A_278 : memref<50000x16xf32, #tpu.memory_space<vmem_shared>>)
      tpu.yield
    }) : () -> ()
    %add3A_230 = arith.constant 49000 : i32
    %add3A_231 = arith.addi %mul3A_0, %add3A_230 : i32
    %dma_start3A_232 = tpu.memref_slice %arg2[%add3A_231] : memref<800000xi32, #tpu.memory_space<hbm>> -> memref<1000xi32, #tpu.memory_space<hbm>>
    %dma_start3A_233 = tpu.memref_slice %arg2[%add3A_231] : memref<800000xi32, #tpu.memory_space<hbm>> -> memref<1000xi32, #tpu.memory_space<hbm>>
    tpu.enqueue_dma source(%dma_start3A_233 : memref<1000xi32, #tpu.memory_space<hbm>>) target(%arg11 : memref<1000xi32, #tpu.memory_space<vmem>>) target_semaphore(%arg17 : memref<!tpu.dma_semaphore, #tpu.memory_space<semaphore_mem>>)
    %dma_start3A_234 = tpu.memref_slice %arg3[%add3A_231] : memref<800000xi32, #tpu.memory_space<hbm>> -> memref<1000xi32, #tpu.memory_space<hbm>>
    %dma_start3A_235 = tpu.memref_slice %arg3[%add3A_231] : memref<800000xi32, #tpu.memory_space<hbm>> -> memref<1000xi32, #tpu.memory_space<hbm>>
    tpu.enqueue_dma source(%dma_start3A_235 : memref<1000xi32, #tpu.memory_space<hbm>>) target(%arg12 : memref<1000xi32, #tpu.memory_space<vmem>>) target_semaphore(%arg17 : memref<!tpu.dma_semaphore, #tpu.memory_space<semaphore_mem>>)
    %add3A_236 = arith.constant 49000 : i32
    %add3A_237 = arith.addi %mul3A_0, %add3A_236 : i32
    %dma_wait3A_238 = tpu.memref_slice %arg2[%add3A_237] : memref<800000xi32, #tpu.memory_space<hbm>> -> memref<1000xi32, #tpu.memory_space<hbm>>
    %dma_wait3A_239 = tpu.memref_slice %arg2[%add3A_237] : memref<800000xi32, #tpu.memory_space<hbm>> -> memref<1000xi32, #tpu.memory_space<hbm>>
    tpu.wait_dma2 semaphore(%arg17 : memref<!tpu.dma_semaphore, #tpu.memory_space<semaphore_mem>>) src(%dma_wait3A_239 : memref<1000xi32, #tpu.memory_space<hbm>>) dst(%arg11 : memref<1000xi32, #tpu.memory_space<vmem>>)
    %dma_wait3A_240 = tpu.memref_slice %arg3[%add3A_237] : memref<800000xi32, #tpu.memory_space<hbm>> -> memref<1000xi32, #tpu.memory_space<hbm>>
    %dma_wait3A_241 = tpu.memref_slice %arg3[%add3A_237] : memref<800000xi32, #tpu.memory_space<hbm>> -> memref<1000xi32, #tpu.memory_space<hbm>>
    tpu.wait_dma2 semaphore(%arg17 : memref<!tpu.dma_semaphore, #tpu.memory_space<semaphore_mem>>) src(%dma_wait3A_241 : memref<1000xi32, #tpu.memory_space<hbm>>) dst(%arg12 : memref<1000xi32, #tpu.memory_space<vmem>>)
    %dma_start3A_242 = arith.constant 1 : i32
    %dma_start3A_243 = arith.constant 0 : i32
    %dma_start3A_244 = arith.constant 0 : i32
    %dma_start3A_245 = tpu.memref_slice %arg4[%arg0, %dma_start3A_242, %dma_start3A_243, %dma_start3A_244] : memref<2x2x50000x16xf32, #tpu.memory_space<hbm>> -> memref<1x1x50000x16xf32, #tpu.memory_space<hbm>>
    %dma_start3A_246 = tpu.memref_squeeze %dma_start3A_245 : memref<1x1x50000x16xf32, #tpu.memory_space<hbm>> -> memref<50000x16xf32, #tpu.memory_space<hbm>>
    %dma_start3A_247 = arith.constant 0 : i32
    %dma_start3A_248 = arith.constant 0 : i32
    %dma_start3A_249 = tpu.memref_slice %dma_start3A_246[%dma_start3A_247, %dma_start3A_248] : memref<50000x16xf32, #tpu.memory_space<hbm>> -> memref<50000x16xf32, #tpu.memory_space<hbm>>
    tpu.enqueue_indirect_dma source(%dma_start3A_249 : memref<50000x16xf32, #tpu.memory_space<hbm>>) target(%arg8 : memref<1000x16xf32, #tpu.memory_space<vmem>>) offsets(%arg11 : memref<1000xi32, #tpu.memory_space<vmem>>) semaphore(%arg15 : memref<!tpu.dma_semaphore, #tpu.memory_space<semaphore_mem>>)
    %dma_wait3A_250 = arith.constant 1 : i32
    %dma_wait3A_251 = arith.constant 0 : i32
    %dma_wait3A_252 = arith.constant 0 : i32
    %dma_wait3A_253 = tpu.memref_slice %arg4[%arg0, %dma_wait3A_250, %dma_wait3A_251, %dma_wait3A_252] : memref<2x2x50000x16xf32, #tpu.memory_space<hbm>> -> memref<1x1x50000x16xf32, #tpu.memory_space<hbm>>
    %dma_wait3A_254 = tpu.memref_squeeze %dma_wait3A_253 : memref<1x1x50000x16xf32, #tpu.memory_space<hbm>> -> memref<50000x16xf32, #tpu.memory_space<hbm>>
    %dma_wait3A_255 = arith.constant 0 : i32
    %dma_wait3A_256 = arith.constant 0 : i32
    %dma_wait3A_257 = tpu.memref_slice %dma_wait3A_254[%dma_wait3A_255, %dma_wait3A_256] : memref<50000x16xf32, #tpu.memory_space<hbm>> -> memref<50000x16xf32, #tpu.memory_space<hbm>>
    tpu.wait_indirect_dma semaphore(%arg14 : memref<!tpu.dma_semaphore, #tpu.memory_space<semaphore_mem>>) src(%dma_wait3A_257 : memref<50000x16xf32, #tpu.memory_space<hbm>>) dst(%arg7 : memref<1000x16xf32, #tpu.memory_space<vmem>>)
    "tpu.region"() ({
      %run_scoped3A = tpu.sem_alloc : memref<!tpu.dma_semaphore, #tpu.memory_space<semaphore_mem>>
      %dma_start3A_273 = arith.constant 0 : i32
      %dma_start3A_274 = arith.constant 0 : i32
      %dma_start3A_275 = tpu.memref_slice %arg13[%dma_start3A_273, %dma_start3A_274] : memref<50000x16xf32, #tpu.memory_space<vmem_shared>> -> memref<50000x16xf32, #tpu.memory_space<vmem_shared>>
      tpu.enqueue_indirect_dma source(%arg7 : memref<1000x16xf32, #tpu.memory_space<vmem>>) target(%dma_start3A_275 : memref<50000x16xf32, #tpu.memory_space<vmem_shared>>) offsets(%arg10 : memref<1000xi32, #tpu.memory_space<vmem>>) semaphore(%run_scoped3A : memref<!tpu.dma_semaphore, #tpu.memory_space<semaphore_mem>>) {add = true}
      %dma_wait3A_276 = arith.constant 0 : i32
      %dma_wait3A_277 = arith.constant 0 : i32
      %dma_wait3A_278 = tpu.memref_slice %arg13[%dma_wait3A_276, %dma_wait3A_277] : memref<50000x16xf32, #tpu.memory_space<vmem_shared>> -> memref<50000x16xf32, #tpu.memory_space<vmem_shared>>
      tpu.wait_indirect_dma semaphore(%run_scoped3A : memref<!tpu.dma_semaphore, #tpu.memory_space<semaphore_mem>>) src(%arg7 : memref<1000x16xf32, #tpu.memory_space<vmem>>) dst(%dma_wait3A_278 : memref<50000x16xf32, #tpu.memory_space<vmem_shared>>)
      tpu.yield
    }) : () -> ()
    %dma_wait3A_258 = arith.constant 1 : i32
    %dma_wait3A_259 = arith.constant 0 : i32
    %dma_wait3A_260 = arith.constant 0 : i32
    %dma_wait3A_261 = tpu.memref_slice %arg4[%arg0, %dma_wait3A_258, %dma_wait3A_259, %dma_wait3A_260] : memref<2x2x50000x16xf32, #tpu.memory_space<hbm>> -> memref<1x1x50000x16xf32, #tpu.memory_space<hbm>>
    %dma_wait3A_262 = tpu.memref_squeeze %dma_wait3A_261 : memref<1x1x50000x16xf32, #tpu.memory_space<hbm>> -> memref<50000x16xf32, #tpu.memory_space<hbm>>
    %dma_wait3A_263 = arith.constant 0 : i32
    %dma_wait3A_264 = arith.constant 0 : i32
    %dma_wait3A_265 = tpu.memref_slice %dma_wait3A_262[%dma_wait3A_263, %dma_wait3A_264] : memref<50000x16xf32, #tpu.memory_space<hbm>> -> memref<50000x16xf32, #tpu.memory_space<hbm>>
    tpu.wait_indirect_dma semaphore(%arg15 : memref<!tpu.dma_semaphore, #tpu.memory_space<semaphore_mem>>) src(%dma_wait3A_265 : memref<50000x16xf32, #tpu.memory_space<hbm>>) dst(%arg8 : memref<1000x16xf32, #tpu.memory_space<vmem>>)
    "tpu.region"() ({
      %run_scoped3A = tpu.sem_alloc : memref<!tpu.dma_semaphore, #tpu.memory_space<semaphore_mem>>
      %dma_start3A_273 = arith.constant 0 : i32
      %dma_start3A_274 = arith.constant 0 : i32
      %dma_start3A_275 = tpu.memref_slice %arg13[%dma_start3A_273, %dma_start3A_274] : memref<50000x16xf32, #tpu.memory_space<vmem_shared>> -> memref<50000x16xf32, #tpu.memory_space<vmem_shared>>
      tpu.enqueue_indirect_dma source(%arg8 : memref<1000x16xf32, #tpu.memory_space<vmem>>) target(%dma_start3A_275 : memref<50000x16xf32, #tpu.memory_space<vmem_shared>>) offsets(%arg12 : memref<1000xi32, #tpu.memory_space<vmem>>) semaphore(%run_scoped3A : memref<!tpu.dma_semaphore, #tpu.memory_space<semaphore_mem>>) {add = true}
      %dma_wait3A_276 = arith.constant 0 : i32
      %dma_wait3A_277 = arith.constant 0 : i32
      %dma_wait3A_278 = tpu.memref_slice %arg13[%dma_wait3A_276, %dma_wait3A_277] : memref<50000x16xf32, #tpu.memory_space<vmem_shared>> -> memref<50000x16xf32, #tpu.memory_space<vmem_shared>>
      tpu.wait_indirect_dma semaphore(%run_scoped3A : memref<!tpu.dma_semaphore, #tpu.memory_space<semaphore_mem>>) src(%arg8 : memref<1000x16xf32, #tpu.memory_space<vmem>>) dst(%dma_wait3A_278 : memref<50000x16xf32, #tpu.memory_space<vmem_shared>>)
      tpu.yield
    }) : () -> ()
    %barrier3A_266 = arith.constant 0 : index
    tpu.barrier barrier_id(%barrier3A_266)
    %lt3A_267 = arith.constant 10 : i32
    %lt3A_268 = arith.cmpi slt, %arg1, %lt3A_267 : i32
    %convert_element_type3A_269 = arith.extui %lt3A_268 : i1 to i32
    %cond3A_270 = arith.constant 1 : i32
    %cond3A_271 = arith.constant 0 : i32
    %cond3A_272 = arith.cmpi ne, %convert_element_type3A_269, %cond3A_271 : i32
    scf.if %cond3A_272 {
      %scan3A_273 = arith.constant 0 : i32
      %scan3A_274 = arith.constant 0 : i32
      %scan3A_275 = arith.constant 8 : i32
      %scan3A_276 = arith.addi %scan3A_274, %scan3A_275 : i32
      %scan3A_277 = arith.constant 1 : i32
      %scan3A_278 = scf.for %scan3A_280 = %scan3A_274 to %scan3A_276 step %scan3A_277 iter_args(%scan3A_281 = %scan3A_273) -> (i32)  : i32 {
        %mul3A_282 = arith.constant 5000 : i32
        %mul3A_283 = arith.muli %arg1, %mul3A_282 : i32
        %mul3A_284 = arith.constant 625 : i32
        %mul3A_285 = arith.muli %scan3A_280, %mul3A_284 : i32
        %add3A_286 = arith.addi %mul3A_283, %mul3A_285 : i32
        "tpu.region"() ({
          %run_scoped3A = tpu.sem_alloc : memref<!tpu.dma_semaphore, #tpu.memory_space<semaphore_mem>>
          %dma_start3A_288 = arith.constant 0 : i32
          %dma_start3A_289 = tpu.memref_slice %arg13[%add3A_286, %dma_start3A_288] : memref<50000x16xf32, #tpu.memory_space<vmem_shared>> -> memref<625x16xf32, #tpu.memory_space<vmem_shared>>
          %dma_start3A_290 = arith.constant 0 : i32
          %dma_start3A_291 = tpu.memref_slice %arg13[%add3A_286, %dma_start3A_290] : memref<50000x16xf32, #tpu.memory_space<vmem_shared>> -> memref<625x16xf32, #tpu.memory_space<vmem_shared>>
          tpu.enqueue_dma source(%dma_start3A_291 : memref<625x16xf32, #tpu.memory_space<vmem_shared>>) target(%arg6 : memref<625x16xf32, #tpu.memory_space<vmem>>) target_semaphore(%run_scoped3A : memref<!tpu.dma_semaphore, #tpu.memory_space<semaphore_mem>>)
          %dma_wait3A_292 = arith.constant 0 : i32
          %dma_wait3A_293 = tpu.memref_slice %arg13[%add3A_286, %dma_wait3A_292] : memref<50000x16xf32, #tpu.memory_space<vmem_shared>> -> memref<625x16xf32, #tpu.memory_space<vmem_shared>>
          %dma_wait3A_294 = arith.constant 0 : i32
          %dma_wait3A_295 = tpu.memref_slice %arg13[%add3A_286, %dma_wait3A_294] : memref<50000x16xf32, #tpu.memory_space<vmem_shared>> -> memref<625x16xf32, #tpu.memory_space<vmem_shared>>
          tpu.wait_dma2 semaphore(%run_scoped3A : memref<!tpu.dma_semaphore, #tpu.memory_space<semaphore_mem>>) src(%dma_wait3A_295 : memref<625x16xf32, #tpu.memory_space<vmem_shared>>) dst(%arg6 : memref<625x16xf32, #tpu.memory_space<vmem>>)
          tpu.yield
        }) : () -> ()
        "tpu.region"() ({
          %run_scoped3A = tpu.sem_alloc : memref<!tpu.dma_semaphore, #tpu.memory_space<semaphore_mem>>
          %dma_start3A_288 = arith.constant 0 : i32
          %dma_start3A_289 = arith.constant 0 : i32
          %dma_start3A_290 = tpu.memref_slice %arg5[%arg0, %cond3A_270, %dma_start3A_288, %dma_start3A_289] : memref<2x2x50000x16xf32, #tpu.memory_space<hbm>> -> memref<1x1x50000x16xf32, #tpu.memory_space<hbm>>
          %dma_start3A_291 = tpu.memref_squeeze %dma_start3A_290 : memref<1x1x50000x16xf32, #tpu.memory_space<hbm>> -> memref<50000x16xf32, #tpu.memory_space<hbm>>
          %dma_start3A_292 = arith.constant 0 : i32
          %dma_start3A_293 = tpu.memref_slice %dma_start3A_291[%add3A_286, %dma_start3A_292] : memref<50000x16xf32, #tpu.memory_space<hbm>> -> memref<625x16xf32, #tpu.memory_space<hbm>>
          %dma_start3A_294 = arith.constant 0 : i32
          %dma_start3A_295 = arith.constant 0 : i32
          %dma_start3A_296 = tpu.memref_slice %arg5[%arg0, %cond3A_270, %dma_start3A_294, %dma_start3A_295] : memref<2x2x50000x16xf32, #tpu.memory_space<hbm>> -> memref<1x1x50000x16xf32, #tpu.memory_space<hbm>>
          %dma_start3A_297 = tpu.memref_squeeze %dma_start3A_296 : memref<1x1x50000x16xf32, #tpu.memory_space<hbm>> -> memref<50000x16xf32, #tpu.memory_space<hbm>>
          %dma_start3A_298 = arith.constant 0 : i32
          %dma_start3A_299 = tpu.memref_slice %dma_start3A_297[%add3A_286, %dma_start3A_298] : memref<50000x16xf32, #tpu.memory_space<hbm>> -> memref<625x16xf32, #tpu.memory_space<hbm>>
          tpu.enqueue_dma source(%arg6 : memref<625x16xf32, #tpu.memory_space<vmem>>) target(%dma_start3A_299 : memref<625x16xf32, #tpu.memory_space<hbm>>) target_semaphore(%run_scoped3A : memref<!tpu.dma_semaphore, #tpu.memory_space<semaphore_mem>>)
          %dma_wait3A_300 = arith.constant 0 : i32
          %dma_wait3A_301 = arith.constant 0 : i32
          %dma_wait3A_302 = tpu.memref_slice %arg5[%arg0, %cond3A_270, %dma_wait3A_300, %dma_wait3A_301] : memref<2x2x50000x16xf32, #tpu.memory_space<hbm>> -> memref<1x1x50000x16xf32, #tpu.memory_space<hbm>>
          %dma_wait3A_303 = tpu.memref_squeeze %dma_wait3A_302 : memref<1x1x50000x16xf32, #tpu.memory_space<hbm>> -> memref<50000x16xf32, #tpu.memory_space<hbm>>
          %dma_wait3A_304 = arith.constant 0 : i32
          %dma_wait3A_305 = tpu.memref_slice %dma_wait3A_303[%add3A_286, %dma_wait3A_304] : memref<50000x16xf32, #tpu.memory_space<hbm>> -> memref<625x16xf32, #tpu.memory_space<hbm>>
          %dma_wait3A_306 = arith.constant 0 : i32
          %dma_wait3A_307 = arith.constant 0 : i32
          %dma_wait3A_308 = tpu.memref_slice %arg5[%arg0, %cond3A_270, %dma_wait3A_306, %dma_wait3A_307] : memref<2x2x50000x16xf32, #tpu.memory_space<hbm>> -> memref<1x1x50000x16xf32, #tpu.memory_space<hbm>>
          %dma_wait3A_309 = tpu.memref_squeeze %dma_wait3A_308 : memref<1x1x50000x16xf32, #tpu.memory_space<hbm>> -> memref<50000x16xf32, #tpu.memory_space<hbm>>
          %dma_wait3A_310 = arith.constant 0 : i32
          %dma_wait3A_311 = tpu.memref_slice %dma_wait3A_309[%add3A_286, %dma_wait3A_310] : memref<50000x16xf32, #tpu.memory_space<hbm>> -> memref<625x16xf32, #tpu.memory_space<hbm>>
          tpu.wait_dma2 semaphore(%run_scoped3A : memref<!tpu.dma_semaphore, #tpu.memory_space<semaphore_mem>>) src(%arg6 : memref<625x16xf32, #tpu.memory_space<vmem>>) dst(%dma_wait3A_311 : memref<625x16xf32, #tpu.memory_space<hbm>>)
          tpu.yield
        }) : () -> ()
        %scan3A_287 = arith.constant 0 : i32
        scf.yield %scan3A_287 : i32
      }
      %scan3A_279 = arith.constant 8 : i32
    } else {
    }
    return
  }
}

module attributes {stable_mosaic.version = 14 : i64} {
  func.func @_dense_body(%arg0: i32, %arg1: memref<2000x128xf32, #tpu.memory_space<vmem>>, %arg2: memref<2000x64xf32, #tpu.memory_space<vmem>>, %arg3: memref<128x64xf32, #tpu.memory_space<vmem>>, %arg4: memref<1x64xf32, #tpu.memory_space<vmem>>, %arg5: memref<64x192xf32, #tpu.memory_space<vmem>>, %arg6: memref<1x192xf32, #tpu.memory_space<vmem>>, %arg7: memref<64x192xf32, #tpu.memory_space<vmem>>, %arg8: memref<1x192xf32, #tpu.memory_space<vmem>>, %arg9: memref<64x64xf32, #tpu.memory_space<vmem>>, %arg10: memref<1x64xf32, #tpu.memory_space<vmem>>, %arg11: memref<2000x2xf32, #tpu.memory_space<vmem>>, %arg12: memref<2000x64xf32, #tpu.memory_space<vmem>>, %arg13: memref<2x2x2000x16xf32, #tpu.memory_space<vmem>>) attributes {dimension_semantics = [#tpu.dimension_semantics<arbitrary>], iteration_bounds = array<i64: 25>, scalar_prefetch = 0 : i64, scratch_operands = 0 : i64, tpu.core_type = #tpu.core_type<tc>, window_params = [{transform_indices = @transform_0, window_bounds = array<i64: 2000, 128>}, {transform_indices = @transform_1, window_bounds = array<i64: 2000, 64>}, {pipeline_mode = #tpu.pipeline_mode<synchronous>, transform_indices = @transform_2, window_bounds = array<i64: 128, 64>}, {pipeline_mode = #tpu.pipeline_mode<synchronous>, transform_indices = @transform_3, window_bounds = array<i64: 1, 64>}, {pipeline_mode = #tpu.pipeline_mode<synchronous>, transform_indices = @transform_4, window_bounds = array<i64: 64, 192>}, {pipeline_mode = #tpu.pipeline_mode<synchronous>, transform_indices = @transform_5, window_bounds = array<i64: 1, 192>}, {pipeline_mode = #tpu.pipeline_mode<synchronous>, transform_indices = @transform_6, window_bounds = array<i64: 64, 192>}, {pipeline_mode = #tpu.pipeline_mode<synchronous>, transform_indices = @transform_7, window_bounds = array<i64: 1, 192>}, {pipeline_mode = #tpu.pipeline_mode<synchronous>, transform_indices = @transform_8, window_bounds = array<i64: 64, 64>}, {pipeline_mode = #tpu.pipeline_mode<synchronous>, transform_indices = @transform_9, window_bounds = array<i64: 1, 64>}, {transform_indices = @transform_10, window_bounds = array<i64: 2000, 2>}, {transform_indices = @transform_11, window_bounds = array<i64: 2000, 64>}, {transform_indices = @transform_12, window_bounds = array<i64: 2, 2, 2000, 16>}]} {
    %get3A = arith.constant 0 : index
    %get3A_0 = arith.constant 0 : index
    %get3A_1 = vector.load %arg1[%get3A, %get3A_0] : memref<2000x128xf32, #tpu.memory_space<vmem>>, vector<2000x128xf32>
    %get3A_2 = arith.constant 0 : index
    %get3A_3 = arith.constant 0 : index
    %get3A_4 = vector.load %arg3[%get3A_2, %get3A_3] : memref<128x64xf32, #tpu.memory_space<vmem>>, vector<128x64xf32>
    %dot_general3A = arith.constant dense<0.000000e+00> : vector<2000x64xf32>
    %dot_general3A_5 = tpu.matmul %get3A_1, %get3A_4, %dot_general3A {dimension_numbers = #tpu.dot_dimension_numbers<[1], [0], [0], [1], [0, 0, 1, 1], [], []>, transpose_lhs_hint = false} : vector<2000x128xf32>, vector<128x64xf32>, vector<2000x64xf32> -> vector<2000x64xf32>
    %get3A_6 = arith.constant 0 : index
    %get3A_7 = arith.constant 0 : index
    %get3A_8 = vector.load %arg4[%get3A_6, %get3A_7] : memref<1x64xf32, #tpu.memory_space<vmem>>, vector<1x64xf32>
    %add3A = vector.broadcast %get3A_8 : vector<1x64xf32> to vector<2000x64xf32>
    %add3A_9 = arith.addf %dot_general3A_5, %add3A : vector<2000x64xf32>
    %max3A = arith.constant 0.000000e+00 : f32
    %max3A_10 = vector.broadcast %max3A : f32 to vector<2000x64xf32>
    %max3A_11 = arith.maximumf %add3A_9, %max3A_10 : vector<2000x64xf32>
    %get3A_12 = arith.constant 0 : index
    %get3A_13 = arith.constant 0 : index
    %get3A_14 = vector.load %arg5[%get3A_12, %get3A_13] : memref<64x192xf32, #tpu.memory_space<vmem>>, vector<64x192xf32>
    %dot_general3A_15 = arith.constant dense<0.000000e+00> : vector<2000x192xf32>
    %dot_general3A_16 = tpu.matmul %max3A_11, %get3A_14, %dot_general3A_15 {dimension_numbers = #tpu.dot_dimension_numbers<[1], [0], [0], [1], [0, 0, 1, 1], [], []>, transpose_lhs_hint = false} : vector<2000x64xf32>, vector<64x192xf32>, vector<2000x192xf32> -> vector<2000x192xf32>
    %get3A_17 = arith.constant 0 : index
    %get3A_18 = arith.constant 0 : index
    %get3A_19 = vector.load %arg6[%get3A_17, %get3A_18] : memref<1x192xf32, #tpu.memory_space<vmem>>, vector<1x192xf32>
    %add3A_20 = vector.broadcast %get3A_19 : vector<1x192xf32> to vector<2000x192xf32>
    %add3A_21 = arith.addf %dot_general3A_16, %add3A_20 : vector<2000x192xf32>
    %get3A_22 = arith.constant 0 : index
    %get3A_23 = arith.constant 0 : index
    %get3A_24 = vector.load %arg2[%get3A_22, %get3A_23] : memref<2000x64xf32, #tpu.memory_space<vmem>>, vector<2000x64xf32>
    %get3A_25 = arith.constant 0 : index
    %get3A_26 = arith.constant 0 : index
    %get3A_27 = vector.load %arg7[%get3A_25, %get3A_26] : memref<64x192xf32, #tpu.memory_space<vmem>>, vector<64x192xf32>
    %dot_general3A_28 = arith.constant dense<0.000000e+00> : vector<2000x192xf32>
    %dot_general3A_29 = tpu.matmul %get3A_24, %get3A_27, %dot_general3A_28 {dimension_numbers = #tpu.dot_dimension_numbers<[1], [0], [0], [1], [0, 0, 1, 1], [], []>, transpose_lhs_hint = false} : vector<2000x64xf32>, vector<64x192xf32>, vector<2000x192xf32> -> vector<2000x192xf32>
    %get3A_30 = arith.constant 0 : index
    %get3A_31 = arith.constant 0 : index
    %get3A_32 = vector.load %arg8[%get3A_30, %get3A_31] : memref<1x192xf32, #tpu.memory_space<vmem>>, vector<1x192xf32>
    %add3A_33 = vector.broadcast %get3A_32 : vector<1x192xf32> to vector<2000x192xf32>
    %add3A_34 = arith.addf %dot_general3A_29, %add3A_33 : vector<2000x192xf32>
    %slice3A = vector.extract_strided_slice %add3A_21 {offsets = [0, 0], sizes = [2000, 64], strides = [1, 1]} : vector<2000x192xf32> to vector<2000x64xf32>
    %slice3A_35 = vector.extract_strided_slice %add3A_34 {offsets = [0, 0], sizes = [2000, 64], strides = [1, 1]} : vector<2000x192xf32> to vector<2000x64xf32>
    %add3A_36 = arith.addf %slice3A, %slice3A_35 : vector<2000x64xf32>
    %logistic3A = arith.negf %add3A_36 : vector<2000x64xf32>
    %logistic3A_37 = math.exp %logistic3A : vector<2000x64xf32>
    %logistic3A_38 = arith.constant 1.000000e+00 : f32
    %logistic3A_39 = vector.broadcast %logistic3A_38 : f32 to vector<2000x64xf32>
    %logistic3A_40 = arith.addf %logistic3A_39, %logistic3A_37 : vector<2000x64xf32>
    %logistic3A_41 = arith.divf %logistic3A_39, %logistic3A_40 : vector<2000x64xf32>
    %slice3A_42 = vector.extract_strided_slice %add3A_21 {offsets = [0, 64], sizes = [2000, 64], strides = [1, 1]} : vector<2000x192xf32> to vector<2000x64xf32>
    %slice3A_43 = vector.extract_strided_slice %add3A_34 {offsets = [0, 64], sizes = [2000, 64], strides = [1, 1]} : vector<2000x192xf32> to vector<2000x64xf32>
    %add3A_44 = arith.addf %slice3A_42, %slice3A_43 : vector<2000x64xf32>
    %logistic3A_45 = arith.negf %add3A_44 : vector<2000x64xf32>
    %logistic3A_46 = math.exp %logistic3A_45 : vector<2000x64xf32>
    %logistic3A_47 = arith.constant 1.000000e+00 : f32
    %logistic3A_48 = vector.broadcast %logistic3A_47 : f32 to vector<2000x64xf32>
    %logistic3A_49 = arith.addf %logistic3A_48, %logistic3A_46 : vector<2000x64xf32>
    %logistic3A_50 = arith.divf %logistic3A_48, %logistic3A_49 : vector<2000x64xf32>
    %slice3A_51 = vector.extract_strided_slice %add3A_21 {offsets = [0, 128], sizes = [2000, 64], strides = [1, 1]} : vector<2000x192xf32> to vector<2000x64xf32>
    %slice3A_52 = vector.extract_strided_slice %add3A_34 {offsets = [0, 128], sizes = [2000, 64], strides = [1, 1]} : vector<2000x192xf32> to vector<2000x64xf32>
    %mul3A = arith.mulf %logistic3A_41, %slice3A_52 : vector<2000x64xf32>
    %add3A_53 = arith.addf %slice3A_51, %mul3A : vector<2000x64xf32>
    %tanh3A = math.tanh %add3A_53 : vector<2000x64xf32>
    %sub3A = arith.constant 1.000000e+00 : f32
    %sub3A_54 = vector.broadcast %sub3A : f32 to vector<2000x64xf32>
    %sub3A_55 = arith.subf %sub3A_54, %logistic3A_50 : vector<2000x64xf32>
    %mul3A_56 = arith.mulf %sub3A_55, %tanh3A : vector<2000x64xf32>
    %get3A_57 = arith.constant 0 : index
    %get3A_58 = arith.constant 0 : index
    %get3A_59 = vector.load %arg2[%get3A_57, %get3A_58] : memref<2000x64xf32, #tpu.memory_space<vmem>>, vector<2000x64xf32>
    %mul3A_60 = arith.mulf %logistic3A_50, %get3A_59 : vector<2000x64xf32>
    %add3A_61 = arith.addf %mul3A_56, %mul3A_60 : vector<2000x64xf32>
    %get3A_62 = arith.constant 0 : index
    %get3A_63 = arith.constant 0 : index
    %get3A_64 = vector.load %arg9[%get3A_62, %get3A_63] : memref<64x64xf32, #tpu.memory_space<vmem>>, vector<64x64xf32>
    %dot_general3A_65 = arith.constant dense<0.000000e+00> : vector<2000x64xf32>
    %dot_general3A_66 = tpu.matmul %add3A_61, %get3A_64, %dot_general3A_65 {dimension_numbers = #tpu.dot_dimension_numbers<[1], [0], [0], [1], [0, 0, 1, 1], [], []>, transpose_lhs_hint = false} : vector<2000x64xf32>, vector<64x64xf32>, vector<2000x64xf32> -> vector<2000x64xf32>
    %get3A_67 = arith.constant 0 : index
    %get3A_68 = arith.constant 0 : index
    %get3A_69 = vector.load %arg10[%get3A_67, %get3A_68] : memref<1x64xf32, #tpu.memory_space<vmem>>, vector<1x64xf32>
    %add3A_70 = vector.broadcast %get3A_69 : vector<1x64xf32> to vector<2000x64xf32>
    %add3A_71 = arith.addf %dot_general3A_66, %add3A_70 : vector<2000x64xf32>
    %get3A_72 = arith.constant 0 : index
    %get3A_73 = arith.constant 0 : index
    %get3A_74 = vector.load %arg11[%get3A_72, %get3A_73] : memref<2000x2xf32, #tpu.memory_space<vmem>>, vector<2000x2xf32>
    %slice3A_75 = vector.extract_strided_slice %get3A_74 {offsets = [0, 0], sizes = [2000, 1], strides = [1, 1]} : vector<2000x2xf32> to vector<2000x1xf32>
    %squeeze3A = vector.shape_cast %slice3A_75 : vector<2000x1xf32> to vector<2000xf32>
    %slice3A_76 = vector.extract_strided_slice %get3A_74 {offsets = [0, 1], sizes = [2000, 1], strides = [1, 1]} : vector<2000x2xf32> to vector<2000x1xf32>
    %squeeze3A_77 = vector.shape_cast %slice3A_76 : vector<2000x1xf32> to vector<2000xf32>
    %add3A_78 = arith.addf %squeeze3A, %squeeze3A_77 : vector<2000xf32>
    %add3A_79 = arith.constant 1.000000e+00 : f32
    %add3A_80 = vector.broadcast %add3A_79 : f32 to vector<2000xf32>
    %add3A_81 = arith.addf %add3A_78, %add3A_80 : vector<2000xf32>
    %rsqrt3A = math.rsqrt %add3A_81 : vector<2000xf32>
    %broadcast_in_dim3A = vector.shape_cast %rsqrt3A : vector<2000xf32> to vector<2000x1xf32>
    %mul3A_82 = vector.broadcast %broadcast_in_dim3A : vector<2000x1xf32> to vector<2000x64xf32>
    %mul3A_83 = arith.mulf %add3A_71, %mul3A_82 : vector<2000x64xf32>
    %swap3A = arith.constant 0 : index
    %swap3A_84 = arith.constant 0 : index
    %swap3A_85 = vector.load %arg12[%swap3A, %swap3A_84] : memref<2000x64xf32, #tpu.memory_space<vmem>>, vector<2000x64xf32>
    tpu.vector_store %arg12[%swap3A, %swap3A_84], %add3A_61 {strides = array<i32>} : memref<2000x64xf32, #tpu.memory_space<vmem>>, vector<2000x64xf32>,
    %slice3A_86 = vector.extract_strided_slice %mul3A_83 {offsets = [0, 0], sizes = [2000, 16], strides = [1, 1]} : vector<2000x64xf32> to vector<2000x16xf32>
    %slice3A_87 = vector.extract_strided_slice %mul3A_83 {offsets = [0, 16], sizes = [2000, 16], strides = [1, 1]} : vector<2000x64xf32> to vector<2000x16xf32>
    %slice3A_88 = vector.extract_strided_slice %mul3A_83 {offsets = [0, 32], sizes = [2000, 16], strides = [1, 1]} : vector<2000x64xf32> to vector<2000x16xf32>
    %slice3A_89 = vector.extract_strided_slice %mul3A_83 {offsets = [0, 48], sizes = [2000, 16], strides = [1, 1]} : vector<2000x64xf32> to vector<2000x16xf32>
    %stack3A = vector.shape_cast %slice3A_86 : vector<2000x16xf32> to vector<1x2000x16xf32>
    %stack3A_90 = vector.shape_cast %slice3A_87 : vector<2000x16xf32> to vector<1x2000x16xf32>
    %stack3A_91 = vector.shape_cast %slice3A_88 : vector<2000x16xf32> to vector<1x2000x16xf32>
    %stack3A_92 = vector.shape_cast %slice3A_89 : vector<2000x16xf32> to vector<1x2000x16xf32>
    %stack3A_93 = tpu.concatenate %stack3A, %stack3A_90, %stack3A_91, %stack3A_92 in 0 : vector<1x2000x16xf32>, vector<1x2000x16xf32>, vector<1x2000x16xf32>, vector<1x2000x16xf32> -> vector<4x2000x16xf32>
    %reshape3A = vector.shape_cast %stack3A_93 : vector<4x2000x16xf32> to vector<2x2x2000x16xf32>
    %swap3A_94 = arith.constant 0 : index
    %swap3A_95 = arith.constant 0 : index
    %swap3A_96 = arith.constant 0 : index
    %swap3A_97 = arith.constant 0 : index
    %swap3A_98 = vector.load %arg13[%swap3A_94, %swap3A_95, %swap3A_96, %swap3A_97] : memref<2x2x2000x16xf32, #tpu.memory_space<vmem>>, vector<2x2x2000x16xf32>
    tpu.vector_store %arg13[%swap3A_94, %swap3A_95, %swap3A_96, %swap3A_97], %reshape3A {strides = array<i32>} : memref<2x2x2000x16xf32, #tpu.memory_space<vmem>>, vector<2x2x2000x16xf32>,
    return
  }
  func.func @transform_0(%arg0: i32) -> (i32, i32) {
    %c0_i32 = arith.constant 0 : i32
    %c0_i32_0 = arith.constant 0 : i32
    return %arg0, %c0_i32 : i32, i32
  }
  func.func @transform_1(%arg0: i32) -> (i32, i32) {
    %c0_i32 = arith.constant 0 : i32
    %c0_i32_0 = arith.constant 0 : i32
    return %arg0, %c0_i32 : i32, i32
  }
  func.func @transform_2(%arg0: i32) -> (i32, i32) {
    %c0_i32 = arith.constant 0 : i32
    %c0_i32_0 = arith.constant 0 : i32
    %c0_i32_1 = arith.constant 0 : i32
    return %c0_i32, %c0_i32_0 : i32, i32
  }
  func.func @transform_3(%arg0: i32) -> (i32, i32) {
    %c0_i32 = arith.constant 0 : i32
    %c0_i32_0 = arith.constant 0 : i32
    %c0_i32_1 = arith.constant 0 : i32
    return %c0_i32, %c0_i32_0 : i32, i32
  }
  func.func @transform_4(%arg0: i32) -> (i32, i32) {
    %c0_i32 = arith.constant 0 : i32
    %c0_i32_0 = arith.constant 0 : i32
    %c0_i32_1 = arith.constant 0 : i32
    return %c0_i32, %c0_i32_0 : i32, i32
  }
  func.func @transform_5(%arg0: i32) -> (i32, i32) {
    %c0_i32 = arith.constant 0 : i32
    %c0_i32_0 = arith.constant 0 : i32
    %c0_i32_1 = arith.constant 0 : i32
    return %c0_i32, %c0_i32_0 : i32, i32
  }
  func.func @transform_6(%arg0: i32) -> (i32, i32) {
    %c0_i32 = arith.constant 0 : i32
    %c0_i32_0 = arith.constant 0 : i32
    %c0_i32_1 = arith.constant 0 : i32
    return %c0_i32, %c0_i32_0 : i32, i32
  }
  func.func @transform_7(%arg0: i32) -> (i32, i32) {
    %c0_i32 = arith.constant 0 : i32
    %c0_i32_0 = arith.constant 0 : i32
    %c0_i32_1 = arith.constant 0 : i32
    return %c0_i32, %c0_i32_0 : i32, i32
  }
  func.func @transform_8(%arg0: i32) -> (i32, i32) {
    %c0_i32 = arith.constant 0 : i32
    %c0_i32_0 = arith.constant 0 : i32
    %c0_i32_1 = arith.constant 0 : i32
    return %c0_i32, %c0_i32_0 : i32, i32
  }
  func.func @transform_9(%arg0: i32) -> (i32, i32) {
    %c0_i32 = arith.constant 0 : i32
    %c0_i32_0 = arith.constant 0 : i32
    %c0_i32_1 = arith.constant 0 : i32
    return %c0_i32, %c0_i32_0 : i32, i32
  }
  func.func @transform_10(%arg0: i32) -> (i32, i32) {
    %c0_i32 = arith.constant 0 : i32
    %c0_i32_0 = arith.constant 0 : i32
    return %arg0, %c0_i32 : i32, i32
  }
  func.func @transform_11(%arg0: i32) -> (i32, i32) {
    %c0_i32 = arith.constant 0 : i32
    %c0_i32_0 = arith.constant 0 : i32
    return %arg0, %c0_i32 : i32, i32
  }
  func.func @transform_12(%arg0: i32) -> (i32, i32, i32, i32) {
    %c0_i32 = arith.constant 0 : i32
    %c0_i32_0 = arith.constant 0 : i32
    %c0_i32_1 = arith.constant 0 : i32
    %c0_i32_2 = arith.constant 0 : i32
    return %c0_i32, %c0_i32_0, %arg0, %c0_i32_1 : i32, i32, i32, i32
  }
}

module attributes {stable_mosaic.version = 14 : i64} {
  func.func @_mid_body(%arg0: i32, %arg1: memref<2x2x2000x16xf32, #tpu.memory_space<vmem>>, %arg2: memref<2x2x2000x16xf32, #tpu.memory_space<vmem>>, %arg3: memref<2000x2xf32, #tpu.memory_space<vmem>>, %arg4: memref<64x64xf32, #tpu.memory_space<vmem>>, %arg5: memref<1x64xf32, #tpu.memory_space<vmem>>, %arg6: memref<64x32xf32, #tpu.memory_space<vmem>>, %arg7: memref<2x2000x16xf32, #tpu.memory_space<vmem>>) attributes {dimension_semantics = [#tpu.dimension_semantics<arbitrary>], iteration_bounds = array<i64: 25>, scalar_prefetch = 0 : i64, scratch_operands = 0 : i64, tpu.core_type = #tpu.core_type<tc>, window_params = [{transform_indices = @transform_0, window_bounds = array<i64: 2, 2, 2000, 16>}, {transform_indices = @transform_1, window_bounds = array<i64: 2, 2, 2000, 16>}, {transform_indices = @transform_2, window_bounds = array<i64: 2000, 2>}, {pipeline_mode = #tpu.pipeline_mode<synchronous>, transform_indices = @transform_3, window_bounds = array<i64: 64, 64>}, {pipeline_mode = #tpu.pipeline_mode<synchronous>, transform_indices = @transform_4, window_bounds = array<i64: 1, 64>}, {pipeline_mode = #tpu.pipeline_mode<synchronous>, transform_indices = @transform_5, window_bounds = array<i64: 64, 32>}, {transform_indices = @transform_6, window_bounds = array<i64: 2, 2000, 16>}]} {
    %get3A = arith.constant 0 : index
    %get3A_0 = arith.constant 0 : index
    %get3A_1 = vector.load %arg3[%get3A, %get3A_0] : memref<2000x2xf32, #tpu.memory_space<vmem>>, vector<2000x2xf32>
    %slice3A = vector.extract_strided_slice %get3A_1 {offsets = [0, 0], sizes = [2000, 1], strides = [1, 1]} : vector<2000x2xf32> to vector<2000x1xf32>
    %squeeze3A = vector.shape_cast %slice3A : vector<2000x1xf32> to vector<2000xf32>
    %slice3A_2 = vector.extract_strided_slice %get3A_1 {offsets = [0, 1], sizes = [2000, 1], strides = [1, 1]} : vector<2000x2xf32> to vector<2000x1xf32>
    %squeeze3A_3 = vector.shape_cast %slice3A_2 : vector<2000x1xf32> to vector<2000xf32>
    %add3A = arith.addf %squeeze3A, %squeeze3A_3 : vector<2000xf32>
    %add3A_4 = arith.constant 1.000000e+00 : f32
    %add3A_5 = vector.broadcast %add3A_4 : f32 to vector<2000xf32>
    %add3A_6 = arith.addf %add3A, %add3A_5 : vector<2000xf32>
    %rsqrt3A = math.rsqrt %add3A_6 : vector<2000xf32>
    %broadcast_in_dim3A = vector.shape_cast %rsqrt3A : vector<2000xf32> to vector<2000x1xf32>
    %get3A_7 = arith.constant 0 : index
    %get3A_8 = arith.constant 0 : index
    %get3A_9 = arith.constant 0 : index
    %get3A_10 = arith.constant 0 : index
    %get3A_11 = vector.load %arg1[%get3A_7, %get3A_8, %get3A_9, %get3A_10] : memref<2x2x2000x16xf32, #tpu.memory_space<vmem>>, vector<1x1x2000x16xf32>
    %get3A_12 = vector.shape_cast %get3A_11 : vector<1x1x2000x16xf32> to vector<2000x16xf32>
    %get3A_13 = arith.constant 0 : index
    %get3A_14 = arith.constant 0 : index
    %get3A_15 = arith.constant 0 : index
    %get3A_16 = arith.constant 0 : index
    %get3A_17 = vector.load %arg2[%get3A_13, %get3A_14, %get3A_15, %get3A_16] : memref<2x2x2000x16xf32, #tpu.memory_space<vmem>>, vector<1x1x2000x16xf32>
    %get3A_18 = vector.shape_cast %get3A_17 : vector<1x1x2000x16xf32> to vector<2000x16xf32>
    %add3A_19 = arith.addf %get3A_12, %get3A_18 : vector<2000x16xf32>
    %get3A_20 = arith.constant 0 : index
    %get3A_21 = arith.constant 1 : index
    %get3A_22 = arith.constant 0 : index
    %get3A_23 = arith.constant 0 : index
    %get3A_24 = vector.load %arg1[%get3A_20, %get3A_21, %get3A_22, %get3A_23] : memref<2x2x2000x16xf32, #tpu.memory_space<vmem>>, vector<1x1x2000x16xf32>
    %get3A_25 = vector.shape_cast %get3A_24 : vector<1x1x2000x16xf32> to vector<2000x16xf32>
    %get3A_26 = arith.constant 0 : index
    %get3A_27 = arith.constant 1 : index
    %get3A_28 = arith.constant 0 : index
    %get3A_29 = arith.constant 0 : index
    %get3A_30 = vector.load %arg2[%get3A_26, %get3A_27, %get3A_28, %get3A_29] : memref<2x2x2000x16xf32, #tpu.memory_space<vmem>>, vector<1x1x2000x16xf32>
    %get3A_31 = vector.shape_cast %get3A_30 : vector<1x1x2000x16xf32> to vector<2000x16xf32>
    %add3A_32 = arith.addf %get3A_25, %get3A_31 : vector<2000x16xf32>
    %get3A_33 = arith.constant 1 : index
    %get3A_34 = arith.constant 0 : index
    %get3A_35 = arith.constant 0 : index
    %get3A_36 = arith.constant 0 : index
    %get3A_37 = vector.load %arg1[%get3A_33, %get3A_34, %get3A_35, %get3A_36] : memref<2x2x2000x16xf32, #tpu.memory_space<vmem>>, vector<1x1x2000x16xf32>
    %get3A_38 = vector.shape_cast %get3A_37 : vector<1x1x2000x16xf32> to vector<2000x16xf32>
    %get3A_39 = arith.constant 1 : index
    %get3A_40 = arith.constant 0 : index
    %get3A_41 = arith.constant 0 : index
    %get3A_42 = arith.constant 0 : index
    %get3A_43 = vector.load %arg2[%get3A_39, %get3A_40, %get3A_41, %get3A_42] : memref<2x2x2000x16xf32, #tpu.memory_space<vmem>>, vector<1x1x2000x16xf32>
    %get3A_44 = vector.shape_cast %get3A_43 : vector<1x1x2000x16xf32> to vector<2000x16xf32>
    %add3A_45 = arith.addf %get3A_38, %get3A_44 : vector<2000x16xf32>
    %get3A_46 = arith.constant 1 : index
    %get3A_47 = arith.constant 1 : index
    %get3A_48 = arith.constant 0 : index
    %get3A_49 = arith.constant 0 : index
    %get3A_50 = vector.load %arg1[%get3A_46, %get3A_47, %get3A_48, %get3A_49] : memref<2x2x2000x16xf32, #tpu.memory_space<vmem>>, vector<1x1x2000x16xf32>
    %get3A_51 = vector.shape_cast %get3A_50 : vector<1x1x2000x16xf32> to vector<2000x16xf32>
    %get3A_52 = arith.constant 1 : index
    %get3A_53 = arith.constant 1 : index
    %get3A_54 = arith.constant 0 : index
    %get3A_55 = arith.constant 0 : index
    %get3A_56 = vector.load %arg2[%get3A_52, %get3A_53, %get3A_54, %get3A_55] : memref<2x2x2000x16xf32, #tpu.memory_space<vmem>>, vector<1x1x2000x16xf32>
    %get3A_57 = vector.shape_cast %get3A_56 : vector<1x1x2000x16xf32> to vector<2000x16xf32>
    %add3A_58 = arith.addf %get3A_51, %get3A_57 : vector<2000x16xf32>
    %concatenate3A = tpu.concatenate %add3A_19, %add3A_32, %add3A_45, %add3A_58 in 1 : vector<2000x16xf32>, vector<2000x16xf32>, vector<2000x16xf32>, vector<2000x16xf32> -> vector<2000x64xf32>
    %mul3A = vector.broadcast %broadcast_in_dim3A : vector<2000x1xf32> to vector<2000x64xf32>
    %mul3A_59 = arith.mulf %concatenate3A, %mul3A : vector<2000x64xf32>
    %get3A_60 = arith.constant 0 : index
    %get3A_61 = arith.constant 0 : index
    %get3A_62 = vector.load %arg4[%get3A_60, %get3A_61] : memref<64x64xf32, #tpu.memory_space<vmem>>, vector<64x64xf32>
    %dot_general3A = arith.constant dense<0.000000e+00> : vector<2000x64xf32>
    %dot_general3A_63 = tpu.matmul %mul3A_59, %get3A_62, %dot_general3A {dimension_numbers = #tpu.dot_dimension_numbers<[1], [0], [0], [1], [0, 0, 1, 1], [], []>, transpose_lhs_hint = false} : vector<2000x64xf32>, vector<64x64xf32>, vector<2000x64xf32> -> vector<2000x64xf32>
    %get3A_64 = arith.constant 0 : index
    %get3A_65 = arith.constant 0 : index
    %get3A_66 = vector.load %arg5[%get3A_64, %get3A_65] : memref<1x64xf32, #tpu.memory_space<vmem>>, vector<1x64xf32>
    %add3A_67 = vector.broadcast %get3A_66 : vector<1x64xf32> to vector<2000x64xf32>
    %add3A_68 = arith.addf %dot_general3A_63, %add3A_67 : vector<2000x64xf32>
    %max3A = arith.constant 0.000000e+00 : f32
    %max3A_69 = vector.broadcast %max3A : f32 to vector<2000x64xf32>
    %max3A_70 = arith.maximumf %add3A_68, %max3A_69 : vector<2000x64xf32>
    %get3A_71 = arith.constant 0 : index
    %get3A_72 = arith.constant 0 : index
    %get3A_73 = vector.load %arg6[%get3A_71, %get3A_72] : memref<64x32xf32, #tpu.memory_space<vmem>>, vector<64x32xf32>
    %dot_general3A_74 = arith.constant dense<0.000000e+00> : vector<2000x32xf32>
    %dot_general3A_75 = tpu.matmul %max3A_70, %get3A_73, %dot_general3A_74 {dimension_numbers = #tpu.dot_dimension_numbers<[1], [0], [0], [1], [0, 0, 1, 1], [], []>, transpose_lhs_hint = false} : vector<2000x64xf32>, vector<64x32xf32>, vector<2000x32xf32> -> vector<2000x32xf32>
    %mul3A_76 = vector.broadcast %broadcast_in_dim3A : vector<2000x1xf32> to vector<2000x32xf32>
    %mul3A_77 = arith.mulf %dot_general3A_75, %mul3A_76 : vector<2000x32xf32>
    %slice3A_78 = vector.extract_strided_slice %mul3A_77 {offsets = [0, 0], sizes = [2000, 16], strides = [1, 1]} : vector<2000x32xf32> to vector<2000x16xf32>
    %slice3A_79 = vector.extract_strided_slice %mul3A_77 {offsets = [0, 16], sizes = [2000, 16], strides = [1, 1]} : vector<2000x32xf32> to vector<2000x16xf32>
    %stack3A = vector.shape_cast %slice3A_78 : vector<2000x16xf32> to vector<1x2000x16xf32>
    %stack3A_80 = vector.shape_cast %slice3A_79 : vector<2000x16xf32> to vector<1x2000x16xf32>
    %stack3A_81 = tpu.concatenate %stack3A, %stack3A_80 in 0 : vector<1x2000x16xf32>, vector<1x2000x16xf32> -> vector<2x2000x16xf32>
    %swap3A = arith.constant 0 : index
    %swap3A_82 = arith.constant 0 : index
    %swap3A_83 = arith.constant 0 : index
    %swap3A_84 = vector.load %arg7[%swap3A, %swap3A_82, %swap3A_83] : memref<2x2000x16xf32, #tpu.memory_space<vmem>>, vector<2x2000x16xf32>
    tpu.vector_store %arg7[%swap3A, %swap3A_82, %swap3A_83], %stack3A_81 {strides = array<i32>} : memref<2x2000x16xf32, #tpu.memory_space<vmem>>, vector<2x2000x16xf32>,
    return
  }
  func.func @transform_0(%arg0: i32) -> (i32, i32, i32, i32) {
    %c0_i32 = arith.constant 0 : i32
    %c0_i32_0 = arith.constant 0 : i32
    %c0_i32_1 = arith.constant 0 : i32
    %c0_i32_2 = arith.constant 0 : i32
    return %c0_i32, %c0_i32_0, %arg0, %c0_i32_1 : i32, i32, i32, i32
  }
  func.func @transform_1(%arg0: i32) -> (i32, i32, i32, i32) {
    %c0_i32 = arith.constant 0 : i32
    %c0_i32_0 = arith.constant 0 : i32
    %c0_i32_1 = arith.constant 0 : i32
    %c0_i32_2 = arith.constant 0 : i32
    return %c0_i32, %c0_i32_0, %arg0, %c0_i32_1 : i32, i32, i32, i32
  }
  func.func @transform_2(%arg0: i32) -> (i32, i32) {
    %c0_i32 = arith.constant 0 : i32
    %c0_i32_0 = arith.constant 0 : i32
    return %arg0, %c0_i32 : i32, i32
  }
  func.func @transform_3(%arg0: i32) -> (i32, i32) {
    %c0_i32 = arith.constant 0 : i32
    %c0_i32_0 = arith.constant 0 : i32
    %c0_i32_1 = arith.constant 0 : i32
    return %c0_i32, %c0_i32_0 : i32, i32
  }
  func.func @transform_4(%arg0: i32) -> (i32, i32) {
    %c0_i32 = arith.constant 0 : i32
    %c0_i32_0 = arith.constant 0 : i32
    %c0_i32_1 = arith.constant 0 : i32
    return %c0_i32, %c0_i32_0 : i32, i32
  }
  func.func @transform_5(%arg0: i32) -> (i32, i32) {
    %c0_i32 = arith.constant 0 : i32
    %c0_i32_0 = arith.constant 0 : i32
    %c0_i32_1 = arith.constant 0 : i32
    return %c0_i32, %c0_i32_0 : i32, i32
  }
  func.func @transform_6(%arg0: i32) -> (i32, i32, i32) {
    %c0_i32 = arith.constant 0 : i32
    %c0_i32_0 = arith.constant 0 : i32
    %c0_i32_1 = arith.constant 0 : i32
    return %c0_i32, %arg0, %c0_i32_0 : i32, i32, i32
  }
}

module attributes {stable_mosaic.version = 14 : i64} {
  func.func @_final_body(%arg0: i32, %arg1: memref<2x2x2000x16xf32, #tpu.memory_space<vmem>>, %arg2: memref<2x2000x16xf32, #tpu.memory_space<vmem>>, %arg3: memref<2000x2xf32, #tpu.memory_space<vmem>>, %arg4: memref<1x32xf32, #tpu.memory_space<vmem>>, %arg5: memref<2000x32xf32, #tpu.memory_space<vmem>>) attributes {dimension_semantics = [#tpu.dimension_semantics<arbitrary>], iteration_bounds = array<i64: 25>, scalar_prefetch = 0 : i64, scratch_operands = 0 : i64, tpu.core_type = #tpu.core_type<tc>, window_params = [{transform_indices = @transform_0, window_bounds = array<i64: 2, 2, 2000, 16>}, {transform_indices = @transform_1, window_bounds = array<i64: 2, 2000, 16>}, {transform_indices = @transform_2, window_bounds = array<i64: 2000, 2>}, {pipeline_mode = #tpu.pipeline_mode<synchronous>, transform_indices = @transform_3, window_bounds = array<i64: 1, 32>}, {transform_indices = @transform_4, window_bounds = array<i64: 2000, 32>}]} {
    %get3A = arith.constant 0 : index
    %get3A_0 = arith.constant 0 : index
    %get3A_1 = vector.load %arg3[%get3A, %get3A_0] : memref<2000x2xf32, #tpu.memory_space<vmem>>, vector<2000x2xf32>
    %slice3A = vector.extract_strided_slice %get3A_1 {offsets = [0, 0], sizes = [2000, 1], strides = [1, 1]} : vector<2000x2xf32> to vector<2000x1xf32>
    %squeeze3A = vector.shape_cast %slice3A : vector<2000x1xf32> to vector<2000xf32>
    %slice3A_2 = vector.extract_strided_slice %get3A_1 {offsets = [0, 1], sizes = [2000, 1], strides = [1, 1]} : vector<2000x2xf32> to vector<2000x1xf32>
    %squeeze3A_3 = vector.shape_cast %slice3A_2 : vector<2000x1xf32> to vector<2000xf32>
    %add3A = arith.addf %squeeze3A, %squeeze3A_3 : vector<2000xf32>
    %add3A_4 = arith.constant 1.000000e+00 : f32
    %add3A_5 = vector.broadcast %add3A_4 : f32 to vector<2000xf32>
    %add3A_6 = arith.addf %add3A, %add3A_5 : vector<2000xf32>
    %rsqrt3A = math.rsqrt %add3A_6 : vector<2000xf32>
    %broadcast_in_dim3A = vector.shape_cast %rsqrt3A : vector<2000xf32> to vector<2000x1xf32>
    %get3A_7 = arith.constant 0 : index
    %get3A_8 = arith.constant 0 : index
    %get3A_9 = arith.constant 0 : index
    %get3A_10 = arith.constant 0 : index
    %get3A_11 = vector.load %arg1[%get3A_7, %get3A_8, %get3A_9, %get3A_10] : memref<2x2x2000x16xf32, #tpu.memory_space<vmem>>, vector<1x1x2000x16xf32>
    %get3A_12 = vector.shape_cast %get3A_11 : vector<1x1x2000x16xf32> to vector<2000x16xf32>
    %get3A_13 = arith.constant 1 : index
    %get3A_14 = arith.constant 0 : index
    %get3A_15 = arith.constant 0 : index
    %get3A_16 = arith.constant 0 : index
    %get3A_17 = vector.load %arg1[%get3A_13, %get3A_14, %get3A_15, %get3A_16] : memref<2x2x2000x16xf32, #tpu.memory_space<vmem>>, vector<1x1x2000x16xf32>
    %get3A_18 = vector.shape_cast %get3A_17 : vector<1x1x2000x16xf32> to vector<2000x16xf32>
    %add3A_19 = arith.addf %get3A_12, %get3A_18 : vector<2000x16xf32>
    %get3A_20 = arith.constant 0 : index
    %get3A_21 = arith.constant 0 : index
    %get3A_22 = arith.constant 0 : index
    %get3A_23 = vector.load %arg2[%get3A_20, %get3A_21, %get3A_22] : memref<2x2000x16xf32, #tpu.memory_space<vmem>>, vector<1x2000x16xf32>
    %get3A_24 = vector.shape_cast %get3A_23 : vector<1x2000x16xf32> to vector<2000x16xf32>
    %add3A_25 = arith.addf %add3A_19, %get3A_24 : vector<2000x16xf32>
    %get3A_26 = arith.constant 0 : index
    %get3A_27 = arith.constant 1 : index
    %get3A_28 = arith.constant 0 : index
    %get3A_29 = arith.constant 0 : index
    %get3A_30 = vector.load %arg1[%get3A_26, %get3A_27, %get3A_28, %get3A_29] : memref<2x2x2000x16xf32, #tpu.memory_space<vmem>>, vector<1x1x2000x16xf32>
    %get3A_31 = vector.shape_cast %get3A_30 : vector<1x1x2000x16xf32> to vector<2000x16xf32>
    %get3A_32 = arith.constant 1 : index
    %get3A_33 = arith.constant 1 : index
    %get3A_34 = arith.constant 0 : index
    %get3A_35 = arith.constant 0 : index
    %get3A_36 = vector.load %arg1[%get3A_32, %get3A_33, %get3A_34, %get3A_35] : memref<2x2x2000x16xf32, #tpu.memory_space<vmem>>, vector<1x1x2000x16xf32>
    %get3A_37 = vector.shape_cast %get3A_36 : vector<1x1x2000x16xf32> to vector<2000x16xf32>
    %add3A_38 = arith.addf %get3A_31, %get3A_37 : vector<2000x16xf32>
    %get3A_39 = arith.constant 1 : index
    %get3A_40 = arith.constant 0 : index
    %get3A_41 = arith.constant 0 : index
    %get3A_42 = vector.load %arg2[%get3A_39, %get3A_40, %get3A_41] : memref<2x2000x16xf32, #tpu.memory_space<vmem>>, vector<1x2000x16xf32>
    %get3A_43 = vector.shape_cast %get3A_42 : vector<1x2000x16xf32> to vector<2000x16xf32>
    %add3A_44 = arith.addf %add3A_38, %get3A_43 : vector<2000x16xf32>
    %concatenate3A = tpu.concatenate %add3A_25, %add3A_44 in 1 : vector<2000x16xf32>, vector<2000x16xf32> -> vector<2000x32xf32>
    %mul3A = vector.broadcast %broadcast_in_dim3A : vector<2000x1xf32> to vector<2000x32xf32>
    %mul3A_45 = arith.mulf %concatenate3A, %mul3A : vector<2000x32xf32>
    %get3A_46 = arith.constant 0 : index
    %get3A_47 = arith.constant 0 : index
    %get3A_48 = vector.load %arg4[%get3A_46, %get3A_47] : memref<1x32xf32, #tpu.memory_space<vmem>>, vector<1x32xf32>
    %add3A_49 = vector.broadcast %get3A_48 : vector<1x32xf32> to vector<2000x32xf32>
    %add3A_50 = arith.addf %mul3A_45, %add3A_49 : vector<2000x32xf32>
    %swap3A = arith.constant 0 : index
    %swap3A_51 = arith.constant 0 : index
    %swap3A_52 = vector.load %arg5[%swap3A, %swap3A_51] : memref<2000x32xf32, #tpu.memory_space<vmem>>, vector<2000x32xf32>
    tpu.vector_store %arg5[%swap3A, %swap3A_51], %add3A_50 {strides = array<i32>} : memref<2000x32xf32, #tpu.memory_space<vmem>>, vector<2000x32xf32>,
    return
  }
  func.func @transform_0(%arg0: i32) -> (i32, i32, i32, i32) {
    %c0_i32 = arith.constant 0 : i32
    %c0_i32_0 = arith.constant 0 : i32
    %c0_i32_1 = arith.constant 0 : i32
    %c0_i32_2 = arith.constant 0 : i32
    return %c0_i32, %c0_i32_0, %arg0, %c0_i32_1 : i32, i32, i32, i32
  }
  func.func @transform_1(%arg0: i32) -> (i32, i32, i32) {
    %c0_i32 = arith.constant 0 : i32
    %c0_i32_0 = arith.constant 0 : i32
    %c0_i32_1 = arith.constant 0 : i32
    return %c0_i32, %arg0, %c0_i32_0 : i32, i32, i32
  }
  func.func @transform_2(%arg0: i32) -> (i32, i32) {
    %c0_i32 = arith.constant 0 : i32
    %c0_i32_0 = arith.constant 0 : i32
    return %arg0, %c0_i32 : i32, i32
  }
  func.func @transform_3(%arg0: i32) -> (i32, i32) {
    %c0_i32 = arith.constant 0 : i32
    %c0_i32_0 = arith.constant 0 : i32
    %c0_i32_1 = arith.constant 0 : i32
    return %c0_i32, %c0_i32_0 : i32, i32
  }
  func.func @transform_4(%arg0: i32) -> (i32, i32) {
    %c0_i32 = arith.constant 0 : i32
    %c0_i32_0 = arith.constant 0 : i32
    return %arg0, %c0_i32 : i32, i32
  }
}

</mosaic_0001>

<sc_bundles>
// kernel: kernel.11.cloned.1.call-start
scs
__scs_entry_jumppad:
0x0: {  	(pc) =	sbr.rel $0x88, $3  }
0x1: {  	(tag) =	ssettag $0x0;
	lr =	simm.s32 $0x1  }
0x2: {  	[smem:$0x3F92] =	sst lr;
	_ =	strace $0xD0000000  }
0x3: {  	_ = 	snop  }
0x4: {  	_ = 	snop  }
0x5: {  	_ = 	snop  }
0x6: {  	_ = 	snop  }
0x7: {  	_ = 	snop  }
__scs_overlays_trampoline_lowered:
0x8: {  	[smem:$0x3FA1] =	sst s0  }
0x9: {  	[smem:$0x3FA2] =	sst s1  }
0xa: {  	[smem:$0x3FA3] =	sst s2  }
0xb: {  	[smem:$0x3FA4] =	sst s3  }
0xc: {  	[smem:$0x3FA5] =	sst s4  }
0xd: {  	[smem:$0x3FA6] =	sst s5  }
0xe: {  	[smem:$0x3FA7] =	sst s6  }
0xf: {  	[smem:$0x3FA8] =	sst s7  }
0x10: {  	[smem:$0x3FA9] =	sst s8  }
0x11: {  	[smem:$0x3FAA] =	sst s9;
	s0 =	simm.s32 @!p0 $0x0  }
0x12: {  	s1 =	sld [smem:$0x3F90];
	s0 =	simm.s32 @p0 $0x1  }
0x13: {  	[smem:$0x3FAB] =	sst s0;
	s0 =	simm.s32 @!p1 $0x0  }
0x14: {  	s2 =	sld [smem:$0x3F8F];
	s0 =	simm.s32 @p1 $0x1  }
0x15: {  	[smem:$0x3FAC] =	sst s0;
	s0 =	simm.s32 @!p2 $0x0  }
0x16: {  	s3 =	sld [smem:$0x3FDB];
	s0 =	simm.s32 @p2 $0x1  }
0x17: {  	s4 =	simm.s32 $0x1BF5;
	[smem:$0x3FAE] =	sst s0  }
0x18: {  	s0 =	sld [smem:$0x3F91];
	_ =	swait.ge [sflag:s4], $0x0  }
0x19: {  	s7 =	sld [smem:$0x3F92]  }
0x1a: {  	s8 =	sadd.s32 $0xFFFFE003, lr  }
0x1b: {  	s9 =	sadd.s32 $0xFFFFFEF7, lr;
	s5 =	simm.s32 $0xFFFFFFFF;
	p2 =	slt.u32 s8, $0xFFFFF086  }
0x1c: {  	p1 =	slt.u32 s9, $0xF7A;
	s5 =	simm.s32 @!p2 $0x0  }
0x1d: {  	s5 =	simm.s32 @p1 $0x1;
	p0 =	seq.s32 s7, s2  }
0x1e: {  	s7 =	smul.u32 @!p0 $0xF7A, s2;
	p2 =	seq.s32 @!p0 s5, $0x0  }
0x1f: {  	s9 =	smul.u32 $0xF7A, s1;
	s8 =	simm.s32 @!p0 $0x1BF5;
	p2 =	por !p2, p0  }
0x20: {  	[sflag:s8] =	ssyncset.s32 @!p0 $0xFFFFF086;
	s6 =	sadd.s32 @!p0 s3, s7;
	s7 =	simm.s32 @!p0 $0x108  }
0x21: {  	s3 =	sadd.s32 s3, s9;
	s6 =	sadd.s32 @!p0 $0x88, s6;
	s7 =	simm.s32 @p2 $0x1082  }
0x22: {  	[simem:s7], [sflag:s8] =	dma.local @!p0 [hbm:s6], $0xF7A  }
0x23: {  	s9 =	sor.u32 $0xD0000000, s2;
	s6 =	simm.s32 $0x108;
	_ =	swait.ge @!p0 [sflag:s8], $0x0  }
0x24: {  	s3 =	sadd.s32 $0x88, s3;
	s6 =	simm.s32 @!p1 $0x1082;
	[sflag:s4] =	ssyncset.s32 $0xFFFFF086  }
0x25: {  	[simem:s6], [sflag:s4] =	dma.local [hbm:s3], $0xF7A  }
0x26: {  	[smem:$0x3F92] =	sst s1;
	(tag) =	ssettag s2;
	_ =	strace s9  }
0x27: {  	s1 =	sld [smem:$0x3FA2]  }
0x28: {  	s2 =	sld [smem:$0x3FA3]  }
0x29: {  	s4 =	sld [smem:$0x3FA5]  }
0x2a: {  	p0 =	seq.s32 s5, $0x0;
	s5 =	sld [smem:$0x3FA6]  }
0x2b: {  	s6 =	sld [smem:$0x3FA7]  }
0x2c: {  	s7 =	sld [smem:$0x3FA8]  }
0x2d: {  	s3 =	simm.s32 $0x108;
	s8 =	sld [smem:$0x3FA9]  }
0x2e: {  	s3 =	simm.s32 @!p0 $0x1082;
	s9 =	sld [smem:$0x3FAA]  }
0x2f: {  	lr =	sadd.s32 s0, s3;
	s0 =	sld [smem:$0x3FA1]  }
0x30: {  	s3 =	sld [smem:$0x3FA4]  }
0x31: {  	[smem:$0x3FAD] =	sst s10  }
0x32: {  	s10 =	sld [smem:$0x3FAB];
	_ =	sdelay $0x3  }
0x33: {  	p0 =	seq.s32 s10, $0x1;
	s10 =	sld [smem:$0x3FAD];
	_ =	sdelay $0x3  }
0x34: {  	[smem:$0x3FAD] =	sst s10  }
0x35: {  	s10 =	sld [smem:$0x3FAC];
	_ =	sdelay $0x3  }
0x36: {  	p1 =	seq.s32 s10, $0x1;
	s10 =	sld [smem:$0x3FAD];
	_ =	sdelay $0x3  }
0x37: {  	[smem:$0x3FAD] =	sst s10  }
0x38: {  	s10 =	sld [smem:$0x3FAE]  }
0x39: {  	_ = 	snop;
	(pc) =	sbr.ind lr, $3  }
0x3a: {  	_ = 	snop  }
0x3b: {  	_ = 	snop  }
0x3c: {  	p2 =	seq.s32 s10, $0x1;
	s10 =	sld [smem:$0x3FAD]  }
0x3d: {  	_ =	shalt  }
0x3e: {  	_ =	shalt  }
0x3f: {  	_ =	shalt  }
0x40: {  	_ =	shalt  }
0x41: {  	_ =	shalt  }
0x42: {  	_ =	shalt  }
0x43: {  	_ =	shalt  }
0x44: {  	_ =	shalt  }
0x45: {  	_ =	shalt  }
0x46: {  	_ =	shalt  }
0x47: {  	_ =	shalt  }
0x48: {  	_ =	shalt  }
0x49: {  	_ =	shalt  }
0x4a: {  	_ =	shalt  }
0x4b: {  	_ =	shalt  }
0x4c: {  	_ =	shalt  }
0x4d: {  	_ =	shalt  }
0x4e: {  	_ =	shalt  }
0x4f: {  	_ =	shalt  }
0x50: {  	_ =	shalt  }
0x51: {  	_ =	shalt  }
0x52: {  	_ =	shalt  }
0x53: {  	_ =	shalt  }
0x54: {  	_ =	shalt  }
0x55: {  	_ =	shalt  }
0x56: {  	_ =	shalt  }
0x57: {  	_ =	shalt  }
0x58: {  	_ =	shalt  }
0x59: {  	_ =	shalt  }
0x5a: {  	_ =	shalt  }
0x5b: {  	_ =	shalt  }
0x5c: {  	_ =	shalt  }
0x5d: {  	_ =	shalt  }
0x5e: {  	_ =	shalt  }
0x5f: {  	_ =	shalt  }
0x60: {  	_ =	shalt  }
0x61: {  	_ =	shalt  }
0x62: {  	_ =	shalt  }
0x63: {  	_ =	shalt  }
0x64: {  	_ =	shalt  }
0x65: {  	_ =	shalt  }
0x66: {  	_ =	shalt  }
0x67: {  	_ =	shalt  }
0x68: {  	_ =	shalt  }
0x69: {  	_ =	shalt  }
0x6a: {  	_ =	shalt  }
0x6b: {  	_ =	shalt  }
0x6c: {  	_ =	shalt  }
0x6d: {  	_ =	shalt  }
0x6e: {  	_ =	shalt  }
0x6f: {  	_ =	shalt  }
0x70: {  	_ =	shalt  }
0x71: {  	_ =	shalt  }
0x72: {  	_ =	shalt  }
0x73: {  	_ =	shalt  }
0x74: {  	_ =	shalt  }
0x75: {  	_ =	shalt  }
0x76: {  	_ =	shalt  }
0x77: {  	_ =	shalt  }
0x78: {  	_ =	shalt  }
0x79: {  	_ =	shalt  }
0x7a: {  	_ =	shalt  }
0x7b: {  	_ =	shalt  }
0x7c: {  	_ =	shalt  }
0x7d: {  	_ =	shalt  }
0x7e: {  	_ =	shalt  }
0x7f: {  	_ =	shalt  }
0x80: {  	_ =	shalt  }
0x81: {  	_ =	shalt  }
0x82: {  	_ =	shalt  }
0x83: {  	_ =	shalt  }
0x84: {  	_ =	shalt  }
0x85: {  	_ =	shalt  }
0x86: {  	_ =	shalt  }
0x87: {  	_ =	shalt  }
.Lfunc_end0:
.L_simem_size_0:
called_computation.1_lowered:
.L_overlay_start_0:
0x88: {  	s2 =	sld [smem:$0x3FD9]  }
0x89: {  	s3 =	sld [smem:$0x3FFE];
	_ =	sdelay $0x1  }
0x8a: {  	s1 =	srdreg.scid  }
0x8b: {  	s0 =	sand.u32 $0x1, s1  }
0x8c: {  	s14 =	sshll.u32 s0, $0xA;
	s2 =	sadd.s32 s3, s2  }
0x8d: {  	s2 =	sadd.s32 s2, s14  }
0x8e: {  	[smem:$0x3FB9] =	sst s2  }
0x8f: {  	_ = 	snop  }
0x90: {  	s2 =	sld [smem:$0x3FD0];
	_ =	sdelay $0x2  }
0x91: {  	s15 =	simm.s32 $0xA;
	s4 =	simm.s32 $0x10  }
0x92: {  	[smem:s4], [sflag:s15] =	dma.local [hbm:s2], $0x1  }
0x93: {  	_ =	swait.eq [sflag:s15], $0x1  }
0x94: {  	[sflag:s15] =	ssyncset.done $0x0  }
0x95: {  	s16 =	sld [smem:$0x10];
	[sflag:s15] =	ssyncadd.s32 $0xFFFFFFFF  }
0x96: {  	s17 =	sld [smem:$0x11];
	(tm) =	ssettm $0x1  }
0x97: {  	s18 =	sld [smem:$0x3FFB];
	_ =	sdelay $0x3  }
0x98: {  	_ =	strace s18  }
0x99: {  	s4 =	sld [smem:$0x3FFC];
	_ =	sdelay $0x3  }
0x9a: {  	_ =	strace s4  }
0x9b: {  	s4 =	sld [smem:$0x3FFD];
	_ =	sdelay $0x3  }
0x9c: {  	_ =	strace s4  }
0x9d: {  	_ =	strace $0x8FFFFFFF  }
0x9e: {  	s19 =	sld [smem:$0x3FDB];
	_ =	sdelay $0x1  }
0x9f: {  	s5 =	simm.s32 $_scs_section_size  }
0xa0: {  	s6 =	simm.s32 $_size__tile_overlayer_lowered;
	s7 =	simm.s32 $_tile_overlayer_lowered  }
0xa1: {  	s22 =	simm.s32 $0x1BFF;
	s21 =	sshll.u32 s7, $0x1;
	s4 =	sadd.s32 s5, s19  }
0xa2: {  	s8 =	simm.s32 $0x0;
	s20 =	sshll.u32 s6, $0x1;
	s6 =	sadd.s32 s21, s4  }
0xa3: {  	[timem:s8], [sflag:s22] =	dma.local [hbm:s6], s20  }
0xa4: {  	_ =	swait.ge [sflag:s22], s20  }
0xa5: {  	s5 =	ssub.s32 $0x0, s20;
	[sflag:s22] =	ssyncset.done $0x0  }
0xa6: {  	[sflag:s22] =	ssyncadd.s32 s5;
	_ =	sdelay $0x1  }
0xa7: {  	s23 =	simm.s32 $0x1B8B  }
0xa8: {  	_ =	swait.ge [sflag:s23], $0x1  }
0xa9: {  	[sflag:s23] =	ssyncset.done $0x0  }
0xaa: {  	s25 =	simm.s32 $0x1B8E;
	s24 =	sld [smem:$0x3FFE];
	[sflag:s23] =	ssyncadd.s32 $0xFFFFFFFF  }
0xab: {  	s26 =	simm.s32 $execute0_lowered;
	[smem:$0x3FD2] =	sst s25  }
0xac: {  	s6 =	sshll.u32 s26, $0x1;
	_ =	strace $0x80000049;
	[dreg:$0x1] =	wrdreg $0xFFFFFFFF  }
0xad: {  	s28 =	simm.s32 $_size_execute0_lowered;
	s4 =	sadd.s32 s4, s6;
	[dreg:$0x0] =	wrdreg $0x0  }
0xae: {  	s6 =	sshll.u32 s28, $0x1;
	[dreg:$0x2] =	wrdreg s4  }
0xaf: {  	[dreg:$0x3] =	wrdreg s6  }
0xb0: {  	[dreg:$0x4] =	wrdreg $0xC0  }
0xb1: {  	_ =	task [dreg:s8], $0x5FFFF  }
0xb2: {  	[dreg:$0x1] =	wrdreg $0xFFFFFFFF  }
0xb3: {  	[dreg:$0x0] =	wrdreg $0x60  }
0xb4: {  	[dreg:$0x2] =	wrdreg s24  }
0xb5: {  	[dreg:$0x3] =	wrdreg s16  }
0xb6: {  	[dreg:$0x4] =	wrdreg s17  }
0xb7: {  	[dreg:$0x5] =	wrdreg $0xB3B00  }
0xb8: {  	[dreg:$0x6] =	wrdreg $0x9  }
0xb9: {  	_ =	task.clear_ibuf [dreg:s8], $0x7FFFF;
	_ =	strace $0x90000049  }
0xba: {  	s29 =	simm.s32 $0x9;
	_ =	strace $0x8000004B  }
0xbb: {  	_ =	swait.ge [sflag:s29], $0x1  }
0xbc: {  	[sflag:s29] =	ssyncadd.s32 $0xFFFFFFFF  }
0xbd: {  	_ =	strace $0x9000004B  }
0xbe: {  	_ =	sfence  }
0xbf: {  	s30 =	sld [smem:$0x0];
	_ =	sdelay $0x2  }
0xc0: {  	s31 =	sshll.u32 s1, $0xD;
	s1 =	sshrl.u32 s1, $0x2  }
0xc1: {  	s3 =	sand.u32 $0x4000, s31;
	s1 =	sadd.s32 s1, s30  }
0xc2: {  	s0 =	sor.u32 s3, s0;
	s1 =	sshll.u32 s1, $0x11  }
0xc3: {  	s0 =	sor.u32 s1, s0  }
0xc4: {  	s0 =	sadd.s32 $0x8F2B, s0  }
0xc5: {  	[sflag:s0] =	ssyncadd.remote.s32 $0x1  }
0xc6: {  	_ =	sfence.sel $0xFFFF  }
0xc7: {  	[dreg:$0x0] =	wrdreg $0xFFFFFFFF;
	(pc) =	sbr.abs _section_cstart, $3  }
0xc8: {  	[dreg:$0x1] =	wrdreg $0xFFFFFFFF  }
0xc9: {  	_ =	task.clear_ibuf [dreg:s8], $0x2FFFF;
	_ =	strace $0x9FFFFFFF  }
0xca: {  	(tm) =	ssettm $0x7FFFFFFF  }
0xcb: {  	_ =	shalt  }
tec
execute0_lowered:
.L_overlay_start_1:
0x0: {  	(tag) =	ssettag $0x1  }
0x1: {  	s0 =	rddreg [dreg:$0x0]  }
0x2: {  	s3 =	rddreg [dreg:$0x1]  }
0x3: {  	s4 =	rddreg [dreg:$0x2]  }
0x4: {  	s1 =	rddreg [dreg:$0x3];
	s2 =	simm.s32 $0x0  }
0x5: {  	s5 =	srdreg.scid;
	s16 =	stileid.u32;
	s29 =	simm.s32 $0xA410  }
0x6: {  	s30 =	simm.s32 $0xA7F8;
	s31 =	simm.s32 $0x3;
	s28 =	simm.s32 $0xAFC8  }
0x7: {  	[smem:$0x7FF] =	sst s2;
	s5 =	sand.u32 $0x1, s5;
	s9 =	smul.u32 $0xC350, s16  }
0x8: {  	s7 =	sadd.s32 $0x4A00, s0;
	s0 =	sadd.s32 $0x1D200, s0;
	s10 =	smul.u32 $0x1388, s16  }
0x9: {  	s19 =	smul.u32 $0x4E200, s16;
	p0 =	sgt.u32 s16, $0x9;
	s6 =	ssub.s32 $0x2, s5  }
0xa: {  	_ =	strace $0x8000004A;
	s5 =	smul.u32 $0x186A00, s5;
	s8 =	sshrl.u32 s6, $0x1  }
0xb: {  	s11 =	sshrl.u32 s9, $0x3;
	s25 =	sadd.s32 $0x3E8, s9;
	s9 =	sadd.s32 $0xBF68, s9  }
0xc: {  	s21 =	sshrl.u32 s19, $0x2;
	s22 =	sadd.s32 $0x271, s10;
	s23 =	sadd.s32 $0x4E2, s10  }
0xd: {  	s8 =	ssub.s32 s6, s8;
	s12 =	sadd.s32 s7, s11;
	s5 =	sshrl.u32 s5, $0x3  }
0xe: {  	s26 =	sshrl.u32 s25, $0x3;
	s14 =	sadd.s32 s3, s11;
	s11 =	sadd.s32 $0x1770, s11  }
0xf: {  	s9 =	sshrl.u32 s9, $0x3;
	s24 =	sshll.u32 s22, $0x4;
	[dreg:$0x5] =	wrdreg s12  }
0x10: {  	s25 =	sshll.u32 s23, $0x4;
	[dreg:$0x6] =	wrdreg s14;
	s13 =	sadd.s32 s7, s26  }
0x11: {  	s6 =	sadd.s32 s4, s5;
	s12 =	sadd.s32 s3, s26;
	[dreg:$0x7] =	wrdreg s13  }
0x12: {  	s15 =	sadd.s32 s7, s11;
	s11 =	sadd.s32 s3, s11;
	[dreg:$0x8] =	wrdreg s12  }
0x13: {  	s17 =	sadd.s32 s7, s9;
	s18 =	sadd.s32 $0x186A0, s5;
	[dreg:$0x9] =	wrdreg s15  }
0x14: {  	s9 =	sadd.s32 s3, s9;
	s20 =	smax.u32 s8, $0x1;
	[dreg:$0xa] =	wrdreg s11  }
0x15: {  	s26 =	smul.u32 $0x186A, s16;
	s8 =	sadd.s32 s25, s1;
	[dreg:$0xb] =	wrdreg s17  }
0x16: {  	[dreg:$0xc] =	wrdreg s9;
	s13 =	sadd.s32 s0, s5;
	s14 =	sadd.s32 s4, s18  }
0x17: {  	s15 =	sadd.s32 s0, s18;
	[dreg:$0xd] =	wrdreg s20;
	s17 =	sadd.s32 s21, s1  }
0x18: {  	s5 =	sadd.s32 s24, s1;
	s0 =	sshll.u32 s22, $0x1;
	[dreg:$0x10] =	wrdreg s8  }
0x19: {  	s9 =	sadd.s32 $0x753, s10;
	s11 =	sshll.u32 s23, $0x1;
	s18 =	sadd.s32 $0x9C4, s10  }
0x1a: {  	s20 =	sadd.s32 $0xC35, s10;
	s8 =	sadd.s32 $0x1117, s10;
	[dreg:$0xe] =	wrdreg s5  }
0x1b: {  	[dreg:$0xf] =	wrdreg s0;
	s21 =	sadd.s32 s26, s3;
	s22 =	sadd.s32 s26, s7  }
0x1c: {  	[dreg:$0x11] =	wrdreg s11;
	s12 =	sshll.u32 s9, $0x4;
	s19 =	sshll.u32 s18, $0x4  }
0x1d: {  	s0 =	sshll.u32 s9, $0x1;
	s24 =	sshll.u32 s20, $0x4;
	s25 =	sshll.u32 s18, $0x1  }
0x1e: {  	s26 =	sadd.s32 $0xEA6, s10;
	s7 =	sshll.u32 s20, $0x1;
	s10 =	sshll.u32 s8, $0x4  }
0x1f: {  	s11 =	sshll.u32 s8, $0x1;
	s18 =	sadd.s32 $0x4E20, s17;
	[dreg:$0x13] =	wrdreg s0  }
0x20: {  	s20 =	sadd.s32 $0x7530, s17;
	s5 =	simm.s32 $0x6590;
	[dreg:$0x15] =	wrdreg s25  }
0x21: {  	s8 =	simm.s32 $0x5;
	s3 =	sadd.s32 s12, s1;
	[dreg:$0x17] =	wrdreg s7  }
0x22: {  	s23 =	sadd.s32 s19, s1;
	s0 =	sadd.s32 s24, s1;
	[dreg:$0x1b] =	wrdreg s11  }
0x23: {  	s9 =	sshll.u32 s26, $0x4;
	s12 =	sadd.s32 $0x2710, s17;
	[dreg:$0x1d] =	wrdreg s18  }
0x24: {  	s24 =	sadd.s32 $0xC350, s17;
	s25 =	sadd.s32 $0xEA60, s17;
	[dreg:$0x12] =	wrdreg s3  }
0x25: {  	s19 =	smul.u32 $0x2710, s16;
	s16 =	simm.s32 $0xABE0;
	[dreg:$0x14] =	wrdreg s23  }
0x26: {  	s7 =	simm.s32 $0x1;
	[dreg:$0x16] =	wrdreg s0;
	s4 =	sadd.s32 s9, s1  }
.Ltmp0:
0x27: {  	s0 =	sshll.u32 s26, $0x1;
	[dreg:$0x1c] =	wrdreg s12;
	(pc) =	sbr.rel .LBB2_1-.Ltmp0, $4  }
0x28: {  	s23 =	sadd.s32 $0x9C40, s17;
	s26 =	sadd.s32 $0x11170, s17;
	[dreg:$0x18] =	wrdreg s4  }
0x29: {  	s3 =	simm.s32 $0x2710;
	s9 =	simm.s32 $0x2;
	[dreg:$0x19] =	wrdreg s0  }
0x2a: {  	s0 =	sadd.s32 s10, s1;
	[dreg:$0x1e] =	wrdreg s19;
	s4 =	simm.s32 $0x4  }
0x2b: {  	v0 =	vimm.f32 $0.0e+00;
	s10 =	simm.s32 $0x0;
	[dreg:$0x1a] =	wrdreg s0;
	s0 =	simm.s32 $0x3E8  }
.LBB2_13:
0x2c: {  	s10 =	sadd.s32 $0x1, s10;
	s11 =	rddreg [dreg:$0xd]  }
0x2d: {  	p1 =	sne.s32 s10, s11  }
.Ltmp1:
0x2e: {  	_ = 	snop;
	(pc) =	sbr.rel @!p1 .LBB2_14-.Ltmp1, $1  }
0x2f: {  	_ =	sdelay $0x3  }
.LBB2_1:
0x30: {  	s11 =	simm.s32 $0x40;
	s12 =	simm.s32 $0x0  }
.LBB2_2:
0x31: {  	p1 =	sne.s32 s11, $0x9C00;
	[tilespmem:s12+$0x0] =	vst v0;
	s12 =	smov.u32 s11;
	s11 =	sadd.s32 $0x40, s11  }
.Ltmp2:
0x32: {  	(pc) =	sbr.rel @p1 .LBB2_2-.Ltmp2, $2  }
0x33: {  	_ =	sdelay $0x2  }
0x34: {  	s12 =	sshra.s32 s12, $0x2  }
0x35: {  	[tilespmem:s12+$0x0] =	vst v0;
	s11 =	simm.s32 @!p0 $0x0;
	s12 =	simm.s32 @!p0 $0x5  }
0x36: {  	[spmem:s17] =	stream.linear.scatter @!p0 [tilespmem:s11], [sflag:$0x5], $0x2710, $0x38;
	[tilespmem:$0x17700] =	vst v63  }
0x37: {  	_ =	swait.ge @!p0 [sflag:s12], $0x2710  }
0x38: {  	[sflag:s12] =	ssyncset.done @!p0 $0x0  }
0x39: {  	s18 =	rddreg [dreg:$0x1c];
	[sflag:s12] =	ssyncadd.s32 @!p0 $0xFFFFD8F0  }
0x3a: {  	[spmem:s18] =	stream.linear.scatter @!p0 [tilespmem:s11], [sflag:$0x5], $0x2710, $0x38;
	[tilespmem:$0x17700] =	vst v63  }
0x3b: {  	_ =	swait.ge @!p0 [sflag:s12], $0x2710  }
0x3c: {  	[sflag:s12] =	ssyncset.done @!p0 $0x0  }
0x3d: {  	s18 =	rddreg [dreg:$0x1d];
	[sflag:s12] =	ssyncadd.s32 @!p0 $0xFFFFD8F0  }
0x3e: {  	[spmem:s18] =	stream.linear.scatter @!p0 [tilespmem:s11], [sflag:$0x5], $0x2710, $0x38;
	[tilespmem:$0x17700] =	vst v63  }
0x3f: {  	_ =	swait.ge @!p0 [sflag:s12], $0x2710  }
0x40: {  	[sflag:s12] =	ssyncset.done @!p0 $0x0  }
0x41: {  	[sflag:s12] =	ssyncadd.s32 @!p0 $0xFFFFD8F0  }
0x42: {  	[spmem:s20] =	stream.linear.scatter @!p0 [tilespmem:s11], [sflag:$0x5], $0x2710, $0x38;
	[tilespmem:$0x17700] =	vst v63  }
0x43: {  	_ =	swait.ge @!p0 [sflag:s12], $0x2710  }
0x44: {  	[sflag:s12] =	ssyncset.done @!p0 $0x0  }
0x45: {  	[sflag:s12] =	ssyncadd.s32 @!p0 $0xFFFFD8F0  }
0x46: {  	[spmem:s23] =	stream.linear.scatter @!p0 [tilespmem:s11], [sflag:$0x5], $0x2710, $0x38;
	[tilespmem:$0x17700] =	vst v63  }
0x47: {  	_ =	swait.ge @!p0 [sflag:s12], $0x2710  }
0x48: {  	[sflag:s12] =	ssyncset.done @!p0 $0x0  }
0x49: {  	[sflag:s12] =	ssyncadd.s32 @!p0 $0xFFFFD8F0  }
0x4a: {  	[spmem:s24] =	stream.linear.scatter @!p0 [tilespmem:s11], [sflag:$0x5], $0x2710, $0x38;
	[tilespmem:$0x17700] =	vst v63  }
0x4b: {  	_ =	swait.ge @!p0 [sflag:s12], $0x2710  }
0x4c: {  	[sflag:s12] =	ssyncset.done @!p0 $0x0  }
0x4d: {  	[sflag:s12] =	ssyncadd.s32 @!p0 $0xFFFFD8F0  }
0x4e: {  	[spmem:s25] =	stream.linear.scatter @!p0 [tilespmem:s11], [sflag:$0x5], $0x2710, $0x38;
	[tilespmem:$0x17700] =	vst v63  }
0x4f: {  	_ =	swait.ge @!p0 [sflag:s12], $0x2710  }
0x50: {  	[sflag:s12] =	ssyncset.done @!p0 $0x0  }
0x51: {  	[sflag:s12] =	ssyncadd.s32 @!p0 $0xFFFFD8F0  }
0x52: {  	[spmem:s26] =	stream.linear.scatter @!p0 [tilespmem:s11], [sflag:$0x5], $0x2710, $0x38;
	[tilespmem:$0x17700] =	vst v63  }
0x53: {  	_ =	swait.ge @!p0 [sflag:s12], $0x2710  }
0x54: {  	[sflag:s12] =	ssyncset.done @!p0 $0x0  }
0x55: {  	[sflag:s12] =	ssyncadd.s32 @!p0 $0xFFFFD8F0  }
0x56: {  	[bflag:$0x0] =	sbarrier.arrive $0xFFFF  }
0x57: {  	s18 =	rddreg [dreg:$0x5]  }
0x58: {  	[tilespmem:s29], [sflag:$0x3] =	stream.linear.gather [hbm4b:s18+s2], $0x3E8, $0x38;
	[tilespmem:$0x17700] =	vst v63  }
0x59: {  	s19 =	rddreg [dreg:$0x6]  }
0x5a: {  	[tilespmem:s30], [sflag:$0x3] =	stream.linear.gather [hbm4b:s19+s2], $0x3E8, $0x38;
	[tilespmem:$0x17700] =	vst v63  }
0x5b: {  	_ =	swait.ge [sflag:s31], $0x3E8  }
0x5c: {  	[sflag:s31] =	ssyncset.done $0x0  }
0x5d: {  	[sflag:s31] =	ssyncadd.s32 $0xFFFFFC18  }
0x5e: {  	_ =	swait.ge [sflag:s31], $0x3E8  }
0x5f: {  	[sflag:s31] =	ssyncset.done $0x0  }
0x60: {  	[sflag:s31] =	ssyncadd.s32 $0xFFFFFC18  }
0x61: {  	[tilespmem:s3], [sflag:$0x1] =	stream.indirect.gather [hbm4b:s6+s0], $0x10, s29, s0, $0xb8;
	[tilespmem:$0x17700] =	vst v63  }
0x62: {  	s12 =	rddreg [dreg:$0x7]  }
0x63: {  	[tilespmem:s16], [sflag:$0x4] =	stream.linear.gather [hbm4b:s12+s2], $0x3E8, $0x38;
	[tilespmem:$0x17700] =	vst v63  }
0x64: {  	s18 =	rddreg [dreg:$0x8]  }
0x65: {  	[tilespmem:s28], [sflag:$0x4] =	stream.linear.gather [hbm4b:s18+s2], $0x3E8, $0x38;
	[tilespmem:$0x17700] =	vst v63  }
0x66: {  	_ =	swait.ge [sflag:s4], $0x3E8  }
0x67: {  	[sflag:s4] =	ssyncset.done $0x0  }
0x68: {  	[sflag:s4] =	ssyncadd.s32 $0xFFFFFC18  }
0x69: {  	_ =	swait.ge [sflag:s4], $0x3E8  }
0x6a: {  	[sflag:s4] =	ssyncset.done $0x0  }
0x6b: {  	[sflag:s4] =	ssyncadd.s32 $0xFFFFFC18  }
0x6c: {  	[tilespmem:s5], [sflag:$0x2] =	stream.indirect.gather [hbm4b:s6+s0], $0x10, s16, s0, $0xb8;
	[tilespmem:$0x17700] =	vst v63  }
0x6d: {  	_ =	swait.ge [sflag:s7], $0x3E80  }
0x6e: {  	[sflag:s7] =	ssyncset.done $0x0  }
0x6f: {  	[sflag:s7] =	ssyncadd.s32 $0xFFFFC180  }
0x70: {  	[spmem:s1] =	stream.indirect.scatter.add.f32 [tilespmem:s3], [sflag:$0x5], $0x10, s30, s0, $0xb8;
	[tilespmem:$0x17700] =	vst v63  }
0x71: {  	_ =	swait.ge [sflag:s8], $0x3E80  }
0x72: {  	s11 =	sadd.s32 $0xFFFFE98A, s22;
	[sflag:s8] =	ssyncset.done $0x0  }
0x73: {  	s19 =	sadd.s32 $0x1770, s11;
	s18 =	sadd.s32 $0xFFFFE98A, s21;
	[sflag:s8] =	ssyncadd.s32 $0xFFFFC180  }
0x74: {  	[tilespmem:s29], [sflag:$0x3] =	stream.linear.gather [hbm4b:s19+s2], $0x3E8, $0x38;
	[tilespmem:$0x17700] =	vst v63  }
0x75: {  	s19 =	sadd.s32 $0x1770, s18  }
0x76: {  	[tilespmem:s30], [sflag:$0x3] =	stream.linear.gather [hbm4b:s19+s2], $0x3E8, $0x38;
	[tilespmem:$0x17700] =	vst v63  }
0x77: {  	_ =	swait.ge [sflag:s31], $0x3E8  }
0x78: {  	[sflag:s31] =	ssyncset.done $0x0  }
0x79: {  	[sflag:s31] =	ssyncadd.s32 $0xFFFFFC18  }
0x7a: {  	_ =	swait.ge [sflag:s31], $0x3E8  }
0x7b: {  	[sflag:s31] =	ssyncset.done $0x0  }
0x7c: {  	[sflag:s31] =	ssyncadd.s32 $0xFFFFFC18  }
0x7d: {  	[tilespmem:s3], [sflag:$0x1] =	stream.indirect.gather [hbm4b:s6+s0], $0x10, s29, s0, $0xb8;
	[tilespmem:$0x17700] =	vst v63  }
0x7e: {  	_ =	swait.ge [sflag:s9], $0x3E80  }
0x7f: {  	[sflag:s9] =	ssyncset.done $0x0  }
0x80: {  	[sflag:s9] =	ssyncadd.s32 $0xFFFFC180  }
0x81: {  	[spmem:s1] =	stream.indirect.scatter.add.f32 [tilespmem:s5], [sflag:$0x5], $0x10, s28, s0, $0xb8;
	[tilespmem:$0x17700] =	vst v63  }
0x82: {  	_ =	swait.ge [sflag:s8], $0x3E80  }
0x83: {  	[sflag:s8] =	ssyncset.done $0x0  }
0x84: {  	s11 =	sadd.s32 $0x17ED, s11;
	[sflag:s8] =	ssyncadd.s32 $0xFFFFC180  }
0x85: {  	[tilespmem:s16], [sflag:$0x4] =	stream.linear.gather [hbm4b:s11+s2], $0x3E8, $0x38;
	[tilespmem:$0x17700] =	vst v63  }
0x86: {  	s12 =	sadd.s32 $0x17ED, s18;
	s11 =	simm.s32 $0xFFFFEA84  }
.LBB2_4:
0x87: {  	[tilespmem:s28], [sflag:$0x4] =	stream.linear.gather [hbm4b:s12+s2], $0x3E8, $0x38;
	[tilespmem:$0x17700] =	vst v63  }
0x88: {  	s12 =	smov.u32 s11  }
0x89: {  	p1 =	sne.s32 s11, $0xFFFFFF06;
	s11 =	sadd.s32 $0xFA, s11;
	_ =	swait.ge [sflag:s4], $0x3E8  }
0x8a: {  	[sflag:s4] =	ssyncset.done $0x0  }
0x8b: {  	[sflag:s4] =	ssyncadd.s32 $0xFFFFFC18  }
0x8c: {  	_ =	swait.ge [sflag:s4], $0x3E8  }
0x8d: {  	[sflag:s4] =	ssyncset.done $0x0  }
0x8e: {  	[sflag:s4] =	ssyncadd.s32 $0xFFFFFC18  }
0x8f: {  	[tilespmem:s5], [sflag:$0x2] =	stream.indirect.gather [hbm4b:s6+s0], $0x10, s16, s0, $0xb8;
	[tilespmem:$0x17700] =	vst v63  }
0x90: {  	_ =	swait.ge [sflag:s7], $0x3E80  }
0x91: {  	[sflag:s7] =	ssyncset.done $0x0  }
0x92: {  	[sflag:s7] =	ssyncadd.s32 $0xFFFFC180  }
0x93: {  	[spmem:s1] =	stream.indirect.scatter.add.f32 [tilespmem:s3], [sflag:$0x5], $0x10, s30, s0, $0xb8;
	[tilespmem:$0x17700] =	vst v63  }
0x94: {  	_ =	swait.ge [sflag:s8], $0x3E80  }
0x95: {  	s18 =	sadd.s32 s12, s22;
	[sflag:s8] =	ssyncset.done $0x0  }
0x96: {  	s12 =	sadd.s32 s12, s21;
	s19 =	sadd.s32 $0x1770, s18;
	[sflag:s8] =	ssyncadd.s32 $0xFFFFC180  }
0x97: {  	[tilespmem:s29], [sflag:$0x3] =	stream.linear.gather [hbm4b:s19+s2], $0x3E8, $0x38;
	[tilespmem:$0x17700] =	vst v63  }
0x98: {  	s19 =	sadd.s32 $0x1770, s12  }
0x99: {  	[tilespmem:s30], [sflag:$0x3] =	stream.linear.gather [hbm4b:s19+s2], $0x3E8, $0x38;
	[tilespmem:$0x17700] =	vst v63  }
0x9a: {  	_ =	swait.ge [sflag:s31], $0x3E8  }
0x9b: {  	[sflag:s31] =	ssyncset.done $0x0  }
0x9c: {  	[sflag:s31] =	ssyncadd.s32 $0xFFFFFC18  }
0x9d: {  	_ =	swait.ge [sflag:s31], $0x3E8  }
0x9e: {  	[sflag:s31] =	ssyncset.done $0x0  }
0x9f: {  	[sflag:s31] =	ssyncadd.s32 $0xFFFFFC18  }
0xa0: {  	[tilespmem:s3], [sflag:$0x1] =	stream.indirect.gather [hbm4b:s6+s0], $0x10, s29, s0, $0xb8;
	[tilespmem:$0x17700] =	vst v63  }
0xa1: {  	_ =	swait.ge [sflag:s9], $0x3E80  }
0xa2: {  	[sflag:s9] =	ssyncset.done $0x0  }
0xa3: {  	[sflag:s9] =	ssyncadd.s32 $0xFFFFC180  }
0xa4: {  	[spmem:s1] =	stream.indirect.scatter.add.f32 [tilespmem:s5], [sflag:$0x5], $0x10, s28, s0, $0xb8;
	[tilespmem:$0x17700] =	vst v63  }
.Ltmp3:
0xa5: {  	_ =	swait.ge [sflag:s8], $0x3E80;
	(pc) =	sbr.rel @p1 .LBB2_4-.Ltmp3, $4  }
0xa6: {  	[sflag:s8] =	ssyncset.done $0x0  }
0xa7: {  	s18 =	sadd.s32 $0x17ED, s18;
	[sflag:s8] =	ssyncadd.s32 $0xFFFFC180  }
0xa8: {  	[tilespmem:s16], [sflag:$0x4] =	stream.linear.gather [hbm4b:s18+s2], $0x3E8, $0x38;
	[tilespmem:$0x17700] =	vst v63  }
0xa9: {  	s12 =	sadd.s32 $0x17ED, s12  }
0xaa: {  	[tilespmem:s28], [sflag:$0x4] =	stream.linear.gather [hbm4b:s12+s2], $0x3E8, $0x38;
	[tilespmem:$0x17700] =	vst v63  }
0xab: {  	_ =	swait.ge [sflag:s4], $0x3E8  }
0xac: {  	[sflag:s4] =	ssyncset.done $0x0  }
0xad: {  	[sflag:s4] =	ssyncadd.s32 $0xFFFFFC18  }
0xae: {  	_ =	swait.ge [sflag:s4], $0x3E8  }
0xaf: {  	[sflag:s4] =	ssyncset.done $0x0  }
0xb0: {  	[sflag:s4] =	ssyncadd.s32 $0xFFFFFC18  }
0xb1: {  	[tilespmem:s5], [sflag:$0x2] =	stream.indirect.gather [hbm4b:s6+s0], $0x10, s16, s0, $0xb8;
	[tilespmem:$0x17700] =	vst v63  }
0xb2: {  	_ =	swait.ge [sflag:s7], $0x3E80  }
0xb3: {  	[sflag:s7] =	ssyncset.done $0x0  }
0xb4: {  	[sflag:s7] =	ssyncadd.s32 $0xFFFFC180  }
0xb5: {  	[spmem:s1] =	stream.indirect.scatter.add.f32 [tilespmem:s3], [sflag:$0x5], $0x10, s30, s0, $0xb8;
	[tilespmem:$0x17700] =	vst v63  }
0xb6: {  	_ =	swait.ge [sflag:s8], $0x3E80  }
0xb7: {  	[sflag:s8] =	ssyncset.done $0x0  }
0xb8: {  	s11 =	rddreg [dreg:$0x9];
	[sflag:s8] =	ssyncadd.s32 $0xFFFFC180  }
0xb9: {  	[tilespmem:s29], [sflag:$0x3] =	stream.linear.gather [hbm4b:s11+s2], $0x3E8, $0x38;
	[tilespmem:$0x17700] =	vst v63  }
0xba: {  	s12 =	rddreg [dreg:$0xa]  }
0xbb: {  	[tilespmem:s30], [sflag:$0x3] =	stream.linear.gather [hbm4b:s12+s2], $0x3E8, $0x38;
	[tilespmem:$0x17700] =	vst v63  }
0xbc: {  	_ =	swait.ge [sflag:s31], $0x3E8  }
0xbd: {  	[sflag:s31] =	ssyncset.done $0x0  }
0xbe: {  	[sflag:s31] =	ssyncadd.s32 $0xFFFFFC18  }
0xbf: {  	_ =	swait.ge [sflag:s31], $0x3E8  }
0xc0: {  	[sflag:s31] =	ssyncset.done $0x0  }
0xc1: {  	[sflag:s31] =	ssyncadd.s32 $0xFFFFFC18  }
0xc2: {  	[tilespmem:s3], [sflag:$0x1] =	stream.indirect.gather [hbm4b:s6+s0], $0x10, s29, s0, $0xb8;
	[tilespmem:$0x17700] =	vst v63  }
0xc3: {  	_ =	swait.ge [sflag:s9], $0x3E80  }
0xc4: {  	[sflag:s9] =	ssyncset.done $0x0  }
0xc5: {  	[sflag:s9] =	ssyncadd.s32 $0xFFFFC180  }
0xc6: {  	[spmem:s1] =	stream.indirect.scatter.add.f32 [tilespmem:s5], [sflag:$0x5], $0x10, s28, s0, $0xb8;
	[tilespmem:$0x17700] =	vst v63  }
0xc7: {  	_ =	swait.ge [sflag:s8], $0x3E80  }
0xc8: {  	[sflag:s8] =	ssyncset.done $0x0  }
0xc9: {  	s18 =	rddreg [dreg:$0xb];
	[sflag:s8] =	ssyncadd.s32 $0xFFFFC180  }
0xca: {  	[tilespmem:s16], [sflag:$0x4] =	stream.linear.gather [hbm4b:s18+s2], $0x3E8, $0x38;
	[tilespmem:$0x17700] =	vst v63  }
0xcb: {  	s19 =	rddreg [dreg:$0xc]  }
0xcc: {  	[tilespmem:s28], [sflag:$0x4] =	stream.linear.gather [hbm4b:s19+s2], $0x3E8, $0x38;
	[tilespmem:$0x17700] =	vst v63  }
0xcd: {  	_ =	swait.ge [sflag:s4], $0x3E8  }
0xce: {  	[sflag:s4] =	ssyncset.done $0x0  }
0xcf: {  	[sflag:s4] =	ssyncadd.s32 $0xFFFFFC18  }
0xd0: {  	_ =	swait.ge [sflag:s4], $0x3E8  }
0xd1: {  	[sflag:s4] =	ssyncset.done $0x0  }
0xd2: {  	[sflag:s4] =	ssyncadd.s32 $0xFFFFFC18  }
0xd3: {  	[tilespmem:s5], [sflag:$0x2] =	stream.indirect.gather [hbm4b:s6+s0], $0x10, s16, s0, $0xb8;
	[tilespmem:$0x17700] =	vst v63  }
0xd4: {  	_ =	swait.ge [sflag:s7], $0x3E80  }
0xd5: {  	[sflag:s7] =	ssyncset.done $0x0  }
0xd6: {  	[sflag:s7] =	ssyncadd.s32 $0xFFFFC180  }
0xd7: {  	[spmem:s1] =	stream.indirect.scatter.add.f32 [tilespmem:s3], [sflag:$0x5], $0x10, s30, s0, $0xb8;
	[tilespmem:$0x17700] =	vst v63  }
0xd8: {  	_ =	swait.ge [sflag:s8], $0x3E80  }
0xd9: {  	[sflag:s8] =	ssyncset.done $0x0  }
0xda: {  	[sflag:s8] =	ssyncadd.s32 $0xFFFFC180  }
0xdb: {  	_ =	swait.ge [sflag:s9], $0x3E80  }
0xdc: {  	[sflag:s9] =	ssyncset.done $0x0  }
0xdd: {  	[sflag:s9] =	ssyncadd.s32 $0xFFFFC180  }
0xde: {  	[spmem:s1] =	stream.indirect.scatter.add.f32 [tilespmem:s5], [sflag:$0x5], $0x10, s28, s0, $0xb8;
	[tilespmem:$0x17700] =	vst v63  }
.Ltmp4:
0xdf: {  	_ =	swait.ge [sflag:s8], $0x3E80;
	(pc) =	sbr.rel @p0 .LBB2_7-.Ltmp4, $3  }
0xe0: {  	[sflag:s8] =	ssyncset.done $0x0  }
0xe1: {  	[sflag:s8] =	ssyncadd.s32 $0xFFFFC180  }
0xe2: {  	[bflag:$0x0] =	sbarrier.arrive $0xFFFF;
	_ =	sdelay $0x1  }
0xe3: {  	[tilespmem:s2], [sflag:$0x5] =	stream.linear.gather [spmem:s17], $0x2710, $0x38;
	[tilespmem:$0x17700] =	vst v63  }
0xe4: {  	_ =	swait.ge [sflag:s8], $0x2710  }
0xe5: {  	[sflag:s8] =	ssyncset.done $0x0;
	s11 =	rddreg [dreg:$0x1e]  }
0xe6: {  	[sflag:s8] =	ssyncadd.s32 $0xFFFFD8F0;
	s11 =	sadd.s32 s11, s13  }
0xe7: {  	[hbm4b:s11+s2] =	stream.linear.scatter [tilespmem:s2], [sflag:$0x5], $0x2710, $0x38;
	[tilespmem:$0x17700] =	vst v63  }
0xe8: {  	_ =	swait.ge [sflag:s8], $0x2710  }
0xe9: {  	[sflag:s8] =	ssyncset.done $0x0  }
0xea: {  	s18 =	rddreg [dreg:$0xe];
	[sflag:s8] =	ssyncadd.s32 $0xFFFFD8F0  }
0xeb: {  	[tilespmem:s2], [sflag:$0x5] =	stream.linear.gather [spmem:s18], $0x2710, $0x38;
	[tilespmem:$0x17700] =	vst v63  }
0xec: {  	_ =	swait.ge [sflag:s8], $0x2710  }
0xed: {  	[sflag:s8] =	ssyncset.done $0x0;
	s19 =	rddreg [dreg:$0xf]  }
0xee: {  	[sflag:s8] =	ssyncadd.s32 $0xFFFFD8F0;
	s11 =	sadd.s32 s19, s13  }
0xef: {  	[hbm4b:s11+s2] =	stream.linear.scatter [tilespmem:s2], [sflag:$0x5], $0x2710, $0x38;
	[tilespmem:$0x17700] =	vst v63  }
0xf0: {  	_ =	swait.ge [sflag:s8], $0x2710  }
0xf1: {  	[sflag:s8] =	ssyncset.done $0x0  }
0xf2: {  	s12 =	rddreg [dreg:$0x10];
	[sflag:s8] =	ssyncadd.s32 $0xFFFFD8F0  }
0xf3: {  	[tilespmem:s2], [sflag:$0x5] =	stream.linear.gather [spmem:s12], $0x2710, $0x38;
	[tilespmem:$0x17700] =	vst v63  }
0xf4: {  	_ =	swait.ge [sflag:s8], $0x2710  }
0xf5: {  	[sflag:s8] =	ssyncset.done $0x0;
	s18 =	rddreg [dreg:$0x11]  }
0xf6: {  	[sflag:s8] =	ssyncadd.s32 $0xFFFFD8F0;
	s11 =	sadd.s32 s18, s13  }
0xf7: {  	[hbm4b:s11+s2] =	stream.linear.scatter [tilespmem:s2], [sflag:$0x5], $0x2710, $0x38;
	[tilespmem:$0x17700] =	vst v63  }
0xf8: {  	_ =	swait.ge [sflag:s8], $0x2710  }
0xf9: {  	[sflag:s8] =	ssyncset.done $0x0  }
0xfa: {  	s19 =	rddreg [dreg:$0x12];
	[sflag:s8] =	ssyncadd.s32 $0xFFFFD8F0  }
0xfb: {  	[tilespmem:s2], [sflag:$0x5] =	stream.linear.gather [spmem:s19], $0x2710, $0x38;
	[tilespmem:$0x17700] =	vst v63  }
0xfc: {  	_ =	swait.ge [sflag:s8], $0x2710  }
0xfd: {  	[sflag:s8] =	ssyncset.done $0x0;
	s12 =	rddreg [dreg:$0x13]  }
0xfe: {  	[sflag:s8] =	ssyncadd.s32 $0xFFFFD8F0;
	s11 =	sadd.s32 s12, s13  }
0xff: {  	[hbm4b:s11+s2] =	stream.linear.scatter [tilespmem:s2], [sflag:$0x5], $0x2710, $0x38;
	[tilespmem:$0x17700] =	vst v63  }
0x100: {  	_ =	swait.ge [sflag:s8], $0x2710  }
0x101: {  	[sflag:s8] =	ssyncset.done $0x0  }
0x102: {  	s18 =	rddreg [dreg:$0x14];
	[sflag:s8] =	ssyncadd.s32 $0xFFFFD8F0  }
0x103: {  	[tilespmem:s2], [sflag:$0x5] =	stream.linear.gather [spmem:s18], $0x2710, $0x38;
	[tilespmem:$0x17700] =	vst v63  }
0x104: {  	_ =	swait.ge [sflag:s8], $0x2710  }
0x105: {  	[sflag:s8] =	ssyncset.done $0x0;
	s19 =	rddreg [dreg:$0x15]  }
0x106: {  	[sflag:s8] =	ssyncadd.s32 $0xFFFFD8F0;
	s11 =	sadd.s32 s19, s13  }
0x107: {  	[hbm4b:s11+s2] =	stream.linear.scatter [tilespmem:s2], [sflag:$0x5], $0x2710, $0x38;
	[tilespmem:$0x17700] =	vst v63  }
0x108: {  	_ =	swait.ge [sflag:s8], $0x2710  }
0x109: {  	[sflag:s8] =	ssyncset.done $0x0  }
0x10a: {  	s12 =	rddreg [dreg:$0x16];
	[sflag:s8] =	ssyncadd.s32 $0xFFFFD8F0  }
0x10b: {  	[tilespmem:s2], [sflag:$0x5] =	stream.linear.gather [spmem:s12], $0x2710, $0x38;
	[tilespmem:$0x17700] =	vst v63  }
0x10c: {  	_ =	swait.ge [sflag:s8], $0x2710  }
0x10d: {  	[sflag:s8] =	ssyncset.done $0x0;
	s18 =	rddreg [dreg:$0x17]  }
0x10e: {  	[sflag:s8] =	ssyncadd.s32 $0xFFFFD8F0;
	s11 =	sadd.s32 s18, s13  }
0x10f: {  	[hbm4b:s11+s2] =	stream.linear.scatter [tilespmem:s2], [sflag:$0x5], $0x2710, $0x38;
	[tilespmem:$0x17700] =	vst v63  }
0x110: {  	_ =	swait.ge [sflag:s8], $0x2710  }
0x111: {  	[sflag:s8] =	ssyncset.done $0x0  }
0x112: {  	s19 =	rddreg [dreg:$0x18];
	[sflag:s8] =	ssyncadd.s32 $0xFFFFD8F0  }
0x113: {  	[tilespmem:s2], [sflag:$0x5] =	stream.linear.gather [spmem:s19], $0x2710, $0x38;
	[tilespmem:$0x17700] =	vst v63  }
0x114: {  	_ =	swait.ge [sflag:s8], $0x2710  }
0x115: {  	[sflag:s8] =	ssyncset.done $0x0;
	s12 =	rddreg [dreg:$0x19]  }
0x116: {  	[sflag:s8] =	ssyncadd.s32 $0xFFFFD8F0;
	s11 =	sadd.s32 s12, s13  }
0x117: {  	[hbm4b:s11+s2] =	stream.linear.scatter [tilespmem:s2], [sflag:$0x5], $0x2710, $0x38;
	[tilespmem:$0x17700] =	vst v63  }
0x118: {  	_ =	swait.ge [sflag:s8], $0x2710  }
0x119: {  	[sflag:s8] =	ssyncset.done $0x0  }
0x11a: {  	s18 =	rddreg [dreg:$0x1a];
	[sflag:s8] =	ssyncadd.s32 $0xFFFFD8F0  }
0x11b: {  	[tilespmem:s2], [sflag:$0x5] =	stream.linear.gather [spmem:s18], $0x2710, $0x38;
	[tilespmem:$0x17700] =	vst v63  }
0x11c: {  	_ =	swait.ge [sflag:s8], $0x2710  }
0x11d: {  	[sflag:s8] =	ssyncset.done $0x0;
	s19 =	rddreg [dreg:$0x1b]  }
0x11e: {  	[sflag:s8] =	ssyncadd.s32 $0xFFFFD8F0;
	s11 =	sadd.s32 s19, s13  }
0x11f: {  	[hbm4b:s11+s2] =	stream.linear.scatter [tilespmem:s2], [sflag:$0x5], $0x2710, $0x38;
	[tilespmem:$0x17700] =	vst v63  }
0x120: {  	_ =	swait.ge [sflag:s8], $0x2710  }
0x121: {  	[sflag:s8] =	ssyncset.done $0x0  }
0x122: {  	[sflag:s8] =	ssyncadd.s32 $0xFFFFD8F0  }
.LBB2_7:
0x123: {  	s11 =	simm.s32 $0x40;
	s12 =	simm.s32 $0x0  }
.LBB2_8:
0x124: {  	p1 =	sne.s32 s11, $0x9C00;
	[tilespmem:s12+$0x0] =	vst v0;
	s12 =	smov.u32 s11;
	s11 =	sadd.s32 $0x40, s11  }
.Ltmp5:
0x125: {  	(pc) =	sbr.rel @p1 .LBB2_8-.Ltmp5, $2  }
0x126: {  	_ =	sdelay $0x2  }
0x127: {  	s12 =	sshra.s32 s12, $0x2  }
0x128: {  	[tilespmem:s12+$0x0] =	vst v0;
	s11 =	simm.s32 @!p0 $0x0;
	s12 =	simm.s32 @!p0 $0x5  }
0x129: {  	[spmem:s17] =	stream.linear.scatter @!p0 [tilespmem:s11], [sflag:$0x5], $0x2710, $0x38;
	[tilespmem:$0x17700] =	vst v63  }
0x12a: {  	_ =	swait.ge @!p0 [sflag:s12], $0x2710  }
0x12b: {  	[sflag:s12] =	ssyncset.done @!p0 $0x0  }
0x12c: {  	s18 =	rddreg [dreg:$0x1c];
	[sflag:s12] =	ssyncadd.s32 @!p0 $0xFFFFD8F0  }
0x12d: {  	[spmem:s18] =	stream.linear.scatter @!p0 [tilespmem:s11], [sflag:$0x5], $0x2710, $0x38;
	[tilespmem:$0x17700] =	vst v63  }
0x12e: {  	_ =	swait.ge @!p0 [sflag:s12], $0x2710  }
0x12f: {  	[sflag:s12] =	ssyncset.done @!p0 $0x0  }
0x130: {  	s18 =	rddreg [dreg:$0x1d];
	[sflag:s12] =	ssyncadd.s32 @!p0 $0xFFFFD8F0  }
0x131: {  	[spmem:s18] =	stream.linear.scatter @!p0 [tilespmem:s11], [sflag:$0x5], $0x2710, $0x38;
	[tilespmem:$0x17700] =	vst v63  }
0x132: {  	_ =	swait.ge @!p0 [sflag:s12], $0x2710  }
0x133: {  	[sflag:s12] =	ssyncset.done @!p0 $0x0  }
0x134: {  	[sflag:s12] =	ssyncadd.s32 @!p0 $0xFFFFD8F0  }
0x135: {  	[spmem:s20] =	stream.linear.scatter @!p0 [tilespmem:s11], [sflag:$0x5], $0x2710, $0x38;
	[tilespmem:$0x17700] =	vst v63  }
0x136: {  	_ =	swait.ge @!p0 [sflag:s12], $0x2710  }
0x137: {  	[sflag:s12] =	ssyncset.done @!p0 $0x0  }
0x138: {  	[sflag:s12] =	ssyncadd.s32 @!p0 $0xFFFFD8F0  }
0x139: {  	[spmem:s23] =	stream.linear.scatter @!p0 [tilespmem:s11], [sflag:$0x5], $0x2710, $0x38;
	[tilespmem:$0x17700] =	vst v63  }
0x13a: {  	_ =	swait.ge @!p0 [sflag:s12], $0x2710  }
0x13b: {  	[sflag:s12] =	ssyncset.done @!p0 $0x0  }
0x13c: {  	[sflag:s12] =	ssyncadd.s32 @!p0 $0xFFFFD8F0  }
0x13d: {  	[spmem:s24] =	stream.linear.scatter @!p0 [tilespmem:s11], [sflag:$0x5], $0x2710, $0x38;
	[tilespmem:$0x17700] =	vst v63  }
0x13e: {  	_ =	swait.ge @!p0 [sflag:s12], $0x2710  }
0x13f: {  	[sflag:s12] =	ssyncset.done @!p0 $0x0  }
0x140: {  	[sflag:s12] =	ssyncadd.s32 @!p0 $0xFFFFD8F0  }
0x141: {  	[spmem:s25] =	stream.linear.scatter @!p0 [tilespmem:s11], [sflag:$0x5], $0x2710, $0x38;
	[tilespmem:$0x17700] =	vst v63  }
0x142: {  	_ =	swait.ge @!p0 [sflag:s12], $0x2710  }
0x143: {  	[sflag:s12] =	ssyncset.done @!p0 $0x0  }
0x144: {  	[sflag:s12] =	ssyncadd.s32 @!p0 $0xFFFFD8F0  }
0x145: {  	[spmem:s26] =	stream.linear.scatter @!p0 [tilespmem:s11], [sflag:$0x5], $0x2710, $0x38;
	[tilespmem:$0x17700] =	vst v63  }
0x146: {  	_ =	swait.ge @!p0 [sflag:s12], $0x2710  }
0x147: {  	[sflag:s12] =	ssyncset.done @!p0 $0x0  }
0x148: {  	[sflag:s12] =	ssyncadd.s32 @!p0 $0xFFFFD8F0  }
0x149: {  	[bflag:$0x0] =	sbarrier.arrive $0xFFFF  }
0x14a: {  	s18 =	rddreg [dreg:$0x5]  }
0x14b: {  	[tilespmem:s29], [sflag:$0x3] =	stream.linear.gather [hbm4b:s18+s2], $0x3E8, $0x38;
	[tilespmem:$0x17700] =	vst v63  }
0x14c: {  	s19 =	rddreg [dreg:$0x6]  }
0x14d: {  	[tilespmem:s30], [sflag:$0x3] =	stream.linear.gather [hbm4b:s19+s2], $0x3E8, $0x38;
	[tilespmem:$0x17700] =	vst v63  }
0x14e: {  	_ =	swait.ge [sflag:s31], $0x3E8  }
0x14f: {  	[sflag:s31] =	ssyncset.done $0x0  }
0x150: {  	[sflag:s31] =	ssyncadd.s32 $0xFFFFFC18  }
0x151: {  	_ =	swait.ge [sflag:s31], $0x3E8  }
0x152: {  	[sflag:s31] =	ssyncset.done $0x0  }
0x153: {  	[sflag:s31] =	ssyncadd.s32 $0xFFFFFC18  }
0x154: {  	[tilespmem:s3], [sflag:$0x1] =	stream.indirect.gather [hbm4b:s14+s0], $0x10, s29, s0, $0xb8;
	[tilespmem:$0x17700] =	vst v63  }
0x155: {  	s12 =	rddreg [dreg:$0x7]  }
0x156: {  	[tilespmem:s16], [sflag:$0x4] =	stream.linear.gather [hbm4b:s12+s2], $0x3E8, $0x38;
	[tilespmem:$0x17700] =	vst v63  }
0x157: {  	s18 =	rddreg [dreg:$0x8]  }
0x158: {  	[tilespmem:s28], [sflag:$0x4] =	stream.linear.gather [hbm4b:s18+s2], $0x3E8, $0x38;
	[tilespmem:$0x17700] =	vst v63  }
0x159: {  	_ =	swait.ge [sflag:s4], $0x3E8  }
0x15a: {  	[sflag:s4] =	ssyncset.done $0x0  }
0x15b: {  	[sflag:s4] =	ssyncadd.s32 $0xFFFFFC18  }
0x15c: {  	_ =	swait.ge [sflag:s4], $0x3E8  }
0x15d: {  	[sflag:s4] =	ssyncset.done $0x0  }
0x15e: {  	[sflag:s4] =	ssyncadd.s32 $0xFFFFFC18  }
0x15f: {  	[tilespmem:s5], [sflag:$0x2] =	stream.indirect.gather [hbm4b:s14+s0], $0x10, s16, s0, $0xb8;
	[tilespmem:$0x17700] =	vst v63  }
0x160: {  	_ =	swait.ge [sflag:s7], $0x3E80  }
0x161: {  	[sflag:s7] =	ssyncset.done $0x0  }
0x162: {  	[sflag:s7] =	ssyncadd.s32 $0xFFFFC180  }
0x163: {  	[spmem:s1] =	stream.indirect.scatter.add.f32 [tilespmem:s3], [sflag:$0x5], $0x10, s30, s0, $0xb8;
	[tilespmem:$0x17700] =	vst v63  }
0x164: {  	_ =	swait.ge [sflag:s8], $0x3E80  }
0x165: {  	s11 =	sadd.s32 $0xFFFFE98A, s22;
	[sflag:s8] =	ssyncset.done $0x0  }
0x166: {  	s19 =	sadd.s32 $0x1770, s11;
	s18 =	sadd.s32 $0xFFFFE98A, s21;
	[sflag:s8] =	ssyncadd.s32 $0xFFFFC180  }
0x167: {  	[tilespmem:s29], [sflag:$0x3] =	stream.linear.gather [hbm4b:s19+s2], $0x3E8, $0x38;
	[tilespmem:$0x17700] =	vst v63  }
0x168: {  	s19 =	sadd.s32 $0x1770, s18  }
0x169: {  	[tilespmem:s30], [sflag:$0x3] =	stream.linear.gather [hbm4b:s19+s2], $0x3E8, $0x38;
	[tilespmem:$0x17700] =	vst v63  }
0x16a: {  	_ =	swait.ge [sflag:s31], $0x3E8  }
0x16b: {  	[sflag:s31] =	ssyncset.done $0x0  }
0x16c: {  	[sflag:s31] =	ssyncadd.s32 $0xFFFFFC18  }
0x16d: {  	_ =	swait.ge [sflag:s31], $0x3E8  }
0x16e: {  	[sflag:s31] =	ssyncset.done $0x0  }
0x16f: {  	[sflag:s31] =	ssyncadd.s32 $0xFFFFFC18  }
0x170: {  	[tilespmem:s3], [sflag:$0x1] =	stream.indirect.gather [hbm4b:s14+s0], $0x10, s29, s0, $0xb8;
	[tilespmem:$0x17700] =	vst v63  }
0x171: {  	_ =	swait.ge [sflag:s9], $0x3E80  }
0x172: {  	[sflag:s9] =	ssyncset.done $0x0  }
0x173: {  	[sflag:s9] =	ssyncadd.s32 $0xFFFFC180  }
0x174: {  	[spmem:s1] =	stream.indirect.scatter.add.f32 [tilespmem:s5], [sflag:$0x5], $0x10, s28, s0, $0xb8;
	[tilespmem:$0x17700] =	vst v63  }
0x175: {  	_ =	swait.ge [sflag:s8], $0x3E80  }
0x176: {  	[sflag:s8] =	ssyncset.done $0x0  }
0x177: {  	s11 =	sadd.s32 $0x17ED, s11;
	[sflag:s8] =	ssyncadd.s32 $0xFFFFC180  }
0x178: {  	[tilespmem:s16], [sflag:$0x4] =	stream.linear.gather [hbm4b:s11+s2], $0x3E8, $0x38;
	[tilespmem:$0x17700] =	vst v63  }
0x179: {  	s12 =	sadd.s32 $0x17ED, s18;
	s11 =	simm.s32 $0xFFFFEA84  }
.LBB2_10:
0x17a: {  	[tilespmem:s28], [sflag:$0x4] =	stream.linear.gather [hbm4b:s12+s2], $0x3E8, $0x38;
	[tilespmem:$0x17700] =	vst v63  }
0x17b: {  	s12 =	smov.u32 s11  }
0x17c: {  	p1 =	sne.s32 s11, $0xFFFFFF06;
	s11 =	sadd.s32 $0xFA, s11;
	_ =	swait.ge [sflag:s4], $0x3E8  }
0x17d: {  	[sflag:s4] =	ssyncset.done $0x0  }
0x17e: {  	[sflag:s4] =	ssyncadd.s32 $0xFFFFFC18  }
0x17f: {  	_ =	swait.ge [sflag:s4], $0x3E8  }
0x180: {  	[sflag:s4] =	ssyncset.done $0x0  }
0x181: {  	[sflag:s4] =	ssyncadd.s32 $0xFFFFFC18  }
0x182: {  	[tilespmem:s5], [sflag:$0x2] =	stream.indirect.gather [hbm4b:s14+s0], $0x10, s16, s0, $0xb8;
	[tilespmem:$0x17700] =	vst v63  }
0x183: {  	_ =	swait.ge [sflag:s7], $0x3E80  }
0x184: {  	[sflag:s7] =	ssyncset.done $0x0  }
0x185: {  	[sflag:s7] =	ssyncadd.s32 $0xFFFFC180  }
0x186: {  	[spmem:s1] =	stream.indirect.scatter.add.f32 [tilespmem:s3], [sflag:$0x5], $0x10, s30, s0, $0xb8;
	[tilespmem:$0x17700] =	vst v63  }
0x187: {  	_ =	swait.ge [sflag:s8], $0x3E80  }
0x188: {  	s18 =	sadd.s32 s12, s22;
	[sflag:s8] =	ssyncset.done $0x0  }
0x189: {  	s12 =	sadd.s32 s12, s21;
	s19 =	sadd.s32 $0x1770, s18;
	[sflag:s8] =	ssyncadd.s32 $0xFFFFC180  }
0x18a: {  	[tilespmem:s29], [sflag:$0x3] =	stream.linear.gather [hbm4b:s19+s2], $0x3E8, $0x38;
	[tilespmem:$0x17700] =	vst v63  }
0x18b: {  	s19 =	sadd.s32 $0x1770, s12  }
0x18c: {  	[tilespmem:s30], [sflag:$0x3] =	stream.linear.gather [hbm4b:s19+s2], $0x3E8, $0x38;
	[tilespmem:$0x17700] =	vst v63  }
0x18d: {  	_ =	swait.ge [sflag:s31], $0x3E8  }
0x18e: {  	[sflag:s31] =	ssyncset.done $0x0  }
0x18f: {  	[sflag:s31] =	ssyncadd.s32 $0xFFFFFC18  }
0x190: {  	_ =	swait.ge [sflag:s31], $0x3E8  }
0x191: {  	[sflag:s31] =	ssyncset.done $0x0  }
0x192: {  	[sflag:s31] =	ssyncadd.s32 $0xFFFFFC18  }
0x193: {  	[tilespmem:s3], [sflag:$0x1] =	stream.indirect.gather [hbm4b:s14+s0], $0x10, s29, s0, $0xb8;
	[tilespmem:$0x17700] =	vst v63  }
0x194: {  	_ =	swait.ge [sflag:s9], $0x3E80  }
0x195: {  	[sflag:s9] =	ssyncset.done $0x0  }
0x196: {  	[sflag:s9] =	ssyncadd.s32 $0xFFFFC180  }
0x197: {  	[spmem:s1] =	stream.indirect.scatter.add.f32 [tilespmem:s5], [sflag:$0x5], $0x10, s28, s0, $0xb8;
	[tilespmem:$0x17700] =	vst v63  }
.Ltmp6:
0x198: {  	_ =	swait.ge [sflag:s8], $0x3E80;
	(pc) =	sbr.rel @p1 .LBB2_10-.Ltmp6, $4  }
0x199: {  	[sflag:s8] =	ssyncset.done $0x0  }
0x19a: {  	s18 =	sadd.s32 $0x17ED, s18;
	[sflag:s8] =	ssyncadd.s32 $0xFFFFC180  }
0x19b: {  	[tilespmem:s16], [sflag:$0x4] =	stream.linear.gather [hbm4b:s18+s2], $0x3E8, $0x38;
	[tilespmem:$0x17700] =	vst v63  }
0x19c: {  	s12 =	sadd.s32 $0x17ED, s12  }
0x19d: {  	[tilespmem:s28], [sflag:$0x4] =	stream.linear.gather [hbm4b:s12+s2], $0x3E8, $0x38;
	[tilespmem:$0x17700] =	vst v63  }
0x19e: {  	_ =	swait.ge [sflag:s4], $0x3E8  }
0x19f: {  	[sflag:s4] =	ssyncset.done $0x0  }
0x1a0: {  	[sflag:s4] =	ssyncadd.s32 $0xFFFFFC18  }
0x1a1: {  	_ =	swait.ge [sflag:s4], $0x3E8  }
0x1a2: {  	[sflag:s4] =	ssyncset.done $0x0  }
0x1a3: {  	[sflag:s4] =	ssyncadd.s32 $0xFFFFFC18  }
0x1a4: {  	[tilespmem:s5], [sflag:$0x2] =	stream.indirect.gather [hbm4b:s14+s0], $0x10, s16, s0, $0xb8;
	[tilespmem:$0x17700] =	vst v63  }
0x1a5: {  	_ =	swait.ge [sflag:s7], $0x3E80  }
0x1a6: {  	[sflag:s7] =	ssyncset.done $0x0  }
0x1a7: {  	[sflag:s7] =	ssyncadd.s32 $0xFFFFC180  }
0x1a8: {  	[spmem:s1] =	stream.indirect.scatter.add.f32 [tilespmem:s3], [sflag:$0x5], $0x10, s30, s0, $0xb8;
	[tilespmem:$0x17700] =	vst v63  }
0x1a9: {  	_ =	swait.ge [sflag:s8], $0x3E80  }
0x1aa: {  	[sflag:s8] =	ssyncset.done $0x0  }
0x1ab: {  	s11 =	rddreg [dreg:$0x9];
	[sflag:s8] =	ssyncadd.s32 $0xFFFFC180  }
0x1ac: {  	[tilespmem:s29], [sflag:$0x3] =	stream.linear.gather [hbm4b:s11+s2], $0x3E8, $0x38;
	[tilespmem:$0x17700] =	vst v63  }
0x1ad: {  	s12 =	rddreg [dreg:$0xa]  }
0x1ae: {  	[tilespmem:s30], [sflag:$0x3] =	stream.linear.gather [hbm4b:s12+s2], $0x3E8, $0x38;
	[tilespmem:$0x17700] =	vst v63  }
0x1af: {  	_ =	swait.ge [sflag:s31], $0x3E8  }
0x1b0: {  	[sflag:s31] =	ssyncset.done $0x0  }
0x1b1: {  	[sflag:s31] =	ssyncadd.s32 $0xFFFFFC18  }
0x1b2: {  	_ =	swait.ge [sflag:s31], $0x3E8  }
0x1b3: {  	[sflag:s31] =	ssyncset.done $0x0  }
0x1b4: {  	[sflag:s31] =	ssyncadd.s32 $0xFFFFFC18  }
0x1b5: {  	[tilespmem:s3], [sflag:$0x1] =	stream.indirect.gather [hbm4b:s14+s0], $0x10, s29, s0, $0xb8;
	[tilespmem:$0x17700] =	vst v63  }
0x1b6: {  	_ =	swait.ge [sflag:s9], $0x3E80  }
0x1b7: {  	[sflag:s9] =	ssyncset.done $0x0  }
0x1b8: {  	[sflag:s9] =	ssyncadd.s32 $0xFFFFC180  }
0x1b9: {  	[spmem:s1] =	stream.indirect.scatter.add.f32 [tilespmem:s5], [sflag:$0x5], $0x10, s28, s0, $0xb8;
	[tilespmem:$0x17700] =	vst v63  }
0x1ba: {  	_ =	swait.ge [sflag:s8], $0x3E80  }
0x1bb: {  	[sflag:s8] =	ssyncset.done $0x0  }
0x1bc: {  	s18 =	rddreg [dreg:$0xb];
	[sflag:s8] =	ssyncadd.s32 $0xFFFFC180  }
0x1bd: {  	[tilespmem:s16], [sflag:$0x4] =	stream.linear.gather [hbm4b:s18+s2], $0x3E8, $0x38;
	[tilespmem:$0x17700] =	vst v63  }
0x1be: {  	s19 =	rddreg [dreg:$0xc]  }
0x1bf: {  	[tilespmem:s28], [sflag:$0x4] =	stream.linear.gather [hbm4b:s19+s2], $0x3E8, $0x38;
	[tilespmem:$0x17700] =	vst v63  }
0x1c0: {  	_ =	swait.ge [sflag:s4], $0x3E8  }
0x1c1: {  	[sflag:s4] =	ssyncset.done $0x0  }
0x1c2: {  	[sflag:s4] =	ssyncadd.s32 $0xFFFFFC18  }
0x1c3: {  	_ =	swait.ge [sflag:s4], $0x3E8  }
0x1c4: {  	[sflag:s4] =	ssyncset.done $0x0  }
0x1c5: {  	[sflag:s4] =	ssyncadd.s32 $0xFFFFFC18  }
0x1c6: {  	[tilespmem:s5], [sflag:$0x2] =	stream.indirect.gather [hbm4b:s14+s0], $0x10, s16, s0, $0xb8;
	[tilespmem:$0x17700] =	vst v63  }
0x1c7: {  	_ =	swait.ge [sflag:s7], $0x3E80  }
0x1c8: {  	[sflag:s7] =	ssyncset.done $0x0  }
0x1c9: {  	[sflag:s7] =	ssyncadd.s32 $0xFFFFC180  }
0x1ca: {  	[spmem:s1] =	stream.indirect.scatter.add.f32 [tilespmem:s3], [sflag:$0x5], $0x10, s30, s0, $0xb8;
	[tilespmem:$0x17700] =	vst v63  }
0x1cb: {  	_ =	swait.ge [sflag:s8], $0x3E80  }
0x1cc: {  	[sflag:s8] =	ssyncset.done $0x0  }
0x1cd: {  	[sflag:s8] =	ssyncadd.s32 $0xFFFFC180  }
0x1ce: {  	_ =	swait.ge [sflag:s9], $0x3E80  }
0x1cf: {  	[sflag:s9] =	ssyncset.done $0x0  }
0x1d0: {  	[sflag:s9] =	ssyncadd.s32 $0xFFFFC180  }
0x1d1: {  	[spmem:s1] =	stream.indirect.scatter.add.f32 [tilespmem:s5], [sflag:$0x5], $0x10, s28, s0, $0xb8;
	[tilespmem:$0x17700] =	vst v63  }
.Ltmp7:
0x1d2: {  	_ =	swait.ge [sflag:s8], $0x3E80;
	(pc) =	sbr.rel @p0 .LBB2_13-.Ltmp7, $3  }
0x1d3: {  	[sflag:s8] =	ssyncset.done $0x0  }
0x1d4: {  	[sflag:s8] =	ssyncadd.s32 $0xFFFFC180  }
0x1d5: {  	[bflag:$0x0] =	sbarrier.arrive $0xFFFF;
	_ =	sdelay $0x1  }
0x1d6: {  	[tilespmem:s2], [sflag:$0x5] =	stream.linear.gather [spmem:s17], $0x2710, $0x38;
	[tilespmem:$0x17700] =	vst v63  }
0x1d7: {  	_ =	swait.ge [sflag:s8], $0x2710  }
0x1d8: {  	[sflag:s8] =	ssyncset.done $0x0;
	s11 =	rddreg [dreg:$0x1e]  }
0x1d9: {  	[sflag:s8] =	ssyncadd.s32 $0xFFFFD8F0;
	s11 =	sadd.s32 s11, s15  }
0x1da: {  	[hbm4b:s11+s2] =	stream.linear.scatter [tilespmem:s2], [sflag:$0x5], $0x2710, $0x38;
	[tilespmem:$0x17700] =	vst v63  }
0x1db: {  	_ =	swait.ge [sflag:s8], $0x2710  }
0x1dc: {  	[sflag:s8] =	ssyncset.done $0x0  }
0x1dd: {  	s18 =	rddreg [dreg:$0xe];
	[sflag:s8] =	ssyncadd.s32 $0xFFFFD8F0  }
0x1de: {  	[tilespmem:s2], [sflag:$0x5] =	stream.linear.gather [spmem:s18], $0x2710, $0x38;
	[tilespmem:$0x17700] =	vst v63  }
0x1df: {  	_ =	swait.ge [sflag:s8], $0x2710  }
0x1e0: {  	[sflag:s8] =	ssyncset.done $0x0;
	s19 =	rddreg [dreg:$0xf]  }
0x1e1: {  	[sflag:s8] =	ssyncadd.s32 $0xFFFFD8F0;
	s11 =	sadd.s32 s19, s15  }
0x1e2: {  	[hbm4b:s11+s2] =	stream.linear.scatter [tilespmem:s2], [sflag:$0x5], $0x2710, $0x38;
	[tilespmem:$0x17700] =	vst v63  }
0x1e3: {  	_ =	swait.ge [sflag:s8], $0x2710  }
0x1e4: {  	[sflag:s8] =	ssyncset.done $0x0  }
0x1e5: {  	s12 =	rddreg [dreg:$0x10];
	[sflag:s8] =	ssyncadd.s32 $0xFFFFD8F0  }
0x1e6: {  	[tilespmem:s2], [sflag:$0x5] =	stream.linear.gather [spmem:s12], $0x2710, $0x38;
	[tilespmem:$0x17700] =	vst v63  }
0x1e7: {  	_ =	swait.ge [sflag:s8], $0x2710  }
0x1e8: {  	[sflag:s8] =	ssyncset.done $0x0;
	s18 =	rddreg [dreg:$0x11]  }
0x1e9: {  	[sflag:s8] =	ssyncadd.s32 $0xFFFFD8F0;
	s11 =	sadd.s32 s18, s15  }
0x1ea: {  	[hbm4b:s11+s2] =	stream.linear.scatter [tilespmem:s2], [sflag:$0x5], $0x2710, $0x38;
	[tilespmem:$0x17700] =	vst v63  }
0x1eb: {  	_ =	swait.ge [sflag:s8], $0x2710  }
0x1ec: {  	[sflag:s8] =	ssyncset.done $0x0  }
0x1ed: {  	s19 =	rddreg [dreg:$0x12];
	[sflag:s8] =	ssyncadd.s32 $0xFFFFD8F0  }
0x1ee: {  	[tilespmem:s2], [sflag:$0x5] =	stream.linear.gather [spmem:s19], $0x2710, $0x38;
	[tilespmem:$0x17700] =	vst v63  }
0x1ef: {  	_ =	swait.ge [sflag:s8], $0x2710  }
0x1f0: {  	[sflag:s8] =	ssyncset.done $0x0;
	s12 =	rddreg [dreg:$0x13]  }
0x1f1: {  	[sflag:s8] =	ssyncadd.s32 $0xFFFFD8F0;
	s11 =	sadd.s32 s12, s15  }
0x1f2: {  	[hbm4b:s11+s2] =	stream.linear.scatter [tilespmem:s2], [sflag:$0x5], $0x2710, $0x38;
	[tilespmem:$0x17700] =	vst v63  }
0x1f3: {  	_ =	swait.ge [sflag:s8], $0x2710  }
0x1f4: {  	[sflag:s8] =	ssyncset.done $0x0  }
0x1f5: {  	s18 =	rddreg [dreg:$0x14];
	[sflag:s8] =	ssyncadd.s32 $0xFFFFD8F0  }
0x1f6: {  	[tilespmem:s2], [sflag:$0x5] =	stream.linear.gather [spmem:s18], $0x2710, $0x38;
	[tilespmem:$0x17700] =	vst v63  }
0x1f7: {  	_ =	swait.ge [sflag:s8], $0x2710  }
0x1f8: {  	[sflag:s8] =	ssyncset.done $0x0;
	s19 =	rddreg [dreg:$0x15]  }
0x1f9: {  	[sflag:s8] =	ssyncadd.s32 $0xFFFFD8F0;
	s11 =	sadd.s32 s19, s15  }
0x1fa: {  	[hbm4b:s11+s2] =	stream.linear.scatter [tilespmem:s2], [sflag:$0x5], $0x2710, $0x38;
	[tilespmem:$0x17700] =	vst v63  }
0x1fb: {  	_ =	swait.ge [sflag:s8], $0x2710  }
0x1fc: {  	[sflag:s8] =	ssyncset.done $0x0  }
0x1fd: {  	s12 =	rddreg [dreg:$0x16];
	[sflag:s8] =	ssyncadd.s32 $0xFFFFD8F0  }
0x1fe: {  	[tilespmem:s2], [sflag:$0x5] =	stream.linear.gather [spmem:s12], $0x2710, $0x38;
	[tilespmem:$0x17700] =	vst v63  }
0x1ff: {  	_ =	swait.ge [sflag:s8], $0x2710  }
0x200: {  	[sflag:s8] =	ssyncset.done $0x0;
	s18 =	rddreg [dreg:$0x17]  }
0x201: {  	[sflag:s8] =	ssyncadd.s32 $0xFFFFD8F0;
	s11 =	sadd.s32 s18, s15  }
0x202: {  	[hbm4b:s11+s2] =	stream.linear.scatter [tilespmem:s2], [sflag:$0x5], $0x2710, $0x38;
	[tilespmem:$0x17700] =	vst v63  }
0x203: {  	_ =	swait.ge [sflag:s8], $0x2710  }
0x204: {  	[sflag:s8] =	ssyncset.done $0x0  }
0x205: {  	s19 =	rddreg [dreg:$0x18];
	[sflag:s8] =	ssyncadd.s32 $0xFFFFD8F0  }
0x206: {  	[tilespmem:s2], [sflag:$0x5] =	stream.linear.gather [spmem:s19], $0x2710, $0x38;
	[tilespmem:$0x17700] =	vst v63  }
0x207: {  	_ =	swait.ge [sflag:s8], $0x2710  }
0x208: {  	[sflag:s8] =	ssyncset.done $0x0;
	s12 =	rddreg [dreg:$0x19]  }
0x209: {  	[sflag:s8] =	ssyncadd.s32 $0xFFFFD8F0;
	s11 =	sadd.s32 s12, s15  }
0x20a: {  	[hbm4b:s11+s2] =	stream.linear.scatter [tilespmem:s2], [sflag:$0x5], $0x2710, $0x38;
	[tilespmem:$0x17700] =	vst v63  }
0x20b: {  	_ =	swait.ge [sflag:s8], $0x2710  }
0x20c: {  	[sflag:s8] =	ssyncset.done $0x0  }
0x20d: {  	s18 =	rddreg [dreg:$0x1a];
	[sflag:s8] =	ssyncadd.s32 $0xFFFFD8F0  }
0x20e: {  	[tilespmem:s2], [sflag:$0x5] =	stream.linear.gather [spmem:s18], $0x2710, $0x38;
	[tilespmem:$0x17700] =	vst v63  }
0x20f: {  	_ =	swait.ge [sflag:s8], $0x2710  }
0x210: {  	[sflag:s8] =	ssyncset.done $0x0;
	s19 =	rddreg [dreg:$0x1b]  }
.Ltmp8:
0x211: {  	[sflag:s8] =	ssyncadd.s32 $0xFFFFD8F0;
	s11 =	sadd.s32 s19, s15;
	(pc) =	sbr.rel .LBB2_13-.Ltmp8, $4  }
0x212: {  	[hbm4b:s11+s2] =	stream.linear.scatter [tilespmem:s2], [sflag:$0x5], $0x2710, $0x38;
	[tilespmem:$0x17700] =	vst v63  }
0x213: {  	_ =	swait.ge [sflag:s8], $0x2710  }
0x214: {  	[sflag:s8] =	ssyncset.done $0x0  }
0x215: {  	[sflag:s8] =	ssyncadd.s32 $0xFFFFD8F0  }
.LBB2_14:
0x216: {  	_ =	sfence.sel $0x180000  }
0x217: {  	[bflag:$0x0] =	sbarrier.arrive $0xFFFF  }
0x218: {  	_ =	strace $0x9000004A  }
0x219: {  	s0 =	stileid.u32;
	[bflag:$0x2] =	sbarrier.arrive $0xFFFF  }
0x21a: {  	p0 =	sne.s32 s0, $0x0;
	s0 =	rddreg [dreg:$0x4]  }
0x21b: {  	s0 =	sadd.s32 @!p0 $0x100000, s0  }
0x21c: {  	[sflag:s0] =	ssyncadd.tile.s32 @!p0 $0x1;
	_ =	shalt  }
.Lfunc_end2:
_tile_overlayer_lowered:
.L_overlay_start_2:
0x21d: {  	(tag) =	ssettag $0x2  }
0x21e: {  	s0 =	rddreg [dreg:$0x0];
	s2 =	stileid.u32  }
0x21f: {  	s1 =	rddreg [dreg:$0x1];
	p0 =	sne.s32 s2, $0x0  }
0x220: {  	s3 =	rddreg [dreg:$0x2];
	[bflag:$0x3] =	sbarrier.arrive $0xFFFF;
	s2 =	simm.s32 @!p0 $0x1C05  }
0x221: {  	[timem:s3], [sflag:s2] =	dma.local @!p0 [hbm:s0], s1  }
0x222: {  	s0 =	simm.s32 @!p0 $0x5  }
0x223: {  	_ =	swait.ge @!p0 [sflag:s0], s1  }
0x224: {  	s1 =	ssub.s32 @!p0 $0x0, s1;
	[sflag:s0] =	ssyncset.done @!p0 $0x0  }
0x225: {  	[sflag:s0] =	ssyncadd.s32 @!p0 s1  }
0x226: {  	[bflag:$0x3] =	sbarrier.arrive $0xFFFF  }
0x227: {  	_ =	shalt  }

// kernel: kernel.14.cloned.1.call-start
scs
__scs_entry_jumppad:
0x0: {  	(pc) =	sbr.rel $0x88, $3  }
0x1: {  	(tag) =	ssettag $0x0;
	lr =	simm.s32 $0x1  }
0x2: {  	[smem:$0x3F92] =	sst lr;
	_ =	strace $0xD0000000  }
0x3: {  	_ = 	snop  }
0x4: {  	_ = 	snop  }
0x5: {  	_ = 	snop  }
0x6: {  	_ = 	snop  }
0x7: {  	_ = 	snop  }
__scs_overlays_trampoline_lowered:
0x8: {  	[smem:$0x3FA1] =	sst s0  }
0x9: {  	[smem:$0x3FA2] =	sst s1  }
0xa: {  	[smem:$0x3FA3] =	sst s2  }
0xb: {  	[smem:$0x3FA4] =	sst s3  }
0xc: {  	[smem:$0x3FA5] =	sst s4  }
0xd: {  	[smem:$0x3FA6] =	sst s5  }
0xe: {  	[smem:$0x3FA7] =	sst s6  }
0xf: {  	[smem:$0x3FA8] =	sst s7  }
0x10: {  	[smem:$0x3FA9] =	sst s8  }
0x11: {  	[smem:$0x3FAA] =	sst s9;
	s0 =	simm.s32 @!p0 $0x0  }
0x12: {  	s1 =	sld [smem:$0x3F90];
	s0 =	simm.s32 @p0 $0x1  }
0x13: {  	[smem:$0x3FAB] =	sst s0;
	s0 =	simm.s32 @!p1 $0x0  }
0x14: {  	s2 =	sld [smem:$0x3F8F];
	s0 =	simm.s32 @p1 $0x1  }
0x15: {  	[smem:$0x3FAC] =	sst s0;
	s0 =	simm.s32 @!p2 $0x0  }
0x16: {  	s3 =	sld [smem:$0x3FDB];
	s0 =	simm.s32 @p2 $0x1  }
0x17: {  	s4 =	simm.s32 $0x1BF5;
	[smem:$0x3FAE] =	sst s0  }
0x18: {  	s0 =	sld [smem:$0x3F91];
	_ =	swait.ge [sflag:s4], $0x0  }
0x19: {  	s7 =	sld [smem:$0x3F92]  }
0x1a: {  	s8 =	sadd.s32 $0xFFFFE003, lr  }
0x1b: {  	s9 =	sadd.s32 $0xFFFFFEF7, lr;
	s5 =	simm.s32 $0xFFFFFFFF;
	p2 =	slt.u32 s8, $0xFFFFF086  }
0x1c: {  	p1 =	slt.u32 s9, $0xF7A;
	s5 =	simm.s32 @!p2 $0x0  }
0x1d: {  	s5 =	simm.s32 @p1 $0x1;
	p0 =	seq.s32 s7, s2  }
0x1e: {  	s7 =	smul.u32 @!p0 $0xF7A, s2;
	p2 =	seq.s32 @!p0 s5, $0x0  }
0x1f: {  	s9 =	smul.u32 $0xF7A, s1;
	s8 =	simm.s32 @!p0 $0x1BF5;
	p2 =	por !p2, p0  }
0x20: {  	[sflag:s8] =	ssyncset.s32 @!p0 $0xFFFFF086;
	s6 =	sadd.s32 @!p0 s3, s7;
	s7 =	simm.s32 @!p0 $0x108  }
0x21: {  	s3 =	sadd.s32 s3, s9;
	s6 =	sadd.s32 @!p0 $0x88, s6;
	s7 =	simm.s32 @p2 $0x1082  }
0x22: {  	[simem:s7], [sflag:s8] =	dma.local @!p0 [hbm:s6], $0xF7A  }
0x23: {  	s9 =	sor.u32 $0xD0000000, s2;
	s6 =	simm.s32 $0x108;
	_ =	swait.ge @!p0 [sflag:s8], $0x0  }
0x24: {  	s3 =	sadd.s32 $0x88, s3;
	s6 =	simm.s32 @!p1 $0x1082;
	[sflag:s4] =	ssyncset.s32 $0xFFFFF086  }
0x25: {  	[simem:s6], [sflag:s4] =	dma.local [hbm:s3], $0xF7A  }
0x26: {  	[smem:$0x3F92] =	sst s1;
	(tag) =	ssettag s2;
	_ =	strace s9  }
0x27: {  	s1 =	sld [smem:$0x3FA2]  }
0x28: {  	s2 =	sld [smem:$0x3FA3]  }
0x29: {  	s4 =	sld [smem:$0x3FA5]  }
0x2a: {  	p0 =	seq.s32 s5, $0x0;
	s5 =	sld [smem:$0x3FA6]  }
0x2b: {  	s6 =	sld [smem:$0x3FA7]  }
0x2c: {  	s7 =	sld [smem:$0x3FA8]  }
0x2d: {  	s3 =	simm.s32 $0x108;
	s8 =	sld [smem:$0x3FA9]  }
0x2e: {  	s3 =	simm.s32 @!p0 $0x1082;
	s9 =	sld [smem:$0x3FAA]  }
0x2f: {  	lr =	sadd.s32 s0, s3;
	s0 =	sld [smem:$0x3FA1]  }
0x30: {  	s3 =	sld [smem:$0x3FA4]  }
0x31: {  	[smem:$0x3FAD] =	sst s10  }
0x32: {  	s10 =	sld [smem:$0x3FAB];
	_ =	sdelay $0x3  }
0x33: {  	p0 =	seq.s32 s10, $0x1;
	s10 =	sld [smem:$0x3FAD];
	_ =	sdelay $0x3  }
0x34: {  	[smem:$0x3FAD] =	sst s10  }
0x35: {  	s10 =	sld [smem:$0x3FAC];
	_ =	sdelay $0x3  }
0x36: {  	p1 =	seq.s32 s10, $0x1;
	s10 =	sld [smem:$0x3FAD];
	_ =	sdelay $0x3  }
0x37: {  	[smem:$0x3FAD] =	sst s10  }
0x38: {  	s10 =	sld [smem:$0x3FAE]  }
0x39: {  	_ = 	snop;
	(pc) =	sbr.ind lr, $3  }
0x3a: {  	_ = 	snop  }
0x3b: {  	_ = 	snop  }
0x3c: {  	p2 =	seq.s32 s10, $0x1;
	s10 =	sld [smem:$0x3FAD]  }
0x3d: {  	_ =	shalt  }
0x3e: {  	_ =	shalt  }
0x3f: {  	_ =	shalt  }
0x40: {  	_ =	shalt  }
0x41: {  	_ =	shalt  }
0x42: {  	_ =	shalt  }
0x43: {  	_ =	shalt  }
0x44: {  	_ =	shalt  }
0x45: {  	_ =	shalt  }
0x46: {  	_ =	shalt  }
0x47: {  	_ =	shalt  }
0x48: {  	_ =	shalt  }
0x49: {  	_ =	shalt  }
0x4a: {  	_ =	shalt  }
0x4b: {  	_ =	shalt  }
0x4c: {  	_ =	shalt  }
0x4d: {  	_ =	shalt  }
0x4e: {  	_ =	shalt  }
0x4f: {  	_ =	shalt  }
0x50: {  	_ =	shalt  }
0x51: {  	_ =	shalt  }
0x52: {  	_ =	shalt  }
0x53: {  	_ =	shalt  }
0x54: {  	_ =	shalt  }
0x55: {  	_ =	shalt  }
0x56: {  	_ =	shalt  }
0x57: {  	_ =	shalt  }
0x58: {  	_ =	shalt  }
0x59: {  	_ =	shalt  }
0x5a: {  	_ =	shalt  }
0x5b: {  	_ =	shalt  }
0x5c: {  	_ =	shalt  }
0x5d: {  	_ =	shalt  }
0x5e: {  	_ =	shalt  }
0x5f: {  	_ =	shalt  }
0x60: {  	_ =	shalt  }
0x61: {  	_ =	shalt  }
0x62: {  	_ =	shalt  }
0x63: {  	_ =	shalt  }
0x64: {  	_ =	shalt  }
0x65: {  	_ =	shalt  }
0x66: {  	_ =	shalt  }
0x67: {  	_ =	shalt  }
0x68: {  	_ =	shalt  }
0x69: {  	_ =	shalt  }
0x6a: {  	_ =	shalt  }
0x6b: {  	_ =	shalt  }
0x6c: {  	_ =	shalt  }
0x6d: {  	_ =	shalt  }
0x6e: {  	_ =	shalt  }
0x6f: {  	_ =	shalt  }
0x70: {  	_ =	shalt  }
0x71: {  	_ =	shalt  }
0x72: {  	_ =	shalt  }
0x73: {  	_ =	shalt  }
0x74: {  	_ =	shalt  }
0x75: {  	_ =	shalt  }
0x76: {  	_ =	shalt  }
0x77: {  	_ =	shalt  }
0x78: {  	_ =	shalt  }
0x79: {  	_ =	shalt  }
0x7a: {  	_ =	shalt  }
0x7b: {  	_ =	shalt  }
0x7c: {  	_ =	shalt  }
0x7d: {  	_ =	shalt  }
0x7e: {  	_ =	shalt  }
0x7f: {  	_ =	shalt  }
0x80: {  	_ =	shalt  }
0x81: {  	_ =	shalt  }
0x82: {  	_ =	shalt  }
0x83: {  	_ =	shalt  }
0x84: {  	_ =	shalt  }
0x85: {  	_ =	shalt  }
0x86: {  	_ =	shalt  }
0x87: {  	_ =	shalt  }
.Lfunc_end0:
.L_simem_size_0:
called_computation.2_lowered:
.L_overlay_start_0:
0x88: {  	s2 =	sld [smem:$0x3FD9]  }
0x89: {  	s3 =	sld [smem:$0x3FFE];
	_ =	sdelay $0x1  }
0x8a: {  	s1 =	srdreg.scid  }
0x8b: {  	s0 =	sand.u32 $0x1, s1  }
0x8c: {  	s14 =	sshll.u32 s0, $0xA;
	s2 =	sadd.s32 s3, s2  }
0x8d: {  	s2 =	sadd.s32 s2, s14  }
0x8e: {  	[smem:$0x3FB9] =	sst s2  }
0x8f: {  	_ = 	snop  }
0x90: {  	s2 =	sld [smem:$0x3FD0];
	_ =	sdelay $0x2  }
0x91: {  	s15 =	simm.s32 $0xA;
	s4 =	simm.s32 $0x10  }
0x92: {  	[smem:s4], [sflag:s15] =	dma.local [hbm:s2], $0x1  }
0x93: {  	_ =	swait.eq [sflag:s15], $0x1  }
0x94: {  	[sflag:s15] =	ssyncset.done $0x0  }
0x95: {  	[sflag:s15] =	ssyncadd.s32 $0xFFFFFFFF  }
0x96: {  	s16 =	sld [smem:$0x10];
	(tm) =	ssettm $0x1  }
0x97: {  	s17 =	sld [smem:$0x3FFB];
	_ =	sdelay $0x3  }
0x98: {  	_ =	strace s17  }
0x99: {  	s3 =	sld [smem:$0x3FFC];
	_ =	sdelay $0x3  }
0x9a: {  	_ =	strace s3  }
0x9b: {  	s3 =	sld [smem:$0x3FFD];
	_ =	sdelay $0x3  }
0x9c: {  	_ =	strace s3  }
0x9d: {  	_ =	strace $0x8FFFFFFF  }
0x9e: {  	s18 =	sld [smem:$0x3FDB];
	_ =	sdelay $0x1  }
0x9f: {  	s19 =	simm.s32 $_scs_section_size  }
0xa0: {  	s5 =	simm.s32 $_size__tile_overlayer_lowered;
	s6 =	simm.s32 $_tile_overlayer_lowered  }
0xa1: {  	s22 =	simm.s32 $0x1BFF;
	s21 =	sshll.u32 s6, $0x1;
	s3 =	sadd.s32 s19, s18  }
0xa2: {  	s7 =	simm.s32 $0x0;
	s20 =	sshll.u32 s5, $0x1;
	s5 =	sadd.s32 s21, s3  }
0xa3: {  	[timem:s7], [sflag:s22] =	dma.local [hbm:s5], s20  }
0xa4: {  	_ =	swait.ge [sflag:s22], s20  }
0xa5: {  	s4 =	ssub.s32 $0x0, s20;
	[sflag:s22] =	ssyncset.done $0x0  }
0xa6: {  	[sflag:s22] =	ssyncadd.s32 s4;
	_ =	sdelay $0x1  }
0xa7: {  	s23 =	simm.s32 $0x1B8B  }
0xa8: {  	_ =	swait.ge [sflag:s23], $0x1  }
0xa9: {  	[sflag:s23] =	ssyncset.done $0x0  }
0xaa: {  	s25 =	simm.s32 $0x1B8E;
	s24 =	sld [smem:$0x3FFE];
	[sflag:s23] =	ssyncadd.s32 $0xFFFFFFFF  }
0xab: {  	s26 =	simm.s32 $execute0_lowered;
	[smem:$0x3FD2] =	sst s25  }
0xac: {  	s5 =	sshll.u32 s26, $0x1;
	_ =	strace $0x8000004C;
	[dreg:$0x1] =	wrdreg $0xFFFFFFFF  }
0xad: {  	s28 =	simm.s32 $_size_execute0_lowered;
	s3 =	sadd.s32 s3, s5;
	[dreg:$0x0] =	wrdreg $0x0  }
0xae: {  	s5 =	sshll.u32 s28, $0x1;
	[dreg:$0x2] =	wrdreg s3  }
0xaf: {  	[dreg:$0x3] =	wrdreg s5  }
0xb0: {  	[dreg:$0x4] =	wrdreg $0xC0  }
0xb1: {  	_ =	task [dreg:s7], $0x5FFFF  }
0xb2: {  	[dreg:$0x1] =	wrdreg $0xFFFFFFFF  }
0xb3: {  	[dreg:$0x0] =	wrdreg $0x60  }
0xb4: {  	[dreg:$0x2] =	wrdreg s24  }
0xb5: {  	[dreg:$0x3] =	wrdreg s16  }
0xb6: {  	[dreg:$0x4] =	wrdreg $0xB3B00  }
0xb7: {  	[dreg:$0x5] =	wrdreg $0x9  }
0xb8: {  	_ =	task.clear_ibuf [dreg:s7], $0x6FFFF;
	_ =	strace $0x9000004C  }
0xb9: {  	s29 =	simm.s32 $0x9;
	_ =	strace $0x8000004E  }
0xba: {  	_ =	swait.ge [sflag:s29], $0x1  }
0xbb: {  	[sflag:s29] =	ssyncadd.s32 $0xFFFFFFFF  }
0xbc: {  	_ =	strace $0x9000004E  }
0xbd: {  	_ =	sfence  }
0xbe: {  	s30 =	sld [smem:$0x0];
	_ =	sdelay $0x2  }
0xbf: {  	s31 =	sshll.u32 s1, $0xD;
	s1 =	sshrl.u32 s1, $0x2  }
0xc0: {  	s3 =	sand.u32 $0x4000, s31;
	s1 =	sadd.s32 s1, s30  }
0xc1: {  	s0 =	sor.u32 s3, s0;
	s1 =	sshll.u32 s1, $0x11  }
0xc2: {  	s0 =	sor.u32 s1, s0  }
0xc3: {  	s0 =	sadd.s32 $0x8F2B, s0  }
0xc4: {  	[sflag:s0] =	ssyncadd.remote.s32 $0x1  }
0xc5: {  	_ =	sfence.sel $0xFFFF  }
0xc6: {  	[dreg:$0x0] =	wrdreg $0xFFFFFFFF;
	(pc) =	sbr.abs _section_cstart, $3  }
0xc7: {  	[dreg:$0x1] =	wrdreg $0xFFFFFFFF  }
0xc8: {  	_ =	task.clear_ibuf [dreg:s7], $0x2FFFF;
	_ =	strace $0x9FFFFFFF  }
0xc9: {  	(tm) =	ssettm $0x7FFFFFFF  }
tec
execute0_lowered:
.L_overlay_start_1:
0x0: {  	(tag) =	ssettag $0x1  }
0x1: {  	s0 =	rddreg [dreg:$0x0]  }
0x2: {  	s1 =	rddreg [dreg:$0x1]  }
0x3: {  	s2 =	rddreg [dreg:$0x2]  }
0x4: {  	s3 =	srdreg.scid;
	s4 =	simm.s32 $0x0;
	s18 =	stileid.u32  }
0x5: {  	s28 =	simm.s32 $0xA410;
	s29 =	simm.s32 $0xA7F8;
	s30 =	simm.s32 $0x3  }
0x6: {  	s31 =	simm.s32 $0x3E8;
	s3 =	sand.u32 $0x1, s3;
	s11 =	smul.u32 $0x1388, s18  }
0x7: {  	[smem:$0x7FF] =	sst s4;
	s9 =	sadd.s32 $0x4E000, s0;
	s16 =	smul.u32 $0x4E200, s18  }
0x8: {  	p0 =	sgt.u32 s18, $0x9;
	s5 =	sshll.u32 s3, $0x4;
	s22 =	smul.u32 $0x186A00, s3  }
0x9: {  	_ =	strace $0x8000004D;
	s7 =	ssub.s32 $0x2, s3;
	s26 =	smul.u32 $0x30D40, s3  }
0xa: {  	s3 =	smul.u32 $0x61A80, s3;
	s6 =	sor.u32 s18, s5;
	s5 =	sadd.s32 $0x4A00, s0  }
0xb: {  	s10 =	sshrl.u32 s7, $0x1;
	s19 =	sshrl.u32 s16, $0x2;
	s20 =	sadd.s32 $0x271, s11  }
0xc: {  	s8 =	smul.u32 $0x61A8, s6;
	s6 =	sadd.s32 $0x1D200, s0;
	s7 =	ssub.s32 s7, s10  }
0xd: {  	s14 =	sadd.s32 s9, s26;
	s26 =	smul.u32 $0x61A8, s18;
	s10 =	sadd.s32 $0x753, s11  }
0xe: {  	[dreg:$0x8] =	wrdreg s14;
	s14 =	sadd.s32 $0x358A0, s0;
	s7 =	smax.u32 s7, $0x1  }
0xf: {  	s0 =	sshll.u32 s20, $0x1;
	s21 =	sshrl.u32 s8, $0x3;
	[dreg:$0x9] =	wrdreg s7  }
0x10: {  	s8 =	sadd.s32 $0x3E8, s8;
	[dreg:$0xc] =	wrdreg s0;
	s0 =	sshll.u32 s10, $0x1  }
0x11: {  	s24 =	sadd.s32 s5, s21;
	s8 =	sshrl.u32 s8, $0x3;
	s25 =	sadd.s32 s1, s21  }
0x12: {  	s23 =	sadd.s32 $0xBB8, s21;
	[dreg:$0x10] =	wrdreg s0;
	s12 =	sadd.s32 s5, s8  }
0x13: {  	s21 =	sshll.u32 s20, $0x4;
	s8 =	sadd.s32 s1, s8;
	[dreg:$0x4] =	wrdreg s12  }
0x14: {  	s13 =	sadd.s32 s5, s23;
	s7 =	sadd.s32 s21, s2;
	[dreg:$0x5] =	wrdreg s8  }
0x15: {  	[dreg:$0x6] =	wrdreg s13;
	s12 =	sshrl.u32 s22, $0x3;
	s8 =	sadd.s32 s1, s23  }
0x16: {  	s22 =	sadd.s32 $0x4E2, s11;
	[dreg:$0xb] =	wrdreg s7;
	s13 =	sadd.s32 $0x9C4, s11  }
0x17: {  	[dreg:$0x7] =	wrdreg s8;
	s15 =	sadd.s32 s9, s12;
	s23 =	sshll.u32 s22, $0x4  }
0x18: {  	s12 =	sshll.u32 s10, $0x4;
	s8 =	sshll.u32 s22, $0x1;
	s20 =	sshll.u32 s13, $0x1  }
0x19: {  	s22 =	sadd.s32 $0xEA6, s11;
	s17 =	sadd.s32 $0x186A0, s15;
	[dreg:$0xe] =	wrdreg s8  }
0x1a: {  	s7 =	sadd.s32 s23, s2;
	s15 =	sshll.u32 s13, $0x4;
	[dreg:$0x12] =	wrdreg s20  }
0x1b: {  	s23 =	sshll.u32 s22, $0x4;
	s8 =	sshll.u32 s22, $0x1;
	[dreg:$0xa] =	wrdreg s17  }
0x1c: {  	s17 =	sadd.s32 s19, s2;
	[dreg:$0xd] =	wrdreg s7;
	s7 =	sadd.s32 s26, s3  }
0x1d: {  	s3 =	sadd.s32 s12, s2;
	s16 =	sadd.s32 s15, s2;
	[dreg:$0x16] =	wrdreg s8  }
0x1e: {  	s19 =	sadd.s32 $0xC35, s11;
	s26 =	sadd.s32 $0x1117, s11;
	[dreg:$0xf] =	wrdreg s3  }
0x1f: {  	s8 =	simm.s32 $0x4;
	[dreg:$0x11] =	wrdreg s16;
	s0 =	sshll.u32 s19, $0x1  }
0x20: {  	s21 =	sshll.u32 s19, $0x4;
	s12 =	sadd.s32 $0x7D0, s7;
	[dreg:$0x14] =	wrdreg s0  }
0x21: {  	s9 =	sadd.s32 $0xBB8, s7;
	s13 =	sadd.s32 $0x2710, s17;
	[dreg:$0x19] =	wrdreg s12  }
0x22: {  	s11 =	sshll.u32 s26, $0x4;
	s15 =	sadd.s32 $0x4E20, s17;
	[dreg:$0x1a] =	wrdreg s13  }
0x23: {  	s19 =	sadd.s32 $0x7530, s17;
	s20 =	sadd.s32 $0x9C40, s17;
	[dreg:$0x1b] =	wrdreg s15  }
0x24: {  	s22 =	sadd.s32 $0xEA60, s17;
	s7 =	simm.s32 $0xAFC8;
	[dreg:$0x1c] =	wrdreg s19  }
0x25: {  	s3 =	sadd.s32 s21, s2;
	s0 =	sadd.s32 s23, s2;
	[dreg:$0x1d] =	wrdreg s20  }
0x26: {  	s10 =	sshrl.u32 s9, $0x3;
	s21 =	sadd.s32 $0xC350, s17;
	[dreg:$0x1f] =	wrdreg s22  }
0x27: {  	s23 =	sadd.s32 $0x11170, s17;
	s9 =	simm.s32 $0x6590;
	[dreg:$0x13] =	wrdreg s3  }
0x28: {  	s12 =	simm.s32 $0x2;
	s19 =	simm.s32 $0x0;
	[dreg:$0x15] =	wrdreg s0  }
.Ltmp0:
0x29: {  	s3 =	sadd.s32 s11, s2;
	[dreg:$0x1e] =	wrdreg s21;
	(pc) =	sbr.rel .LBB2_1-.Ltmp0, $4  }
0x2a: {  	s0 =	sshll.u32 s26, $0x1;
	s16 =	sadd.s32 s10, s5;
	[smem:$0x7FC] =	sst s23  }
0x2b: {  	s26 =	smul.u32 $0x2710, s18;
	s11 =	simm.s32 $0x5;
	[dreg:$0x17] =	wrdreg s3  }
0x2c: {  	[dreg:$0x18] =	wrdreg s0;
	s3 =	sadd.s32 s10, s1;
	s0 =	simm.s32 $0x2710  }
0x2d: {  	v0 =	vimm.f32 $0.0e+00;
	s10 =	simm.s32 $0x1;
	[smem:$0x7FD] =	sst s26;
	s26 =	simm.s32 $0xABE0  }
.LBB2_13:
0x2e: {  	s19 =	sadd.s32 $0x1, s19;
	s13 =	rddreg [dreg:$0x9]  }
0x2f: {  	p1 =	sne.s32 s19, s13  }
.Ltmp1:
0x30: {  	_ = 	snop;
	(pc) =	sbr.rel @!p1 .LBB2_14-.Ltmp1, $1  }
0x31: {  	_ =	sdelay $0x3  }
.LBB2_1:
0x32: {  	s20 =	simm.s32 $0x40;
	s21 =	simm.s32 $0x0  }
.LBB2_2:
0x33: {  	p1 =	sne.s32 s20, $0x9C00;
	[tilespmem:s21+$0x0] =	vst v0;
	s21 =	smov.u32 s20;
	s20 =	sadd.s32 $0x40, s20  }
.Ltmp2:
0x34: {  	(pc) =	sbr.rel @p1 .LBB2_2-.Ltmp2, $2  }
0x35: {  	_ =	sdelay $0x2  }
0x36: {  	s21 =	sshra.s32 s21, $0x2  }
0x37: {  	[tilespmem:s21+$0x0] =	vst v0;
	s20 =	simm.s32 @!p0 $0x0;
	s21 =	simm.s32 @!p0 $0x5  }
0x38: {  	[spmem:s17] =	stream.linear.scatter @!p0 [tilespmem:s20], [sflag:$0x5], $0x2710, $0x38;
	[tilespmem:$0x17700] =	vst v63  }
0x39: {  	_ =	swait.ge @!p0 [sflag:s21], $0x2710  }
0x3a: {  	[sflag:s21] =	ssyncset.done @!p0 $0x0  }
0x3b: {  	s13 =	rddreg [dreg:$0x1a];
	[sflag:s21] =	ssyncadd.s32 @!p0 $0xFFFFD8F0  }
0x3c: {  	[spmem:s13] =	stream.linear.scatter @!p0 [tilespmem:s20], [sflag:$0x5], $0x2710, $0x38;
	[tilespmem:$0x17700] =	vst v63  }
0x3d: {  	_ =	swait.ge @!p0 [sflag:s21], $0x2710  }
0x3e: {  	[sflag:s21] =	ssyncset.done @!p0 $0x0  }
0x3f: {  	s13 =	rddreg [dreg:$0x1b];
	[sflag:s21] =	ssyncadd.s32 @!p0 $0xFFFFD8F0  }
0x40: {  	[spmem:s13] =	stream.linear.scatter @!p0 [tilespmem:s20], [sflag:$0x5], $0x2710, $0x38;
	[tilespmem:$0x17700] =	vst v63  }
0x41: {  	_ =	swait.ge @!p0 [sflag:s21], $0x2710  }
0x42: {  	[sflag:s21] =	ssyncset.done @!p0 $0x0  }
0x43: {  	s13 =	rddreg [dreg:$0x1c];
	[sflag:s21] =	ssyncadd.s32 @!p0 $0xFFFFD8F0  }
0x44: {  	[spmem:s13] =	stream.linear.scatter @!p0 [tilespmem:s20], [sflag:$0x5], $0x2710, $0x38;
	[tilespmem:$0x17700] =	vst v63  }
0x45: {  	_ =	swait.ge @!p0 [sflag:s21], $0x2710  }
0x46: {  	[sflag:s21] =	ssyncset.done @!p0 $0x0  }
0x47: {  	s13 =	rddreg [dreg:$0x1d];
	[sflag:s21] =	ssyncadd.s32 @!p0 $0xFFFFD8F0  }
0x48: {  	[spmem:s13] =	stream.linear.scatter @!p0 [tilespmem:s20], [sflag:$0x5], $0x2710, $0x38;
	[tilespmem:$0x17700] =	vst v63  }
0x49: {  	_ =	swait.ge @!p0 [sflag:s21], $0x2710  }
0x4a: {  	[sflag:s21] =	ssyncset.done @!p0 $0x0  }
0x4b: {  	s13 =	rddreg [dreg:$0x1e];
	[sflag:s21] =	ssyncadd.s32 @!p0 $0xFFFFD8F0  }
0x4c: {  	[spmem:s13] =	stream.linear.scatter @!p0 [tilespmem:s20], [sflag:$0x5], $0x2710, $0x38;
	[tilespmem:$0x17700] =	vst v63  }
0x4d: {  	_ =	swait.ge @!p0 [sflag:s21], $0x2710  }
0x4e: {  	[sflag:s21] =	ssyncset.done @!p0 $0x0  }
0x4f: {  	s13 =	rddreg [dreg:$0x1f];
	[sflag:s21] =	ssyncadd.s32 @!p0 $0xFFFFD8F0  }
0x50: {  	[spmem:s13] =	stream.linear.scatter @!p0 [tilespmem:s20], [sflag:$0x5], $0x2710, $0x38;
	[tilespmem:$0x17700] =	vst v63  }
0x51: {  	_ =	swait.ge @!p0 [sflag:s21], $0x2710  }
0x52: {  	s13 =	sld [smem:$0x7FC]  }
0x53: {  	[sflag:s21] =	ssyncset.done @!p0 $0x0  }
0x54: {  	[sflag:s21] =	ssyncadd.s32 @!p0 $0xFFFFD8F0  }
0x55: {  	[spmem:s13] =	stream.linear.scatter @!p0 [tilespmem:s20], [sflag:$0x5], $0x2710, $0x38;
	[tilespmem:$0x17700] =	vst v63  }
0x56: {  	_ =	swait.ge @!p0 [sflag:s21], $0x2710  }
0x57: {  	[sflag:s21] =	ssyncset.done @!p0 $0x0  }
0x58: {  	[sflag:s21] =	ssyncadd.s32 @!p0 $0xFFFFD8F0  }
0x59: {  	s21 =	simm.s32 $0x0;
	[bflag:$0x0] =	sbarrier.arrive $0xFFFF  }
0x5a: {  	[tilespmem:s28], [sflag:$0x3] =	stream.linear.gather [hbm4b:s24+s21], $0x3E8, $0x38;
	[tilespmem:$0x17700] =	vst v63  }
0x5b: {  	_ = 	snop  }
0x5c: {  	[tilespmem:s29], [sflag:$0x3] =	stream.linear.gather [hbm4b:s25+s21], $0x3E8, $0x38;
	[tilespmem:$0x17700] =	vst v63  }
0x5d: {  	_ =	swait.ge [sflag:s30], $0x3E8  }
0x5e: {  	[sflag:s30] =	ssyncset.done $0x0  }
0x5f: {  	[sflag:s30] =	ssyncadd.s32 $0xFFFFFC18  }
0x60: {  	_ =	swait.ge [sflag:s30], $0x3E8  }
0x61: {  	[sflag:s30] =	ssyncset.done $0x0  }
0x62: {  	[sflag:s30] =	ssyncadd.s32 $0xFFFFFC18  }
0x63: {  	[tilespmem:s0], [sflag:$0x1] =	stream.indirect.gather [hbm4b:s6+s31], $0x10, s28, s31, $0xb8;
	[tilespmem:$0x17700] =	vst v63  }
0x64: {  	s18 =	rddreg [dreg:$0x4]  }
0x65: {  	[tilespmem:s26], [sflag:$0x4] =	stream.linear.gather [hbm4b:s18+s21], $0x3E8, $0x38;
	[tilespmem:$0x17700] =	vst v63  }
0x66: {  	s22 =	rddreg [dreg:$0x5]  }
0x67: {  	[tilespmem:s7], [sflag:$0x4] =	stream.linear.gather [hbm4b:s22+s21], $0x3E8, $0x38;
	[tilespmem:$0x17700] =	vst v63  }
0x68: {  	_ =	swait.ge [sflag:s8], $0x3E8  }
0x69: {  	[sflag:s8] =	ssyncset.done $0x0  }
0x6a: {  	[sflag:s8] =	ssyncadd.s32 $0xFFFFFC18  }
0x6b: {  	_ =	swait.ge [sflag:s8], $0x3E8  }
0x6c: {  	[sflag:s8] =	ssyncset.done $0x0  }
0x6d: {  	[sflag:s8] =	ssyncadd.s32 $0xFFFFFC18  }
0x6e: {  	[tilespmem:s9], [sflag:$0x2] =	stream.indirect.gather [hbm4b:s6+s31], $0x10, s26, s31, $0xb8;
	[tilespmem:$0x17700] =	vst v63  }
0x6f: {  	_ =	swait.ge [sflag:s10], $0x3E80  }
0x70: {  	[sflag:s10] =	ssyncset.done $0x0  }
0x71: {  	[sflag:s10] =	ssyncadd.s32 $0xFFFFC180  }
0x72: {  	[spmem:s2] =	stream.indirect.scatter.add.f32 [tilespmem:s0], [sflag:$0x5], $0x10, s29, s31, $0xb8;
	[tilespmem:$0x17700] =	vst v63  }
0x73: {  	_ =	swait.ge [sflag:s11], $0x3E80  }
0x74: {  	s23 =	rddreg [dreg:$0x19]  }
0x75: {  	s13 =	smov.u32 s25;
	[sflag:s11] =	ssyncset.done $0x0;
	s25 =	sshrl.u32 s23, $0x3  }
0x76: {  	[sflag:s11] =	ssyncadd.s32 $0xFFFFC180;
	s20 =	sadd.s32 s5, s25  }
0x77: {  	[tilespmem:s28], [sflag:$0x3] =	stream.linear.gather [hbm4b:s20+s4], $0x3E8, $0x38;
	[tilespmem:$0x17700] =	vst v63  }
0x78: {  	s21 =	sadd.s32 s1, s25  }
0x79: {  	[tilespmem:s29], [sflag:$0x3] =	stream.linear.gather [hbm4b:s21+s4], $0x3E8, $0x38;
	[tilespmem:$0x17700] =	vst v63  }
0x7a: {  	_ =	swait.ge [sflag:s30], $0x3E8  }
0x7b: {  	[sflag:s30] =	ssyncset.done $0x0  }
0x7c: {  	[sflag:s30] =	ssyncadd.s32 $0xFFFFFC18  }
0x7d: {  	_ =	swait.ge [sflag:s30], $0x3E8  }
0x7e: {  	[sflag:s30] =	ssyncset.done $0x0  }
0x7f: {  	[sflag:s30] =	ssyncadd.s32 $0xFFFFFC18  }
0x80: {  	[tilespmem:s0], [sflag:$0x1] =	stream.indirect.gather [hbm4b:s6+s31], $0x10, s28, s31, $0xb8;
	[tilespmem:$0x17700] =	vst v63  }
0x81: {  	_ =	swait.ge [sflag:s12], $0x3E80  }
0x82: {  	[sflag:s12] =	ssyncset.done $0x0  }
0x83: {  	[sflag:s12] =	ssyncadd.s32 $0xFFFFC180  }
0x84: {  	[spmem:s2] =	stream.indirect.scatter.add.f32 [tilespmem:s9], [sflag:$0x5], $0x10, s7, s31, $0xb8;
	[tilespmem:$0x17700] =	vst v63  }
0x85: {  	_ =	swait.ge [sflag:s11], $0x3E80  }
0x86: {  	s15 =	smov.u32 s17;
	[sflag:s11] =	ssyncset.done $0x0  }
0x87: {  	s17 =	smov.u32 s24;
	s22 =	sadd.s32 $0x0, s16;
	[sflag:s11] =	ssyncadd.s32 $0xFFFFC180  }
0x88: {  	[tilespmem:s26], [sflag:$0x4] =	stream.linear.gather [hbm4b:s22+s4], $0x3E8, $0x38;
	[tilespmem:$0x17700] =	vst v63  }
0x89: {  	s24 =	sadd.s32 $0x0, s3;
	s23 =	sadd.s32 $0x7D0, s23;
	s22 =	simm.s32 $0xFA  }
.LBB2_4:
0x8a: {  	[tilespmem:s7], [sflag:$0x4] =	stream.linear.gather [hbm4b:s24+s4], $0x3E8, $0x38;
	[tilespmem:$0x17700] =	vst v63  }
0x8b: {  	s24 =	smov.u32 s22  }
0x8c: {  	p1 =	sne.s32 s22, $0x9C4;
	s22 =	sadd.s32 $0xFA, s22;
	_ =	swait.ge [sflag:s8], $0x3E8  }
0x8d: {  	[sflag:s8] =	ssyncset.done $0x0  }
0x8e: {  	[sflag:s8] =	ssyncadd.s32 $0xFFFFFC18  }
0x8f: {  	_ =	swait.ge [sflag:s8], $0x3E8  }
0x90: {  	[sflag:s8] =	ssyncset.done $0x0  }
0x91: {  	[sflag:s8] =	ssyncadd.s32 $0xFFFFFC18  }
0x92: {  	[tilespmem:s9], [sflag:$0x2] =	stream.indirect.gather [hbm4b:s6+s31], $0x10, s26, s31, $0xb8;
	[tilespmem:$0x17700] =	vst v63  }
0x93: {  	_ =	swait.ge [sflag:s10], $0x3E80  }
0x94: {  	[sflag:s10] =	ssyncset.done $0x0  }
0x95: {  	[sflag:s10] =	ssyncadd.s32 $0xFFFFC180  }
0x96: {  	[spmem:s2] =	stream.indirect.scatter.add.f32 [tilespmem:s0], [sflag:$0x5], $0x10, s29, s31, $0xb8;
	[tilespmem:$0x17700] =	vst v63  }
0x97: {  	_ =	swait.ge [sflag:s11], $0x3E80  }
0x98: {  	s25 =	sshrl.u32 s23, $0x3;
	[sflag:s11] =	ssyncset.done $0x0  }
0x99: {  	s18 =	sadd.s32 s5, s25;
	[sflag:s11] =	ssyncadd.s32 $0xFFFFC180  }
0x9a: {  	[tilespmem:s28], [sflag:$0x3] =	stream.linear.gather [hbm4b:s18+s4], $0x3E8, $0x38;
	[tilespmem:$0x17700] =	vst v63  }
0x9b: {  	s18 =	sadd.s32 s1, s25  }
0x9c: {  	[tilespmem:s29], [sflag:$0x3] =	stream.linear.gather [hbm4b:s18+s4], $0x3E8, $0x38;
	[tilespmem:$0x17700] =	vst v63  }
0x9d: {  	_ =	swait.ge [sflag:s30], $0x3E8  }
0x9e: {  	[sflag:s30] =	ssyncset.done $0x0  }
0x9f: {  	[sflag:s30] =	ssyncadd.s32 $0xFFFFFC18  }
0xa0: {  	_ =	swait.ge [sflag:s30], $0x3E8  }
0xa1: {  	[sflag:s30] =	ssyncset.done $0x0  }
0xa2: {  	[sflag:s30] =	ssyncadd.s32 $0xFFFFFC18  }
0xa3: {  	[tilespmem:s0], [sflag:$0x1] =	stream.indirect.gather [hbm4b:s6+s31], $0x10, s28, s31, $0xb8;
	[tilespmem:$0x17700] =	vst v63  }
0xa4: {  	_ =	swait.ge [sflag:s12], $0x3E80  }
0xa5: {  	[sflag:s12] =	ssyncset.done $0x0  }
0xa6: {  	[sflag:s12] =	ssyncadd.s32 $0xFFFFC180  }
0xa7: {  	[spmem:s2] =	stream.indirect.scatter.add.f32 [tilespmem:s9], [sflag:$0x5], $0x10, s7, s31, $0xb8;
	[tilespmem:$0x17700] =	vst v63  }
.Ltmp3:
0xa8: {  	_ =	swait.ge [sflag:s11], $0x3E80;
	(pc) =	sbr.rel @p1 .LBB2_4-.Ltmp3, $4  }
0xa9: {  	[sflag:s11] =	ssyncset.done $0x0  }
0xaa: {  	s18 =	sadd.s32 s24, s16;
	[sflag:s11] =	ssyncadd.s32 $0xFFFFC180  }
0xab: {  	[tilespmem:s26], [sflag:$0x4] =	stream.linear.gather [hbm4b:s18+s4], $0x3E8, $0x38;
	[tilespmem:$0x17700] =	vst v63  }
0xac: {  	s23 =	sadd.s32 $0x7D0, s23;
	s24 =	sadd.s32 s24, s3  }
0xad: {  	[tilespmem:s7], [sflag:$0x4] =	stream.linear.gather [hbm4b:s24+s4], $0x3E8, $0x38;
	[tilespmem:$0x17700] =	vst v63  }
0xae: {  	_ =	swait.ge [sflag:s8], $0x3E8  }
0xaf: {  	[sflag:s8] =	ssyncset.done $0x0  }
0xb0: {  	[sflag:s8] =	ssyncadd.s32 $0xFFFFFC18  }
0xb1: {  	_ =	swait.ge [sflag:s8], $0x3E8  }
0xb2: {  	[sflag:s8] =	ssyncset.done $0x0  }
0xb3: {  	[sflag:s8] =	ssyncadd.s32 $0xFFFFFC18  }
0xb4: {  	[tilespmem:s9], [sflag:$0x2] =	stream.indirect.gather [hbm4b:s6+s31], $0x10, s26, s31, $0xb8;
	[tilespmem:$0x17700] =	vst v63  }
0xb5: {  	_ =	swait.ge [sflag:s10], $0x3E80  }
0xb6: {  	[sflag:s10] =	ssyncset.done $0x0  }
0xb7: {  	[sflag:s10] =	ssyncadd.s32 $0xFFFFC180  }
0xb8: {  	[spmem:s2] =	stream.indirect.scatter.add.f32 [tilespmem:s0], [sflag:$0x5], $0x10, s29, s31, $0xb8;
	[tilespmem:$0x17700] =	vst v63  }
0xb9: {  	_ =	swait.ge [sflag:s11], $0x3E80  }
0xba: {  	[sflag:s11] =	ssyncset.done $0x0  }
0xbb: {  	s18 =	rddreg [dreg:$0x6];
	[sflag:s11] =	ssyncadd.s32 $0xFFFFC180  }
0xbc: {  	[tilespmem:s28], [sflag:$0x3] =	stream.linear.gather [hbm4b:s18+s4], $0x3E8, $0x38;
	[tilespmem:$0x17700] =	vst v63  }
0xbd: {  	s25 =	rddreg [dreg:$0x7]  }
0xbe: {  	[tilespmem:s29], [sflag:$0x3] =	stream.linear.gather [hbm4b:s25+s4], $0x3E8, $0x38;
	[tilespmem:$0x17700] =	vst v63  }
0xbf: {  	_ =	swait.ge [sflag:s30], $0x3E8  }
0xc0: {  	[sflag:s30] =	ssyncset.done $0x0  }
0xc1: {  	[sflag:s30] =	ssyncadd.s32 $0xFFFFFC18  }
0xc2: {  	_ =	swait.ge [sflag:s30], $0x3E8  }
0xc3: {  	[sflag:s30] =	ssyncset.done $0x0  }
0xc4: {  	[sflag:s30] =	ssyncadd.s32 $0xFFFFFC18  }
0xc5: {  	[tilespmem:s0], [sflag:$0x1] =	stream.indirect.gather [hbm4b:s6+s31], $0x10, s28, s31, $0xb8;
	[tilespmem:$0x17700] =	vst v63  }
0xc6: {  	_ =	swait.ge [sflag:s12], $0x3E80  }
0xc7: {  	[sflag:s12] =	ssyncset.done $0x0  }
0xc8: {  	[sflag:s12] =	ssyncadd.s32 $0xFFFFC180  }
0xc9: {  	[spmem:s2] =	stream.indirect.scatter.add.f32 [tilespmem:s9], [sflag:$0x5], $0x10, s7, s31, $0xb8;
	[tilespmem:$0x17700] =	vst v63  }
0xca: {  	_ =	swait.ge [sflag:s11], $0x3E80  }
0xcb: {  	[sflag:s11] =	ssyncset.done $0x0  }
0xcc: {  	[sflag:s11] =	ssyncadd.s32 $0xFFFFC180  }
0xcd: {  	_ =	swait.ge [sflag:s10], $0x3E80  }
0xce: {  	[sflag:s10] =	ssyncset.done $0x0  }
0xcf: {  	[sflag:s10] =	ssyncadd.s32 $0xFFFFC180  }
0xd0: {  	[spmem:s2] =	stream.indirect.scatter.add.f32 [tilespmem:s0], [sflag:$0x5], $0x10, s29, s31, $0xb8;
	[tilespmem:$0x17700] =	vst v63  }
.Ltmp4:
0xd1: {  	_ =	swait.ge [sflag:s11], $0x3E80;
	(pc) =	sbr.rel @p0 .LBB2_7-.Ltmp4, $3  }
0xd2: {  	[sflag:s11] =	ssyncset.done $0x0  }
0xd3: {  	[sflag:s11] =	ssyncadd.s32 $0xFFFFC180  }
0xd4: {  	[bflag:$0x0] =	sbarrier.arrive $0xFFFF;
	_ =	sdelay $0x1  }
0xd5: {  	[tilespmem:s4], [sflag:$0x5] =	stream.linear.gather [spmem:s15], $0x2710, $0x38;
	[tilespmem:$0x17700] =	vst v63  }
0xd6: {  	_ =	swait.ge [sflag:s11], $0x2710  }
0xd7: {  	s18 =	sld [smem:$0x7FD];
	_ =	sdelay $0x1  }
0xd8: {  	[sflag:s11] =	ssyncset.done $0x0;
	s22 =	rddreg [dreg:$0x8]  }
0xd9: {  	[sflag:s11] =	ssyncadd.s32 $0xFFFFD8F0;
	s18 =	sadd.s32 s18, s22  }
0xda: {  	[hbm4b:s18+s4] =	stream.linear.scatter [tilespmem:s4], [sflag:$0x5], $0x2710, $0x38;
	[tilespmem:$0x17700] =	vst v63  }
0xdb: {  	_ =	swait.ge [sflag:s11], $0x2710  }
0xdc: {  	[sflag:s11] =	ssyncset.done $0x0  }
0xdd: {  	s24 =	rddreg [dreg:$0xb];
	[sflag:s11] =	ssyncadd.s32 $0xFFFFD8F0  }
0xde: {  	[tilespmem:s4], [sflag:$0x5] =	stream.linear.gather [spmem:s24], $0x2710, $0x38;
	[tilespmem:$0x17700] =	vst v63  }
0xdf: {  	_ =	swait.ge [sflag:s11], $0x2710  }
0xe0: {  	[sflag:s11] =	ssyncset.done $0x0;
	s25 =	rddreg [dreg:$0xc]  }
0xe1: {  	[sflag:s11] =	ssyncadd.s32 $0xFFFFD8F0;
	s18 =	sadd.s32 s25, s22  }
0xe2: {  	[hbm4b:s18+s4] =	stream.linear.scatter [tilespmem:s4], [sflag:$0x5], $0x2710, $0x38;
	[tilespmem:$0x17700] =	vst v63  }
0xe3: {  	_ =	swait.ge [sflag:s11], $0x2710  }
0xe4: {  	[sflag:s11] =	ssyncset.done $0x0  }
0xe5: {  	s23 =	rddreg [dreg:$0xd];
	[sflag:s11] =	ssyncadd.s32 $0xFFFFD8F0  }
0xe6: {  	[tilespmem:s4], [sflag:$0x5] =	stream.linear.gather [spmem:s23], $0x2710, $0x38;
	[tilespmem:$0x17700] =	vst v63  }
0xe7: {  	_ =	swait.ge [sflag:s11], $0x2710  }
0xe8: {  	[sflag:s11] =	ssyncset.done $0x0;
	s24 =	rddreg [dreg:$0xe]  }
0xe9: {  	[sflag:s11] =	ssyncadd.s32 $0xFFFFD8F0;
	s18 =	sadd.s32 s24, s22  }
0xea: {  	[hbm4b:s18+s4] =	stream.linear.scatter [tilespmem:s4], [sflag:$0x5], $0x2710, $0x38;
	[tilespmem:$0x17700] =	vst v63  }
0xeb: {  	_ =	swait.ge [sflag:s11], $0x2710  }
0xec: {  	[sflag:s11] =	ssyncset.done $0x0  }
0xed: {  	s25 =	rddreg [dreg:$0xf];
	[sflag:s11] =	ssyncadd.s32 $0xFFFFD8F0  }
0xee: {  	[tilespmem:s4], [sflag:$0x5] =	stream.linear.gather [spmem:s25], $0x2710, $0x38;
	[tilespmem:$0x17700] =	vst v63  }
0xef: {  	_ =	swait.ge [sflag:s11], $0x2710  }
0xf0: {  	[sflag:s11] =	ssyncset.done $0x0;
	s23 =	rddreg [dreg:$0x10]  }
0xf1: {  	[sflag:s11] =	ssyncadd.s32 $0xFFFFD8F0;
	s18 =	sadd.s32 s23, s22  }
0xf2: {  	[hbm4b:s18+s4] =	stream.linear.scatter [tilespmem:s4], [sflag:$0x5], $0x2710, $0x38;
	[tilespmem:$0x17700] =	vst v63  }
0xf3: {  	_ =	swait.ge [sflag:s11], $0x2710  }
0xf4: {  	[sflag:s11] =	ssyncset.done $0x0  }
0xf5: {  	s24 =	rddreg [dreg:$0x11];
	[sflag:s11] =	ssyncadd.s32 $0xFFFFD8F0  }
0xf6: {  	[tilespmem:s4], [sflag:$0x5] =	stream.linear.gather [spmem:s24], $0x2710, $0x38;
	[tilespmem:$0x17700] =	vst v63  }
0xf7: {  	_ =	swait.ge [sflag:s11], $0x2710  }
0xf8: {  	[sflag:s11] =	ssyncset.done $0x0;
	s25 =	rddreg [dreg:$0x12]  }
0xf9: {  	[sflag:s11] =	ssyncadd.s32 $0xFFFFD8F0;
	s18 =	sadd.s32 s25, s22  }
0xfa: {  	[hbm4b:s18+s4] =	stream.linear.scatter [tilespmem:s4], [sflag:$0x5], $0x2710, $0x38;
	[tilespmem:$0x17700] =	vst v63  }
0xfb: {  	_ =	swait.ge [sflag:s11], $0x2710  }
0xfc: {  	[sflag:s11] =	ssyncset.done $0x0  }
0xfd: {  	s23 =	rddreg [dreg:$0x13];
	[sflag:s11] =	ssyncadd.s32 $0xFFFFD8F0  }
0xfe: {  	[tilespmem:s4], [sflag:$0x5] =	stream.linear.gather [spmem:s23], $0x2710, $0x38;
	[tilespmem:$0x17700] =	vst v63  }
0xff: {  	_ =	swait.ge [sflag:s11], $0x2710  }
0x100: {  	[sflag:s11] =	ssyncset.done $0x0;
	s24 =	rddreg [dreg:$0x14]  }
0x101: {  	[sflag:s11] =	ssyncadd.s32 $0xFFFFD8F0;
	s18 =	sadd.s32 s24, s22  }
0x102: {  	[hbm4b:s18+s4] =	stream.linear.scatter [tilespmem:s4], [sflag:$0x5], $0x2710, $0x38;
	[tilespmem:$0x17700] =	vst v63  }
0x103: {  	_ =	swait.ge [sflag:s11], $0x2710  }
0x104: {  	[sflag:s11] =	ssyncset.done $0x0  }
0x105: {  	s25 =	rddreg [dreg:$0x15];
	[sflag:s11] =	ssyncadd.s32 $0xFFFFD8F0  }
0x106: {  	[tilespmem:s4], [sflag:$0x5] =	stream.linear.gather [spmem:s25], $0x2710, $0x38;
	[tilespmem:$0x17700] =	vst v63  }
0x107: {  	_ =	swait.ge [sflag:s11], $0x2710  }
0x108: {  	[sflag:s11] =	ssyncset.done $0x0;
	s23 =	rddreg [dreg:$0x16]  }
0x109: {  	[sflag:s11] =	ssyncadd.s32 $0xFFFFD8F0;
	s18 =	sadd.s32 s23, s22  }
0x10a: {  	[hbm4b:s18+s4] =	stream.linear.scatter [tilespmem:s4], [sflag:$0x5], $0x2710, $0x38;
	[tilespmem:$0x17700] =	vst v63  }
0x10b: {  	_ =	swait.ge [sflag:s11], $0x2710  }
0x10c: {  	[sflag:s11] =	ssyncset.done $0x0  }
0x10d: {  	s24 =	rddreg [dreg:$0x17];
	[sflag:s11] =	ssyncadd.s32 $0xFFFFD8F0  }
0x10e: {  	[tilespmem:s4], [sflag:$0x5] =	stream.linear.gather [spmem:s24], $0x2710, $0x38;
	[tilespmem:$0x17700] =	vst v63  }
0x10f: {  	_ =	swait.ge [sflag:s11], $0x2710  }
0x110: {  	[sflag:s11] =	ssyncset.done $0x0;
	s25 =	rddreg [dreg:$0x18]  }
0x111: {  	[sflag:s11] =	ssyncadd.s32 $0xFFFFD8F0;
	s18 =	sadd.s32 s25, s22  }
0x112: {  	[hbm4b:s18+s4] =	stream.linear.scatter [tilespmem:s4], [sflag:$0x5], $0x2710, $0x38;
	[tilespmem:$0x17700] =	vst v63  }
0x113: {  	_ =	swait.ge [sflag:s11], $0x2710  }
0x114: {  	[sflag:s11] =	ssyncset.done $0x0  }
0x115: {  	[sflag:s11] =	ssyncadd.s32 $0xFFFFD8F0  }
.LBB2_7:
0x116: {  	s22 =	simm.s32 $0x40  }
0x117: {  	s23 =	simm.s32 $0x0;
	s24 =	smov.u32 s17;
	s25 =	smov.u32 s13  }
.LBB2_8:
0x118: {  	p1 =	sne.s32 s22, $0x9C00;
	[tilespmem:s23+$0x0] =	vst v0;
	s18 =	smov.u32 s22;
	s22 =	sadd.s32 $0x40, s22  }
.Ltmp5:
0x119: {  	(pc) =	sbr.rel @p1 .LBB2_8-.Ltmp5, $2  }
0x11a: {  	_ =	sdelay $0x2  }
0x11b: {  	s23 =	sshra.s32 s18, $0x2  }
0x11c: {  	[tilespmem:s23+$0x0] =	vst v0;
	s18 =	simm.s32 @!p0 $0x0;
	s22 =	simm.s32 @!p0 $0x5  }
0x11d: {  	[spmem:s15] =	stream.linear.scatter @!p0 [tilespmem:s18], [sflag:$0x5], $0x2710, $0x38;
	[tilespmem:$0x17700] =	vst v63  }
0x11e: {  	_ =	swait.ge @!p0 [sflag:s22], $0x2710  }
0x11f: {  	[sflag:s22] =	ssyncset.done @!p0 $0x0  }
0x120: {  	s13 =	rddreg [dreg:$0x1a];
	[sflag:s22] =	ssyncadd.s32 @!p0 $0xFFFFD8F0  }
0x121: {  	[spmem:s13] =	stream.linear.scatter @!p0 [tilespmem:s18], [sflag:$0x5], $0x2710, $0x38;
	[tilespmem:$0x17700] =	vst v63  }
0x122: {  	_ =	swait.ge @!p0 [sflag:s22], $0x2710  }
0x123: {  	[sflag:s22] =	ssyncset.done @!p0 $0x0  }
0x124: {  	s13 =	rddreg [dreg:$0x1b];
	[sflag:s22] =	ssyncadd.s32 @!p0 $0xFFFFD8F0  }
0x125: {  	[spmem:s13] =	stream.linear.scatter @!p0 [tilespmem:s18], [sflag:$0x5], $0x2710, $0x38;
	[tilespmem:$0x17700] =	vst v63  }
0x126: {  	_ =	swait.ge @!p0 [sflag:s22], $0x2710  }
0x127: {  	[sflag:s22] =	ssyncset.done @!p0 $0x0  }
0x128: {  	s13 =	rddreg [dreg:$0x1c];
	[sflag:s22] =	ssyncadd.s32 @!p0 $0xFFFFD8F0  }
0x129: {  	[spmem:s13] =	stream.linear.scatter @!p0 [tilespmem:s18], [sflag:$0x5], $0x2710, $0x38;
	[tilespmem:$0x17700] =	vst v63  }
0x12a: {  	_ =	swait.ge @!p0 [sflag:s22], $0x2710  }
0x12b: {  	[sflag:s22] =	ssyncset.done @!p0 $0x0  }
0x12c: {  	s13 =	rddreg [dreg:$0x1d];
	[sflag:s22] =	ssyncadd.s32 @!p0 $0xFFFFD8F0  }
0x12d: {  	[spmem:s13] =	stream.linear.scatter @!p0 [tilespmem:s18], [sflag:$0x5], $0x2710, $0x38;
	[tilespmem:$0x17700] =	vst v63  }
0x12e: {  	_ =	swait.ge @!p0 [sflag:s22], $0x2710  }
0x12f: {  	[sflag:s22] =	ssyncset.done @!p0 $0x0  }
0x130: {  	s13 =	rddreg [dreg:$0x1e];
	[sflag:s22] =	ssyncadd.s32 @!p0 $0xFFFFD8F0  }
0x131: {  	[spmem:s13] =	stream.linear.scatter @!p0 [tilespmem:s18], [sflag:$0x5], $0x2710, $0x38;
	[tilespmem:$0x17700] =	vst v63  }
0x132: {  	_ =	swait.ge @!p0 [sflag:s22], $0x2710  }
0x133: {  	[sflag:s22] =	ssyncset.done @!p0 $0x0  }
0x134: {  	s13 =	rddreg [dreg:$0x1f];
	[sflag:s22] =	ssyncadd.s32 @!p0 $0xFFFFD8F0  }
0x135: {  	[spmem:s13] =	stream.linear.scatter @!p0 [tilespmem:s18], [sflag:$0x5], $0x2710, $0x38;
	[tilespmem:$0x17700] =	vst v63  }
0x136: {  	_ =	swait.ge @!p0 [sflag:s22], $0x2710  }
0x137: {  	s13 =	sld [smem:$0x7FC]  }
0x138: {  	[sflag:s22] =	ssyncset.done @!p0 $0x0  }
0x139: {  	[sflag:s22] =	ssyncadd.s32 @!p0 $0xFFFFD8F0  }
0x13a: {  	[spmem:s13] =	stream.linear.scatter @!p0 [tilespmem:s18], [sflag:$0x5], $0x2710, $0x38;
	[tilespmem:$0x17700] =	vst v63  }
0x13b: {  	_ =	swait.ge @!p0 [sflag:s22], $0x2710  }
0x13c: {  	[sflag:s22] =	ssyncset.done @!p0 $0x0  }
0x13d: {  	[sflag:s22] =	ssyncadd.s32 @!p0 $0xFFFFD8F0  }
0x13e: {  	s22 =	simm.s32 $0x0;
	[bflag:$0x0] =	sbarrier.arrive $0xFFFF  }
0x13f: {  	[tilespmem:s28], [sflag:$0x3] =	stream.linear.gather [hbm4b:s24+s22], $0x3E8, $0x38;
	[tilespmem:$0x17700] =	vst v63  }
0x140: {  	_ = 	snop  }
0x141: {  	[tilespmem:s29], [sflag:$0x3] =	stream.linear.gather [hbm4b:s25+s22], $0x3E8, $0x38;
	[tilespmem:$0x17700] =	vst v63  }
0x142: {  	_ =	swait.ge [sflag:s30], $0x3E8  }
0x143: {  	[sflag:s30] =	ssyncset.done $0x0  }
0x144: {  	[sflag:s30] =	ssyncadd.s32 $0xFFFFFC18  }
0x145: {  	_ =	swait.ge [sflag:s30], $0x3E8  }
0x146: {  	[sflag:s30] =	ssyncset.done $0x0  }
0x147: {  	[sflag:s30] =	ssyncadd.s32 $0xFFFFFC18  }
0x148: {  	[tilespmem:s0], [sflag:$0x1] =	stream.indirect.gather [hbm4b:s14+s31], $0x10, s28, s31, $0xb8;
	[tilespmem:$0x17700] =	vst v63  }
0x149: {  	s23 =	rddreg [dreg:$0x4]  }
0x14a: {  	[tilespmem:s26], [sflag:$0x4] =	stream.linear.gather [hbm4b:s23+s22], $0x3E8, $0x38;
	[tilespmem:$0x17700] =	vst v63  }
0x14b: {  	s17 =	smov.u32 s15;
	s15 =	rddreg [dreg:$0x5]  }
0x14c: {  	[tilespmem:s7], [sflag:$0x4] =	stream.linear.gather [hbm4b:s15+s22], $0x3E8, $0x38;
	[tilespmem:$0x17700] =	vst v63  }
0x14d: {  	_ =	swait.ge [sflag:s8], $0x3E8  }
0x14e: {  	[sflag:s8] =	ssyncset.done $0x0  }
0x14f: {  	[sflag:s8] =	ssyncadd.s32 $0xFFFFFC18  }
0x150: {  	_ =	swait.ge [sflag:s8], $0x3E8  }
0x151: {  	[sflag:s8] =	ssyncset.done $0x0  }
0x152: {  	[sflag:s8] =	ssyncadd.s32 $0xFFFFFC18  }
0x153: {  	[tilespmem:s9], [sflag:$0x2] =	stream.indirect.gather [hbm4b:s14+s31], $0x10, s26, s31, $0xb8;
	[tilespmem:$0x17700] =	vst v63  }
0x154: {  	_ =	swait.ge [sflag:s10], $0x3E80  }
0x155: {  	[sflag:s10] =	ssyncset.done $0x0  }
0x156: {  	[sflag:s10] =	ssyncadd.s32 $0xFFFFC180  }
0x157: {  	[spmem:s2] =	stream.indirect.scatter.add.f32 [tilespmem:s0], [sflag:$0x5], $0x10, s29, s31, $0xb8;
	[tilespmem:$0x17700] =	vst v63  }
0x158: {  	_ =	swait.ge [sflag:s11], $0x3E80  }
0x159: {  	[sflag:s11] =	ssyncset.done $0x0  }
0x15a: {  	[sflag:s11] =	ssyncadd.s32 $0xFFFFC180  }
0x15b: {  	[tilespmem:s28], [sflag:$0x3] =	stream.linear.gather [hbm4b:s20+s4], $0x3E8, $0x38;
	[tilespmem:$0x17700] =	vst v63  }
0x15c: {  	_ = 	snop  }
0x15d: {  	[tilespmem:s29], [sflag:$0x3] =	stream.linear.gather [hbm4b:s21+s4], $0x3E8, $0x38;
	[tilespmem:$0x17700] =	vst v63  }
0x15e: {  	_ =	swait.ge [sflag:s30], $0x3E8  }
0x15f: {  	[sflag:s30] =	ssyncset.done $0x0  }
0x160: {  	[sflag:s30] =	ssyncadd.s32 $0xFFFFFC18  }
0x161: {  	_ =	swait.ge [sflag:s30], $0x3E8  }
0x162: {  	[sflag:s30] =	ssyncset.done $0x0  }
0x163: {  	[sflag:s30] =	ssyncadd.s32 $0xFFFFFC18  }
0x164: {  	[tilespmem:s0], [sflag:$0x1] =	stream.indirect.gather [hbm4b:s14+s31], $0x10, s28, s31, $0xb8;
	[tilespmem:$0x17700] =	vst v63  }
0x165: {  	_ =	swait.ge [sflag:s12], $0x3E80  }
0x166: {  	[sflag:s12] =	ssyncset.done $0x0  }
0x167: {  	[sflag:s12] =	ssyncadd.s32 $0xFFFFC180  }
0x168: {  	[spmem:s2] =	stream.indirect.scatter.add.f32 [tilespmem:s9], [sflag:$0x5], $0x10, s7, s31, $0xb8;
	[tilespmem:$0x17700] =	vst v63  }
0x169: {  	_ =	swait.ge [sflag:s11], $0x3E80  }
0x16a: {  	[sflag:s11] =	ssyncset.done $0x0  }
0x16b: {  	s22 =	sadd.s32 $0x0, s16;
	s23 =	rddreg [dreg:$0x19];
	[sflag:s11] =	ssyncadd.s32 $0xFFFFC180  }
0x16c: {  	[tilespmem:s26], [sflag:$0x4] =	stream.linear.gather [hbm4b:s22+s4], $0x3E8, $0x38;
	[tilespmem:$0x17700] =	vst v63  }
0x16d: {  	s20 =	simm.s32 $0xFA;
	s21 =	sadd.s32 $0x7D0, s23;
	s22 =	sadd.s32 $0x0, s3  }
.LBB2_10:
0x16e: {  	[tilespmem:s7], [sflag:$0x4] =	stream.linear.gather [hbm4b:s22+s4], $0x3E8, $0x38;
	[tilespmem:$0x17700] =	vst v63  }
0x16f: {  	s22 =	smov.u32 s20  }
0x170: {  	p1 =	sne.s32 s20, $0x9C4;
	s20 =	sadd.s32 $0xFA, s20;
	_ =	swait.ge [sflag:s8], $0x3E8  }
0x171: {  	[sflag:s8] =	ssyncset.done $0x0  }
0x172: {  	[sflag:s8] =	ssyncadd.s32 $0xFFFFFC18  }
0x173: {  	_ =	swait.ge [sflag:s8], $0x3E8  }
0x174: {  	[sflag:s8] =	ssyncset.done $0x0  }
0x175: {  	[sflag:s8] =	ssyncadd.s32 $0xFFFFFC18  }
0x176: {  	[tilespmem:s9], [sflag:$0x2] =	stream.indirect.gather [hbm4b:s14+s31], $0x10, s26, s31, $0xb8;
	[tilespmem:$0x17700] =	vst v63  }
0x177: {  	_ =	swait.ge [sflag:s10], $0x3E80  }
0x178: {  	[sflag:s10] =	ssyncset.done $0x0  }
0x179: {  	[sflag:s10] =	ssyncadd.s32 $0xFFFFC180  }
0x17a: {  	[spmem:s2] =	stream.indirect.scatter.add.f32 [tilespmem:s0], [sflag:$0x5], $0x10, s29, s31, $0xb8;
	[tilespmem:$0x17700] =	vst v63  }
0x17b: {  	_ =	swait.ge [sflag:s11], $0x3E80  }
0x17c: {  	s18 =	sshrl.u32 s21, $0x3;
	[sflag:s11] =	ssyncset.done $0x0  }
0x17d: {  	s23 =	sadd.s32 s5, s18;
	[sflag:s11] =	ssyncadd.s32 $0xFFFFC180  }
0x17e: {  	[tilespmem:s28], [sflag:$0x3] =	stream.linear.gather [hbm4b:s23+s4], $0x3E8, $0x38;
	[tilespmem:$0x17700] =	vst v63  }
0x17f: {  	s18 =	sadd.s32 s1, s18  }
0x180: {  	[tilespmem:s29], [sflag:$0x3] =	stream.linear.gather [hbm4b:s18+s4], $0x3E8, $0x38;
	[tilespmem:$0x17700] =	vst v63  }
0x181: {  	_ =	swait.ge [sflag:s30], $0x3E8  }
0x182: {  	[sflag:s30] =	ssyncset.done $0x0  }
0x183: {  	[sflag:s30] =	ssyncadd.s32 $0xFFFFFC18  }
0x184: {  	_ =	swait.ge [sflag:s30], $0x3E8  }
0x185: {  	[sflag:s30] =	ssyncset.done $0x0  }
0x186: {  	[sflag:s30] =	ssyncadd.s32 $0xFFFFFC18  }
0x187: {  	[tilespmem:s0], [sflag:$0x1] =	stream.indirect.gather [hbm4b:s14+s31], $0x10, s28, s31, $0xb8;
	[tilespmem:$0x17700] =	vst v63  }
0x188: {  	_ =	swait.ge [sflag:s12], $0x3E80  }
0x189: {  	[sflag:s12] =	ssyncset.done $0x0  }
0x18a: {  	[sflag:s12] =	ssyncadd.s32 $0xFFFFC180  }
0x18b: {  	[spmem:s2] =	stream.indirect.scatter.add.f32 [tilespmem:s9], [sflag:$0x5], $0x10, s7, s31, $0xb8;
	[tilespmem:$0x17700] =	vst v63  }
.Ltmp6:
0x18c: {  	_ =	swait.ge [sflag:s11], $0x3E80;
	(pc) =	sbr.rel @p1 .LBB2_10-.Ltmp6, $4  }
0x18d: {  	[sflag:s11] =	ssyncset.done $0x0  }
0x18e: {  	s18 =	sadd.s32 s22, s16;
	[sflag:s11] =	ssyncadd.s32 $0xFFFFC180  }
0x18f: {  	[tilespmem:s26], [sflag:$0x4] =	stream.linear.gather [hbm4b:s18+s4], $0x3E8, $0x38;
	[tilespmem:$0x17700] =	vst v63  }
0x190: {  	s21 =	sadd.s32 $0x7D0, s21;
	s22 =	sadd.s32 s22, s3  }
0x191: {  	[tilespmem:s7], [sflag:$0x4] =	stream.linear.gather [hbm4b:s22+s4], $0x3E8, $0x38;
	[tilespmem:$0x17700] =	vst v63  }
0x192: {  	_ =	swait.ge [sflag:s8], $0x3E8  }
0x193: {  	[sflag:s8] =	ssyncset.done $0x0  }
0x194: {  	[sflag:s8] =	ssyncadd.s32 $0xFFFFFC18  }
0x195: {  	_ =	swait.ge [sflag:s8], $0x3E8  }
0x196: {  	[sflag:s8] =	ssyncset.done $0x0  }
0x197: {  	[sflag:s8] =	ssyncadd.s32 $0xFFFFFC18  }
0x198: {  	[tilespmem:s9], [sflag:$0x2] =	stream.indirect.gather [hbm4b:s14+s31], $0x10, s26, s31, $0xb8;
	[tilespmem:$0x17700] =	vst v63  }
0x199: {  	_ =	swait.ge [sflag:s10], $0x3E80  }
0x19a: {  	[sflag:s10] =	ssyncset.done $0x0  }
0x19b: {  	[sflag:s10] =	ssyncadd.s32 $0xFFFFC180  }
0x19c: {  	[spmem:s2] =	stream.indirect.scatter.add.f32 [tilespmem:s0], [sflag:$0x5], $0x10, s29, s31, $0xb8;
	[tilespmem:$0x17700] =	vst v63  }
0x19d: {  	_ =	swait.ge [sflag:s11], $0x3E80  }
0x19e: {  	[sflag:s11] =	ssyncset.done $0x0  }
0x19f: {  	s13 =	rddreg [dreg:$0x6];
	[sflag:s11] =	ssyncadd.s32 $0xFFFFC180  }
0x1a0: {  	[tilespmem:s28], [sflag:$0x3] =	stream.linear.gather [hbm4b:s13+s4], $0x3E8, $0x38;
	[tilespmem:$0x17700] =	vst v63  }
0x1a1: {  	s23 =	rddreg [dreg:$0x7]  }
0x1a2: {  	[tilespmem:s29], [sflag:$0x3] =	stream.linear.gather [hbm4b:s23+s4], $0x3E8, $0x38;
	[tilespmem:$0x17700] =	vst v63  }
0x1a3: {  	_ =	swait.ge [sflag:s30], $0x3E8  }
0x1a4: {  	[sflag:s30] =	ssyncset.done $0x0  }
0x1a5: {  	[sflag:s30] =	ssyncadd.s32 $0xFFFFFC18  }
0x1a6: {  	_ =	swait.ge [sflag:s30], $0x3E8  }
0x1a7: {  	[sflag:s30] =	ssyncset.done $0x0  }
0x1a8: {  	[sflag:s30] =	ssyncadd.s32 $0xFFFFFC18  }
0x1a9: {  	[tilespmem:s0], [sflag:$0x1] =	stream.indirect.gather [hbm4b:s14+s31], $0x10, s28, s31, $0xb8;
	[tilespmem:$0x17700] =	vst v63  }
0x1aa: {  	_ =	swait.ge [sflag:s12], $0x3E80  }
0x1ab: {  	[sflag:s12] =	ssyncset.done $0x0  }
0x1ac: {  	[sflag:s12] =	ssyncadd.s32 $0xFFFFC180  }
0x1ad: {  	[spmem:s2] =	stream.indirect.scatter.add.f32 [tilespmem:s9], [sflag:$0x5], $0x10, s7, s31, $0xb8;
	[tilespmem:$0x17700] =	vst v63  }
0x1ae: {  	_ =	swait.ge [sflag:s11], $0x3E80  }
0x1af: {  	[sflag:s11] =	ssyncset.done $0x0  }
0x1b0: {  	[sflag:s11] =	ssyncadd.s32 $0xFFFFC180  }
0x1b1: {  	_ =	swait.ge [sflag:s10], $0x3E80  }
0x1b2: {  	[sflag:s10] =	ssyncset.done $0x0  }
0x1b3: {  	[sflag:s10] =	ssyncadd.s32 $0xFFFFC180  }
0x1b4: {  	[spmem:s2] =	stream.indirect.scatter.add.f32 [tilespmem:s0], [sflag:$0x5], $0x10, s29, s31, $0xb8;
	[tilespmem:$0x17700] =	vst v63  }
.Ltmp7:
0x1b5: {  	_ =	swait.ge [sflag:s11], $0x3E80;
	(pc) =	sbr.rel @p0 .LBB2_13-.Ltmp7, $3  }
0x1b6: {  	[sflag:s11] =	ssyncset.done $0x0  }
0x1b7: {  	[sflag:s11] =	ssyncadd.s32 $0xFFFFC180  }
0x1b8: {  	[bflag:$0x0] =	sbarrier.arrive $0xFFFF;
	_ =	sdelay $0x1  }
0x1b9: {  	[tilespmem:s4], [sflag:$0x5] =	stream.linear.gather [spmem:s17], $0x2710, $0x38;
	[tilespmem:$0x17700] =	vst v63  }
0x1ba: {  	_ =	swait.ge [sflag:s11], $0x2710  }
0x1bb: {  	s15 =	sld [smem:$0x7FD];
	_ =	sdelay $0x1  }
0x1bc: {  	[sflag:s11] =	ssyncset.done $0x0;
	s13 =	rddreg [dreg:$0xa]  }
0x1bd: {  	[sflag:s11] =	ssyncadd.s32 $0xFFFFD8F0;
	s18 =	sadd.s32 s15, s13  }
0x1be: {  	[hbm4b:s18+s4] =	stream.linear.scatter [tilespmem:s4], [sflag:$0x5], $0x2710, $0x38;
	[tilespmem:$0x17700] =	vst v63  }
0x1bf: {  	_ =	swait.ge [sflag:s11], $0x2710  }
0x1c0: {  	[sflag:s11] =	ssyncset.done $0x0  }
0x1c1: {  	s18 =	rddreg [dreg:$0xb];
	[sflag:s11] =	ssyncadd.s32 $0xFFFFD8F0  }
0x1c2: {  	[tilespmem:s4], [sflag:$0x5] =	stream.linear.gather [spmem:s18], $0x2710, $0x38;
	[tilespmem:$0x17700] =	vst v63  }
0x1c3: {  	_ =	swait.ge [sflag:s11], $0x2710  }
0x1c4: {  	[sflag:s11] =	ssyncset.done $0x0;
	s20 =	rddreg [dreg:$0xc]  }
0x1c5: {  	[sflag:s11] =	ssyncadd.s32 $0xFFFFD8F0;
	s21 =	sadd.s32 s20, s13  }
0x1c6: {  	[hbm4b:s21+s4] =	stream.linear.scatter [tilespmem:s4], [sflag:$0x5], $0x2710, $0x38;
	[tilespmem:$0x17700] =	vst v63  }
0x1c7: {  	_ =	swait.ge [sflag:s11], $0x2710  }
0x1c8: {  	[sflag:s11] =	ssyncset.done $0x0  }
0x1c9: {  	s22 =	rddreg [dreg:$0xd];
	[sflag:s11] =	ssyncadd.s32 $0xFFFFD8F0  }
0x1ca: {  	[tilespmem:s4], [sflag:$0x5] =	stream.linear.gather [spmem:s22], $0x2710, $0x38;
	[tilespmem:$0x17700] =	vst v63  }
0x1cb: {  	_ =	swait.ge [sflag:s11], $0x2710  }
0x1cc: {  	[sflag:s11] =	ssyncset.done $0x0;
	s23 =	rddreg [dreg:$0xe]  }
0x1cd: {  	[sflag:s11] =	ssyncadd.s32 $0xFFFFD8F0;
	s15 =	sadd.s32 s23, s13  }
0x1ce: {  	[hbm4b:s15+s4] =	stream.linear.scatter [tilespmem:s4], [sflag:$0x5], $0x2710, $0x38;
	[tilespmem:$0x17700] =	vst v63  }
0x1cf: {  	_ =	swait.ge [sflag:s11], $0x2710  }
0x1d0: {  	[sflag:s11] =	ssyncset.done $0x0  }
0x1d1: {  	s18 =	rddreg [dreg:$0xf];
	[sflag:s11] =	ssyncadd.s32 $0xFFFFD8F0  }
0x1d2: {  	[tilespmem:s4], [sflag:$0x5] =	stream.linear.gather [spmem:s18], $0x2710, $0x38;
	[tilespmem:$0x17700] =	vst v63  }
0x1d3: {  	_ =	swait.ge [sflag:s11], $0x2710  }
0x1d4: {  	[sflag:s11] =	ssyncset.done $0x0;
	s20 =	rddreg [dreg:$0x10]  }
0x1d5: {  	[sflag:s11] =	ssyncadd.s32 $0xFFFFD8F0;
	s21 =	sadd.s32 s20, s13  }
0x1d6: {  	[hbm4b:s21+s4] =	stream.linear.scatter [tilespmem:s4], [sflag:$0x5], $0x2710, $0x38;
	[tilespmem:$0x17700] =	vst v63  }
0x1d7: {  	_ =	swait.ge [sflag:s11], $0x2710  }
0x1d8: {  	[sflag:s11] =	ssyncset.done $0x0  }
0x1d9: {  	s22 =	rddreg [dreg:$0x11];
	[sflag:s11] =	ssyncadd.s32 $0xFFFFD8F0  }
0x1da: {  	[tilespmem:s4], [sflag:$0x5] =	stream.linear.gather [spmem:s22], $0x2710, $0x38;
	[tilespmem:$0x17700] =	vst v63  }
0x1db: {  	_ =	swait.ge [sflag:s11], $0x2710  }
0x1dc: {  	[sflag:s11] =	ssyncset.done $0x0;
	s23 =	rddreg [dreg:$0x12]  }
0x1dd: {  	[sflag:s11] =	ssyncadd.s32 $0xFFFFD8F0;
	s15 =	sadd.s32 s23, s13  }
0x1de: {  	[hbm4b:s15+s4] =	stream.linear.scatter [tilespmem:s4], [sflag:$0x5], $0x2710, $0x38;
	[tilespmem:$0x17700] =	vst v63  }
0x1df: {  	_ =	swait.ge [sflag:s11], $0x2710  }
0x1e0: {  	[sflag:s11] =	ssyncset.done $0x0  }
0x1e1: {  	s20 =	rddreg [dreg:$0x13];
	[sflag:s11] =	ssyncadd.s32 $0xFFFFD8F0  }
0x1e2: {  	[tilespmem:s4], [sflag:$0x5] =	stream.linear.gather [spmem:s20], $0x2710, $0x38;
	[tilespmem:$0x17700] =	vst v63  }
0x1e3: {  	_ =	swait.ge [sflag:s11], $0x2710  }
0x1e4: {  	[sflag:s11] =	ssyncset.done $0x0;
	s21 =	rddreg [dreg:$0x14]  }
0x1e5: {  	[sflag:s11] =	ssyncadd.s32 $0xFFFFD8F0;
	s22 =	sadd.s32 s21, s13  }
0x1e6: {  	[hbm4b:s22+s4] =	stream.linear.scatter [tilespmem:s4], [sflag:$0x5], $0x2710, $0x38;
	[tilespmem:$0x17700] =	vst v63  }
0x1e7: {  	_ =	swait.ge [sflag:s11], $0x2710  }
0x1e8: {  	[sflag:s11] =	ssyncset.done $0x0  }
0x1e9: {  	s23 =	rddreg [dreg:$0x15];
	[sflag:s11] =	ssyncadd.s32 $0xFFFFD8F0  }
0x1ea: {  	[tilespmem:s4], [sflag:$0x5] =	stream.linear.gather [spmem:s23], $0x2710, $0x38;
	[tilespmem:$0x17700] =	vst v63  }
0x1eb: {  	_ =	swait.ge [sflag:s11], $0x2710  }
0x1ec: {  	[sflag:s11] =	ssyncset.done $0x0;
	s18 =	rddreg [dreg:$0x16]  }
0x1ed: {  	[sflag:s11] =	ssyncadd.s32 $0xFFFFD8F0;
	s20 =	sadd.s32 s18, s13  }
0x1ee: {  	[hbm4b:s20+s4] =	stream.linear.scatter [tilespmem:s4], [sflag:$0x5], $0x2710, $0x38;
	[tilespmem:$0x17700] =	vst v63  }
0x1ef: {  	_ =	swait.ge [sflag:s11], $0x2710  }
0x1f0: {  	[sflag:s11] =	ssyncset.done $0x0  }
0x1f1: {  	s21 =	rddreg [dreg:$0x17];
	[sflag:s11] =	ssyncadd.s32 $0xFFFFD8F0  }
0x1f2: {  	[tilespmem:s4], [sflag:$0x5] =	stream.linear.gather [spmem:s21], $0x2710, $0x38;
	[tilespmem:$0x17700] =	vst v63  }
0x1f3: {  	_ =	swait.ge [sflag:s11], $0x2710  }
0x1f4: {  	[sflag:s11] =	ssyncset.done $0x0;
	s22 =	rddreg [dreg:$0x18]  }
.Ltmp8:
0x1f5: {  	[sflag:s11] =	ssyncadd.s32 $0xFFFFD8F0;
	s23 =	sadd.s32 s22, s13;
	(pc) =	sbr.rel .LBB2_13-.Ltmp8, $4  }
0x1f6: {  	[hbm4b:s23+s4] =	stream.linear.scatter [tilespmem:s4], [sflag:$0x5], $0x2710, $0x38;
	[tilespmem:$0x17700] =	vst v63  }
0x1f7: {  	_ =	swait.ge [sflag:s11], $0x2710  }
0x1f8: {  	[sflag:s11] =	ssyncset.done $0x0  }
0x1f9: {  	[sflag:s11] =	ssyncadd.s32 $0xFFFFD8F0  }
.LBB2_14:
0x1fa: {  	_ =	sfence.sel $0x180000  }
0x1fb: {  	[bflag:$0x0] =	sbarrier.arrive $0xFFFF  }
0x1fc: {  	_ =	strace $0x9000004D  }
0x1fd: {  	s0 =	stileid.u32;
	[bflag:$0x2] =	sbarrier.arrive $0xFFFF  }
0x1fe: {  	p0 =	sne.s32 s0, $0x0;
	s0 =	rddreg [dreg:$0x3]  }
0x1ff: {  	s0 =	sadd.s32 @!p0 $0x100000, s0  }
0x200: {  	[sflag:s0] =	ssyncadd.tile.s32 @!p0 $0x1;
	_ =	shalt  }
.Lfunc_end2:
_tile_overlayer_lowered:
.L_overlay_start_2:
0x201: {  	(tag) =	ssettag $0x2  }
0x202: {  	s0 =	rddreg [dreg:$0x0];
	s2 =	stileid.u32  }
0x203: {  	s1 =	rddreg [dreg:$0x1];
	p0 =	sne.s32 s2, $0x0  }
0x204: {  	s3 =	rddreg [dreg:$0x2];
	[bflag:$0x3] =	sbarrier.arrive $0xFFFF;
	s2 =	simm.s32 @!p0 $0x1C05  }
0x205: {  	[timem:s3], [sflag:s2] =	dma.local @!p0 [hbm:s0], s1  }
0x206: {  	s0 =	simm.s32 @!p0 $0x5  }
0x207: {  	_ =	swait.ge @!p0 [sflag:s0], s1  }
0x208: {  	s1 =	ssub.s32 @!p0 $0x0, s1;
	[sflag:s0] =	ssyncset.done @!p0 $0x0  }
0x209: {  	[sflag:s0] =	ssyncadd.s32 @!p0 s1  }
0x20a: {  	[bflag:$0x3] =	sbarrier.arrive $0xFFFF  }
0x20b: {  	_ =	shalt  }

// kernel: kernel.8.cloned.1.call-start
scs
__scs_entry_jumppad:
0x0: {  	(pc) =	sbr.rel $0x88, $3  }
0x1: {  	(tag) =	ssettag $0x0;
	lr =	simm.s32 $0x1  }
0x2: {  	[smem:$0x3F92] =	sst lr;
	_ =	strace $0xD0000000  }
0x3: {  	_ = 	snop  }
0x4: {  	_ = 	snop  }
0x5: {  	_ = 	snop  }
0x6: {  	_ = 	snop  }
0x7: {  	_ = 	snop  }
__scs_overlays_trampoline_lowered:
0x8: {  	[smem:$0x3FA1] =	sst s0  }
0x9: {  	[smem:$0x3FA2] =	sst s1  }
0xa: {  	[smem:$0x3FA3] =	sst s2  }
0xb: {  	[smem:$0x3FA4] =	sst s3  }
0xc: {  	[smem:$0x3FA5] =	sst s4  }
0xd: {  	[smem:$0x3FA6] =	sst s5  }
0xe: {  	[smem:$0x3FA7] =	sst s6  }
0xf: {  	[smem:$0x3FA8] =	sst s7  }
0x10: {  	[smem:$0x3FA9] =	sst s8  }
0x11: {  	[smem:$0x3FAA] =	sst s9;
	s0 =	simm.s32 @!p0 $0x0  }
0x12: {  	s1 =	sld [smem:$0x3F90];
	s0 =	simm.s32 @p0 $0x1  }
0x13: {  	[smem:$0x3FAB] =	sst s0;
	s0 =	simm.s32 @!p1 $0x0  }
0x14: {  	s2 =	sld [smem:$0x3F8F];
	s0 =	simm.s32 @p1 $0x1  }
0x15: {  	[smem:$0x3FAC] =	sst s0;
	s0 =	simm.s32 @!p2 $0x0  }
0x16: {  	s3 =	sld [smem:$0x3FDB];
	s0 =	simm.s32 @p2 $0x1  }
0x17: {  	s4 =	simm.s32 $0x1BF5;
	[smem:$0x3FAE] =	sst s0  }
0x18: {  	s0 =	sld [smem:$0x3F91];
	_ =	swait.ge [sflag:s4], $0x0  }
0x19: {  	s7 =	sld [smem:$0x3F92]  }
0x1a: {  	s8 =	sadd.s32 $0xFFFFE003, lr  }
0x1b: {  	s9 =	sadd.s32 $0xFFFFFEF7, lr;
	s5 =	simm.s32 $0xFFFFFFFF;
	p2 =	slt.u32 s8, $0xFFFFF086  }
0x1c: {  	p1 =	slt.u32 s9, $0xF7A;
	s5 =	simm.s32 @!p2 $0x0  }
0x1d: {  	s5 =	simm.s32 @p1 $0x1;
	p0 =	seq.s32 s7, s2  }
0x1e: {  	s7 =	smul.u32 @!p0 $0xF7A, s2;
	p2 =	seq.s32 @!p0 s5, $0x0  }
0x1f: {  	s9 =	smul.u32 $0xF7A, s1;
	s8 =	simm.s32 @!p0 $0x1BF5;
	p2 =	por !p2, p0  }
0x20: {  	[sflag:s8] =	ssyncset.s32 @!p0 $0xFFFFF086;
	s6 =	sadd.s32 @!p0 s3, s7;
	s7 =	simm.s32 @!p0 $0x108  }
0x21: {  	s3 =	sadd.s32 s3, s9;
	s6 =	sadd.s32 @!p0 $0x88, s6;
	s7 =	simm.s32 @p2 $0x1082  }
0x22: {  	[simem:s7], [sflag:s8] =	dma.local @!p0 [hbm:s6], $0xF7A  }
0x23: {  	s9 =	sor.u32 $0xD0000000, s2;
	s6 =	simm.s32 $0x108;
	_ =	swait.ge @!p0 [sflag:s8], $0x0  }
0x24: {  	s3 =	sadd.s32 $0x88, s3;
	s6 =	simm.s32 @!p1 $0x1082;
	[sflag:s4] =	ssyncset.s32 $0xFFFFF086  }
0x25: {  	[simem:s6], [sflag:s4] =	dma.local [hbm:s3], $0xF7A  }
0x26: {  	[smem:$0x3F92] =	sst s1;
	(tag) =	ssettag s2;
	_ =	strace s9  }
0x27: {  	s1 =	sld [smem:$0x3FA2]  }
0x28: {  	s2 =	sld [smem:$0x3FA3]  }
0x29: {  	s4 =	sld [smem:$0x3FA5]  }
0x2a: {  	p0 =	seq.s32 s5, $0x0;
	s5 =	sld [smem:$0x3FA6]  }
0x2b: {  	s6 =	sld [smem:$0x3FA7]  }
0x2c: {  	s7 =	sld [smem:$0x3FA8]  }
0x2d: {  	s3 =	simm.s32 $0x108;
	s8 =	sld [smem:$0x3FA9]  }
0x2e: {  	s3 =	simm.s32 @!p0 $0x1082;
	s9 =	sld [smem:$0x3FAA]  }
0x2f: {  	lr =	sadd.s32 s0, s3;
	s0 =	sld [smem:$0x3FA1]  }
0x30: {  	s3 =	sld [smem:$0x3FA4]  }
0x31: {  	[smem:$0x3FAD] =	sst s10  }
0x32: {  	s10 =	sld [smem:$0x3FAB];
	_ =	sdelay $0x3  }
0x33: {  	p0 =	seq.s32 s10, $0x1;
	s10 =	sld [smem:$0x3FAD];
	_ =	sdelay $0x3  }
0x34: {  	[smem:$0x3FAD] =	sst s10  }
0x35: {  	s10 =	sld [smem:$0x3FAC];
	_ =	sdelay $0x3  }
0x36: {  	p1 =	seq.s32 s10, $0x1;
	s10 =	sld [smem:$0x3FAD];
	_ =	sdelay $0x3  }
0x37: {  	[smem:$0x3FAD] =	sst s10  }
0x38: {  	s10 =	sld [smem:$0x3FAE]  }
0x39: {  	_ = 	snop;
	(pc) =	sbr.ind lr, $3  }
0x3a: {  	_ = 	snop  }
0x3b: {  	_ = 	snop  }
0x3c: {  	p2 =	seq.s32 s10, $0x1;
	s10 =	sld [smem:$0x3FAD]  }
0x3d: {  	_ =	shalt  }
0x3e: {  	_ =	shalt  }
0x3f: {  	_ =	shalt  }
0x40: {  	_ =	shalt  }
0x41: {  	_ =	shalt  }
0x42: {  	_ =	shalt  }
0x43: {  	_ =	shalt  }
0x44: {  	_ =	shalt  }
0x45: {  	_ =	shalt  }
0x46: {  	_ =	shalt  }
0x47: {  	_ =	shalt  }
0x48: {  	_ =	shalt  }
0x49: {  	_ =	shalt  }
0x4a: {  	_ =	shalt  }
0x4b: {  	_ =	shalt  }
0x4c: {  	_ =	shalt  }
0x4d: {  	_ =	shalt  }
0x4e: {  	_ =	shalt  }
0x4f: {  	_ =	shalt  }
0x50: {  	_ =	shalt  }
0x51: {  	_ =	shalt  }
0x52: {  	_ =	shalt  }
0x53: {  	_ =	shalt  }
0x54: {  	_ =	shalt  }
0x55: {  	_ =	shalt  }
0x56: {  	_ =	shalt  }
0x57: {  	_ =	shalt  }
0x58: {  	_ =	shalt  }
0x59: {  	_ =	shalt  }
0x5a: {  	_ =	shalt  }
0x5b: {  	_ =	shalt  }
0x5c: {  	_ =	shalt  }
0x5d: {  	_ =	shalt  }
0x5e: {  	_ =	shalt  }
0x5f: {  	_ =	shalt  }
0x60: {  	_ =	shalt  }
0x61: {  	_ =	shalt  }
0x62: {  	_ =	shalt  }
0x63: {  	_ =	shalt  }
0x64: {  	_ =	shalt  }
0x65: {  	_ =	shalt  }
0x66: {  	_ =	shalt  }
0x67: {  	_ =	shalt  }
0x68: {  	_ =	shalt  }
0x69: {  	_ =	shalt  }
0x6a: {  	_ =	shalt  }
0x6b: {  	_ =	shalt  }
0x6c: {  	_ =	shalt  }
0x6d: {  	_ =	shalt  }
0x6e: {  	_ =	shalt  }
0x6f: {  	_ =	shalt  }
0x70: {  	_ =	shalt  }
0x71: {  	_ =	shalt  }
0x72: {  	_ =	shalt  }
0x73: {  	_ =	shalt  }
0x74: {  	_ =	shalt  }
0x75: {  	_ =	shalt  }
0x76: {  	_ =	shalt  }
0x77: {  	_ =	shalt  }
0x78: {  	_ =	shalt  }
0x79: {  	_ =	shalt  }
0x7a: {  	_ =	shalt  }
0x7b: {  	_ =	shalt  }
0x7c: {  	_ =	shalt  }
0x7d: {  	_ =	shalt  }
0x7e: {  	_ =	shalt  }
0x7f: {  	_ =	shalt  }
0x80: {  	_ =	shalt  }
0x81: {  	_ =	shalt  }
0x82: {  	_ =	shalt  }
0x83: {  	_ =	shalt  }
0x84: {  	_ =	shalt  }
0x85: {  	_ =	shalt  }
0x86: {  	_ =	shalt  }
0x87: {  	_ =	shalt  }
.Lfunc_end0:
.L_simem_size_0:
called_computation_lowered:
.L_overlay_start_0:
0x88: {  	s2 =	sld [smem:$0x3FD9]  }
0x89: {  	s3 =	sld [smem:$0x3FFE];
	_ =	sdelay $0x1  }
0x8a: {  	s1 =	srdreg.scid  }
0x8b: {  	s0 =	sand.u32 $0x1, s1  }
0x8c: {  	s15 =	sshll.u32 s0, $0xA;
	s2 =	sadd.s32 s3, s2  }
0x8d: {  	s2 =	sadd.s32 s2, s15  }
0x8e: {  	[smem:$0x3FB9] =	sst s2  }
0x8f: {  	_ = 	snop  }
0x90: {  	s2 =	sld [smem:$0x3FD0];
	_ =	sdelay $0x2  }
0x91: {  	s16 =	simm.s32 $0xA;
	s4 =	simm.s32 $0x10  }
0x92: {  	[smem:s4], [sflag:s16] =	dma.local [hbm:s2], $0x1  }
0x93: {  	_ =	swait.eq [sflag:s16], $0x1  }
0x94: {  	[sflag:s16] =	ssyncset.done $0x0  }
0x95: {  	s17 =	sld [smem:$0x10];
	[sflag:s16] =	ssyncadd.s32 $0xFFFFFFFF  }
0x96: {  	s18 =	sld [smem:$0x11];
	(tm) =	ssettm $0x1  }
0x97: {  	s19 =	sld [smem:$0x3FFB];
	_ =	sdelay $0x3  }
0x98: {  	_ =	strace s19  }
0x99: {  	s4 =	sld [smem:$0x3FFC];
	_ =	sdelay $0x3  }
0x9a: {  	_ =	strace s4  }
0x9b: {  	s4 =	sld [smem:$0x3FFD];
	_ =	sdelay $0x3  }
0x9c: {  	_ =	strace s4  }
0x9d: {  	_ =	strace $0x8FFFFFFF  }
0x9e: {  	s20 =	sld [smem:$0x3FDB];
	_ =	sdelay $0x1  }
0x9f: {  	s5 =	simm.s32 $_scs_section_size  }
0xa0: {  	s6 =	simm.s32 $_size__tile_overlayer_lowered;
	s7 =	simm.s32 $_tile_overlayer_lowered  }
0xa1: {  	s23 =	simm.s32 $0x1BFF;
	s22 =	sshll.u32 s7, $0x1;
	s4 =	sadd.s32 s5, s20  }
0xa2: {  	s8 =	simm.s32 $0x0;
	s21 =	sshll.u32 s6, $0x1;
	s6 =	sadd.s32 s22, s4  }
0xa3: {  	[timem:s8], [sflag:s23] =	dma.local [hbm:s6], s21  }
0xa4: {  	_ =	swait.ge [sflag:s23], s21  }
0xa5: {  	s5 =	ssub.s32 $0x0, s21;
	[sflag:s23] =	ssyncset.done $0x0  }
0xa6: {  	[sflag:s23] =	ssyncadd.s32 s5;
	_ =	sdelay $0x1  }
0xa7: {  	s24 =	simm.s32 $0x1B8B  }
0xa8: {  	_ =	swait.ge [sflag:s24], $0x1  }
0xa9: {  	[sflag:s24] =	ssyncset.done $0x0  }
0xaa: {  	s25 =	simm.s32 $0x1B8E;
	[sflag:s24] =	ssyncadd.s32 $0xFFFFFFFF  }
0xab: {  	s26 =	simm.s32 $execute0_lowered;
	[smem:$0x3FD2] =	sst s25  }
0xac: {  	s5 =	sshll.u32 s26, $0x1;
	_ =	strace $0x80000046;
	[dreg:$0x1] =	wrdreg $0xFFFFFFFF  }
0xad: {  	s28 =	simm.s32 $_size_execute0_lowered;
	s4 =	sadd.s32 s4, s5;
	[dreg:$0x0] =	wrdreg $0x0  }
0xae: {  	s5 =	sshll.u32 s28, $0x1;
	[dreg:$0x2] =	wrdreg s4  }
0xaf: {  	[dreg:$0x3] =	wrdreg s5  }
0xb0: {  	[dreg:$0x4] =	wrdreg $0xC0  }
0xb1: {  	_ =	task [dreg:s8], $0x5FFFF  }
0xb2: {  	[dreg:$0x1] =	wrdreg $0xFFFFFFFF  }
0xb3: {  	[dreg:$0x0] =	wrdreg $0x60  }
0xb4: {  	[dreg:$0x2] =	wrdreg s17  }
0xb5: {  	[dreg:$0x3] =	wrdreg s18  }
0xb6: {  	[dreg:$0x4] =	wrdreg $0x1F400  }
0xb7: {  	[dreg:$0x5] =	wrdreg $0x9  }
0xb8: {  	_ =	task.clear_ibuf [dreg:s8], $0x6FFFF;
	_ =	strace $0x90000046  }
0xb9: {  	s29 =	simm.s32 $0x9;
	_ =	strace $0x80000048  }
0xba: {  	_ =	swait.ge [sflag:s29], $0x1  }
0xbb: {  	[sflag:s29] =	ssyncadd.s32 $0xFFFFFFFF  }
0xbc: {  	_ =	strace $0x90000048  }
0xbd: {  	_ =	sfence  }
0xbe: {  	s30 =	sld [smem:$0x0];
	_ =	sdelay $0x2  }
0xbf: {  	s31 =	sshll.u32 s1, $0xD;
	s1 =	sshrl.u32 s1, $0x2  }
0xc0: {  	s3 =	sand.u32 $0x4000, s31;
	s1 =	sadd.s32 s1, s30  }
0xc1: {  	s0 =	sor.u32 s3, s0;
	s1 =	sshll.u32 s1, $0x11  }
0xc2: {  	s0 =	sor.u32 s1, s0  }
0xc3: {  	s0 =	sadd.s32 $0x8F2B, s0  }
0xc4: {  	[sflag:s0] =	ssyncadd.remote.s32 $0x1  }
0xc5: {  	_ =	sfence.sel $0xFFFF  }
0xc6: {  	[dreg:$0x0] =	wrdreg $0xFFFFFFFF;
	(pc) =	sbr.abs _section_cstart, $3  }
0xc7: {  	[dreg:$0x1] =	wrdreg $0xFFFFFFFF  }
0xc8: {  	_ =	task.clear_ibuf [dreg:s8], $0x2FFFF;
	_ =	strace $0x9FFFFFFF  }
0xc9: {  	(tm) =	ssettm $0x7FFFFFFF  }
tec
execute0_lowered:
.L_overlay_start_1:
0x0: {  	(tag) =	ssettag $0x1  }
0x1: {  	s1 =	rddreg [dreg:$0x0]  }
0x2: {  	s0 =	srdreg.scid;
	s10 =	rddreg [dreg:$0x1]  }
0x3: {  	s3 =	rddreg [dreg:$0x2];
	s4 =	simm.s32 $0x0;
	s15 =	simm.s32 $0x1B58  }
0x4: {  	s16 =	simm.s32 $0x1;
	s5 =	sand.u32 $0x1, s0;
	s0 =	stileid.u32  }
0x5: {  	s17 =	simm.s32 $0x3E8;
	s18 =	simm.s32 $0x1388;
	s6 =	smul.u32 $0x4E20, s0  }
0x6: {  	s19 =	simm.s32 $0x3;
	s20 =	simm.s32 $0x2;
	s9 =	smul.u32 $0x1388, s0  }
0x7: {  	s21 =	simm.s32 $0x0;
	[smem:$0x7FF] =	sst s4;
	s12 =	smul.u32 $0xC350, s5  }
0x8: {  	s2 =	sshll.u32 s5, $0x4;
	s8 =	ssub.s32 $0x2, s5;
	s29 =	smul.u32 $0x61A80, s5  }
0x9: {  	s14 =	smul.u32 $0x61A8, s0;
	p0 =	sgt.u32 s0, $0x9;
	s7 =	sor.u32 s0, s2  }
0xa: {  	s2 =	rddreg [dreg:$0x3];
	_ =	strace $0x80000047;
	s11 =	sshrl.u32 s8, $0x1  }
0xb: {  	s7 =	smul.u32 $0x61A8, s7;
	s11 =	ssub.s32 s8, s11;
	s6 =	sshrl.u32 s6, $0x2  }
0xc: {  	s12 =	sadd.s32 s9, s12;
	s30 =	sadd.s32 s14, s29;
	s9 =	sadd.s32 s9, s3  }
0xd: {  	s5 =	sadd.s32 s6, s3;
	s12 =	sshrl.u32 s12, $0x3;
	s14 =	sadd.s32 $0xBB8, s30  }
0xe: {  	s11 =	smax.u32 s11, $0x1;
	s13 =	sshrl.u32 s7, $0x3;
	s7 =	sadd.s32 $0x3E8, s7  }
0xf: {  	s10 =	sadd.s32 s10, s12;
	s31 =	sshrl.u32 s14, $0x3;
	s14 =	simm.s32 $0x1770  }
0x10: {  	s6 =	sadd.s32 s1, s13;
	s7 =	sshrl.u32 s7, $0x3;
	s12 =	sadd.s32 s31, s1  }
0x11: {  	v0 =	vimm.f32 $0.0e+00;
	v1 =	vimm.f32 $1.000000000e+00;
	s13 =	sadd.s32 $0x7D0, s30;
	s7 =	sadd.s32 s1, s7;
	s8 =	sadd.s32 $0xBB8, s6  }
.LBB2_1:
0x12: {  	s22 =	simm.s32 $0x40;
	s23 =	simm.s32 $0x0  }
.LBB2_2:
0x13: {  	p1 =	sne.s32 s22, $0x4DC0;
	[tilespmem:s23+$0x0] =	vst v0;
	s23 =	smov.u32 s22;
	s22 =	sadd.s32 $0x40, s22  }
.Ltmp0:
0x14: {  	(pc) =	sbr.rel @p1 .LBB2_2-.Ltmp0, $2  }
0x15: {  	_ =	sdelay $0x2  }
0x16: {  	s23 =	sshra.s32 s23, $0x2  }
0x17: {  	[tilespmem:s23+$0x0] =	vst v0  }
0x18: {  	s22 =	simm.s32 $0x40;
	s23 =	simm.s32 $0x0;
	[tilespmem:$0x1378] =	vst v0  }
.LBB2_4:
0x19: {  	p1 =	sne.s32 s22, $0xF40;
	[tilespmem:s23+$0x1388] =	vst v1;
	s23 =	smov.u32 s22;
	s22 =	sadd.s32 $0x40, s22  }
.Ltmp1:
0x1a: {  	(pc) =	sbr.rel @p1 .LBB2_4-.Ltmp1, $2  }
0x1b: {  	_ =	sdelay $0x2  }
0x1c: {  	s23 =	sshra.s32 s23, $0x2  }
0x1d: {  	[tilespmem:s23+$0x1388] =	vst v1  }
0x1e: {  	s22 =	simm.s32 @!p0 $0x0;
	[tilespmem:$0x1760] =	vst v1  }
0x1f: {  	[spmem:s5] =	stream.linear.scatter @!p0 [tilespmem:s22], [sflag:$0x3], $0x1388, $0x38;
	[tilespmem:$0x2B78] =	vst v63  }
0x20: {  	s22 =	simm.s32 @!p0 $0x3  }
0x21: {  	_ =	swait.ge @!p0 [sflag:s22], $0x1388  }
0x22: {  	[sflag:s22] =	ssyncset.done @!p0 $0x0  }
0x23: {  	[sflag:s22] =	ssyncadd.s32 @!p0 $0xFFFFEC78  }
0x24: {  	s30 =	simm.s32 $0x0;
	[bflag:$0x0] =	sbarrier.arrive $0xFFFF  }
0x25: {  	[tilespmem:s14], [sflag:$0x1] =	stream.linear.gather [hbm4b:s6+s30], $0x3E8, $0x38;
	[tilespmem:$0x2B78] =	vst v63  }
0x26: {  	_ = 	snop  }
0x27: {  	[tilespmem:s15], [sflag:$0x2] =	stream.linear.gather [hbm4b:s7+s30], $0x3E8, $0x38;
	[tilespmem:$0x2B78] =	vst v63  }
0x28: {  	_ =	swait.ge [sflag:s16], $0x3E8  }
0x29: {  	[sflag:s16] =	ssyncset.done $0x0  }
0x2a: {  	[sflag:s16] =	ssyncadd.s32 $0xFFFFFC18  }
0x2b: {  	[spmem:s3] =	stream.indirect.scatter.add.f32 [tilespmem:s18], [sflag:$0x3], $0x1, s14, s17, $0xb8;
	[tilespmem:$0x2B78] =	vst v63  }
0x2c: {  	_ =	swait.ge [sflag:s19], $0x3E8  }
0x2d: {  	s31 =	sshrl.u32 s13, $0x3;
	[sflag:s19] =	ssyncset.done $0x0  }
0x2e: {  	s22 =	sadd.s32 s1, s31;
	[sflag:s19] =	ssyncadd.s32 $0xFFFFFC18  }
0x2f: {  	[tilespmem:s14], [sflag:$0x1] =	stream.linear.gather [hbm4b:s22+s4], $0x3E8, $0x38;
	[tilespmem:$0x2B78] =	vst v63  }
0x30: {  	_ =	swait.ge [sflag:s20], $0x3E8  }
0x31: {  	[sflag:s20] =	ssyncset.done $0x0  }
0x32: {  	[sflag:s20] =	ssyncadd.s32 $0xFFFFFC18  }
0x33: {  	[spmem:s3] =	stream.indirect.scatter.add.f32 [tilespmem:s18], [sflag:$0x3], $0x1, s15, s17, $0xb8;
	[tilespmem:$0x2B78] =	vst v63  }
0x34: {  	_ =	swait.ge [sflag:s19], $0x3E8  }
0x35: {  	s24 =	sadd.s32 $0x0, s12;
	[sflag:s19] =	ssyncset.done $0x0  }
0x36: {  	s23 =	sadd.s32 $0x7D0, s13;
	s22 =	simm.s32 $0xFA;
	[sflag:s19] =	ssyncadd.s32 $0xFFFFFC18  }
.LBB2_6:
0x37: {  	[tilespmem:s15], [sflag:$0x2] =	stream.linear.gather [hbm4b:s24+s4], $0x3E8, $0x38;
	[tilespmem:$0x2B78] =	vst v63  }
0x38: {  	s24 =	smov.u32 s22  }
0x39: {  	p1 =	sne.s32 s22, $0x9C4;
	s22 =	sadd.s32 $0xFA, s22;
	_ =	swait.ge [sflag:s16], $0x3E8  }
0x3a: {  	[sflag:s16] =	ssyncset.done $0x0  }
0x3b: {  	[sflag:s16] =	ssyncadd.s32 $0xFFFFFC18  }
0x3c: {  	[spmem:s3] =	stream.indirect.scatter.add.f32 [tilespmem:s18], [sflag:$0x3], $0x1, s14, s17, $0xb8;
	[tilespmem:$0x2B78] =	vst v63  }
0x3d: {  	_ =	swait.ge [sflag:s19], $0x3E8  }
0x3e: {  	s25 =	sshrl.u32 s23, $0x3;
	[sflag:s19] =	ssyncset.done $0x0  }
0x3f: {  	s25 =	sadd.s32 s1, s25;
	[sflag:s19] =	ssyncadd.s32 $0xFFFFFC18  }
0x40: {  	[tilespmem:s14], [sflag:$0x1] =	stream.linear.gather [hbm4b:s25+s4], $0x3E8, $0x38;
	[tilespmem:$0x2B78] =	vst v63  }
0x41: {  	_ =	swait.ge [sflag:s20], $0x3E8  }
0x42: {  	[sflag:s20] =	ssyncset.done $0x0  }
.Ltmp2:
0x43: {  	[sflag:s20] =	ssyncadd.s32 $0xFFFFFC18;
	(pc) =	sbr.rel @p1 .LBB2_6-.Ltmp2, $4  }
0x44: {  	[spmem:s3] =	stream.indirect.scatter.add.f32 [tilespmem:s18], [sflag:$0x3], $0x1, s15, s17, $0xb8;
	[tilespmem:$0x2B78] =	vst v63  }
0x45: {  	_ =	swait.ge [sflag:s19], $0x3E8  }
0x46: {  	[sflag:s19] =	ssyncset.done $0x0  }
0x47: {  	s23 =	sadd.s32 $0x7D0, s23;
	s24 =	sadd.s32 s24, s12;
	[sflag:s19] =	ssyncadd.s32 $0xFFFFFC18  }
0x48: {  	[tilespmem:s15], [sflag:$0x2] =	stream.linear.gather [hbm4b:s24+s4], $0x3E8, $0x38;
	[tilespmem:$0x2B78] =	vst v63  }
0x49: {  	_ =	swait.ge [sflag:s16], $0x3E8  }
0x4a: {  	[sflag:s16] =	ssyncset.done $0x0  }
0x4b: {  	[sflag:s16] =	ssyncadd.s32 $0xFFFFFC18  }
0x4c: {  	[spmem:s3] =	stream.indirect.scatter.add.f32 [tilespmem:s18], [sflag:$0x3], $0x1, s14, s17, $0xb8;
	[tilespmem:$0x2B78] =	vst v63  }
0x4d: {  	_ =	swait.ge [sflag:s19], $0x3E8  }
0x4e: {  	[sflag:s19] =	ssyncset.done $0x0  }
0x4f: {  	[sflag:s19] =	ssyncadd.s32 $0xFFFFFC18  }
0x50: {  	[tilespmem:s14], [sflag:$0x1] =	stream.linear.gather [hbm4b:s8+s4], $0x3E8, $0x38;
	[tilespmem:$0x2B78] =	vst v63  }
0x51: {  	_ =	swait.ge [sflag:s20], $0x3E8  }
0x52: {  	[sflag:s20] =	ssyncset.done $0x0  }
0x53: {  	[sflag:s20] =	ssyncadd.s32 $0xFFFFFC18  }
0x54: {  	[spmem:s3] =	stream.indirect.scatter.add.f32 [tilespmem:s18], [sflag:$0x3], $0x1, s15, s17, $0xb8;
	[tilespmem:$0x2B78] =	vst v63  }
0x55: {  	_ =	swait.ge [sflag:s19], $0x3E8  }
0x56: {  	[sflag:s19] =	ssyncset.done $0x0  }
0x57: {  	[sflag:s19] =	ssyncadd.s32 $0xFFFFFC18  }
0x58: {  	_ =	swait.ge [sflag:s16], $0x3E8  }
0x59: {  	[sflag:s16] =	ssyncset.done $0x0  }
0x5a: {  	[sflag:s16] =	ssyncadd.s32 $0xFFFFFC18  }
0x5b: {  	[spmem:s3] =	stream.indirect.scatter.add.f32 [tilespmem:s18], [sflag:$0x3], $0x1, s14, s17, $0xb8;
	[tilespmem:$0x2B78] =	vst v63  }
0x5c: {  	_ =	swait.ge [sflag:s19], $0x3E8  }
0x5d: {  	[sflag:s19] =	ssyncset.done $0x0  }
0x5e: {  	[sflag:s19] =	ssyncadd.s32 $0xFFFFFC18  }
0x5f: {  	s22 =	simm.s32 @!p0 $0x0;
	s23 =	simm.s32 @!p0 $0x3;
	[bflag:$0x0] =	sbarrier.arrive $0xFFFF  }
0x60: {  	[tilespmem:s22], [sflag:$0x3] =	stream.linear.gather @!p0 [spmem:s9], $0x1388, $0x38;
	[tilespmem:$0x2B78] =	vst v63  }
0x61: {  	s21 =	sadd.s32 $0x1, s21;
	_ =	swait.ge @!p0 [sflag:s23], $0x1388  }
0x62: {  	p1 =	sne.s32 s21, s11;
	[sflag:s23] =	ssyncset.done @!p0 $0x0  }
.Ltmp3:
0x63: {  	[sflag:s23] =	ssyncadd.s32 @!p0 $0xFFFFEC78;
	(pc) =	sbr.rel @p1 .LBB2_1-.Ltmp3, $4  }
0x64: {  	[hbm4b:s10+s22] =	stream.linear.scatter @!p0 [tilespmem:s22], [sflag:$0x3], $0x1388, $0x38;
	[tilespmem:$0x2B78] =	vst v63  }
0x65: {  	_ =	swait.ge @!p0 [sflag:s23], $0x1388  }
0x66: {  	[sflag:s23] =	ssyncset.done @!p0 $0x0  }
0x67: {  	[sflag:s23] =	ssyncadd.s32 @!p0 $0xFFFFEC78  }
0x68: {  	_ =	sfence.sel $0x180000  }
0x69: {  	[bflag:$0x0] =	sbarrier.arrive $0xFFFF  }
0x6a: {  	p0 =	sne.s32 s0, $0x0;
	_ =	strace $0x90000047  }
0x6b: {  	s0 =	sadd.s32 @!p0 $0x100000, s2;
	[bflag:$0x2] =	sbarrier.arrive $0xFFFF  }
0x6c: {  	[sflag:s0] =	ssyncadd.tile.s32 @!p0 $0x1;
	_ =	shalt  }
.Lfunc_end2:
_tile_overlayer_lowered:
.L_overlay_start_2:
0x6d: {  	(tag) =	ssettag $0x2  }
0x6e: {  	s0 =	rddreg [dreg:$0x0];
	s2 =	stileid.u32  }
0x6f: {  	s1 =	rddreg [dreg:$0x1];
	p0 =	sne.s32 s2, $0x0  }
0x70: {  	s3 =	rddreg [dreg:$0x2];
	[bflag:$0x3] =	sbarrier.arrive $0xFFFF;
	s2 =	simm.s32 @!p0 $0x1C03  }
0x71: {  	[timem:s3], [sflag:s2] =	dma.local @!p0 [hbm:s0], s1  }
0x72: {  	s0 =	simm.s32 @!p0 $0x3  }
0x73: {  	_ =	swait.ge @!p0 [sflag:s0], s1  }
0x74: {  	s1 =	ssub.s32 @!p0 $0x0, s1;
	[sflag:s0] =	ssyncset.done @!p0 $0x0  }
0x75: {  	[sflag:s0] =	ssyncadd.s32 @!p0 s1  }
0x76: {  	[bflag:$0x3] =	sbarrier.arrive $0xFFFF  }
0x77: {  	_ =	shalt  }

</sc_bundles>
